<compile_context>
chip_gen: v7x
topology: tpu7x:2x2x1
jax: 0.10.2.dev20260603
libtpu: 0.0.44.dev20260713+nightly
codegen_flags: <defaults>
</compile_context>

<pallas_src>
import functools

import jax
import jax.numpy as jnp
from jax import lax
from jax.experimental import pallas as pl
from jax.experimental.pallas import tpu as pltpu
from jax.experimental.pallas import tpu_sc as plsc

CUTOFF = 10.0



def _lin1_body(x_ref, w_ref, h_ref):
    h_ref[...] = jnp.dot(x_ref[...], w_ref[...],
                         preferred_element_type=jnp.float32)


def _lin1(x, l1t, bn=2000):
    n, f = x.shape
    return pl.pallas_call(
        _lin1_body,
        grid=(n // bn,),
        in_specs=[
            pl.BlockSpec((bn, f), lambda i: (i, 0)),
            pl.BlockSpec((f, l1t.shape[1]), lambda i: (0, 0)),
        ],
        out_specs=pl.BlockSpec((bn, l1t.shape[1]), lambda i: (i, 0)),
        out_shape=jax.ShapeDtypeStruct((n, l1t.shape[1]), jnp.float32),
    )(x, l1t)




def _filter_body(eoff, ea_ref, ew_ref, fw1t_ref, fb1_ref, fw2t_ref, fb2_ref,
                 w_ref):
    ea = ea_ref[...]
    t = jnp.tanh(jnp.dot(ea, fw1t_ref[...],
                         preferred_element_type=jnp.float32) + fb1_ref[...])
    w = jnp.dot(t.astype(jnp.bfloat16), fw2t_ref[...],
                preferred_element_type=jnp.float32) + fb2_ref[...]
    be = w.shape[0]
    ew = ew_ref[pl.ds(eoff + pl.program_id(0) * be, be)].reshape(be, 1)
    v = jnp.pi * (ew * (1.0 / CUTOFF) - 0.5)
    v2 = v * v
    p = -1.0 / 39916800.0
    for sc in (1.0 / 362880.0, -1.0 / 5040.0, 1.0 / 120.0, -1.0 / 6.0, 1.0):
        p = p * v2 + sc
    c = 0.5 - 0.5 * (v * p)
    c = jnp.where(ew < CUTOFF, c, 0.0)
    w_ref[...] = w * c


def _edge_filter(ea_p, ew2, fw1t_p, fb1, fw2t, fb2, eoff, ehalf, be=3200):
    e, kp = ea_p.shape
    nf = fw1t_p.shape[1]
    offb = eoff // be
    return pl.pallas_call(
        functools.partial(_filter_body, eoff),
        grid=(ehalf // be,),
        in_specs=[
            pl.BlockSpec((be, kp), lambda i: (i + offb, 0)),
            pl.BlockSpec((e,), lambda i: (0,)),
            pl.BlockSpec((kp, nf), lambda i: (0, 0)),
            pl.BlockSpec((1, nf), lambda i: (0, 0)),
            pl.BlockSpec((nf, nf), lambda i: (0, 0)),
            pl.BlockSpec((1, nf), lambda i: (0, 0)),
        ],
        out_specs=pl.BlockSpec((be, nf), lambda i: (i, 0)),
        out_shape=jax.ShapeDtypeStruct((ehalf, nf), jnp.float32),
    )(ea_p, ew2, fw1t_p, fb1, fw2t, fb2)



_NC, _NS, _NW = 2, 16, 32
_CK = 40


def _sc_body(n, e, f, ebase, do_hat, *args):
    if do_hat:
        (h_hbm, w_hbm, src_hbm, dst_hbm, at_hbm, agg_hbm, hat_hbm,
         acc_sh, src_1d, dst_v0, dst_v1, w_v0, w_v1, rows_v0, rows_v1,
         gsem0, gsem1, wsem0, wsem1, dsem0, dsem1) = args
    else:
        (h_hbm, w_hbm, src_hbm, dst_hbm, at_hbm, agg_hbm,
         acc_sh, src_1d, dst_v0, dst_v1, w_v0, w_v1, rows_v0, rows_v1,
         gsem0, gsem1, wsem0, wsem1, dsem0, dsem1) = args
    cid = lax.axis_index("c")
    sid = lax.axis_index("s")
    wid = sid * _NC + cid

    pt = e // _NW
    nch = pt // _CK
    nacc_ch = n // _CK

    w_bufs = (w_v0, w_v1)
    row_bufs = (rows_v0, rows_v1)
    dst_bufs = (dst_v0, dst_v1)
    gsems = (gsem0, gsem1)
    wsems = (wsem0, wsem1)
    dsems = (dsem0, dsem1)

    pltpu.sync_copy(src_hbm.at[pl.ds(ebase + wid * pt, pt)], src_1d)

    z16 = jnp.zeros((16,), jnp.float32)

    def zrow(r, c):
        for cc in range(f // 16):
            w_v0[r, pl.ds(cc * 16, 16)] = z16
        return c

    lax.fori_loop(0, _CK, zrow, 0)
    for t in range((nacc_ch + _NS - 1) // _NS):
        ch = sid + t * _NS

        @pl.when(ch < nacc_ch)
        def _z():
            pltpu.sync_copy(w_v0, acc_sh.at[pl.ds(ch * _CK, _CK), :])

    plsc.subcore_barrier()

    def issue_dst(i, b):
        pltpu.async_copy(dst_hbm.at[pl.ds(ebase + wid * pt + i * _CK, _CK)],
                         dst_bufs[b], dsems[b])

    def wait_dst(b):
        pltpu.make_async_copy(dst_hbm.at[pl.ds(0, _CK)], dst_bufs[b],
                              dsems[b]).wait()

    def issue(i, b):
        pltpu.async_copy(h_hbm.at[src_1d.at[pl.ds(i * _CK, _CK)]],
                         row_bufs[b], gsems[b])
        pltpu.async_copy(w_hbm.at[pl.ds(wid * pt + i * _CK, _CK), :],
                         w_bufs[b], wsems[b])

    def wait(b):
        pltpu.make_async_copy(h_hbm.at[src_1d.at[pl.ds(0, _CK)]],
                              row_bufs[b], gsems[b]).wait()
        pltpu.make_async_copy(w_hbm.at[pl.ds(0, _CK), :], w_bufs[b],
                              wsems[b]).wait()

    def compute(b):
        rows_v = row_bufs[b]
        w_v = w_bufs[b]

        def mrow(r, c2):
            for cc in range(f // 16):
                sl = pl.ds(cc * 16, 16)
                rows_v[r, sl] = rows_v[r, sl] * w_v[r, sl]
            return c2

        lax.fori_loop(0, _CK, mrow, 0)

    def scatter(b):
        pltpu.sync_copy(row_bufs[b], acc_sh.at[dst_bufs[b]], add=True)

    issue_dst(0, 0)
    issue(0, 0)
    issue_dst(1, 1)

    def half(i0, b, nxt):
        @pl.when(i0 + 1 < nch)
        def _g():
            issue(i0 + 1, 1 - b)

        wait(b)
        compute(b)
        wait_dst(b)
        scatter(b)

        @pl.when(nxt < nch)
        def _d():
            issue_dst(nxt, b)

    def body2(j, c):
        i0 = 2 * j
        half(i0, 0, i0 + 2)
        half(i0 + 1, 1, i0 + 3)
        return c

    lax.fori_loop(0, nch // 2, body2, 0)
    if nch % 2:
        wait(0)
        compute(0)
        wait_dst(0)
        scatter(0)

    if do_hat:
        hat_ch = n // _CK
        for t in range((hat_ch + _NW - 1) // _NW):
            ch = wid + t * _NW

            @pl.when(ch < hat_ch)
            def _do():
                base = ch * _CK
                pltpu.sync_copy(at_hbm.at[pl.ds(base, _CK)], dst_v0)
                pltpu.async_copy(h_hbm.at[dst_v0], rows_v0, gsem0).wait()
                pltpu.sync_copy(rows_v0, hat_hbm.at[pl.ds(base, _CK), :])

    plsc.subcore_barrier()
    for t in range((nacc_ch + _NS - 1) // _NS):
        ch = sid + t * _NS

        @pl.when(ch < nacc_ch)
        def _fl():
            pltpu.sync_copy(
                acc_sh.at[pl.ds(ch * _CK, _CK), :],
                agg_hbm.at[cid, pl.ds(ch * _CK, _CK), :])


def _sc_gather_scatter(h, w, src, dst, at, ebase, do_hat):
    n, f = h.shape
    e = w.shape[0]
    pt = e // _NW
    mesh = plsc.VectorSubcoreMesh(core_axis_name="c", subcore_axis_name="s")
    out_type = [jax.ShapeDtypeStruct((_NC, n, f), jnp.float32)]
    if do_hat:
        out_type.append(jax.ShapeDtypeStruct((n, f), jnp.float32))
    kfn = pl.kernel(
        functools.partial(_sc_body, n, e, f, ebase, do_hat),
        out_type=tuple(out_type),
        mesh=mesh,
        scratch_types=[
            pltpu.VMEM_SHARED((n, f), jnp.float32),
            pltpu.VMEM((pt,), jnp.int32),
            pltpu.VMEM((_CK,), jnp.int32),
            pltpu.VMEM((_CK,), jnp.int32),
            pltpu.VMEM((_CK, f), jnp.float32),
            pltpu.VMEM((_CK, f), jnp.float32),
            pltpu.VMEM((_CK, f), jnp.float32),
            pltpu.VMEM((_CK, f), jnp.float32),
            pltpu.SemaphoreType.DMA,
            pltpu.SemaphoreType.DMA,
            pltpu.SemaphoreType.DMA,
            pltpu.SemaphoreType.DMA,
            pltpu.SemaphoreType.DMA,
            pltpu.SemaphoreType.DMA,
        ],
    )
    return kfn(h, w, src, dst, at)




def _final_body(agga_ref, aggb_ref, hat_ref, widx_ref, sw_ref, l2t_ref,
                l2b_ref, lt_ref, lb_ref, out_ref):
    wi = widx_ref[...]
    sw0 = sw_ref[0:1, :]
    sw1 = sw_ref[1:2, :]
    sw2 = sw_ref[2:3, :]
    s = jnp.where(wi == 0, sw0, jnp.where(wi == 1, sw1, sw2)) + sw1
    total = (agga_ref[0] + agga_ref[1] + aggb_ref[0] + aggb_ref[1]
             + s * hat_ref[...])
    h2 = jnp.dot(total, l2t_ref[...],
                 preferred_element_type=jnp.float32) + l2b_ref[...]
    out_ref[...] = jnp.dot(jnp.tanh(h2), lt_ref[...],
                           preferred_element_type=jnp.float32) + lb_ref[...]


def _final(agga, aggb, hat, widx, sw_p, l2t, l2b, lt, lb, bn=2000):
    n, f = hat.shape
    fo = lt.shape[1]
    return pl.pallas_call(
        _final_body,
        grid=(n // bn,),
        in_specs=[
            pl.BlockSpec((_NC, bn, f), lambda i: (0, i, 0)),
            pl.BlockSpec((_NC, bn, f), lambda i: (0, i, 0)),
            pl.BlockSpec((bn, f), lambda i: (i, 0)),
            pl.BlockSpec((bn, 1), lambda i: (i, 0)),
            pl.BlockSpec((8, f), lambda i: (0, 0)),
            pl.BlockSpec((f, f), lambda i: (0, 0)),
            pl.BlockSpec((1, f), lambda i: (0, 0)),
            pl.BlockSpec((f, fo), lambda i: (0, 0)),
            pl.BlockSpec((1, fo), lambda i: (0, 0)),
        ],
        out_specs=pl.BlockSpec((bn, fo), lambda i: (i, 0)),
        out_shape=jax.ShapeDtypeStruct((n, fo), jnp.float32),
    )(agga, aggb, hat, widx, sw_p, l2t, l2b, lt, lb)




def kernel(x, edge_index, edge_weight, edge_attr, atom_types, seq_neighs,
           fw1, fb1, fw2, fb2, lin1_w, seq_w, lin2_w, lin2_b, lin_w, lin_b):
    n, f = x.shape
    e = edge_index.shape[1]
    e2 = e // 2

    src = edge_index[0]
    dst = edge_index[1]
    widx = (seq_neighs[1] - seq_neighs[0] + 1).reshape(n, 1)

    sw_p = jnp.pad(seq_w, ((0, 8 - seq_w.shape[0]), (0, 0)))
    ea_bf = edge_attr.astype(jnp.bfloat16)
    fw1t = fw1.T.astype(jnp.bfloat16)
    fw2t = fw2.T.astype(jnp.bfloat16)
    fb1r = fb1.reshape(1, -1)
    fb2r = fb2.reshape(1, -1)

    h = _lin1(x, lin1_w.T)
    w_a = _edge_filter(ea_bf, edge_weight, fw1t, fb1r, fw2t, fb2r, 0, e2)
    agg_a, hat = _sc_gather_scatter(h, w_a, src, dst, atom_types, 0, True)
    w_b = _edge_filter(ea_bf, edge_weight, fw1t, fb1r, fw2t, fb2r, e2, e2)
    agg_b, = _sc_gather_scatter(h, w_b, src, dst, atom_types, e2, False)
    out = _final(agg_a, agg_b, hat, widx, sw_p, lin2_w.T,
                 lin2_b.reshape(1, -1), lin_w.T, lin_b.reshape(1, -1))
    return out

# --- scband reference (transcript-rebuilt; emitter-appended) ---
"""Pipeline reference for scband-standard-sch-net-31559419691086 (READ-ONLY COPY).

The authoritative reference and input builder live on the scoring server;
editing this copy changes nothing except your own understanding.
"""

import jax, jax.numpy as jnp
import numpy as np

N = 10000
E = 320000
F = 128      # in_channels / hidden_channels
NF = 128     # num_filters
NRBF = 50
CUTOFF = 10.0


def _xavier(key, shape):
    fan_out, fan_in = shape[0], shape[1]
    lim = float(np.sqrt(6.0 / (fan_in + fan_out)))
    return jax.random.uniform(key, shape, dtype=jnp.float32, minval=-lim, maxval=lim)


def setup_inputs(seed: int = 0) -> dict:
    key = jax.random.key(seed)
    ks = jax.random.split(key, 16)
    x = jax.random.normal(ks[0], (N, F), dtype=jnp.float32)
    edge_index = jax.random.randint(ks[1], (2, E), 0, N, dtype=jnp.int32)
    edge_weight = jax.random.uniform(ks[2], (E,), dtype=jnp.float32) * CUTOFF
    edge_attr = jax.random.normal(ks[3], (E, NRBF), dtype=jnp.float32)
    atom_types = jax.random.randint(ks[4], (N,), 0, N, dtype=jnp.int32)
    # sequence neighbors: (i, i +/- 1) so that diff(seq_neighs)+1 indexes weight rows {0,1,2}
    row0 = jnp.arange(N, dtype=jnp.int32)
    delta = jax.random.randint(ks[5], (N,), -1, 2, dtype=jnp.int32)
    row1 = jnp.clip(row0 + delta, 0, N - 1)
    seq_neighs = jnp.stack([row0, row1], axis=0)
    # learned parameters (filter network: Linear(NRBF->NF) -> tanh -> Linear(NF->NF))
    fw1 = _xavier(ks[6], (NF, NRBF)); fb1 = jnp.zeros((NF,), jnp.float32)
    fw2 = _xavier(ks[7], (NF, NF)); fb2 = jnp.zeros((NF,), jnp.float32)
    lin1_w = _xavier(ks[8], (NF, F))          # CFConv.lin1 (no bias)
    seq_w = _xavier(ks[9], (3, NF))           # SeqConv.weight
    lin2_w = _xavier(ks[10], (F, NF)); lin2_b = jnp.zeros((F,), jnp.float32)  # CFConv.lin2
    lin_w = _xavier(ks[11], (F, F)); lin_b = jnp.zeros((F,), jnp.float32)     # InteractionBlock.lin
    return {
        'x': x, 'edge_index': edge_index, 'edge_weight': edge_weight,
        'edge_attr': edge_attr, 'atom_types': atom_types, 'seq_neighs': seq_neighs,
        'fw1': fw1, 'fb1': fb1, 'fw2': fw2, 'fb2': fb2,
        'lin1_w': lin1_w, 'seq_w': seq_w, 'lin2_w': lin2_w, 'lin2_b': lin2_b,
        'lin_w': lin_w, 'lin_b': lin_b,
    }


def reference(x, edge_index, edge_weight, edge_attr, atom_types, seq_neighs,
              fw1, fb1, fw2, fb2, lin1_w, seq_w, lin2_w, lin2_b, lin_w, lin_b):
    n = x.shape[0]
    # cosine cutoff envelope
    C = 0.5 * (jnp.cos(jnp.pi * edge_weight / CUTOFF) + 1.0) * (edge_weight < CUTOFF).astype(x.dtype)
    # filter network on rbf-expanded distances
    W = jnp.tanh(edge_attr @ fw1.T + fb1) @ fw2.T + fb2
    W = W * C[:, None]
    # lin1 (no bias)
    h = x @ lin1_w.T
    # message passing: message = x_j * W, aggregated with scatter-add at dst
    src = edge_index[0]
    dst = edge_index[1]
    msg = h[src] * W
    agg = jnp.zeros((n, h.shape[1]), dtype=h.dtype).at[dst].add(msg)
    # SeqConv
    seq_types = jnp.take(atom_types, seq_neighs, axis=0)       # (2, N)
    seq_feats = jnp.take(h, seq_types, axis=0)                 # (2, N, NF)
    widx = seq_neighs[1] - seq_neighs[0] + 1                   # in {0,1,2}
    neighs_interaction = seq_w[widx] * seq_feats[0]            # (N, NF)
    scat = jnp.zeros((n, h.shape[1]), dtype=h.dtype).at[seq_neighs[0]].add(neighs_interaction)
    self_interaction = seq_w[1] * jnp.take(h, atom_types, axis=0)
    h = agg + scat + self_interaction
    # lin2
    h = h @ lin2_w.T + lin2_b
    # InteractionBlock: activation + lin
    h = jnp.tanh(h)
    out = h @ lin_w.T + lin_b
    return out

if __name__ == "__main__":
    import jax
    _d = setup_inputs()
    print(jax.jit(kernel)(*tuple(_d.values())))

</pallas_src>

<mosaic_0001>
#map = affine_map<(d0, d1) -> (0, 0)>
#map1 = affine_map<(d0, d1) -> (0)>
#map2 = affine_map<(d0, d1) -> (0, 0, 0)>
module attributes {stable_mosaic.version = 14 : i64} {
  func.func @_sc_body(%arg0: i32, %arg1: i32, %arg2: memref<10000x128xf32, #tpu.memory_space<hbm>>, %arg3: memref<160000x128xf32, #tpu.memory_space<hbm>>, %arg4: memref<320000xi32, #tpu.memory_space<hbm>>, %arg5: memref<320000xi32, #tpu.memory_space<hbm>>, %arg6: memref<10000xi32, #tpu.memory_space<hbm>>, %arg7: memref<2x10000x128xf32, #tpu.memory_space<hbm>>, %arg8: memref<10000x128xf32, #tpu.memory_space<vmem_shared>>, %arg9: memref<5000xi32, #tpu.memory_space<vmem>>, %arg10: memref<40xi32, #tpu.memory_space<vmem>>, %arg11: memref<40xi32, #tpu.memory_space<vmem>>, %arg12: memref<40x128xf32, #tpu.memory_space<vmem>>, %arg13: memref<40x128xf32, #tpu.memory_space<vmem>>, %arg14: memref<40x128xf32, #tpu.memory_space<vmem>>, %arg15: memref<40x128xf32, #tpu.memory_space<vmem>>, %arg16: memref<!tpu.dma_semaphore, #tpu.memory_space<semaphore_mem>>, %arg17: memref<!tpu.dma_semaphore, #tpu.memory_space<semaphore_mem>>, %arg18: memref<!tpu.dma_semaphore, #tpu.memory_space<semaphore_mem>>, %arg19: memref<!tpu.dma_semaphore, #tpu.memory_space<semaphore_mem>>, %arg20: memref<!tpu.dma_semaphore, #tpu.memory_space<semaphore_mem>>, %arg21: memref<!tpu.dma_semaphore, #tpu.memory_space<semaphore_mem>>) attributes {dimension_semantics = [#tpu.dimension_semantics<core_parallel>, #tpu.dimension_semantics<subcore_parallel>], iteration_bounds = array<i64: 2, 16>, scalar_prefetch = 0 : i64, scratch_operands = 14 : i64, tpu.core_type = #tpu.core_type<sc_vector_subcore>, window_params = [{transform_indices = #map}, {transform_indices = #map}, {transform_indices = #map1}, {transform_indices = #map1}, {transform_indices = #map1}, {transform_indices = #map2}]} {
    %mul3A = arith.constant 2 : i32
    %mul3A_0 = arith.muli %arg1, %mul3A : i32
    %add3A = arith.addi %mul3A_0, %arg0 : i32
    %mul3A_1 = arith.constant 5000 : i32
    %mul3A_2 = arith.muli %add3A, %mul3A_1 : i32
    %add3A_3 = arith.constant 160000 : i32
    %add3A_4 = arith.addi %add3A_3, %mul3A_2 : i32
    "tpu.region"() ({
      %run_scoped3A = tpu.sem_alloc : memref<!tpu.dma_semaphore, #tpu.memory_space<semaphore_mem>>
      %dma_start3A_287 = tpu.memref_slice %arg4[%add3A_4] : memref<320000xi32, #tpu.memory_space<hbm>> -> memref<5000xi32, #tpu.memory_space<hbm>>
      %dma_start3A_288 = tpu.memref_slice %arg4[%add3A_4] : memref<320000xi32, #tpu.memory_space<hbm>> -> memref<5000xi32, #tpu.memory_space<hbm>>
      tpu.enqueue_dma source(%dma_start3A_288 : memref<5000xi32, #tpu.memory_space<hbm>>) target(%arg9 : memref<5000xi32, #tpu.memory_space<vmem>>) target_semaphore(%run_scoped3A : memref<!tpu.dma_semaphore, #tpu.memory_space<semaphore_mem>>)
      %dma_wait3A_289 = tpu.memref_slice %arg4[%add3A_4] : memref<320000xi32, #tpu.memory_space<hbm>> -> memref<5000xi32, #tpu.memory_space<hbm>>
      %dma_wait3A_290 = tpu.memref_slice %arg4[%add3A_4] : memref<320000xi32, #tpu.memory_space<hbm>> -> memref<5000xi32, #tpu.memory_space<hbm>>
      tpu.wait_dma2 semaphore(%run_scoped3A : memref<!tpu.dma_semaphore, #tpu.memory_space<semaphore_mem>>) src(%dma_wait3A_290 : memref<5000xi32, #tpu.memory_space<hbm>>) dst(%arg9 : memref<5000xi32, #tpu.memory_space<vmem>>)
      tpu.yield
    }) : () -> ()
    %broadcast_in_dim3A = arith.constant 0.000000e+00 : f32
    %broadcast_in_dim3A_5 = vector.broadcast %broadcast_in_dim3A : f32 to vector<16xf32>
    %scan3A = arith.constant 0 : i32
    %scan3A_6 = arith.constant 0 : i32
    %scan3A_7 = arith.constant 40 : i32
    %scan3A_8 = arith.addi %scan3A_6, %scan3A_7 : i32
    %scan3A_9 = arith.constant 1 : i32
    scf.for %scan3A_287 = %scan3A_6 to %scan3A_8 step %scan3A_9  : i32 {
      %swap3A = arith.index_cast %scan3A_287 : i32 to index
      %swap3A_288 = arith.constant 0 : index
      %swap3A_289 = tpu.vector_load %arg12[%swap3A, %swap3A_288] {strides = array<i32>} : memref<40x128xf32, #tpu.memory_space<vmem>>, vector<1x16xf32>,
      %swap3A_290 = vector.shape_cast %swap3A_289 : vector<1x16xf32> to vector<16xf32>
      %swap3A_291 = vector.shape_cast %broadcast_in_dim3A_5 : vector<16xf32> to vector<1x16xf32>
      tpu.vector_store %arg12[%swap3A, %swap3A_288], %swap3A_291 {strides = array<i32>} : memref<40x128xf32, #tpu.memory_space<vmem>>, vector<1x16xf32>,
      %swap3A_292 = arith.index_cast %scan3A_287 : i32 to index
      %swap3A_293 = arith.constant 16 : index
      %swap3A_294 = tpu.vector_load %arg12[%swap3A_292, %swap3A_293] {strides = array<i32>} : memref<40x128xf32, #tpu.memory_space<vmem>>, vector<1x16xf32>,
      %swap3A_295 = vector.shape_cast %swap3A_294 : vector<1x16xf32> to vector<16xf32>
      %swap3A_296 = vector.shape_cast %broadcast_in_dim3A_5 : vector<16xf32> to vector<1x16xf32>
      tpu.vector_store %arg12[%swap3A_292, %swap3A_293], %swap3A_296 {strides = array<i32>} : memref<40x128xf32, #tpu.memory_space<vmem>>, vector<1x16xf32>,
      %swap3A_297 = arith.index_cast %scan3A_287 : i32 to index
      %swap3A_298 = arith.constant 32 : index
      %swap3A_299 = tpu.vector_load %arg12[%swap3A_297, %swap3A_298] {strides = array<i32>} : memref<40x128xf32, #tpu.memory_space<vmem>>, vector<1x16xf32>,
      %swap3A_300 = vector.shape_cast %swap3A_299 : vector<1x16xf32> to vector<16xf32>
      %swap3A_301 = vector.shape_cast %broadcast_in_dim3A_5 : vector<16xf32> to vector<1x16xf32>
      tpu.vector_store %arg12[%swap3A_297, %swap3A_298], %swap3A_301 {strides = array<i32>} : memref<40x128xf32, #tpu.memory_space<vmem>>, vector<1x16xf32>,
      %swap3A_302 = arith.index_cast %scan3A_287 : i32 to index
      %swap3A_303 = arith.constant 48 : index
      %swap3A_304 = tpu.vector_load %arg12[%swap3A_302, %swap3A_303] {strides = array<i32>} : memref<40x128xf32, #tpu.memory_space<vmem>>, vector<1x16xf32>,
      %swap3A_305 = vector.shape_cast %swap3A_304 : vector<1x16xf32> to vector<16xf32>
      %swap3A_306 = vector.shape_cast %broadcast_in_dim3A_5 : vector<16xf32> to vector<1x16xf32>
      tpu.vector_store %arg12[%swap3A_302, %swap3A_303], %swap3A_306 {strides = array<i32>} : memref<40x128xf32, #tpu.memory_space<vmem>>, vector<1x16xf32>,
      %swap3A_307 = arith.index_cast %scan3A_287 : i32 to index
      %swap3A_308 = arith.constant 64 : index
      %swap3A_309 = tpu.vector_load %arg12[%swap3A_307, %swap3A_308] {strides = array<i32>} : memref<40x128xf32, #tpu.memory_space<vmem>>, vector<1x16xf32>,
      %swap3A_310 = vector.shape_cast %swap3A_309 : vector<1x16xf32> to vector<16xf32>
      %swap3A_311 = vector.shape_cast %broadcast_in_dim3A_5 : vector<16xf32> to vector<1x16xf32>
      tpu.vector_store %arg12[%swap3A_307, %swap3A_308], %swap3A_311 {strides = array<i32>} : memref<40x128xf32, #tpu.memory_space<vmem>>, vector<1x16xf32>,
      %swap3A_312 = arith.index_cast %scan3A_287 : i32 to index
      %swap3A_313 = arith.constant 80 : index
      %swap3A_314 = tpu.vector_load %arg12[%swap3A_312, %swap3A_313] {strides = array<i32>} : memref<40x128xf32, #tpu.memory_space<vmem>>, vector<1x16xf32>,
      %swap3A_315 = vector.shape_cast %swap3A_314 : vector<1x16xf32> to vector<16xf32>
      %swap3A_316 = vector.shape_cast %broadcast_in_dim3A_5 : vector<16xf32> to vector<1x16xf32>
      tpu.vector_store %arg12[%swap3A_312, %swap3A_313], %swap3A_316 {strides = array<i32>} : memref<40x128xf32, #tpu.memory_space<vmem>>, vector<1x16xf32>,
      %swap3A_317 = arith.index_cast %scan3A_287 : i32 to index
      %swap3A_318 = arith.constant 96 : index
      %swap3A_319 = tpu.vector_load %arg12[%swap3A_317, %swap3A_318] {strides = array<i32>} : memref<40x128xf32, #tpu.memory_space<vmem>>, vector<1x16xf32>,
      %swap3A_320 = vector.shape_cast %swap3A_319 : vector<1x16xf32> to vector<16xf32>
      %swap3A_321 = vector.shape_cast %broadcast_in_dim3A_5 : vector<16xf32> to vector<1x16xf32>
      tpu.vector_store %arg12[%swap3A_317, %swap3A_318], %swap3A_321 {strides = array<i32>} : memref<40x128xf32, #tpu.memory_space<vmem>>, vector<1x16xf32>,
      %swap3A_322 = arith.index_cast %scan3A_287 : i32 to index
      %swap3A_323 = arith.constant 112 : index
      %swap3A_324 = tpu.vector_load %arg12[%swap3A_322, %swap3A_323] {strides = array<i32>} : memref<40x128xf32, #tpu.memory_space<vmem>>, vector<1x16xf32>,
      %swap3A_325 = vector.shape_cast %swap3A_324 : vector<1x16xf32> to vector<16xf32>
      %swap3A_326 = vector.shape_cast %broadcast_in_dim3A_5 : vector<16xf32> to vector<1x16xf32>
      tpu.vector_store %arg12[%swap3A_322, %swap3A_323], %swap3A_326 {strides = array<i32>} : memref<40x128xf32, #tpu.memory_space<vmem>>, vector<1x16xf32>,
    }
    %scan3A_10 = arith.constant 40 : i32
    %add3A_11 = arith.constant 0 : i32
    %add3A_12 = arith.addi %arg1, %add3A_11 : i32
    %lt3A = arith.constant 250 : i32
    %lt3A_13 = arith.cmpi slt, %add3A_12, %lt3A : i32
    %convert_element_type3A = arith.extui %lt3A_13 : i1 to i32
    %cond3A = arith.constant 0 : i32
    %cond3A_14 = arith.cmpi ne, %convert_element_type3A, %cond3A : i32
    scf.if %cond3A_14 {
      %mul3A_287 = arith.constant 40 : i32
      %mul3A_288 = arith.muli %add3A_12, %mul3A_287 : i32
      "tpu.region"() ({
        %run_scoped3A = tpu.sem_alloc : memref<!tpu.dma_semaphore, #tpu.memory_space<semaphore_mem>>
        %dma_start3A_289 = arith.constant 0 : i32
        %dma_start3A_290 = tpu.memref_slice %arg8[%mul3A_288, %dma_start3A_289] : memref<10000x128xf32, #tpu.memory_space<vmem_shared>> -> memref<40x128xf32, #tpu.memory_space<vmem_shared>>
        %dma_start3A_291 = arith.constant 0 : i32
        %dma_start3A_292 = tpu.memref_slice %arg8[%mul3A_288, %dma_start3A_291] : memref<10000x128xf32, #tpu.memory_space<vmem_shared>> -> memref<40x128xf32, #tpu.memory_space<vmem_shared>>
        tpu.enqueue_dma source(%arg12 : memref<40x128xf32, #tpu.memory_space<vmem>>) target(%dma_start3A_292 : memref<40x128xf32, #tpu.memory_space<vmem_shared>>) target_semaphore(%run_scoped3A : memref<!tpu.dma_semaphore, #tpu.memory_space<semaphore_mem>>)
        %dma_wait3A_293 = arith.constant 0 : i32
        %dma_wait3A_294 = tpu.memref_slice %arg8[%mul3A_288, %dma_wait3A_293] : memref<10000x128xf32, #tpu.memory_space<vmem_shared>> -> memref<40x128xf32, #tpu.memory_space<vmem_shared>>
        %dma_wait3A_295 = arith.constant 0 : i32
        %dma_wait3A_296 = tpu.memref_slice %arg8[%mul3A_288, %dma_wait3A_295] : memref<10000x128xf32, #tpu.memory_space<vmem_shared>> -> memref<40x128xf32, #tpu.memory_space<vmem_shared>>
        tpu.wait_dma2 semaphore(%run_scoped3A : memref<!tpu.dma_semaphore, #tpu.memory_space<semaphore_mem>>) src(%arg12 : memref<40x128xf32, #tpu.memory_space<vmem>>) dst(%dma_wait3A_296 : memref<40x128xf32, #tpu.memory_space<vmem_shared>>)
        tpu.yield
      }) : () -> ()
    } else {
    }
    %add3A_15 = arith.constant 16 : i32
    %add3A_16 = arith.addi %arg1, %add3A_15 : i32
    %lt3A_17 = arith.constant 250 : i32
    %lt3A_18 = arith.cmpi slt, %add3A_16, %lt3A_17 : i32
    %convert_element_type3A_19 = arith.extui %lt3A_18 : i1 to i32
    %cond3A_20 = arith.constant 0 : i32
    %cond3A_21 = arith.cmpi ne, %convert_element_type3A_19, %cond3A_20 : i32
    scf.if %cond3A_21 {
      %mul3A_287 = arith.constant 40 : i32
      %mul3A_288 = arith.muli %add3A_16, %mul3A_287 : i32
      "tpu.region"() ({
        %run_scoped3A = tpu.sem_alloc : memref<!tpu.dma_semaphore, #tpu.memory_space<semaphore_mem>>
        %dma_start3A_289 = arith.constant 0 : i32
        %dma_start3A_290 = tpu.memref_slice %arg8[%mul3A_288, %dma_start3A_289] : memref<10000x128xf32, #tpu.memory_space<vmem_shared>> -> memref<40x128xf32, #tpu.memory_space<vmem_shared>>
        %dma_start3A_291 = arith.constant 0 : i32
        %dma_start3A_292 = tpu.memref_slice %arg8[%mul3A_288, %dma_start3A_291] : memref<10000x128xf32, #tpu.memory_space<vmem_shared>> -> memref<40x128xf32, #tpu.memory_space<vmem_shared>>
        tpu.enqueue_dma source(%arg12 : memref<40x128xf32, #tpu.memory_space<vmem>>) target(%dma_start3A_292 : memref<40x128xf32, #tpu.memory_space<vmem_shared>>) target_semaphore(%run_scoped3A : memref<!tpu.dma_semaphore, #tpu.memory_space<semaphore_mem>>)
        %dma_wait3A_293 = arith.constant 0 : i32
        %dma_wait3A_294 = tpu.memref_slice %arg8[%mul3A_288, %dma_wait3A_293] : memref<10000x128xf32, #tpu.memory_space<vmem_shared>> -> memref<40x128xf32, #tpu.memory_space<vmem_shared>>
        %dma_wait3A_295 = arith.constant 0 : i32
        %dma_wait3A_296 = tpu.memref_slice %arg8[%mul3A_288, %dma_wait3A_295] : memref<10000x128xf32, #tpu.memory_space<vmem_shared>> -> memref<40x128xf32, #tpu.memory_space<vmem_shared>>
        tpu.wait_dma2 semaphore(%run_scoped3A : memref<!tpu.dma_semaphore, #tpu.memory_space<semaphore_mem>>) src(%arg12 : memref<40x128xf32, #tpu.memory_space<vmem>>) dst(%dma_wait3A_296 : memref<40x128xf32, #tpu.memory_space<vmem_shared>>)
        tpu.yield
      }) : () -> ()
    } else {
    }
    %add3A_22 = arith.constant 32 : i32
    %add3A_23 = arith.addi %arg1, %add3A_22 : i32
    %lt3A_24 = arith.constant 250 : i32
    %lt3A_25 = arith.cmpi slt, %add3A_23, %lt3A_24 : i32
    %convert_element_type3A_26 = arith.extui %lt3A_25 : i1 to i32
    %cond3A_27 = arith.constant 0 : i32
    %cond3A_28 = arith.cmpi ne, %convert_element_type3A_26, %cond3A_27 : i32
    scf.if %cond3A_28 {
      %mul3A_287 = arith.constant 40 : i32
      %mul3A_288 = arith.muli %add3A_23, %mul3A_287 : i32
      "tpu.region"() ({
        %run_scoped3A = tpu.sem_alloc : memref<!tpu.dma_semaphore, #tpu.memory_space<semaphore_mem>>
        %dma_start3A_289 = arith.constant 0 : i32
        %dma_start3A_290 = tpu.memref_slice %arg8[%mul3A_288, %dma_start3A_289] : memref<10000x128xf32, #tpu.memory_space<vmem_shared>> -> memref<40x128xf32, #tpu.memory_space<vmem_shared>>
        %dma_start3A_291 = arith.constant 0 : i32
        %dma_start3A_292 = tpu.memref_slice %arg8[%mul3A_288, %dma_start3A_291] : memref<10000x128xf32, #tpu.memory_space<vmem_shared>> -> memref<40x128xf32, #tpu.memory_space<vmem_shared>>
        tpu.enqueue_dma source(%arg12 : memref<40x128xf32, #tpu.memory_space<vmem>>) target(%dma_start3A_292 : memref<40x128xf32, #tpu.memory_space<vmem_shared>>) target_semaphore(%run_scoped3A : memref<!tpu.dma_semaphore, #tpu.memory_space<semaphore_mem>>)
        %dma_wait3A_293 = arith.constant 0 : i32
        %dma_wait3A_294 = tpu.memref_slice %arg8[%mul3A_288, %dma_wait3A_293] : memref<10000x128xf32, #tpu.memory_space<vmem_shared>> -> memref<40x128xf32, #tpu.memory_space<vmem_shared>>
        %dma_wait3A_295 = arith.constant 0 : i32
        %dma_wait3A_296 = tpu.memref_slice %arg8[%mul3A_288, %dma_wait3A_295] : memref<10000x128xf32, #tpu.memory_space<vmem_shared>> -> memref<40x128xf32, #tpu.memory_space<vmem_shared>>
        tpu.wait_dma2 semaphore(%run_scoped3A : memref<!tpu.dma_semaphore, #tpu.memory_space<semaphore_mem>>) src(%arg12 : memref<40x128xf32, #tpu.memory_space<vmem>>) dst(%dma_wait3A_296 : memref<40x128xf32, #tpu.memory_space<vmem_shared>>)
        tpu.yield
      }) : () -> ()
    } else {
    }
    %add3A_29 = arith.constant 48 : i32
    %add3A_30 = arith.addi %arg1, %add3A_29 : i32
    %lt3A_31 = arith.constant 250 : i32
    %lt3A_32 = arith.cmpi slt, %add3A_30, %lt3A_31 : i32
    %convert_element_type3A_33 = arith.extui %lt3A_32 : i1 to i32
    %cond3A_34 = arith.constant 0 : i32
    %cond3A_35 = arith.cmpi ne, %convert_element_type3A_33, %cond3A_34 : i32
    scf.if %cond3A_35 {
      %mul3A_287 = arith.constant 40 : i32
      %mul3A_288 = arith.muli %add3A_30, %mul3A_287 : i32
      "tpu.region"() ({
        %run_scoped3A = tpu.sem_alloc : memref<!tpu.dma_semaphore, #tpu.memory_space<semaphore_mem>>
        %dma_start3A_289 = arith.constant 0 : i32
        %dma_start3A_290 = tpu.memref_slice %arg8[%mul3A_288, %dma_start3A_289] : memref<10000x128xf32, #tpu.memory_space<vmem_shared>> -> memref<40x128xf32, #tpu.memory_space<vmem_shared>>
        %dma_start3A_291 = arith.constant 0 : i32
        %dma_start3A_292 = tpu.memref_slice %arg8[%mul3A_288, %dma_start3A_291] : memref<10000x128xf32, #tpu.memory_space<vmem_shared>> -> memref<40x128xf32, #tpu.memory_space<vmem_shared>>
        tpu.enqueue_dma source(%arg12 : memref<40x128xf32, #tpu.memory_space<vmem>>) target(%dma_start3A_292 : memref<40x128xf32, #tpu.memory_space<vmem_shared>>) target_semaphore(%run_scoped3A : memref<!tpu.dma_semaphore, #tpu.memory_space<semaphore_mem>>)
        %dma_wait3A_293 = arith.constant 0 : i32
        %dma_wait3A_294 = tpu.memref_slice %arg8[%mul3A_288, %dma_wait3A_293] : memref<10000x128xf32, #tpu.memory_space<vmem_shared>> -> memref<40x128xf32, #tpu.memory_space<vmem_shared>>
        %dma_wait3A_295 = arith.constant 0 : i32
        %dma_wait3A_296 = tpu.memref_slice %arg8[%mul3A_288, %dma_wait3A_295] : memref<10000x128xf32, #tpu.memory_space<vmem_shared>> -> memref<40x128xf32, #tpu.memory_space<vmem_shared>>
        tpu.wait_dma2 semaphore(%run_scoped3A : memref<!tpu.dma_semaphore, #tpu.memory_space<semaphore_mem>>) src(%arg12 : memref<40x128xf32, #tpu.memory_space<vmem>>) dst(%dma_wait3A_296 : memref<40x128xf32, #tpu.memory_space<vmem_shared>>)
        tpu.yield
      }) : () -> ()
    } else {
    }
    %add3A_36 = arith.constant 64 : i32
    %add3A_37 = arith.addi %arg1, %add3A_36 : i32
    %lt3A_38 = arith.constant 250 : i32
    %lt3A_39 = arith.cmpi slt, %add3A_37, %lt3A_38 : i32
    %convert_element_type3A_40 = arith.extui %lt3A_39 : i1 to i32
    %cond3A_41 = arith.constant 0 : i32
    %cond3A_42 = arith.cmpi ne, %convert_element_type3A_40, %cond3A_41 : i32
    scf.if %cond3A_42 {
      %mul3A_287 = arith.constant 40 : i32
      %mul3A_288 = arith.muli %add3A_37, %mul3A_287 : i32
      "tpu.region"() ({
        %run_scoped3A = tpu.sem_alloc : memref<!tpu.dma_semaphore, #tpu.memory_space<semaphore_mem>>
        %dma_start3A_289 = arith.constant 0 : i32
        %dma_start3A_290 = tpu.memref_slice %arg8[%mul3A_288, %dma_start3A_289] : memref<10000x128xf32, #tpu.memory_space<vmem_shared>> -> memref<40x128xf32, #tpu.memory_space<vmem_shared>>
        %dma_start3A_291 = arith.constant 0 : i32
        %dma_start3A_292 = tpu.memref_slice %arg8[%mul3A_288, %dma_start3A_291] : memref<10000x128xf32, #tpu.memory_space<vmem_shared>> -> memref<40x128xf32, #tpu.memory_space<vmem_shared>>
        tpu.enqueue_dma source(%arg12 : memref<40x128xf32, #tpu.memory_space<vmem>>) target(%dma_start3A_292 : memref<40x128xf32, #tpu.memory_space<vmem_shared>>) target_semaphore(%run_scoped3A : memref<!tpu.dma_semaphore, #tpu.memory_space<semaphore_mem>>)
        %dma_wait3A_293 = arith.constant 0 : i32
        %dma_wait3A_294 = tpu.memref_slice %arg8[%mul3A_288, %dma_wait3A_293] : memref<10000x128xf32, #tpu.memory_space<vmem_shared>> -> memref<40x128xf32, #tpu.memory_space<vmem_shared>>
        %dma_wait3A_295 = arith.constant 0 : i32
        %dma_wait3A_296 = tpu.memref_slice %arg8[%mul3A_288, %dma_wait3A_295] : memref<10000x128xf32, #tpu.memory_space<vmem_shared>> -> memref<40x128xf32, #tpu.memory_space<vmem_shared>>
        tpu.wait_dma2 semaphore(%run_scoped3A : memref<!tpu.dma_semaphore, #tpu.memory_space<semaphore_mem>>) src(%arg12 : memref<40x128xf32, #tpu.memory_space<vmem>>) dst(%dma_wait3A_296 : memref<40x128xf32, #tpu.memory_space<vmem_shared>>)
        tpu.yield
      }) : () -> ()
    } else {
    }
    %add3A_43 = arith.constant 80 : i32
    %add3A_44 = arith.addi %arg1, %add3A_43 : i32
    %lt3A_45 = arith.constant 250 : i32
    %lt3A_46 = arith.cmpi slt, %add3A_44, %lt3A_45 : i32
    %convert_element_type3A_47 = arith.extui %lt3A_46 : i1 to i32
    %cond3A_48 = arith.constant 0 : i32
    %cond3A_49 = arith.cmpi ne, %convert_element_type3A_47, %cond3A_48 : i32
    scf.if %cond3A_49 {
      %mul3A_287 = arith.constant 40 : i32
      %mul3A_288 = arith.muli %add3A_44, %mul3A_287 : i32
      "tpu.region"() ({
        %run_scoped3A = tpu.sem_alloc : memref<!tpu.dma_semaphore, #tpu.memory_space<semaphore_mem>>
        %dma_start3A_289 = arith.constant 0 : i32
        %dma_start3A_290 = tpu.memref_slice %arg8[%mul3A_288, %dma_start3A_289] : memref<10000x128xf32, #tpu.memory_space<vmem_shared>> -> memref<40x128xf32, #tpu.memory_space<vmem_shared>>
        %dma_start3A_291 = arith.constant 0 : i32
        %dma_start3A_292 = tpu.memref_slice %arg8[%mul3A_288, %dma_start3A_291] : memref<10000x128xf32, #tpu.memory_space<vmem_shared>> -> memref<40x128xf32, #tpu.memory_space<vmem_shared>>
        tpu.enqueue_dma source(%arg12 : memref<40x128xf32, #tpu.memory_space<vmem>>) target(%dma_start3A_292 : memref<40x128xf32, #tpu.memory_space<vmem_shared>>) target_semaphore(%run_scoped3A : memref<!tpu.dma_semaphore, #tpu.memory_space<semaphore_mem>>)
        %dma_wait3A_293 = arith.constant 0 : i32
        %dma_wait3A_294 = tpu.memref_slice %arg8[%mul3A_288, %dma_wait3A_293] : memref<10000x128xf32, #tpu.memory_space<vmem_shared>> -> memref<40x128xf32, #tpu.memory_space<vmem_shared>>
        %dma_wait3A_295 = arith.constant 0 : i32
        %dma_wait3A_296 = tpu.memref_slice %arg8[%mul3A_288, %dma_wait3A_295] : memref<10000x128xf32, #tpu.memory_space<vmem_shared>> -> memref<40x128xf32, #tpu.memory_space<vmem_shared>>
        tpu.wait_dma2 semaphore(%run_scoped3A : memref<!tpu.dma_semaphore, #tpu.memory_space<semaphore_mem>>) src(%arg12 : memref<40x128xf32, #tpu.memory_space<vmem>>) dst(%dma_wait3A_296 : memref<40x128xf32, #tpu.memory_space<vmem_shared>>)
        tpu.yield
      }) : () -> ()
    } else {
    }
    %add3A_50 = arith.constant 96 : i32
    %add3A_51 = arith.addi %arg1, %add3A_50 : i32
    %lt3A_52 = arith.constant 250 : i32
    %lt3A_53 = arith.cmpi slt, %add3A_51, %lt3A_52 : i32
    %convert_element_type3A_54 = arith.extui %lt3A_53 : i1 to i32
    %cond3A_55 = arith.constant 0 : i32
    %cond3A_56 = arith.cmpi ne, %convert_element_type3A_54, %cond3A_55 : i32
    scf.if %cond3A_56 {
      %mul3A_287 = arith.constant 40 : i32
      %mul3A_288 = arith.muli %add3A_51, %mul3A_287 : i32
      "tpu.region"() ({
        %run_scoped3A = tpu.sem_alloc : memref<!tpu.dma_semaphore, #tpu.memory_space<semaphore_mem>>
        %dma_start3A_289 = arith.constant 0 : i32
        %dma_start3A_290 = tpu.memref_slice %arg8[%mul3A_288, %dma_start3A_289] : memref<10000x128xf32, #tpu.memory_space<vmem_shared>> -> memref<40x128xf32, #tpu.memory_space<vmem_shared>>
        %dma_start3A_291 = arith.constant 0 : i32
        %dma_start3A_292 = tpu.memref_slice %arg8[%mul3A_288, %dma_start3A_291] : memref<10000x128xf32, #tpu.memory_space<vmem_shared>> -> memref<40x128xf32, #tpu.memory_space<vmem_shared>>
        tpu.enqueue_dma source(%arg12 : memref<40x128xf32, #tpu.memory_space<vmem>>) target(%dma_start3A_292 : memref<40x128xf32, #tpu.memory_space<vmem_shared>>) target_semaphore(%run_scoped3A : memref<!tpu.dma_semaphore, #tpu.memory_space<semaphore_mem>>)
        %dma_wait3A_293 = arith.constant 0 : i32
        %dma_wait3A_294 = tpu.memref_slice %arg8[%mul3A_288, %dma_wait3A_293] : memref<10000x128xf32, #tpu.memory_space<vmem_shared>> -> memref<40x128xf32, #tpu.memory_space<vmem_shared>>
        %dma_wait3A_295 = arith.constant 0 : i32
        %dma_wait3A_296 = tpu.memref_slice %arg8[%mul3A_288, %dma_wait3A_295] : memref<10000x128xf32, #tpu.memory_space<vmem_shared>> -> memref<40x128xf32, #tpu.memory_space<vmem_shared>>
        tpu.wait_dma2 semaphore(%run_scoped3A : memref<!tpu.dma_semaphore, #tpu.memory_space<semaphore_mem>>) src(%arg12 : memref<40x128xf32, #tpu.memory_space<vmem>>) dst(%dma_wait3A_296 : memref<40x128xf32, #tpu.memory_space<vmem_shared>>)
        tpu.yield
      }) : () -> ()
    } else {
    }
    %add3A_57 = arith.constant 112 : i32
    %add3A_58 = arith.addi %arg1, %add3A_57 : i32
    %lt3A_59 = arith.constant 250 : i32
    %lt3A_60 = arith.cmpi slt, %add3A_58, %lt3A_59 : i32
    %convert_element_type3A_61 = arith.extui %lt3A_60 : i1 to i32
    %cond3A_62 = arith.constant 0 : i32
    %cond3A_63 = arith.cmpi ne, %convert_element_type3A_61, %cond3A_62 : i32
    scf.if %cond3A_63 {
      %mul3A_287 = arith.constant 40 : i32
      %mul3A_288 = arith.muli %add3A_58, %mul3A_287 : i32
      "tpu.region"() ({
        %run_scoped3A = tpu.sem_alloc : memref<!tpu.dma_semaphore, #tpu.memory_space<semaphore_mem>>
        %dma_start3A_289 = arith.constant 0 : i32
        %dma_start3A_290 = tpu.memref_slice %arg8[%mul3A_288, %dma_start3A_289] : memref<10000x128xf32, #tpu.memory_space<vmem_shared>> -> memref<40x128xf32, #tpu.memory_space<vmem_shared>>
        %dma_start3A_291 = arith.constant 0 : i32
        %dma_start3A_292 = tpu.memref_slice %arg8[%mul3A_288, %dma_start3A_291] : memref<10000x128xf32, #tpu.memory_space<vmem_shared>> -> memref<40x128xf32, #tpu.memory_space<vmem_shared>>
        tpu.enqueue_dma source(%arg12 : memref<40x128xf32, #tpu.memory_space<vmem>>) target(%dma_start3A_292 : memref<40x128xf32, #tpu.memory_space<vmem_shared>>) target_semaphore(%run_scoped3A : memref<!tpu.dma_semaphore, #tpu.memory_space<semaphore_mem>>)
        %dma_wait3A_293 = arith.constant 0 : i32
        %dma_wait3A_294 = tpu.memref_slice %arg8[%mul3A_288, %dma_wait3A_293] : memref<10000x128xf32, #tpu.memory_space<vmem_shared>> -> memref<40x128xf32, #tpu.memory_space<vmem_shared>>
        %dma_wait3A_295 = arith.constant 0 : i32
        %dma_wait3A_296 = tpu.memref_slice %arg8[%mul3A_288, %dma_wait3A_295] : memref<10000x128xf32, #tpu.memory_space<vmem_shared>> -> memref<40x128xf32, #tpu.memory_space<vmem_shared>>
        tpu.wait_dma2 semaphore(%run_scoped3A : memref<!tpu.dma_semaphore, #tpu.memory_space<semaphore_mem>>) src(%arg12 : memref<40x128xf32, #tpu.memory_space<vmem>>) dst(%dma_wait3A_296 : memref<40x128xf32, #tpu.memory_space<vmem_shared>>)
        tpu.yield
      }) : () -> ()
    } else {
    }
    %add3A_64 = arith.constant 128 : i32
    %add3A_65 = arith.addi %arg1, %add3A_64 : i32
    %lt3A_66 = arith.constant 250 : i32
    %lt3A_67 = arith.cmpi slt, %add3A_65, %lt3A_66 : i32
    %convert_element_type3A_68 = arith.extui %lt3A_67 : i1 to i32
    %cond3A_69 = arith.constant 0 : i32
    %cond3A_70 = arith.cmpi ne, %convert_element_type3A_68, %cond3A_69 : i32
    scf.if %cond3A_70 {
      %mul3A_287 = arith.constant 40 : i32
      %mul3A_288 = arith.muli %add3A_65, %mul3A_287 : i32
      "tpu.region"() ({
        %run_scoped3A = tpu.sem_alloc : memref<!tpu.dma_semaphore, #tpu.memory_space<semaphore_mem>>
        %dma_start3A_289 = arith.constant 0 : i32
        %dma_start3A_290 = tpu.memref_slice %arg8[%mul3A_288, %dma_start3A_289] : memref<10000x128xf32, #tpu.memory_space<vmem_shared>> -> memref<40x128xf32, #tpu.memory_space<vmem_shared>>
        %dma_start3A_291 = arith.constant 0 : i32
        %dma_start3A_292 = tpu.memref_slice %arg8[%mul3A_288, %dma_start3A_291] : memref<10000x128xf32, #tpu.memory_space<vmem_shared>> -> memref<40x128xf32, #tpu.memory_space<vmem_shared>>
        tpu.enqueue_dma source(%arg12 : memref<40x128xf32, #tpu.memory_space<vmem>>) target(%dma_start3A_292 : memref<40x128xf32, #tpu.memory_space<vmem_shared>>) target_semaphore(%run_scoped3A : memref<!tpu.dma_semaphore, #tpu.memory_space<semaphore_mem>>)
        %dma_wait3A_293 = arith.constant 0 : i32
        %dma_wait3A_294 = tpu.memref_slice %arg8[%mul3A_288, %dma_wait3A_293] : memref<10000x128xf32, #tpu.memory_space<vmem_shared>> -> memref<40x128xf32, #tpu.memory_space<vmem_shared>>
        %dma_wait3A_295 = arith.constant 0 : i32
        %dma_wait3A_296 = tpu.memref_slice %arg8[%mul3A_288, %dma_wait3A_295] : memref<10000x128xf32, #tpu.memory_space<vmem_shared>> -> memref<40x128xf32, #tpu.memory_space<vmem_shared>>
        tpu.wait_dma2 semaphore(%run_scoped3A : memref<!tpu.dma_semaphore, #tpu.memory_space<semaphore_mem>>) src(%arg12 : memref<40x128xf32, #tpu.memory_space<vmem>>) dst(%dma_wait3A_296 : memref<40x128xf32, #tpu.memory_space<vmem_shared>>)
        tpu.yield
      }) : () -> ()
    } else {
    }
    %add3A_71 = arith.constant 144 : i32
    %add3A_72 = arith.addi %arg1, %add3A_71 : i32
    %lt3A_73 = arith.constant 250 : i32
    %lt3A_74 = arith.cmpi slt, %add3A_72, %lt3A_73 : i32
    %convert_element_type3A_75 = arith.extui %lt3A_74 : i1 to i32
    %cond3A_76 = arith.constant 0 : i32
    %cond3A_77 = arith.cmpi ne, %convert_element_type3A_75, %cond3A_76 : i32
    scf.if %cond3A_77 {
      %mul3A_287 = arith.constant 40 : i32
      %mul3A_288 = arith.muli %add3A_72, %mul3A_287 : i32
      "tpu.region"() ({
        %run_scoped3A = tpu.sem_alloc : memref<!tpu.dma_semaphore, #tpu.memory_space<semaphore_mem>>
        %dma_start3A_289 = arith.constant 0 : i32
        %dma_start3A_290 = tpu.memref_slice %arg8[%mul3A_288, %dma_start3A_289] : memref<10000x128xf32, #tpu.memory_space<vmem_shared>> -> memref<40x128xf32, #tpu.memory_space<vmem_shared>>
        %dma_start3A_291 = arith.constant 0 : i32
        %dma_start3A_292 = tpu.memref_slice %arg8[%mul3A_288, %dma_start3A_291] : memref<10000x128xf32, #tpu.memory_space<vmem_shared>> -> memref<40x128xf32, #tpu.memory_space<vmem_shared>>
        tpu.enqueue_dma source(%arg12 : memref<40x128xf32, #tpu.memory_space<vmem>>) target(%dma_start3A_292 : memref<40x128xf32, #tpu.memory_space<vmem_shared>>) target_semaphore(%run_scoped3A : memref<!tpu.dma_semaphore, #tpu.memory_space<semaphore_mem>>)
        %dma_wait3A_293 = arith.constant 0 : i32
        %dma_wait3A_294 = tpu.memref_slice %arg8[%mul3A_288, %dma_wait3A_293] : memref<10000x128xf32, #tpu.memory_space<vmem_shared>> -> memref<40x128xf32, #tpu.memory_space<vmem_shared>>
        %dma_wait3A_295 = arith.constant 0 : i32
        %dma_wait3A_296 = tpu.memref_slice %arg8[%mul3A_288, %dma_wait3A_295] : memref<10000x128xf32, #tpu.memory_space<vmem_shared>> -> memref<40x128xf32, #tpu.memory_space<vmem_shared>>
        tpu.wait_dma2 semaphore(%run_scoped3A : memref<!tpu.dma_semaphore, #tpu.memory_space<semaphore_mem>>) src(%arg12 : memref<40x128xf32, #tpu.memory_space<vmem>>) dst(%dma_wait3A_296 : memref<40x128xf32, #tpu.memory_space<vmem_shared>>)
        tpu.yield
      }) : () -> ()
    } else {
    }
    %add3A_78 = arith.constant 160 : i32
    %add3A_79 = arith.addi %arg1, %add3A_78 : i32
    %lt3A_80 = arith.constant 250 : i32
    %lt3A_81 = arith.cmpi slt, %add3A_79, %lt3A_80 : i32
    %convert_element_type3A_82 = arith.extui %lt3A_81 : i1 to i32
    %cond3A_83 = arith.constant 0 : i32
    %cond3A_84 = arith.cmpi ne, %convert_element_type3A_82, %cond3A_83 : i32
    scf.if %cond3A_84 {
      %mul3A_287 = arith.constant 40 : i32
      %mul3A_288 = arith.muli %add3A_79, %mul3A_287 : i32
      "tpu.region"() ({
        %run_scoped3A = tpu.sem_alloc : memref<!tpu.dma_semaphore, #tpu.memory_space<semaphore_mem>>
        %dma_start3A_289 = arith.constant 0 : i32
        %dma_start3A_290 = tpu.memref_slice %arg8[%mul3A_288, %dma_start3A_289] : memref<10000x128xf32, #tpu.memory_space<vmem_shared>> -> memref<40x128xf32, #tpu.memory_space<vmem_shared>>
        %dma_start3A_291 = arith.constant 0 : i32
        %dma_start3A_292 = tpu.memref_slice %arg8[%mul3A_288, %dma_start3A_291] : memref<10000x128xf32, #tpu.memory_space<vmem_shared>> -> memref<40x128xf32, #tpu.memory_space<vmem_shared>>
        tpu.enqueue_dma source(%arg12 : memref<40x128xf32, #tpu.memory_space<vmem>>) target(%dma_start3A_292 : memref<40x128xf32, #tpu.memory_space<vmem_shared>>) target_semaphore(%run_scoped3A : memref<!tpu.dma_semaphore, #tpu.memory_space<semaphore_mem>>)
        %dma_wait3A_293 = arith.constant 0 : i32
        %dma_wait3A_294 = tpu.memref_slice %arg8[%mul3A_288, %dma_wait3A_293] : memref<10000x128xf32, #tpu.memory_space<vmem_shared>> -> memref<40x128xf32, #tpu.memory_space<vmem_shared>>
        %dma_wait3A_295 = arith.constant 0 : i32
        %dma_wait3A_296 = tpu.memref_slice %arg8[%mul3A_288, %dma_wait3A_295] : memref<10000x128xf32, #tpu.memory_space<vmem_shared>> -> memref<40x128xf32, #tpu.memory_space<vmem_shared>>
        tpu.wait_dma2 semaphore(%run_scoped3A : memref<!tpu.dma_semaphore, #tpu.memory_space<semaphore_mem>>) src(%arg12 : memref<40x128xf32, #tpu.memory_space<vmem>>) dst(%dma_wait3A_296 : memref<40x128xf32, #tpu.memory_space<vmem_shared>>)
        tpu.yield
      }) : () -> ()
    } else {
    }
    %add3A_85 = arith.constant 176 : i32
    %add3A_86 = arith.addi %arg1, %add3A_85 : i32
    %lt3A_87 = arith.constant 250 : i32
    %lt3A_88 = arith.cmpi slt, %add3A_86, %lt3A_87 : i32
    %convert_element_type3A_89 = arith.extui %lt3A_88 : i1 to i32
    %cond3A_90 = arith.constant 0 : i32
    %cond3A_91 = arith.cmpi ne, %convert_element_type3A_89, %cond3A_90 : i32
    scf.if %cond3A_91 {
      %mul3A_287 = arith.constant 40 : i32
      %mul3A_288 = arith.muli %add3A_86, %mul3A_287 : i32
      "tpu.region"() ({
        %run_scoped3A = tpu.sem_alloc : memref<!tpu.dma_semaphore, #tpu.memory_space<semaphore_mem>>
        %dma_start3A_289 = arith.constant 0 : i32
        %dma_start3A_290 = tpu.memref_slice %arg8[%mul3A_288, %dma_start3A_289] : memref<10000x128xf32, #tpu.memory_space<vmem_shared>> -> memref<40x128xf32, #tpu.memory_space<vmem_shared>>
        %dma_start3A_291 = arith.constant 0 : i32
        %dma_start3A_292 = tpu.memref_slice %arg8[%mul3A_288, %dma_start3A_291] : memref<10000x128xf32, #tpu.memory_space<vmem_shared>> -> memref<40x128xf32, #tpu.memory_space<vmem_shared>>
        tpu.enqueue_dma source(%arg12 : memref<40x128xf32, #tpu.memory_space<vmem>>) target(%dma_start3A_292 : memref<40x128xf32, #tpu.memory_space<vmem_shared>>) target_semaphore(%run_scoped3A : memref<!tpu.dma_semaphore, #tpu.memory_space<semaphore_mem>>)
        %dma_wait3A_293 = arith.constant 0 : i32
        %dma_wait3A_294 = tpu.memref_slice %arg8[%mul3A_288, %dma_wait3A_293] : memref<10000x128xf32, #tpu.memory_space<vmem_shared>> -> memref<40x128xf32, #tpu.memory_space<vmem_shared>>
        %dma_wait3A_295 = arith.constant 0 : i32
        %dma_wait3A_296 = tpu.memref_slice %arg8[%mul3A_288, %dma_wait3A_295] : memref<10000x128xf32, #tpu.memory_space<vmem_shared>> -> memref<40x128xf32, #tpu.memory_space<vmem_shared>>
        tpu.wait_dma2 semaphore(%run_scoped3A : memref<!tpu.dma_semaphore, #tpu.memory_space<semaphore_mem>>) src(%arg12 : memref<40x128xf32, #tpu.memory_space<vmem>>) dst(%dma_wait3A_296 : memref<40x128xf32, #tpu.memory_space<vmem_shared>>)
        tpu.yield
      }) : () -> ()
    } else {
    }
    %add3A_92 = arith.constant 192 : i32
    %add3A_93 = arith.addi %arg1, %add3A_92 : i32
    %lt3A_94 = arith.constant 250 : i32
    %lt3A_95 = arith.cmpi slt, %add3A_93, %lt3A_94 : i32
    %convert_element_type3A_96 = arith.extui %lt3A_95 : i1 to i32
    %cond3A_97 = arith.constant 0 : i32
    %cond3A_98 = arith.cmpi ne, %convert_element_type3A_96, %cond3A_97 : i32
    scf.if %cond3A_98 {
      %mul3A_287 = arith.constant 40 : i32
      %mul3A_288 = arith.muli %add3A_93, %mul3A_287 : i32
      "tpu.region"() ({
        %run_scoped3A = tpu.sem_alloc : memref<!tpu.dma_semaphore, #tpu.memory_space<semaphore_mem>>
        %dma_start3A_289 = arith.constant 0 : i32
        %dma_start3A_290 = tpu.memref_slice %arg8[%mul3A_288, %dma_start3A_289] : memref<10000x128xf32, #tpu.memory_space<vmem_shared>> -> memref<40x128xf32, #tpu.memory_space<vmem_shared>>
        %dma_start3A_291 = arith.constant 0 : i32
        %dma_start3A_292 = tpu.memref_slice %arg8[%mul3A_288, %dma_start3A_291] : memref<10000x128xf32, #tpu.memory_space<vmem_shared>> -> memref<40x128xf32, #tpu.memory_space<vmem_shared>>
        tpu.enqueue_dma source(%arg12 : memref<40x128xf32, #tpu.memory_space<vmem>>) target(%dma_start3A_292 : memref<40x128xf32, #tpu.memory_space<vmem_shared>>) target_semaphore(%run_scoped3A : memref<!tpu.dma_semaphore, #tpu.memory_space<semaphore_mem>>)
        %dma_wait3A_293 = arith.constant 0 : i32
        %dma_wait3A_294 = tpu.memref_slice %arg8[%mul3A_288, %dma_wait3A_293] : memref<10000x128xf32, #tpu.memory_space<vmem_shared>> -> memref<40x128xf32, #tpu.memory_space<vmem_shared>>
        %dma_wait3A_295 = arith.constant 0 : i32
        %dma_wait3A_296 = tpu.memref_slice %arg8[%mul3A_288, %dma_wait3A_295] : memref<10000x128xf32, #tpu.memory_space<vmem_shared>> -> memref<40x128xf32, #tpu.memory_space<vmem_shared>>
        tpu.wait_dma2 semaphore(%run_scoped3A : memref<!tpu.dma_semaphore, #tpu.memory_space<semaphore_mem>>) src(%arg12 : memref<40x128xf32, #tpu.memory_space<vmem>>) dst(%dma_wait3A_296 : memref<40x128xf32, #tpu.memory_space<vmem_shared>>)
        tpu.yield
      }) : () -> ()
    } else {
    }
    %add3A_99 = arith.constant 208 : i32
    %add3A_100 = arith.addi %arg1, %add3A_99 : i32
    %lt3A_101 = arith.constant 250 : i32
    %lt3A_102 = arith.cmpi slt, %add3A_100, %lt3A_101 : i32
    %convert_element_type3A_103 = arith.extui %lt3A_102 : i1 to i32
    %cond3A_104 = arith.constant 0 : i32
    %cond3A_105 = arith.cmpi ne, %convert_element_type3A_103, %cond3A_104 : i32
    scf.if %cond3A_105 {
      %mul3A_287 = arith.constant 40 : i32
      %mul3A_288 = arith.muli %add3A_100, %mul3A_287 : i32
      "tpu.region"() ({
        %run_scoped3A = tpu.sem_alloc : memref<!tpu.dma_semaphore, #tpu.memory_space<semaphore_mem>>
        %dma_start3A_289 = arith.constant 0 : i32
        %dma_start3A_290 = tpu.memref_slice %arg8[%mul3A_288, %dma_start3A_289] : memref<10000x128xf32, #tpu.memory_space<vmem_shared>> -> memref<40x128xf32, #tpu.memory_space<vmem_shared>>
        %dma_start3A_291 = arith.constant 0 : i32
        %dma_start3A_292 = tpu.memref_slice %arg8[%mul3A_288, %dma_start3A_291] : memref<10000x128xf32, #tpu.memory_space<vmem_shared>> -> memref<40x128xf32, #tpu.memory_space<vmem_shared>>
        tpu.enqueue_dma source(%arg12 : memref<40x128xf32, #tpu.memory_space<vmem>>) target(%dma_start3A_292 : memref<40x128xf32, #tpu.memory_space<vmem_shared>>) target_semaphore(%run_scoped3A : memref<!tpu.dma_semaphore, #tpu.memory_space<semaphore_mem>>)
        %dma_wait3A_293 = arith.constant 0 : i32
        %dma_wait3A_294 = tpu.memref_slice %arg8[%mul3A_288, %dma_wait3A_293] : memref<10000x128xf32, #tpu.memory_space<vmem_shared>> -> memref<40x128xf32, #tpu.memory_space<vmem_shared>>
        %dma_wait3A_295 = arith.constant 0 : i32
        %dma_wait3A_296 = tpu.memref_slice %arg8[%mul3A_288, %dma_wait3A_295] : memref<10000x128xf32, #tpu.memory_space<vmem_shared>> -> memref<40x128xf32, #tpu.memory_space<vmem_shared>>
        tpu.wait_dma2 semaphore(%run_scoped3A : memref<!tpu.dma_semaphore, #tpu.memory_space<semaphore_mem>>) src(%arg12 : memref<40x128xf32, #tpu.memory_space<vmem>>) dst(%dma_wait3A_296 : memref<40x128xf32, #tpu.memory_space<vmem_shared>>)
        tpu.yield
      }) : () -> ()
    } else {
    }
    %add3A_106 = arith.constant 224 : i32
    %add3A_107 = arith.addi %arg1, %add3A_106 : i32
    %lt3A_108 = arith.constant 250 : i32
    %lt3A_109 = arith.cmpi slt, %add3A_107, %lt3A_108 : i32
    %convert_element_type3A_110 = arith.extui %lt3A_109 : i1 to i32
    %cond3A_111 = arith.constant 0 : i32
    %cond3A_112 = arith.cmpi ne, %convert_element_type3A_110, %cond3A_111 : i32
    scf.if %cond3A_112 {
      %mul3A_287 = arith.constant 40 : i32
      %mul3A_288 = arith.muli %add3A_107, %mul3A_287 : i32
      "tpu.region"() ({
        %run_scoped3A = tpu.sem_alloc : memref<!tpu.dma_semaphore, #tpu.memory_space<semaphore_mem>>
        %dma_start3A_289 = arith.constant 0 : i32
        %dma_start3A_290 = tpu.memref_slice %arg8[%mul3A_288, %dma_start3A_289] : memref<10000x128xf32, #tpu.memory_space<vmem_shared>> -> memref<40x128xf32, #tpu.memory_space<vmem_shared>>
        %dma_start3A_291 = arith.constant 0 : i32
        %dma_start3A_292 = tpu.memref_slice %arg8[%mul3A_288, %dma_start3A_291] : memref<10000x128xf32, #tpu.memory_space<vmem_shared>> -> memref<40x128xf32, #tpu.memory_space<vmem_shared>>
        tpu.enqueue_dma source(%arg12 : memref<40x128xf32, #tpu.memory_space<vmem>>) target(%dma_start3A_292 : memref<40x128xf32, #tpu.memory_space<vmem_shared>>) target_semaphore(%run_scoped3A : memref<!tpu.dma_semaphore, #tpu.memory_space<semaphore_mem>>)
        %dma_wait3A_293 = arith.constant 0 : i32
        %dma_wait3A_294 = tpu.memref_slice %arg8[%mul3A_288, %dma_wait3A_293] : memref<10000x128xf32, #tpu.memory_space<vmem_shared>> -> memref<40x128xf32, #tpu.memory_space<vmem_shared>>
        %dma_wait3A_295 = arith.constant 0 : i32
        %dma_wait3A_296 = tpu.memref_slice %arg8[%mul3A_288, %dma_wait3A_295] : memref<10000x128xf32, #tpu.memory_space<vmem_shared>> -> memref<40x128xf32, #tpu.memory_space<vmem_shared>>
        tpu.wait_dma2 semaphore(%run_scoped3A : memref<!tpu.dma_semaphore, #tpu.memory_space<semaphore_mem>>) src(%arg12 : memref<40x128xf32, #tpu.memory_space<vmem>>) dst(%dma_wait3A_296 : memref<40x128xf32, #tpu.memory_space<vmem_shared>>)
        tpu.yield
      }) : () -> ()
    } else {
    }
    %add3A_113 = arith.constant 240 : i32
    %add3A_114 = arith.addi %arg1, %add3A_113 : i32
    %lt3A_115 = arith.constant 250 : i32
    %lt3A_116 = arith.cmpi slt, %add3A_114, %lt3A_115 : i32
    %convert_element_type3A_117 = arith.extui %lt3A_116 : i1 to i32
    %cond3A_118 = arith.constant 0 : i32
    %cond3A_119 = arith.cmpi ne, %convert_element_type3A_117, %cond3A_118 : i32
    scf.if %cond3A_119 {
      %mul3A_287 = arith.constant 40 : i32
      %mul3A_288 = arith.muli %add3A_114, %mul3A_287 : i32
      "tpu.region"() ({
        %run_scoped3A = tpu.sem_alloc : memref<!tpu.dma_semaphore, #tpu.memory_space<semaphore_mem>>
        %dma_start3A_289 = arith.constant 0 : i32
        %dma_start3A_290 = tpu.memref_slice %arg8[%mul3A_288, %dma_start3A_289] : memref<10000x128xf32, #tpu.memory_space<vmem_shared>> -> memref<40x128xf32, #tpu.memory_space<vmem_shared>>
        %dma_start3A_291 = arith.constant 0 : i32
        %dma_start3A_292 = tpu.memref_slice %arg8[%mul3A_288, %dma_start3A_291] : memref<10000x128xf32, #tpu.memory_space<vmem_shared>> -> memref<40x128xf32, #tpu.memory_space<vmem_shared>>
        tpu.enqueue_dma source(%arg12 : memref<40x128xf32, #tpu.memory_space<vmem>>) target(%dma_start3A_292 : memref<40x128xf32, #tpu.memory_space<vmem_shared>>) target_semaphore(%run_scoped3A : memref<!tpu.dma_semaphore, #tpu.memory_space<semaphore_mem>>)
        %dma_wait3A_293 = arith.constant 0 : i32
        %dma_wait3A_294 = tpu.memref_slice %arg8[%mul3A_288, %dma_wait3A_293] : memref<10000x128xf32, #tpu.memory_space<vmem_shared>> -> memref<40x128xf32, #tpu.memory_space<vmem_shared>>
        %dma_wait3A_295 = arith.constant 0 : i32
        %dma_wait3A_296 = tpu.memref_slice %arg8[%mul3A_288, %dma_wait3A_295] : memref<10000x128xf32, #tpu.memory_space<vmem_shared>> -> memref<40x128xf32, #tpu.memory_space<vmem_shared>>
        tpu.wait_dma2 semaphore(%run_scoped3A : memref<!tpu.dma_semaphore, #tpu.memory_space<semaphore_mem>>) src(%arg12 : memref<40x128xf32, #tpu.memory_space<vmem>>) dst(%dma_wait3A_296 : memref<40x128xf32, #tpu.memory_space<vmem_shared>>)
        tpu.yield
      }) : () -> ()
    } else {
    }
    %barrier3A = arith.constant 0 : index
    tpu.barrier barrier_id(%barrier3A)
    %mul3A_120 = arith.constant 5000 : i32
    %mul3A_121 = arith.muli %add3A, %mul3A_120 : i32
    %add3A_122 = arith.constant 160000 : i32
    %add3A_123 = arith.addi %add3A_122, %mul3A_121 : i32
    %add3A_124 = arith.constant 0 : i32
    %add3A_125 = arith.addi %add3A_123, %add3A_124 : i32
    %dma_start3A = tpu.memref_slice %arg5[%add3A_125] : memref<320000xi32, #tpu.memory_space<hbm>> -> memref<40xi32, #tpu.memory_space<hbm>>
    %dma_start3A_126 = tpu.memref_slice %arg5[%add3A_125] : memref<320000xi32, #tpu.memory_space<hbm>> -> memref<40xi32, #tpu.memory_space<hbm>>
    tpu.enqueue_dma source(%dma_start3A_126 : memref<40xi32, #tpu.memory_space<hbm>>) target(%arg10 : memref<40xi32, #tpu.memory_space<vmem>>) target_semaphore(%arg20 : memref<!tpu.dma_semaphore, #tpu.memory_space<semaphore_mem>>)
    %dma_start3A_127 = arith.constant 0 : i32
    %dma_start3A_128 = tpu.memref_slice %arg9[%dma_start3A_127] : memref<5000xi32, #tpu.memory_space<vmem>> -> memref<40xi32, #tpu.memory_space<vmem>>
    %dma_start3A_129 = arith.constant 0 : i32
    %dma_start3A_130 = arith.constant 0 : i32
    %dma_start3A_131 = tpu.memref_slice %arg2[%dma_start3A_129, %dma_start3A_130] : memref<10000x128xf32, #tpu.memory_space<hbm>> -> memref<10000x128xf32, #tpu.memory_space<hbm>>
    tpu.enqueue_indirect_dma source(%dma_start3A_131 : memref<10000x128xf32, #tpu.memory_space<hbm>>) target(%arg14 : memref<40x128xf32, #tpu.memory_space<vmem>>) offsets(%dma_start3A_128 : memref<40xi32, #tpu.memory_space<vmem>>) semaphore(%arg16 : memref<!tpu.dma_semaphore, #tpu.memory_space<semaphore_mem>>)
    %mul3A_132 = arith.constant 5000 : i32
    %mul3A_133 = arith.muli %add3A, %mul3A_132 : i32
    %add3A_134 = arith.constant 0 : i32
    %add3A_135 = arith.addi %mul3A_133, %add3A_134 : i32
    %dma_start3A_136 = arith.constant 0 : i32
    %dma_start3A_137 = tpu.memref_slice %arg3[%add3A_135, %dma_start3A_136] : memref<160000x128xf32, #tpu.memory_space<hbm>> -> memref<40x128xf32, #tpu.memory_space<hbm>>
    %dma_start3A_138 = arith.constant 0 : i32
    %dma_start3A_139 = tpu.memref_slice %arg3[%add3A_135, %dma_start3A_138] : memref<160000x128xf32, #tpu.memory_space<hbm>> -> memref<40x128xf32, #tpu.memory_space<hbm>>
    tpu.enqueue_dma source(%dma_start3A_139 : memref<40x128xf32, #tpu.memory_space<hbm>>) target(%arg12 : memref<40x128xf32, #tpu.memory_space<vmem>>) target_semaphore(%arg18 : memref<!tpu.dma_semaphore, #tpu.memory_space<semaphore_mem>>)
    %mul3A_140 = arith.constant 5000 : i32
    %mul3A_141 = arith.muli %add3A, %mul3A_140 : i32
    %add3A_142 = arith.constant 160000 : i32
    %add3A_143 = arith.addi %add3A_142, %mul3A_141 : i32
    %add3A_144 = arith.constant 40 : i32
    %add3A_145 = arith.addi %add3A_143, %add3A_144 : i32
    %dma_start3A_146 = tpu.memref_slice %arg5[%add3A_145] : memref<320000xi32, #tpu.memory_space<hbm>> -> memref<40xi32, #tpu.memory_space<hbm>>
    %dma_start3A_147 = tpu.memref_slice %arg5[%add3A_145] : memref<320000xi32, #tpu.memory_space<hbm>> -> memref<40xi32, #tpu.memory_space<hbm>>
    tpu.enqueue_dma source(%dma_start3A_147 : memref<40xi32, #tpu.memory_space<hbm>>) target(%arg11 : memref<40xi32, #tpu.memory_space<vmem>>) target_semaphore(%arg21 : memref<!tpu.dma_semaphore, #tpu.memory_space<semaphore_mem>>)
    %scan3A_148 = arith.constant 0 : i32
    %scan3A_149 = arith.constant 0 : i32
    %scan3A_150 = arith.constant 62 : i32
    %scan3A_151 = arith.addi %scan3A_149, %scan3A_150 : i32
    %scan3A_152 = arith.constant 1 : i32
    scf.for %scan3A_287 = %scan3A_149 to %scan3A_151 step %scan3A_152  : i32 {
      %mul3A_288 = arith.constant 2 : i32
      %mul3A_289 = arith.muli %mul3A_288, %scan3A_287 : i32
      %add3A_290 = arith.constant 2 : i32
      %add3A_291 = arith.addi %mul3A_289, %add3A_290 : i32
      %add3A_292 = arith.constant 1 : i32
      %add3A_293 = arith.addi %mul3A_289, %add3A_292 : i32
      %lt3A_294 = arith.constant 125 : i32
      %lt3A_295 = arith.cmpi slt, %add3A_293, %lt3A_294 : i32
      %convert_element_type3A_296 = arith.extui %lt3A_295 : i1 to i32
      %cond3A_297 = arith.constant 0 : i32
      %cond3A_298 = arith.cmpi ne, %convert_element_type3A_296, %cond3A_297 : i32
      scf.if %cond3A_298 {
        %add3A_362 = arith.constant 1 : i32
        %add3A_363 = arith.addi %mul3A_289, %add3A_362 : i32
        %mul3A_364 = arith.constant 40 : i32
        %mul3A_365 = arith.muli %add3A_363, %mul3A_364 : i32
        %dma_start3A_366 = tpu.memref_slice %arg9[%mul3A_365] : memref<5000xi32, #tpu.memory_space<vmem>> -> memref<40xi32, #tpu.memory_space<vmem>>
        %dma_start3A_367 = arith.constant 0 : i32
        %dma_start3A_368 = arith.constant 0 : i32
        %dma_start3A_369 = tpu.memref_slice %arg2[%dma_start3A_367, %dma_start3A_368] : memref<10000x128xf32, #tpu.memory_space<hbm>> -> memref<10000x128xf32, #tpu.memory_space<hbm>>
        tpu.enqueue_indirect_dma source(%dma_start3A_369 : memref<10000x128xf32, #tpu.memory_space<hbm>>) target(%arg15 : memref<40x128xf32, #tpu.memory_space<vmem>>) offsets(%dma_start3A_366 : memref<40xi32, #tpu.memory_space<vmem>>) semaphore(%arg17 : memref<!tpu.dma_semaphore, #tpu.memory_space<semaphore_mem>>)
        %mul3A_370 = arith.constant 5000 : i32
        %mul3A_371 = arith.muli %add3A, %mul3A_370 : i32
        %mul3A_372 = arith.constant 40 : i32
        %mul3A_373 = arith.muli %add3A_363, %mul3A_372 : i32
        %add3A_374 = arith.addi %mul3A_371, %mul3A_373 : i32
        %dma_start3A_375 = arith.constant 0 : i32
        %dma_start3A_376 = tpu.memref_slice %arg3[%add3A_374, %dma_start3A_375] : memref<160000x128xf32, #tpu.memory_space<hbm>> -> memref<40x128xf32, #tpu.memory_space<hbm>>
        %dma_start3A_377 = arith.constant 0 : i32
        %dma_start3A_378 = tpu.memref_slice %arg3[%add3A_374, %dma_start3A_377] : memref<160000x128xf32, #tpu.memory_space<hbm>> -> memref<40x128xf32, #tpu.memory_space<hbm>>
        tpu.enqueue_dma source(%dma_start3A_378 : memref<40x128xf32, #tpu.memory_space<hbm>>) target(%arg13 : memref<40x128xf32, #tpu.memory_space<vmem>>) target_semaphore(%arg19 : memref<!tpu.dma_semaphore, #tpu.memory_space<semaphore_mem>>)
      } else {
      }
      %dma_wait3A_299 = arith.constant 0 : i32
      %dma_wait3A_300 = tpu.memref_slice %arg9[%dma_wait3A_299] : memref<5000xi32, #tpu.memory_space<vmem>> -> memref<40xi32, #tpu.memory_space<vmem>>
      %dma_wait3A_301 = arith.constant 0 : i32
      %dma_wait3A_302 = arith.constant 0 : i32
      %dma_wait3A_303 = tpu.memref_slice %arg2[%dma_wait3A_301, %dma_wait3A_302] : memref<10000x128xf32, #tpu.memory_space<hbm>> -> memref<10000x128xf32, #tpu.memory_space<hbm>>
      tpu.wait_indirect_dma semaphore(%arg16 : memref<!tpu.dma_semaphore, #tpu.memory_space<semaphore_mem>>) src(%dma_wait3A_303 : memref<10000x128xf32, #tpu.memory_space<hbm>>) dst(%arg14 : memref<40x128xf32, #tpu.memory_space<vmem>>)
      %dma_wait3A_304 = arith.constant 0 : i32
      %dma_wait3A_305 = arith.constant 0 : i32
      %dma_wait3A_306 = tpu.memref_slice %arg3[%dma_wait3A_304, %dma_wait3A_305] : memref<160000x128xf32, #tpu.memory_space<hbm>> -> memref<40x128xf32, #tpu.memory_space<hbm>>
      %dma_wait3A_307 = arith.constant 0 : i32
      %dma_wait3A_308 = arith.constant 0 : i32
      %dma_wait3A_309 = tpu.memref_slice %arg3[%dma_wait3A_307, %dma_wait3A_308] : memref<160000x128xf32, #tpu.memory_space<hbm>> -> memref<40x128xf32, #tpu.memory_space<hbm>>
      tpu.wait_dma2 semaphore(%arg18 : memref<!tpu.dma_semaphore, #tpu.memory_space<semaphore_mem>>) src(%dma_wait3A_309 : memref<40x128xf32, #tpu.memory_space<hbm>>) dst(%arg12 : memref<40x128xf32, #tpu.memory_space<vmem>>)
      %scan3A_310 = arith.constant 0 : i32
      %scan3A_311 = arith.constant 0 : i32
      %scan3A_312 = arith.constant 40 : i32
      %scan3A_313 = arith.addi %scan3A_311, %scan3A_312 : i32
      %scan3A_314 = arith.constant 1 : i32
      scf.for %scan3A_362 = %scan3A_311 to %scan3A_313 step %scan3A_314  : i32 {
        %get3A = arith.index_cast %scan3A_362 : i32 to index
        %get3A_363 = arith.constant 0 : index
        %get3A_364 = tpu.vector_load %arg14[%get3A, %get3A_363] {strides = array<i32>} : memref<40x128xf32, #tpu.memory_space<vmem>>, vector<1x16xf32>,
        %get3A_365 = vector.shape_cast %get3A_364 : vector<1x16xf32> to vector<16xf32>
        %get3A_366 = arith.index_cast %scan3A_362 : i32 to index
        %get3A_367 = arith.constant 0 : index
        %get3A_368 = tpu.vector_load %arg12[%get3A_366, %get3A_367] {strides = array<i32>} : memref<40x128xf32, #tpu.memory_space<vmem>>, vector<1x16xf32>,
        %get3A_369 = vector.shape_cast %get3A_368 : vector<1x16xf32> to vector<16xf32>
        %mul3A_370 = arith.mulf %get3A_365, %get3A_369 : vector<16xf32>
        %swap3A = arith.index_cast %scan3A_362 : i32 to index
        %swap3A_371 = arith.constant 0 : index
        %swap3A_372 = tpu.vector_load %arg14[%swap3A, %swap3A_371] {strides = array<i32>} : memref<40x128xf32, #tpu.memory_space<vmem>>, vector<1x16xf32>,
        %swap3A_373 = vector.shape_cast %swap3A_372 : vector<1x16xf32> to vector<16xf32>
        %swap3A_374 = vector.shape_cast %mul3A_370 : vector<16xf32> to vector<1x16xf32>
        tpu.vector_store %arg14[%swap3A, %swap3A_371], %swap3A_374 {strides = array<i32>} : memref<40x128xf32, #tpu.memory_space<vmem>>, vector<1x16xf32>,
        %get3A_375 = arith.index_cast %scan3A_362 : i32 to index
        %get3A_376 = arith.constant 16 : index
        %get3A_377 = tpu.vector_load %arg14[%get3A_375, %get3A_376] {strides = array<i32>} : memref<40x128xf32, #tpu.memory_space<vmem>>, vector<1x16xf32>,
        %get3A_378 = vector.shape_cast %get3A_377 : vector<1x16xf32> to vector<16xf32>
        %get3A_379 = arith.index_cast %scan3A_362 : i32 to index
        %get3A_380 = arith.constant 16 : index
        %get3A_381 = tpu.vector_load %arg12[%get3A_379, %get3A_380] {strides = array<i32>} : memref<40x128xf32, #tpu.memory_space<vmem>>, vector<1x16xf32>,
        %get3A_382 = vector.shape_cast %get3A_381 : vector<1x16xf32> to vector<16xf32>
        %mul3A_383 = arith.mulf %get3A_378, %get3A_382 : vector<16xf32>
        %swap3A_384 = arith.index_cast %scan3A_362 : i32 to index
        %swap3A_385 = arith.constant 16 : index
        %swap3A_386 = tpu.vector_load %arg14[%swap3A_384, %swap3A_385] {strides = array<i32>} : memref<40x128xf32, #tpu.memory_space<vmem>>, vector<1x16xf32>,
        %swap3A_387 = vector.shape_cast %swap3A_386 : vector<1x16xf32> to vector<16xf32>
        %swap3A_388 = vector.shape_cast %mul3A_383 : vector<16xf32> to vector<1x16xf32>
        tpu.vector_store %arg14[%swap3A_384, %swap3A_385], %swap3A_388 {strides = array<i32>} : memref<40x128xf32, #tpu.memory_space<vmem>>, vector<1x16xf32>,
        %get3A_389 = arith.index_cast %scan3A_362 : i32 to index
        %get3A_390 = arith.constant 32 : index
        %get3A_391 = tpu.vector_load %arg14[%get3A_389, %get3A_390] {strides = array<i32>} : memref<40x128xf32, #tpu.memory_space<vmem>>, vector<1x16xf32>,
        %get3A_392 = vector.shape_cast %get3A_391 : vector<1x16xf32> to vector<16xf32>
        %get3A_393 = arith.index_cast %scan3A_362 : i32 to index
        %get3A_394 = arith.constant 32 : index
        %get3A_395 = tpu.vector_load %arg12[%get3A_393, %get3A_394] {strides = array<i32>} : memref<40x128xf32, #tpu.memory_space<vmem>>, vector<1x16xf32>,
        %get3A_396 = vector.shape_cast %get3A_395 : vector<1x16xf32> to vector<16xf32>
        %mul3A_397 = arith.mulf %get3A_392, %get3A_396 : vector<16xf32>
        %swap3A_398 = arith.index_cast %scan3A_362 : i32 to index
        %swap3A_399 = arith.constant 32 : index
        %swap3A_400 = tpu.vector_load %arg14[%swap3A_398, %swap3A_399] {strides = array<i32>} : memref<40x128xf32, #tpu.memory_space<vmem>>, vector<1x16xf32>,
        %swap3A_401 = vector.shape_cast %swap3A_400 : vector<1x16xf32> to vector<16xf32>
        %swap3A_402 = vector.shape_cast %mul3A_397 : vector<16xf32> to vector<1x16xf32>
        tpu.vector_store %arg14[%swap3A_398, %swap3A_399], %swap3A_402 {strides = array<i32>} : memref<40x128xf32, #tpu.memory_space<vmem>>, vector<1x16xf32>,
        %get3A_403 = arith.index_cast %scan3A_362 : i32 to index
        %get3A_404 = arith.constant 48 : index
        %get3A_405 = tpu.vector_load %arg14[%get3A_403, %get3A_404] {strides = array<i32>} : memref<40x128xf32, #tpu.memory_space<vmem>>, vector<1x16xf32>,
        %get3A_406 = vector.shape_cast %get3A_405 : vector<1x16xf32> to vector<16xf32>
        %get3A_407 = arith.index_cast %scan3A_362 : i32 to index
        %get3A_408 = arith.constant 48 : index
        %get3A_409 = tpu.vector_load %arg12[%get3A_407, %get3A_408] {strides = array<i32>} : memref<40x128xf32, #tpu.memory_space<vmem>>, vector<1x16xf32>,
        %get3A_410 = vector.shape_cast %get3A_409 : vector<1x16xf32> to vector<16xf32>
        %mul3A_411 = arith.mulf %get3A_406, %get3A_410 : vector<16xf32>
        %swap3A_412 = arith.index_cast %scan3A_362 : i32 to index
        %swap3A_413 = arith.constant 48 : index
        %swap3A_414 = tpu.vector_load %arg14[%swap3A_412, %swap3A_413] {strides = array<i32>} : memref<40x128xf32, #tpu.memory_space<vmem>>, vector<1x16xf32>,
        %swap3A_415 = vector.shape_cast %swap3A_414 : vector<1x16xf32> to vector<16xf32>
        %swap3A_416 = vector.shape_cast %mul3A_411 : vector<16xf32> to vector<1x16xf32>
        tpu.vector_store %arg14[%swap3A_412, %swap3A_413], %swap3A_416 {strides = array<i32>} : memref<40x128xf32, #tpu.memory_space<vmem>>, vector<1x16xf32>,
        %get3A_417 = arith.index_cast %scan3A_362 : i32 to index
        %get3A_418 = arith.constant 64 : index
        %get3A_419 = tpu.vector_load %arg14[%get3A_417, %get3A_418] {strides = array<i32>} : memref<40x128xf32, #tpu.memory_space<vmem>>, vector<1x16xf32>,
        %get3A_420 = vector.shape_cast %get3A_419 : vector<1x16xf32> to vector<16xf32>
        %get3A_421 = arith.index_cast %scan3A_362 : i32 to index
        %get3A_422 = arith.constant 64 : index
        %get3A_423 = tpu.vector_load %arg12[%get3A_421, %get3A_422] {strides = array<i32>} : memref<40x128xf32, #tpu.memory_space<vmem>>, vector<1x16xf32>,
        %get3A_424 = vector.shape_cast %get3A_423 : vector<1x16xf32> to vector<16xf32>
        %mul3A_425 = arith.mulf %get3A_420, %get3A_424 : vector<16xf32>
        %swap3A_426 = arith.index_cast %scan3A_362 : i32 to index
        %swap3A_427 = arith.constant 64 : index
        %swap3A_428 = tpu.vector_load %arg14[%swap3A_426, %swap3A_427] {strides = array<i32>} : memref<40x128xf32, #tpu.memory_space<vmem>>, vector<1x16xf32>,
        %swap3A_429 = vector.shape_cast %swap3A_428 : vector<1x16xf32> to vector<16xf32>
        %swap3A_430 = vector.shape_cast %mul3A_425 : vector<16xf32> to vector<1x16xf32>
        tpu.vector_store %arg14[%swap3A_426, %swap3A_427], %swap3A_430 {strides = array<i32>} : memref<40x128xf32, #tpu.memory_space<vmem>>, vector<1x16xf32>,
        %get3A_431 = arith.index_cast %scan3A_362 : i32 to index
        %get3A_432 = arith.constant 80 : index
        %get3A_433 = tpu.vector_load %arg14[%get3A_431, %get3A_432] {strides = array<i32>} : memref<40x128xf32, #tpu.memory_space<vmem>>, vector<1x16xf32>,
        %get3A_434 = vector.shape_cast %get3A_433 : vector<1x16xf32> to vector<16xf32>
        %get3A_435 = arith.index_cast %scan3A_362 : i32 to index
        %get3A_436 = arith.constant 80 : index
        %get3A_437 = tpu.vector_load %arg12[%get3A_435, %get3A_436] {strides = array<i32>} : memref<40x128xf32, #tpu.memory_space<vmem>>, vector<1x16xf32>,
        %get3A_438 = vector.shape_cast %get3A_437 : vector<1x16xf32> to vector<16xf32>
        %mul3A_439 = arith.mulf %get3A_434, %get3A_438 : vector<16xf32>
        %swap3A_440 = arith.index_cast %scan3A_362 : i32 to index
        %swap3A_441 = arith.constant 80 : index
        %swap3A_442 = tpu.vector_load %arg14[%swap3A_440, %swap3A_441] {strides = array<i32>} : memref<40x128xf32, #tpu.memory_space<vmem>>, vector<1x16xf32>,
        %swap3A_443 = vector.shape_cast %swap3A_442 : vector<1x16xf32> to vector<16xf32>
        %swap3A_444 = vector.shape_cast %mul3A_439 : vector<16xf32> to vector<1x16xf32>
        tpu.vector_store %arg14[%swap3A_440, %swap3A_441], %swap3A_444 {strides = array<i32>} : memref<40x128xf32, #tpu.memory_space<vmem>>, vector<1x16xf32>,
        %get3A_445 = arith.index_cast %scan3A_362 : i32 to index
        %get3A_446 = arith.constant 96 : index
        %get3A_447 = tpu.vector_load %arg14[%get3A_445, %get3A_446] {strides = array<i32>} : memref<40x128xf32, #tpu.memory_space<vmem>>, vector<1x16xf32>,
        %get3A_448 = vector.shape_cast %get3A_447 : vector<1x16xf32> to vector<16xf32>
        %get3A_449 = arith.index_cast %scan3A_362 : i32 to index
        %get3A_450 = arith.constant 96 : index
        %get3A_451 = tpu.vector_load %arg12[%get3A_449, %get3A_450] {strides = array<i32>} : memref<40x128xf32, #tpu.memory_space<vmem>>, vector<1x16xf32>,
        %get3A_452 = vector.shape_cast %get3A_451 : vector<1x16xf32> to vector<16xf32>
        %mul3A_453 = arith.mulf %get3A_448, %get3A_452 : vector<16xf32>
        %swap3A_454 = arith.index_cast %scan3A_362 : i32 to index
        %swap3A_455 = arith.constant 96 : index
        %swap3A_456 = tpu.vector_load %arg14[%swap3A_454, %swap3A_455] {strides = array<i32>} : memref<40x128xf32, #tpu.memory_space<vmem>>, vector<1x16xf32>,
        %swap3A_457 = vector.shape_cast %swap3A_456 : vector<1x16xf32> to vector<16xf32>
        %swap3A_458 = vector.shape_cast %mul3A_453 : vector<16xf32> to vector<1x16xf32>
        tpu.vector_store %arg14[%swap3A_454, %swap3A_455], %swap3A_458 {strides = array<i32>} : memref<40x128xf32, #tpu.memory_space<vmem>>, vector<1x16xf32>,
        %get3A_459 = arith.index_cast %scan3A_362 : i32 to index
        %get3A_460 = arith.constant 112 : index
        %get3A_461 = tpu.vector_load %arg14[%get3A_459, %get3A_460] {strides = array<i32>} : memref<40x128xf32, #tpu.memory_space<vmem>>, vector<1x16xf32>,
        %get3A_462 = vector.shape_cast %get3A_461 : vector<1x16xf32> to vector<16xf32>
        %get3A_463 = arith.index_cast %scan3A_362 : i32 to index
        %get3A_464 = arith.constant 112 : index
        %get3A_465 = tpu.vector_load %arg12[%get3A_463, %get3A_464] {strides = array<i32>} : memref<40x128xf32, #tpu.memory_space<vmem>>, vector<1x16xf32>,
        %get3A_466 = vector.shape_cast %get3A_465 : vector<1x16xf32> to vector<16xf32>
        %mul3A_467 = arith.mulf %get3A_462, %get3A_466 : vector<16xf32>
        %swap3A_468 = arith.index_cast %scan3A_362 : i32 to index
        %swap3A_469 = arith.constant 112 : index
        %swap3A_470 = tpu.vector_load %arg14[%swap3A_468, %swap3A_469] {strides = array<i32>} : memref<40x128xf32, #tpu.memory_space<vmem>>, vector<1x16xf32>,
        %swap3A_471 = vector.shape_cast %swap3A_470 : vector<1x16xf32> to vector<16xf32>
        %swap3A_472 = vector.shape_cast %mul3A_467 : vector<16xf32> to vector<1x16xf32>
        tpu.vector_store %arg14[%swap3A_468, %swap3A_469], %swap3A_472 {strides = array<i32>} : memref<40x128xf32, #tpu.memory_space<vmem>>, vector<1x16xf32>,
      }
      %scan3A_315 = arith.constant 40 : i32
      %dma_wait3A_316 = arith.constant 0 : i32
      %dma_wait3A_317 = tpu.memref_slice %arg5[%dma_wait3A_316] : memref<320000xi32, #tpu.memory_space<hbm>> -> memref<40xi32, #tpu.memory_space<hbm>>
      %dma_wait3A_318 = arith.constant 0 : i32
      %dma_wait3A_319 = tpu.memref_slice %arg5[%dma_wait3A_318] : memref<320000xi32, #tpu.memory_space<hbm>> -> memref<40xi32, #tpu.memory_space<hbm>>
      tpu.wait_dma2 semaphore(%arg20 : memref<!tpu.dma_semaphore, #tpu.memory_space<semaphore_mem>>) src(%dma_wait3A_319 : memref<40xi32, #tpu.memory_space<hbm>>) dst(%arg10 : memref<40xi32, #tpu.memory_space<vmem>>)
      "tpu.region"() ({
        %run_scoped3A = tpu.sem_alloc : memref<!tpu.dma_semaphore, #tpu.memory_space<semaphore_mem>>
        %dma_start3A_362 = arith.constant 0 : i32
        %dma_start3A_363 = arith.constant 0 : i32
        %dma_start3A_364 = tpu.memref_slice %arg8[%dma_start3A_362, %dma_start3A_363] : memref<10000x128xf32, #tpu.memory_space<vmem_shared>> -> memref<10000x128xf32, #tpu.memory_space<vmem_shared>>
        tpu.enqueue_indirect_dma source(%arg14 : memref<40x128xf32, #tpu.memory_space<vmem>>) target(%dma_start3A_364 : memref<10000x128xf32, #tpu.memory_space<vmem_shared>>) offsets(%arg10 : memref<40xi32, #tpu.memory_space<vmem>>) semaphore(%run_scoped3A : memref<!tpu.dma_semaphore, #tpu.memory_space<semaphore_mem>>) {add = true}
        %dma_wait3A_365 = arith.constant 0 : i32
        %dma_wait3A_366 = arith.constant 0 : i32
        %dma_wait3A_367 = tpu.memref_slice %arg8[%dma_wait3A_365, %dma_wait3A_366] : memref<10000x128xf32, #tpu.memory_space<vmem_shared>> -> memref<10000x128xf32, #tpu.memory_space<vmem_shared>>
        tpu.wait_indirect_dma semaphore(%run_scoped3A : memref<!tpu.dma_semaphore, #tpu.memory_space<semaphore_mem>>) src(%arg14 : memref<40x128xf32, #tpu.memory_space<vmem>>) dst(%dma_wait3A_367 : memref<10000x128xf32, #tpu.memory_space<vmem_shared>>)
        tpu.yield
      }) : () -> ()
      %lt3A_320 = arith.constant 125 : i32
      %lt3A_321 = arith.cmpi slt, %add3A_291, %lt3A_320 : i32
      %convert_element_type3A_322 = arith.extui %lt3A_321 : i1 to i32
      %cond3A_323 = arith.constant 0 : i32
      %cond3A_324 = arith.cmpi ne, %convert_element_type3A_322, %cond3A_323 : i32
      scf.if %cond3A_324 {
        %mul3A_362 = arith.constant 5000 : i32
        %mul3A_363 = arith.muli %add3A, %mul3A_362 : i32
        %add3A_364 = arith.constant 160000 : i32
        %add3A_365 = arith.addi %add3A_364, %mul3A_363 : i32
        %mul3A_366 = arith.constant 40 : i32
        %mul3A_367 = arith.muli %add3A_291, %mul3A_366 : i32
        %add3A_368 = arith.addi %add3A_365, %mul3A_367 : i32
        %dma_start3A_369 = tpu.memref_slice %arg5[%add3A_368] : memref<320000xi32, #tpu.memory_space<hbm>> -> memref<40xi32, #tpu.memory_space<hbm>>
        %dma_start3A_370 = tpu.memref_slice %arg5[%add3A_368] : memref<320000xi32, #tpu.memory_space<hbm>> -> memref<40xi32, #tpu.memory_space<hbm>>
        tpu.enqueue_dma source(%dma_start3A_370 : memref<40xi32, #tpu.memory_space<hbm>>) target(%arg10 : memref<40xi32, #tpu.memory_space<vmem>>) target_semaphore(%arg20 : memref<!tpu.dma_semaphore, #tpu.memory_space<semaphore_mem>>)
      } else {
      }
      %add3A_325 = arith.constant 1 : i32
      %add3A_326 = arith.addi %mul3A_289, %add3A_325 : i32
      %add3A_327 = arith.constant 3 : i32
      %add3A_328 = arith.addi %mul3A_289, %add3A_327 : i32
      %add3A_329 = arith.constant 1 : i32
      %add3A_330 = arith.addi %add3A_326, %add3A_329 : i32
      %lt3A_331 = arith.constant 125 : i32
      %lt3A_332 = arith.cmpi slt, %add3A_330, %lt3A_331 : i32
      %convert_element_type3A_333 = arith.extui %lt3A_332 : i1 to i32
      %cond3A_334 = arith.constant 0 : i32
      %cond3A_335 = arith.cmpi ne, %convert_element_type3A_333, %cond3A_334 : i32
      scf.if %cond3A_335 {
        %add3A_362 = arith.constant 1 : i32
        %add3A_363 = arith.addi %add3A_326, %add3A_362 : i32
        %mul3A_364 = arith.constant 40 : i32
        %mul3A_365 = arith.muli %add3A_363, %mul3A_364 : i32
        %dma_start3A_366 = tpu.memref_slice %arg9[%mul3A_365] : memref<5000xi32, #tpu.memory_space<vmem>> -> memref<40xi32, #tpu.memory_space<vmem>>
        %dma_start3A_367 = arith.constant 0 : i32
        %dma_start3A_368 = arith.constant 0 : i32
        %dma_start3A_369 = tpu.memref_slice %arg2[%dma_start3A_367, %dma_start3A_368] : memref<10000x128xf32, #tpu.memory_space<hbm>> -> memref<10000x128xf32, #tpu.memory_space<hbm>>
        tpu.enqueue_indirect_dma source(%dma_start3A_369 : memref<10000x128xf32, #tpu.memory_space<hbm>>) target(%arg14 : memref<40x128xf32, #tpu.memory_space<vmem>>) offsets(%dma_start3A_366 : memref<40xi32, #tpu.memory_space<vmem>>) semaphore(%arg16 : memref<!tpu.dma_semaphore, #tpu.memory_space<semaphore_mem>>)
        %mul3A_370 = arith.constant 5000 : i32
        %mul3A_371 = arith.muli %add3A, %mul3A_370 : i32
        %mul3A_372 = arith.constant 40 : i32
        %mul3A_373 = arith.muli %add3A_363, %mul3A_372 : i32
        %add3A_374 = arith.addi %mul3A_371, %mul3A_373 : i32
        %dma_start3A_375 = arith.constant 0 : i32
        %dma_start3A_376 = tpu.memref_slice %arg3[%add3A_374, %dma_start3A_375] : memref<160000x128xf32, #tpu.memory_space<hbm>> -> memref<40x128xf32, #tpu.memory_space<hbm>>
        %dma_start3A_377 = arith.constant 0 : i32
        %dma_start3A_378 = tpu.memref_slice %arg3[%add3A_374, %dma_start3A_377] : memref<160000x128xf32, #tpu.memory_space<hbm>> -> memref<40x128xf32, #tpu.memory_space<hbm>>
        tpu.enqueue_dma source(%dma_start3A_378 : memref<40x128xf32, #tpu.memory_space<hbm>>) target(%arg12 : memref<40x128xf32, #tpu.memory_space<vmem>>) target_semaphore(%arg18 : memref<!tpu.dma_semaphore, #tpu.memory_space<semaphore_mem>>)
      } else {
      }
      %dma_wait3A_336 = arith.constant 0 : i32
      %dma_wait3A_337 = tpu.memref_slice %arg9[%dma_wait3A_336] : memref<5000xi32, #tpu.memory_space<vmem>> -> memref<40xi32, #tpu.memory_space<vmem>>
      %dma_wait3A_338 = arith.constant 0 : i32
      %dma_wait3A_339 = arith.constant 0 : i32
      %dma_wait3A_340 = tpu.memref_slice %arg2[%dma_wait3A_338, %dma_wait3A_339] : memref<10000x128xf32, #tpu.memory_space<hbm>> -> memref<10000x128xf32, #tpu.memory_space<hbm>>
      tpu.wait_indirect_dma semaphore(%arg17 : memref<!tpu.dma_semaphore, #tpu.memory_space<semaphore_mem>>) src(%dma_wait3A_340 : memref<10000x128xf32, #tpu.memory_space<hbm>>) dst(%arg15 : memref<40x128xf32, #tpu.memory_space<vmem>>)
      %dma_wait3A_341 = arith.constant 0 : i32
      %dma_wait3A_342 = arith.constant 0 : i32
      %dma_wait3A_343 = tpu.memref_slice %arg3[%dma_wait3A_341, %dma_wait3A_342] : memref<160000x128xf32, #tpu.memory_space<hbm>> -> memref<40x128xf32, #tpu.memory_space<hbm>>
      %dma_wait3A_344 = arith.constant 0 : i32
      %dma_wait3A_345 = arith.constant 0 : i32
      %dma_wait3A_346 = tpu.memref_slice %arg3[%dma_wait3A_344, %dma_wait3A_345] : memref<160000x128xf32, #tpu.memory_space<hbm>> -> memref<40x128xf32, #tpu.memory_space<hbm>>
      tpu.wait_dma2 semaphore(%arg19 : memref<!tpu.dma_semaphore, #tpu.memory_space<semaphore_mem>>) src(%dma_wait3A_346 : memref<40x128xf32, #tpu.memory_space<hbm>>) dst(%arg13 : memref<40x128xf32, #tpu.memory_space<vmem>>)
      %scan3A_347 = arith.constant 0 : i32
      %scan3A_348 = arith.constant 0 : i32
      %scan3A_349 = arith.constant 40 : i32
      %scan3A_350 = arith.addi %scan3A_348, %scan3A_349 : i32
      %scan3A_351 = arith.constant 1 : i32
      scf.for %scan3A_362 = %scan3A_348 to %scan3A_350 step %scan3A_351  : i32 {
        %get3A = arith.index_cast %scan3A_362 : i32 to index
        %get3A_363 = arith.constant 0 : index
        %get3A_364 = tpu.vector_load %arg15[%get3A, %get3A_363] {strides = array<i32>} : memref<40x128xf32, #tpu.memory_space<vmem>>, vector<1x16xf32>,
        %get3A_365 = vector.shape_cast %get3A_364 : vector<1x16xf32> to vector<16xf32>
        %get3A_366 = arith.index_cast %scan3A_362 : i32 to index
        %get3A_367 = arith.constant 0 : index
        %get3A_368 = tpu.vector_load %arg13[%get3A_366, %get3A_367] {strides = array<i32>} : memref<40x128xf32, #tpu.memory_space<vmem>>, vector<1x16xf32>,
        %get3A_369 = vector.shape_cast %get3A_368 : vector<1x16xf32> to vector<16xf32>
        %mul3A_370 = arith.mulf %get3A_365, %get3A_369 : vector<16xf32>
        %swap3A = arith.index_cast %scan3A_362 : i32 to index
        %swap3A_371 = arith.constant 0 : index
        %swap3A_372 = tpu.vector_load %arg15[%swap3A, %swap3A_371] {strides = array<i32>} : memref<40x128xf32, #tpu.memory_space<vmem>>, vector<1x16xf32>,
        %swap3A_373 = vector.shape_cast %swap3A_372 : vector<1x16xf32> to vector<16xf32>
        %swap3A_374 = vector.shape_cast %mul3A_370 : vector<16xf32> to vector<1x16xf32>
        tpu.vector_store %arg15[%swap3A, %swap3A_371], %swap3A_374 {strides = array<i32>} : memref<40x128xf32, #tpu.memory_space<vmem>>, vector<1x16xf32>,
        %get3A_375 = arith.index_cast %scan3A_362 : i32 to index
        %get3A_376 = arith.constant 16 : index
        %get3A_377 = tpu.vector_load %arg15[%get3A_375, %get3A_376] {strides = array<i32>} : memref<40x128xf32, #tpu.memory_space<vmem>>, vector<1x16xf32>,
        %get3A_378 = vector.shape_cast %get3A_377 : vector<1x16xf32> to vector<16xf32>
        %get3A_379 = arith.index_cast %scan3A_362 : i32 to index
        %get3A_380 = arith.constant 16 : index
        %get3A_381 = tpu.vector_load %arg13[%get3A_379, %get3A_380] {strides = array<i32>} : memref<40x128xf32, #tpu.memory_space<vmem>>, vector<1x16xf32>,
        %get3A_382 = vector.shape_cast %get3A_381 : vector<1x16xf32> to vector<16xf32>
        %mul3A_383 = arith.mulf %get3A_378, %get3A_382 : vector<16xf32>
        %swap3A_384 = arith.index_cast %scan3A_362 : i32 to index
        %swap3A_385 = arith.constant 16 : index
        %swap3A_386 = tpu.vector_load %arg15[%swap3A_384, %swap3A_385] {strides = array<i32>} : memref<40x128xf32, #tpu.memory_space<vmem>>, vector<1x16xf32>,
        %swap3A_387 = vector.shape_cast %swap3A_386 : vector<1x16xf32> to vector<16xf32>
        %swap3A_388 = vector.shape_cast %mul3A_383 : vector<16xf32> to vector<1x16xf32>
        tpu.vector_store %arg15[%swap3A_384, %swap3A_385], %swap3A_388 {strides = array<i32>} : memref<40x128xf32, #tpu.memory_space<vmem>>, vector<1x16xf32>,
        %get3A_389 = arith.index_cast %scan3A_362 : i32 to index
        %get3A_390 = arith.constant 32 : index
        %get3A_391 = tpu.vector_load %arg15[%get3A_389, %get3A_390] {strides = array<i32>} : memref<40x128xf32, #tpu.memory_space<vmem>>, vector<1x16xf32>,
        %get3A_392 = vector.shape_cast %get3A_391 : vector<1x16xf32> to vector<16xf32>
        %get3A_393 = arith.index_cast %scan3A_362 : i32 to index
        %get3A_394 = arith.constant 32 : index
        %get3A_395 = tpu.vector_load %arg13[%get3A_393, %get3A_394] {strides = array<i32>} : memref<40x128xf32, #tpu.memory_space<vmem>>, vector<1x16xf32>,
        %get3A_396 = vector.shape_cast %get3A_395 : vector<1x16xf32> to vector<16xf32>
        %mul3A_397 = arith.mulf %get3A_392, %get3A_396 : vector<16xf32>
        %swap3A_398 = arith.index_cast %scan3A_362 : i32 to index
        %swap3A_399 = arith.constant 32 : index
        %swap3A_400 = tpu.vector_load %arg15[%swap3A_398, %swap3A_399] {strides = array<i32>} : memref<40x128xf32, #tpu.memory_space<vmem>>, vector<1x16xf32>,
        %swap3A_401 = vector.shape_cast %swap3A_400 : vector<1x16xf32> to vector<16xf32>
        %swap3A_402 = vector.shape_cast %mul3A_397 : vector<16xf32> to vector<1x16xf32>
        tpu.vector_store %arg15[%swap3A_398, %swap3A_399], %swap3A_402 {strides = array<i32>} : memref<40x128xf32, #tpu.memory_space<vmem>>, vector<1x16xf32>,
        %get3A_403 = arith.index_cast %scan3A_362 : i32 to index
        %get3A_404 = arith.constant 48 : index
        %get3A_405 = tpu.vector_load %arg15[%get3A_403, %get3A_404] {strides = array<i32>} : memref<40x128xf32, #tpu.memory_space<vmem>>, vector<1x16xf32>,
        %get3A_406 = vector.shape_cast %get3A_405 : vector<1x16xf32> to vector<16xf32>
        %get3A_407 = arith.index_cast %scan3A_362 : i32 to index
        %get3A_408 = arith.constant 48 : index
        %get3A_409 = tpu.vector_load %arg13[%get3A_407, %get3A_408] {strides = array<i32>} : memref<40x128xf32, #tpu.memory_space<vmem>>, vector<1x16xf32>,
        %get3A_410 = vector.shape_cast %get3A_409 : vector<1x16xf32> to vector<16xf32>
        %mul3A_411 = arith.mulf %get3A_406, %get3A_410 : vector<16xf32>
        %swap3A_412 = arith.index_cast %scan3A_362 : i32 to index
        %swap3A_413 = arith.constant 48 : index
        %swap3A_414 = tpu.vector_load %arg15[%swap3A_412, %swap3A_413] {strides = array<i32>} : memref<40x128xf32, #tpu.memory_space<vmem>>, vector<1x16xf32>,
        %swap3A_415 = vector.shape_cast %swap3A_414 : vector<1x16xf32> to vector<16xf32>
        %swap3A_416 = vector.shape_cast %mul3A_411 : vector<16xf32> to vector<1x16xf32>
        tpu.vector_store %arg15[%swap3A_412, %swap3A_413], %swap3A_416 {strides = array<i32>} : memref<40x128xf32, #tpu.memory_space<vmem>>, vector<1x16xf32>,
        %get3A_417 = arith.index_cast %scan3A_362 : i32 to index
        %get3A_418 = arith.constant 64 : index
        %get3A_419 = tpu.vector_load %arg15[%get3A_417, %get3A_418] {strides = array<i32>} : memref<40x128xf32, #tpu.memory_space<vmem>>, vector<1x16xf32>,
        %get3A_420 = vector.shape_cast %get3A_419 : vector<1x16xf32> to vector<16xf32>
        %get3A_421 = arith.index_cast %scan3A_362 : i32 to index
        %get3A_422 = arith.constant 64 : index
        %get3A_423 = tpu.vector_load %arg13[%get3A_421, %get3A_422] {strides = array<i32>} : memref<40x128xf32, #tpu.memory_space<vmem>>, vector<1x16xf32>,
        %get3A_424 = vector.shape_cast %get3A_423 : vector<1x16xf32> to vector<16xf32>
        %mul3A_425 = arith.mulf %get3A_420, %get3A_424 : vector<16xf32>
        %swap3A_426 = arith.index_cast %scan3A_362 : i32 to index
        %swap3A_427 = arith.constant 64 : index
        %swap3A_428 = tpu.vector_load %arg15[%swap3A_426, %swap3A_427] {strides = array<i32>} : memref<40x128xf32, #tpu.memory_space<vmem>>, vector<1x16xf32>,
        %swap3A_429 = vector.shape_cast %swap3A_428 : vector<1x16xf32> to vector<16xf32>
        %swap3A_430 = vector.shape_cast %mul3A_425 : vector<16xf32> to vector<1x16xf32>
        tpu.vector_store %arg15[%swap3A_426, %swap3A_427], %swap3A_430 {strides = array<i32>} : memref<40x128xf32, #tpu.memory_space<vmem>>, vector<1x16xf32>,
        %get3A_431 = arith.index_cast %scan3A_362 : i32 to index
        %get3A_432 = arith.constant 80 : index
        %get3A_433 = tpu.vector_load %arg15[%get3A_431, %get3A_432] {strides = array<i32>} : memref<40x128xf32, #tpu.memory_space<vmem>>, vector<1x16xf32>,
        %get3A_434 = vector.shape_cast %get3A_433 : vector<1x16xf32> to vector<16xf32>
        %get3A_435 = arith.index_cast %scan3A_362 : i32 to index
        %get3A_436 = arith.constant 80 : index
        %get3A_437 = tpu.vector_load %arg13[%get3A_435, %get3A_436] {strides = array<i32>} : memref<40x128xf32, #tpu.memory_space<vmem>>, vector<1x16xf32>,
        %get3A_438 = vector.shape_cast %get3A_437 : vector<1x16xf32> to vector<16xf32>
        %mul3A_439 = arith.mulf %get3A_434, %get3A_438 : vector<16xf32>
        %swap3A_440 = arith.index_cast %scan3A_362 : i32 to index
        %swap3A_441 = arith.constant 80 : index
        %swap3A_442 = tpu.vector_load %arg15[%swap3A_440, %swap3A_441] {strides = array<i32>} : memref<40x128xf32, #tpu.memory_space<vmem>>, vector<1x16xf32>,
        %swap3A_443 = vector.shape_cast %swap3A_442 : vector<1x16xf32> to vector<16xf32>
        %swap3A_444 = vector.shape_cast %mul3A_439 : vector<16xf32> to vector<1x16xf32>
        tpu.vector_store %arg15[%swap3A_440, %swap3A_441], %swap3A_444 {strides = array<i32>} : memref<40x128xf32, #tpu.memory_space<vmem>>, vector<1x16xf32>,
        %get3A_445 = arith.index_cast %scan3A_362 : i32 to index
        %get3A_446 = arith.constant 96 : index
        %get3A_447 = tpu.vector_load %arg15[%get3A_445, %get3A_446] {strides = array<i32>} : memref<40x128xf32, #tpu.memory_space<vmem>>, vector<1x16xf32>,
        %get3A_448 = vector.shape_cast %get3A_447 : vector<1x16xf32> to vector<16xf32>
        %get3A_449 = arith.index_cast %scan3A_362 : i32 to index
        %get3A_450 = arith.constant 96 : index
        %get3A_451 = tpu.vector_load %arg13[%get3A_449, %get3A_450] {strides = array<i32>} : memref<40x128xf32, #tpu.memory_space<vmem>>, vector<1x16xf32>,
        %get3A_452 = vector.shape_cast %get3A_451 : vector<1x16xf32> to vector<16xf32>
        %mul3A_453 = arith.mulf %get3A_448, %get3A_452 : vector<16xf32>
        %swap3A_454 = arith.index_cast %scan3A_362 : i32 to index
        %swap3A_455 = arith.constant 96 : index
        %swap3A_456 = tpu.vector_load %arg15[%swap3A_454, %swap3A_455] {strides = array<i32>} : memref<40x128xf32, #tpu.memory_space<vmem>>, vector<1x16xf32>,
        %swap3A_457 = vector.shape_cast %swap3A_456 : vector<1x16xf32> to vector<16xf32>
        %swap3A_458 = vector.shape_cast %mul3A_453 : vector<16xf32> to vector<1x16xf32>
        tpu.vector_store %arg15[%swap3A_454, %swap3A_455], %swap3A_458 {strides = array<i32>} : memref<40x128xf32, #tpu.memory_space<vmem>>, vector<1x16xf32>,
        %get3A_459 = arith.index_cast %scan3A_362 : i32 to index
        %get3A_460 = arith.constant 112 : index
        %get3A_461 = tpu.vector_load %arg15[%get3A_459, %get3A_460] {strides = array<i32>} : memref<40x128xf32, #tpu.memory_space<vmem>>, vector<1x16xf32>,
        %get3A_462 = vector.shape_cast %get3A_461 : vector<1x16xf32> to vector<16xf32>
        %get3A_463 = arith.index_cast %scan3A_362 : i32 to index
        %get3A_464 = arith.constant 112 : index
        %get3A_465 = tpu.vector_load %arg13[%get3A_463, %get3A_464] {strides = array<i32>} : memref<40x128xf32, #tpu.memory_space<vmem>>, vector<1x16xf32>,
        %get3A_466 = vector.shape_cast %get3A_465 : vector<1x16xf32> to vector<16xf32>
        %mul3A_467 = arith.mulf %get3A_462, %get3A_466 : vector<16xf32>
        %swap3A_468 = arith.index_cast %scan3A_362 : i32 to index
        %swap3A_469 = arith.constant 112 : index
        %swap3A_470 = tpu.vector_load %arg15[%swap3A_468, %swap3A_469] {strides = array<i32>} : memref<40x128xf32, #tpu.memory_space<vmem>>, vector<1x16xf32>,
        %swap3A_471 = vector.shape_cast %swap3A_470 : vector<1x16xf32> to vector<16xf32>
        %swap3A_472 = vector.shape_cast %mul3A_467 : vector<16xf32> to vector<1x16xf32>
        tpu.vector_store %arg15[%swap3A_468, %swap3A_469], %swap3A_472 {strides = array<i32>} : memref<40x128xf32, #tpu.memory_space<vmem>>, vector<1x16xf32>,
      }
      %scan3A_352 = arith.constant 40 : i32
      %dma_wait3A_353 = arith.constant 0 : i32
      %dma_wait3A_354 = tpu.memref_slice %arg5[%dma_wait3A_353] : memref<320000xi32, #tpu.memory_space<hbm>> -> memref<40xi32, #tpu.memory_space<hbm>>
      %dma_wait3A_355 = arith.constant 0 : i32
      %dma_wait3A_356 = tpu.memref_slice %arg5[%dma_wait3A_355] : memref<320000xi32, #tpu.memory_space<hbm>> -> memref<40xi32, #tpu.memory_space<hbm>>
      tpu.wait_dma2 semaphore(%arg21 : memref<!tpu.dma_semaphore, #tpu.memory_space<semaphore_mem>>) src(%dma_wait3A_356 : memref<40xi32, #tpu.memory_space<hbm>>) dst(%arg11 : memref<40xi32, #tpu.memory_space<vmem>>)
      "tpu.region"() ({
        %run_scoped3A = tpu.sem_alloc : memref<!tpu.dma_semaphore, #tpu.memory_space<semaphore_mem>>
        %dma_start3A_362 = arith.constant 0 : i32
        %dma_start3A_363 = arith.constant 0 : i32
        %dma_start3A_364 = tpu.memref_slice %arg8[%dma_start3A_362, %dma_start3A_363] : memref<10000x128xf32, #tpu.memory_space<vmem_shared>> -> memref<10000x128xf32, #tpu.memory_space<vmem_shared>>
        tpu.enqueue_indirect_dma source(%arg15 : memref<40x128xf32, #tpu.memory_space<vmem>>) target(%dma_start3A_364 : memref<10000x128xf32, #tpu.memory_space<vmem_shared>>) offsets(%arg11 : memref<40xi32, #tpu.memory_space<vmem>>) semaphore(%run_scoped3A : memref<!tpu.dma_semaphore, #tpu.memory_space<semaphore_mem>>) {add = true}
        %dma_wait3A_365 = arith.constant 0 : i32
        %dma_wait3A_366 = arith.constant 0 : i32
        %dma_wait3A_367 = tpu.memref_slice %arg8[%dma_wait3A_365, %dma_wait3A_366] : memref<10000x128xf32, #tpu.memory_space<vmem_shared>> -> memref<10000x128xf32, #tpu.memory_space<vmem_shared>>
        tpu.wait_indirect_dma semaphore(%run_scoped3A : memref<!tpu.dma_semaphore, #tpu.memory_space<semaphore_mem>>) src(%arg15 : memref<40x128xf32, #tpu.memory_space<vmem>>) dst(%dma_wait3A_367 : memref<10000x128xf32, #tpu.memory_space<vmem_shared>>)
        tpu.yield
      }) : () -> ()
      %lt3A_357 = arith.constant 125 : i32
      %lt3A_358 = arith.cmpi slt, %add3A_328, %lt3A_357 : i32
      %convert_element_type3A_359 = arith.extui %lt3A_358 : i1 to i32
      %cond3A_360 = arith.constant 0 : i32
      %cond3A_361 = arith.cmpi ne, %convert_element_type3A_359, %cond3A_360 : i32
      scf.if %cond3A_361 {
        %mul3A_362 = arith.constant 5000 : i32
        %mul3A_363 = arith.muli %add3A, %mul3A_362 : i32
        %add3A_364 = arith.constant 160000 : i32
        %add3A_365 = arith.addi %add3A_364, %mul3A_363 : i32
        %mul3A_366 = arith.constant 40 : i32
        %mul3A_367 = arith.muli %add3A_328, %mul3A_366 : i32
        %add3A_368 = arith.addi %add3A_365, %mul3A_367 : i32
        %dma_start3A_369 = tpu.memref_slice %arg5[%add3A_368] : memref<320000xi32, #tpu.memory_space<hbm>> -> memref<40xi32, #tpu.memory_space<hbm>>
        %dma_start3A_370 = tpu.memref_slice %arg5[%add3A_368] : memref<320000xi32, #tpu.memory_space<hbm>> -> memref<40xi32, #tpu.memory_space<hbm>>
        tpu.enqueue_dma source(%dma_start3A_370 : memref<40xi32, #tpu.memory_space<hbm>>) target(%arg11 : memref<40xi32, #tpu.memory_space<vmem>>) target_semaphore(%arg21 : memref<!tpu.dma_semaphore, #tpu.memory_space<semaphore_mem>>)
      } else {
      }
    }
    %scan3A_153 = arith.constant 62 : i32
    %dma_wait3A = arith.constant 0 : i32
    %dma_wait3A_154 = tpu.memref_slice %arg9[%dma_wait3A] : memref<5000xi32, #tpu.memory_space<vmem>> -> memref<40xi32, #tpu.memory_space<vmem>>
    %dma_wait3A_155 = arith.constant 0 : i32
    %dma_wait3A_156 = arith.constant 0 : i32
    %dma_wait3A_157 = tpu.memref_slice %arg2[%dma_wait3A_155, %dma_wait3A_156] : memref<10000x128xf32, #tpu.memory_space<hbm>> -> memref<10000x128xf32, #tpu.memory_space<hbm>>
    tpu.wait_indirect_dma semaphore(%arg16 : memref<!tpu.dma_semaphore, #tpu.memory_space<semaphore_mem>>) src(%dma_wait3A_157 : memref<10000x128xf32, #tpu.memory_space<hbm>>) dst(%arg14 : memref<40x128xf32, #tpu.memory_space<vmem>>)
    %dma_wait3A_158 = arith.constant 0 : i32
    %dma_wait3A_159 = arith.constant 0 : i32
    %dma_wait3A_160 = tpu.memref_slice %arg3[%dma_wait3A_158, %dma_wait3A_159] : memref<160000x128xf32, #tpu.memory_space<hbm>> -> memref<40x128xf32, #tpu.memory_space<hbm>>
    %dma_wait3A_161 = arith.constant 0 : i32
    %dma_wait3A_162 = arith.constant 0 : i32
    %dma_wait3A_163 = tpu.memref_slice %arg3[%dma_wait3A_161, %dma_wait3A_162] : memref<160000x128xf32, #tpu.memory_space<hbm>> -> memref<40x128xf32, #tpu.memory_space<hbm>>
    tpu.wait_dma2 semaphore(%arg18 : memref<!tpu.dma_semaphore, #tpu.memory_space<semaphore_mem>>) src(%dma_wait3A_163 : memref<40x128xf32, #tpu.memory_space<hbm>>) dst(%arg12 : memref<40x128xf32, #tpu.memory_space<vmem>>)
    %scan3A_164 = arith.constant 0 : i32
    %scan3A_165 = arith.constant 0 : i32
    %scan3A_166 = arith.constant 40 : i32
    %scan3A_167 = arith.addi %scan3A_165, %scan3A_166 : i32
    %scan3A_168 = arith.constant 1 : i32
    scf.for %scan3A_287 = %scan3A_165 to %scan3A_167 step %scan3A_168  : i32 {
      %get3A = arith.index_cast %scan3A_287 : i32 to index
      %get3A_288 = arith.constant 0 : index
      %get3A_289 = tpu.vector_load %arg14[%get3A, %get3A_288] {strides = array<i32>} : memref<40x128xf32, #tpu.memory_space<vmem>>, vector<1x16xf32>,
      %get3A_290 = vector.shape_cast %get3A_289 : vector<1x16xf32> to vector<16xf32>
      %get3A_291 = arith.index_cast %scan3A_287 : i32 to index
      %get3A_292 = arith.constant 0 : index
      %get3A_293 = tpu.vector_load %arg12[%get3A_291, %get3A_292] {strides = array<i32>} : memref<40x128xf32, #tpu.memory_space<vmem>>, vector<1x16xf32>,
      %get3A_294 = vector.shape_cast %get3A_293 : vector<1x16xf32> to vector<16xf32>
      %mul3A_295 = arith.mulf %get3A_290, %get3A_294 : vector<16xf32>
      %swap3A = arith.index_cast %scan3A_287 : i32 to index
      %swap3A_296 = arith.constant 0 : index
      %swap3A_297 = tpu.vector_load %arg14[%swap3A, %swap3A_296] {strides = array<i32>} : memref<40x128xf32, #tpu.memory_space<vmem>>, vector<1x16xf32>,
      %swap3A_298 = vector.shape_cast %swap3A_297 : vector<1x16xf32> to vector<16xf32>
      %swap3A_299 = vector.shape_cast %mul3A_295 : vector<16xf32> to vector<1x16xf32>
      tpu.vector_store %arg14[%swap3A, %swap3A_296], %swap3A_299 {strides = array<i32>} : memref<40x128xf32, #tpu.memory_space<vmem>>, vector<1x16xf32>,
      %get3A_300 = arith.index_cast %scan3A_287 : i32 to index
      %get3A_301 = arith.constant 16 : index
      %get3A_302 = tpu.vector_load %arg14[%get3A_300, %get3A_301] {strides = array<i32>} : memref<40x128xf32, #tpu.memory_space<vmem>>, vector<1x16xf32>,
      %get3A_303 = vector.shape_cast %get3A_302 : vector<1x16xf32> to vector<16xf32>
      %get3A_304 = arith.index_cast %scan3A_287 : i32 to index
      %get3A_305 = arith.constant 16 : index
      %get3A_306 = tpu.vector_load %arg12[%get3A_304, %get3A_305] {strides = array<i32>} : memref<40x128xf32, #tpu.memory_space<vmem>>, vector<1x16xf32>,
      %get3A_307 = vector.shape_cast %get3A_306 : vector<1x16xf32> to vector<16xf32>
      %mul3A_308 = arith.mulf %get3A_303, %get3A_307 : vector<16xf32>
      %swap3A_309 = arith.index_cast %scan3A_287 : i32 to index
      %swap3A_310 = arith.constant 16 : index
      %swap3A_311 = tpu.vector_load %arg14[%swap3A_309, %swap3A_310] {strides = array<i32>} : memref<40x128xf32, #tpu.memory_space<vmem>>, vector<1x16xf32>,
      %swap3A_312 = vector.shape_cast %swap3A_311 : vector<1x16xf32> to vector<16xf32>
      %swap3A_313 = vector.shape_cast %mul3A_308 : vector<16xf32> to vector<1x16xf32>
      tpu.vector_store %arg14[%swap3A_309, %swap3A_310], %swap3A_313 {strides = array<i32>} : memref<40x128xf32, #tpu.memory_space<vmem>>, vector<1x16xf32>,
      %get3A_314 = arith.index_cast %scan3A_287 : i32 to index
      %get3A_315 = arith.constant 32 : index
      %get3A_316 = tpu.vector_load %arg14[%get3A_314, %get3A_315] {strides = array<i32>} : memref<40x128xf32, #tpu.memory_space<vmem>>, vector<1x16xf32>,
      %get3A_317 = vector.shape_cast %get3A_316 : vector<1x16xf32> to vector<16xf32>
      %get3A_318 = arith.index_cast %scan3A_287 : i32 to index
      %get3A_319 = arith.constant 32 : index
      %get3A_320 = tpu.vector_load %arg12[%get3A_318, %get3A_319] {strides = array<i32>} : memref<40x128xf32, #tpu.memory_space<vmem>>, vector<1x16xf32>,
      %get3A_321 = vector.shape_cast %get3A_320 : vector<1x16xf32> to vector<16xf32>
      %mul3A_322 = arith.mulf %get3A_317, %get3A_321 : vector<16xf32>
      %swap3A_323 = arith.index_cast %scan3A_287 : i32 to index
      %swap3A_324 = arith.constant 32 : index
      %swap3A_325 = tpu.vector_load %arg14[%swap3A_323, %swap3A_324] {strides = array<i32>} : memref<40x128xf32, #tpu.memory_space<vmem>>, vector<1x16xf32>,
      %swap3A_326 = vector.shape_cast %swap3A_325 : vector<1x16xf32> to vector<16xf32>
      %swap3A_327 = vector.shape_cast %mul3A_322 : vector<16xf32> to vector<1x16xf32>
      tpu.vector_store %arg14[%swap3A_323, %swap3A_324], %swap3A_327 {strides = array<i32>} : memref<40x128xf32, #tpu.memory_space<vmem>>, vector<1x16xf32>,
      %get3A_328 = arith.index_cast %scan3A_287 : i32 to index
      %get3A_329 = arith.constant 48 : index
      %get3A_330 = tpu.vector_load %arg14[%get3A_328, %get3A_329] {strides = array<i32>} : memref<40x128xf32, #tpu.memory_space<vmem>>, vector<1x16xf32>,
      %get3A_331 = vector.shape_cast %get3A_330 : vector<1x16xf32> to vector<16xf32>
      %get3A_332 = arith.index_cast %scan3A_287 : i32 to index
      %get3A_333 = arith.constant 48 : index
      %get3A_334 = tpu.vector_load %arg12[%get3A_332, %get3A_333] {strides = array<i32>} : memref<40x128xf32, #tpu.memory_space<vmem>>, vector<1x16xf32>,
      %get3A_335 = vector.shape_cast %get3A_334 : vector<1x16xf32> to vector<16xf32>
      %mul3A_336 = arith.mulf %get3A_331, %get3A_335 : vector<16xf32>
      %swap3A_337 = arith.index_cast %scan3A_287 : i32 to index
      %swap3A_338 = arith.constant 48 : index
      %swap3A_339 = tpu.vector_load %arg14[%swap3A_337, %swap3A_338] {strides = array<i32>} : memref<40x128xf32, #tpu.memory_space<vmem>>, vector<1x16xf32>,
      %swap3A_340 = vector.shape_cast %swap3A_339 : vector<1x16xf32> to vector<16xf32>
      %swap3A_341 = vector.shape_cast %mul3A_336 : vector<16xf32> to vector<1x16xf32>
      tpu.vector_store %arg14[%swap3A_337, %swap3A_338], %swap3A_341 {strides = array<i32>} : memref<40x128xf32, #tpu.memory_space<vmem>>, vector<1x16xf32>,
      %get3A_342 = arith.index_cast %scan3A_287 : i32 to index
      %get3A_343 = arith.constant 64 : index
      %get3A_344 = tpu.vector_load %arg14[%get3A_342, %get3A_343] {strides = array<i32>} : memref<40x128xf32, #tpu.memory_space<vmem>>, vector<1x16xf32>,
      %get3A_345 = vector.shape_cast %get3A_344 : vector<1x16xf32> to vector<16xf32>
      %get3A_346 = arith.index_cast %scan3A_287 : i32 to index
      %get3A_347 = arith.constant 64 : index
      %get3A_348 = tpu.vector_load %arg12[%get3A_346, %get3A_347] {strides = array<i32>} : memref<40x128xf32, #tpu.memory_space<vmem>>, vector<1x16xf32>,
      %get3A_349 = vector.shape_cast %get3A_348 : vector<1x16xf32> to vector<16xf32>
      %mul3A_350 = arith.mulf %get3A_345, %get3A_349 : vector<16xf32>
      %swap3A_351 = arith.index_cast %scan3A_287 : i32 to index
      %swap3A_352 = arith.constant 64 : index
      %swap3A_353 = tpu.vector_load %arg14[%swap3A_351, %swap3A_352] {strides = array<i32>} : memref<40x128xf32, #tpu.memory_space<vmem>>, vector<1x16xf32>,
      %swap3A_354 = vector.shape_cast %swap3A_353 : vector<1x16xf32> to vector<16xf32>
      %swap3A_355 = vector.shape_cast %mul3A_350 : vector<16xf32> to vector<1x16xf32>
      tpu.vector_store %arg14[%swap3A_351, %swap3A_352], %swap3A_355 {strides = array<i32>} : memref<40x128xf32, #tpu.memory_space<vmem>>, vector<1x16xf32>,
      %get3A_356 = arith.index_cast %scan3A_287 : i32 to index
      %get3A_357 = arith.constant 80 : index
      %get3A_358 = tpu.vector_load %arg14[%get3A_356, %get3A_357] {strides = array<i32>} : memref<40x128xf32, #tpu.memory_space<vmem>>, vector<1x16xf32>,
      %get3A_359 = vector.shape_cast %get3A_358 : vector<1x16xf32> to vector<16xf32>
      %get3A_360 = arith.index_cast %scan3A_287 : i32 to index
      %get3A_361 = arith.constant 80 : index
      %get3A_362 = tpu.vector_load %arg12[%get3A_360, %get3A_361] {strides = array<i32>} : memref<40x128xf32, #tpu.memory_space<vmem>>, vector<1x16xf32>,
      %get3A_363 = vector.shape_cast %get3A_362 : vector<1x16xf32> to vector<16xf32>
      %mul3A_364 = arith.mulf %get3A_359, %get3A_363 : vector<16xf32>
      %swap3A_365 = arith.index_cast %scan3A_287 : i32 to index
      %swap3A_366 = arith.constant 80 : index
      %swap3A_367 = tpu.vector_load %arg14[%swap3A_365, %swap3A_366] {strides = array<i32>} : memref<40x128xf32, #tpu.memory_space<vmem>>, vector<1x16xf32>,
      %swap3A_368 = vector.shape_cast %swap3A_367 : vector<1x16xf32> to vector<16xf32>
      %swap3A_369 = vector.shape_cast %mul3A_364 : vector<16xf32> to vector<1x16xf32>
      tpu.vector_store %arg14[%swap3A_365, %swap3A_366], %swap3A_369 {strides = array<i32>} : memref<40x128xf32, #tpu.memory_space<vmem>>, vector<1x16xf32>,
      %get3A_370 = arith.index_cast %scan3A_287 : i32 to index
      %get3A_371 = arith.constant 96 : index
      %get3A_372 = tpu.vector_load %arg14[%get3A_370, %get3A_371] {strides = array<i32>} : memref<40x128xf32, #tpu.memory_space<vmem>>, vector<1x16xf32>,
      %get3A_373 = vector.shape_cast %get3A_372 : vector<1x16xf32> to vector<16xf32>
      %get3A_374 = arith.index_cast %scan3A_287 : i32 to index
      %get3A_375 = arith.constant 96 : index
      %get3A_376 = tpu.vector_load %arg12[%get3A_374, %get3A_375] {strides = array<i32>} : memref<40x128xf32, #tpu.memory_space<vmem>>, vector<1x16xf32>,
      %get3A_377 = vector.shape_cast %get3A_376 : vector<1x16xf32> to vector<16xf32>
      %mul3A_378 = arith.mulf %get3A_373, %get3A_377 : vector<16xf32>
      %swap3A_379 = arith.index_cast %scan3A_287 : i32 to index
      %swap3A_380 = arith.constant 96 : index
      %swap3A_381 = tpu.vector_load %arg14[%swap3A_379, %swap3A_380] {strides = array<i32>} : memref<40x128xf32, #tpu.memory_space<vmem>>, vector<1x16xf32>,
      %swap3A_382 = vector.shape_cast %swap3A_381 : vector<1x16xf32> to vector<16xf32>
      %swap3A_383 = vector.shape_cast %mul3A_378 : vector<16xf32> to vector<1x16xf32>
      tpu.vector_store %arg14[%swap3A_379, %swap3A_380], %swap3A_383 {strides = array<i32>} : memref<40x128xf32, #tpu.memory_space<vmem>>, vector<1x16xf32>,
      %get3A_384 = arith.index_cast %scan3A_287 : i32 to index
      %get3A_385 = arith.constant 112 : index
      %get3A_386 = tpu.vector_load %arg14[%get3A_384, %get3A_385] {strides = array<i32>} : memref<40x128xf32, #tpu.memory_space<vmem>>, vector<1x16xf32>,
      %get3A_387 = vector.shape_cast %get3A_386 : vector<1x16xf32> to vector<16xf32>
      %get3A_388 = arith.index_cast %scan3A_287 : i32 to index
      %get3A_389 = arith.constant 112 : index
      %get3A_390 = tpu.vector_load %arg12[%get3A_388, %get3A_389] {strides = array<i32>} : memref<40x128xf32, #tpu.memory_space<vmem>>, vector<1x16xf32>,
      %get3A_391 = vector.shape_cast %get3A_390 : vector<1x16xf32> to vector<16xf32>
      %mul3A_392 = arith.mulf %get3A_387, %get3A_391 : vector<16xf32>
      %swap3A_393 = arith.index_cast %scan3A_287 : i32 to index
      %swap3A_394 = arith.constant 112 : index
      %swap3A_395 = tpu.vector_load %arg14[%swap3A_393, %swap3A_394] {strides = array<i32>} : memref<40x128xf32, #tpu.memory_space<vmem>>, vector<1x16xf32>,
      %swap3A_396 = vector.shape_cast %swap3A_395 : vector<1x16xf32> to vector<16xf32>
      %swap3A_397 = vector.shape_cast %mul3A_392 : vector<16xf32> to vector<1x16xf32>
      tpu.vector_store %arg14[%swap3A_393, %swap3A_394], %swap3A_397 {strides = array<i32>} : memref<40x128xf32, #tpu.memory_space<vmem>>, vector<1x16xf32>,
    }
    %scan3A_169 = arith.constant 40 : i32
    %dma_wait3A_170 = arith.constant 0 : i32
    %dma_wait3A_171 = tpu.memref_slice %arg5[%dma_wait3A_170] : memref<320000xi32, #tpu.memory_space<hbm>> -> memref<40xi32, #tpu.memory_space<hbm>>
    %dma_wait3A_172 = arith.constant 0 : i32
    %dma_wait3A_173 = tpu.memref_slice %arg5[%dma_wait3A_172] : memref<320000xi32, #tpu.memory_space<hbm>> -> memref<40xi32, #tpu.memory_space<hbm>>
    tpu.wait_dma2 semaphore(%arg20 : memref<!tpu.dma_semaphore, #tpu.memory_space<semaphore_mem>>) src(%dma_wait3A_173 : memref<40xi32, #tpu.memory_space<hbm>>) dst(%arg10 : memref<40xi32, #tpu.memory_space<vmem>>)
    "tpu.region"() ({
      %run_scoped3A = tpu.sem_alloc : memref<!tpu.dma_semaphore, #tpu.memory_space<semaphore_mem>>
      %dma_start3A_287 = arith.constant 0 : i32
      %dma_start3A_288 = arith.constant 0 : i32
      %dma_start3A_289 = tpu.memref_slice %arg8[%dma_start3A_287, %dma_start3A_288] : memref<10000x128xf32, #tpu.memory_space<vmem_shared>> -> memref<10000x128xf32, #tpu.memory_space<vmem_shared>>
      tpu.enqueue_indirect_dma source(%arg14 : memref<40x128xf32, #tpu.memory_space<vmem>>) target(%dma_start3A_289 : memref<10000x128xf32, #tpu.memory_space<vmem_shared>>) offsets(%arg10 : memref<40xi32, #tpu.memory_space<vmem>>) semaphore(%run_scoped3A : memref<!tpu.dma_semaphore, #tpu.memory_space<semaphore_mem>>) {add = true}
      %dma_wait3A_290 = arith.constant 0 : i32
      %dma_wait3A_291 = arith.constant 0 : i32
      %dma_wait3A_292 = tpu.memref_slice %arg8[%dma_wait3A_290, %dma_wait3A_291] : memref<10000x128xf32, #tpu.memory_space<vmem_shared>> -> memref<10000x128xf32, #tpu.memory_space<vmem_shared>>
      tpu.wait_indirect_dma semaphore(%run_scoped3A : memref<!tpu.dma_semaphore, #tpu.memory_space<semaphore_mem>>) src(%arg14 : memref<40x128xf32, #tpu.memory_space<vmem>>) dst(%dma_wait3A_292 : memref<10000x128xf32, #tpu.memory_space<vmem_shared>>)
      tpu.yield
    }) : () -> ()
    %barrier3A_174 = arith.constant 0 : index
    tpu.barrier barrier_id(%barrier3A_174)
    %add3A_175 = arith.constant 0 : i32
    %add3A_176 = arith.addi %arg1, %add3A_175 : i32
    %lt3A_177 = arith.constant 250 : i32
    %lt3A_178 = arith.cmpi slt, %add3A_176, %lt3A_177 : i32
    %convert_element_type3A_179 = arith.extui %lt3A_178 : i1 to i32
    %cond3A_180 = arith.constant 0 : i32
    %cond3A_181 = arith.cmpi ne, %convert_element_type3A_179, %cond3A_180 : i32
    scf.if %cond3A_181 {
      %mul3A_287 = arith.constant 40 : i32
      %mul3A_288 = arith.muli %add3A_176, %mul3A_287 : i32
      %mul3A_289 = arith.constant 40 : i32
      %mul3A_290 = arith.muli %add3A_176, %mul3A_289 : i32
      "tpu.region"() ({
        %run_scoped3A = tpu.sem_alloc : memref<!tpu.dma_semaphore, #tpu.memory_space<semaphore_mem>>
        %dma_start3A_291 = arith.constant 0 : i32
        %dma_start3A_292 = tpu.memref_slice %arg7[%arg0, %mul3A_290, %dma_start3A_291] : memref<2x10000x128xf32, #tpu.memory_space<hbm>> -> memref<1x40x128xf32, #tpu.memory_space<hbm>>
        %dma_start3A_293 = tpu.memref_squeeze %dma_start3A_292 : memref<1x40x128xf32, #tpu.memory_space<hbm>> -> memref<40x128xf32, #tpu.memory_space<hbm>>
        %dma_start3A_294 = arith.constant 0 : i32
        %dma_start3A_295 = tpu.memref_slice %arg8[%mul3A_288, %dma_start3A_294] : memref<10000x128xf32, #tpu.memory_space<vmem_shared>> -> memref<40x128xf32, #tpu.memory_space<vmem_shared>>
        tpu.enqueue_dma source(%dma_start3A_295 : memref<40x128xf32, #tpu.memory_space<vmem_shared>>) target(%dma_start3A_293 : memref<40x128xf32, #tpu.memory_space<hbm>>) target_semaphore(%run_scoped3A : memref<!tpu.dma_semaphore, #tpu.memory_space<semaphore_mem>>)
        %dma_wait3A_296 = arith.constant 0 : i32
        %dma_wait3A_297 = tpu.memref_slice %arg7[%arg0, %mul3A_290, %dma_wait3A_296] : memref<2x10000x128xf32, #tpu.memory_space<hbm>> -> memref<1x40x128xf32, #tpu.memory_space<hbm>>
        %dma_wait3A_298 = tpu.memref_squeeze %dma_wait3A_297 : memref<1x40x128xf32, #tpu.memory_space<hbm>> -> memref<40x128xf32, #tpu.memory_space<hbm>>
        %dma_wait3A_299 = arith.constant 0 : i32
        %dma_wait3A_300 = tpu.memref_slice %arg8[%mul3A_288, %dma_wait3A_299] : memref<10000x128xf32, #tpu.memory_space<vmem_shared>> -> memref<40x128xf32, #tpu.memory_space<vmem_shared>>
        tpu.wait_dma2 semaphore(%run_scoped3A : memref<!tpu.dma_semaphore, #tpu.memory_space<semaphore_mem>>) src(%dma_wait3A_300 : memref<40x128xf32, #tpu.memory_space<vmem_shared>>) dst(%dma_wait3A_298 : memref<40x128xf32, #tpu.memory_space<hbm>>)
        tpu.yield
      }) : () -> ()
    } else {
    }
    %add3A_182 = arith.constant 16 : i32
    %add3A_183 = arith.addi %arg1, %add3A_182 : i32
    %lt3A_184 = arith.constant 250 : i32
    %lt3A_185 = arith.cmpi slt, %add3A_183, %lt3A_184 : i32
    %convert_element_type3A_186 = arith.extui %lt3A_185 : i1 to i32
    %cond3A_187 = arith.constant 0 : i32
    %cond3A_188 = arith.cmpi ne, %convert_element_type3A_186, %cond3A_187 : i32
    scf.if %cond3A_188 {
      %mul3A_287 = arith.constant 40 : i32
      %mul3A_288 = arith.muli %add3A_183, %mul3A_287 : i32
      %mul3A_289 = arith.constant 40 : i32
      %mul3A_290 = arith.muli %add3A_183, %mul3A_289 : i32
      "tpu.region"() ({
        %run_scoped3A = tpu.sem_alloc : memref<!tpu.dma_semaphore, #tpu.memory_space<semaphore_mem>>
        %dma_start3A_291 = arith.constant 0 : i32
        %dma_start3A_292 = tpu.memref_slice %arg7[%arg0, %mul3A_290, %dma_start3A_291] : memref<2x10000x128xf32, #tpu.memory_space<hbm>> -> memref<1x40x128xf32, #tpu.memory_space<hbm>>
        %dma_start3A_293 = tpu.memref_squeeze %dma_start3A_292 : memref<1x40x128xf32, #tpu.memory_space<hbm>> -> memref<40x128xf32, #tpu.memory_space<hbm>>
        %dma_start3A_294 = arith.constant 0 : i32
        %dma_start3A_295 = tpu.memref_slice %arg8[%mul3A_288, %dma_start3A_294] : memref<10000x128xf32, #tpu.memory_space<vmem_shared>> -> memref<40x128xf32, #tpu.memory_space<vmem_shared>>
        tpu.enqueue_dma source(%dma_start3A_295 : memref<40x128xf32, #tpu.memory_space<vmem_shared>>) target(%dma_start3A_293 : memref<40x128xf32, #tpu.memory_space<hbm>>) target_semaphore(%run_scoped3A : memref<!tpu.dma_semaphore, #tpu.memory_space<semaphore_mem>>)
        %dma_wait3A_296 = arith.constant 0 : i32
        %dma_wait3A_297 = tpu.memref_slice %arg7[%arg0, %mul3A_290, %dma_wait3A_296] : memref<2x10000x128xf32, #tpu.memory_space<hbm>> -> memref<1x40x128xf32, #tpu.memory_space<hbm>>
        %dma_wait3A_298 = tpu.memref_squeeze %dma_wait3A_297 : memref<1x40x128xf32, #tpu.memory_space<hbm>> -> memref<40x128xf32, #tpu.memory_space<hbm>>
        %dma_wait3A_299 = arith.constant 0 : i32
        %dma_wait3A_300 = tpu.memref_slice %arg8[%mul3A_288, %dma_wait3A_299] : memref<10000x128xf32, #tpu.memory_space<vmem_shared>> -> memref<40x128xf32, #tpu.memory_space<vmem_shared>>
        tpu.wait_dma2 semaphore(%run_scoped3A : memref<!tpu.dma_semaphore, #tpu.memory_space<semaphore_mem>>) src(%dma_wait3A_300 : memref<40x128xf32, #tpu.memory_space<vmem_shared>>) dst(%dma_wait3A_298 : memref<40x128xf32, #tpu.memory_space<hbm>>)
        tpu.yield
      }) : () -> ()
    } else {
    }
    %add3A_189 = arith.constant 32 : i32
    %add3A_190 = arith.addi %arg1, %add3A_189 : i32
    %lt3A_191 = arith.constant 250 : i32
    %lt3A_192 = arith.cmpi slt, %add3A_190, %lt3A_191 : i32
    %convert_element_type3A_193 = arith.extui %lt3A_192 : i1 to i32
    %cond3A_194 = arith.constant 0 : i32
    %cond3A_195 = arith.cmpi ne, %convert_element_type3A_193, %cond3A_194 : i32
    scf.if %cond3A_195 {
      %mul3A_287 = arith.constant 40 : i32
      %mul3A_288 = arith.muli %add3A_190, %mul3A_287 : i32
      %mul3A_289 = arith.constant 40 : i32
      %mul3A_290 = arith.muli %add3A_190, %mul3A_289 : i32
      "tpu.region"() ({
        %run_scoped3A = tpu.sem_alloc : memref<!tpu.dma_semaphore, #tpu.memory_space<semaphore_mem>>
        %dma_start3A_291 = arith.constant 0 : i32
        %dma_start3A_292 = tpu.memref_slice %arg7[%arg0, %mul3A_290, %dma_start3A_291] : memref<2x10000x128xf32, #tpu.memory_space<hbm>> -> memref<1x40x128xf32, #tpu.memory_space<hbm>>
        %dma_start3A_293 = tpu.memref_squeeze %dma_start3A_292 : memref<1x40x128xf32, #tpu.memory_space<hbm>> -> memref<40x128xf32, #tpu.memory_space<hbm>>
        %dma_start3A_294 = arith.constant 0 : i32
        %dma_start3A_295 = tpu.memref_slice %arg8[%mul3A_288, %dma_start3A_294] : memref<10000x128xf32, #tpu.memory_space<vmem_shared>> -> memref<40x128xf32, #tpu.memory_space<vmem_shared>>
        tpu.enqueue_dma source(%dma_start3A_295 : memref<40x128xf32, #tpu.memory_space<vmem_shared>>) target(%dma_start3A_293 : memref<40x128xf32, #tpu.memory_space<hbm>>) target_semaphore(%run_scoped3A : memref<!tpu.dma_semaphore, #tpu.memory_space<semaphore_mem>>)
        %dma_wait3A_296 = arith.constant 0 : i32
        %dma_wait3A_297 = tpu.memref_slice %arg7[%arg0, %mul3A_290, %dma_wait3A_296] : memref<2x10000x128xf32, #tpu.memory_space<hbm>> -> memref<1x40x128xf32, #tpu.memory_space<hbm>>
        %dma_wait3A_298 = tpu.memref_squeeze %dma_wait3A_297 : memref<1x40x128xf32, #tpu.memory_space<hbm>> -> memref<40x128xf32, #tpu.memory_space<hbm>>
        %dma_wait3A_299 = arith.constant 0 : i32
        %dma_wait3A_300 = tpu.memref_slice %arg8[%mul3A_288, %dma_wait3A_299] : memref<10000x128xf32, #tpu.memory_space<vmem_shared>> -> memref<40x128xf32, #tpu.memory_space<vmem_shared>>
        tpu.wait_dma2 semaphore(%run_scoped3A : memref<!tpu.dma_semaphore, #tpu.memory_space<semaphore_mem>>) src(%dma_wait3A_300 : memref<40x128xf32, #tpu.memory_space<vmem_shared>>) dst(%dma_wait3A_298 : memref<40x128xf32, #tpu.memory_space<hbm>>)
        tpu.yield
      }) : () -> ()
    } else {
    }
    %add3A_196 = arith.constant 48 : i32
    %add3A_197 = arith.addi %arg1, %add3A_196 : i32
    %lt3A_198 = arith.constant 250 : i32
    %lt3A_199 = arith.cmpi slt, %add3A_197, %lt3A_198 : i32
    %convert_element_type3A_200 = arith.extui %lt3A_199 : i1 to i32
    %cond3A_201 = arith.constant 0 : i32
    %cond3A_202 = arith.cmpi ne, %convert_element_type3A_200, %cond3A_201 : i32
    scf.if %cond3A_202 {
      %mul3A_287 = arith.constant 40 : i32
      %mul3A_288 = arith.muli %add3A_197, %mul3A_287 : i32
      %mul3A_289 = arith.constant 40 : i32
      %mul3A_290 = arith.muli %add3A_197, %mul3A_289 : i32
      "tpu.region"() ({
        %run_scoped3A = tpu.sem_alloc : memref<!tpu.dma_semaphore, #tpu.memory_space<semaphore_mem>>
        %dma_start3A_291 = arith.constant 0 : i32
        %dma_start3A_292 = tpu.memref_slice %arg7[%arg0, %mul3A_290, %dma_start3A_291] : memref<2x10000x128xf32, #tpu.memory_space<hbm>> -> memref<1x40x128xf32, #tpu.memory_space<hbm>>
        %dma_start3A_293 = tpu.memref_squeeze %dma_start3A_292 : memref<1x40x128xf32, #tpu.memory_space<hbm>> -> memref<40x128xf32, #tpu.memory_space<hbm>>
        %dma_start3A_294 = arith.constant 0 : i32
        %dma_start3A_295 = tpu.memref_slice %arg8[%mul3A_288, %dma_start3A_294] : memref<10000x128xf32, #tpu.memory_space<vmem_shared>> -> memref<40x128xf32, #tpu.memory_space<vmem_shared>>
        tpu.enqueue_dma source(%dma_start3A_295 : memref<40x128xf32, #tpu.memory_space<vmem_shared>>) target(%dma_start3A_293 : memref<40x128xf32, #tpu.memory_space<hbm>>) target_semaphore(%run_scoped3A : memref<!tpu.dma_semaphore, #tpu.memory_space<semaphore_mem>>)
        %dma_wait3A_296 = arith.constant 0 : i32
        %dma_wait3A_297 = tpu.memref_slice %arg7[%arg0, %mul3A_290, %dma_wait3A_296] : memref<2x10000x128xf32, #tpu.memory_space<hbm>> -> memref<1x40x128xf32, #tpu.memory_space<hbm>>
        %dma_wait3A_298 = tpu.memref_squeeze %dma_wait3A_297 : memref<1x40x128xf32, #tpu.memory_space<hbm>> -> memref<40x128xf32, #tpu.memory_space<hbm>>
        %dma_wait3A_299 = arith.constant 0 : i32
        %dma_wait3A_300 = tpu.memref_slice %arg8[%mul3A_288, %dma_wait3A_299] : memref<10000x128xf32, #tpu.memory_space<vmem_shared>> -> memref<40x128xf32, #tpu.memory_space<vmem_shared>>
        tpu.wait_dma2 semaphore(%run_scoped3A : memref<!tpu.dma_semaphore, #tpu.memory_space<semaphore_mem>>) src(%dma_wait3A_300 : memref<40x128xf32, #tpu.memory_space<vmem_shared>>) dst(%dma_wait3A_298 : memref<40x128xf32, #tpu.memory_space<hbm>>)
        tpu.yield
      }) : () -> ()
    } else {
    }
    %add3A_203 = arith.constant 64 : i32
    %add3A_204 = arith.addi %arg1, %add3A_203 : i32
    %lt3A_205 = arith.constant 250 : i32
    %lt3A_206 = arith.cmpi slt, %add3A_204, %lt3A_205 : i32
    %convert_element_type3A_207 = arith.extui %lt3A_206 : i1 to i32
    %cond3A_208 = arith.constant 0 : i32
    %cond3A_209 = arith.cmpi ne, %convert_element_type3A_207, %cond3A_208 : i32
    scf.if %cond3A_209 {
      %mul3A_287 = arith.constant 40 : i32
      %mul3A_288 = arith.muli %add3A_204, %mul3A_287 : i32
      %mul3A_289 = arith.constant 40 : i32
      %mul3A_290 = arith.muli %add3A_204, %mul3A_289 : i32
      "tpu.region"() ({
        %run_scoped3A = tpu.sem_alloc : memref<!tpu.dma_semaphore, #tpu.memory_space<semaphore_mem>>
        %dma_start3A_291 = arith.constant 0 : i32
        %dma_start3A_292 = tpu.memref_slice %arg7[%arg0, %mul3A_290, %dma_start3A_291] : memref<2x10000x128xf32, #tpu.memory_space<hbm>> -> memref<1x40x128xf32, #tpu.memory_space<hbm>>
        %dma_start3A_293 = tpu.memref_squeeze %dma_start3A_292 : memref<1x40x128xf32, #tpu.memory_space<hbm>> -> memref<40x128xf32, #tpu.memory_space<hbm>>
        %dma_start3A_294 = arith.constant 0 : i32
        %dma_start3A_295 = tpu.memref_slice %arg8[%mul3A_288, %dma_start3A_294] : memref<10000x128xf32, #tpu.memory_space<vmem_shared>> -> memref<40x128xf32, #tpu.memory_space<vmem_shared>>
        tpu.enqueue_dma source(%dma_start3A_295 : memref<40x128xf32, #tpu.memory_space<vmem_shared>>) target(%dma_start3A_293 : memref<40x128xf32, #tpu.memory_space<hbm>>) target_semaphore(%run_scoped3A : memref<!tpu.dma_semaphore, #tpu.memory_space<semaphore_mem>>)
        %dma_wait3A_296 = arith.constant 0 : i32
        %dma_wait3A_297 = tpu.memref_slice %arg7[%arg0, %mul3A_290, %dma_wait3A_296] : memref<2x10000x128xf32, #tpu.memory_space<hbm>> -> memref<1x40x128xf32, #tpu.memory_space<hbm>>
        %dma_wait3A_298 = tpu.memref_squeeze %dma_wait3A_297 : memref<1x40x128xf32, #tpu.memory_space<hbm>> -> memref<40x128xf32, #tpu.memory_space<hbm>>
        %dma_wait3A_299 = arith.constant 0 : i32
        %dma_wait3A_300 = tpu.memref_slice %arg8[%mul3A_288, %dma_wait3A_299] : memref<10000x128xf32, #tpu.memory_space<vmem_shared>> -> memref<40x128xf32, #tpu.memory_space<vmem_shared>>
        tpu.wait_dma2 semaphore(%run_scoped3A : memref<!tpu.dma_semaphore, #tpu.memory_space<semaphore_mem>>) src(%dma_wait3A_300 : memref<40x128xf32, #tpu.memory_space<vmem_shared>>) dst(%dma_wait3A_298 : memref<40x128xf32, #tpu.memory_space<hbm>>)
        tpu.yield
      }) : () -> ()
    } else {
    }
    %add3A_210 = arith.constant 80 : i32
    %add3A_211 = arith.addi %arg1, %add3A_210 : i32
    %lt3A_212 = arith.constant 250 : i32
    %lt3A_213 = arith.cmpi slt, %add3A_211, %lt3A_212 : i32
    %convert_element_type3A_214 = arith.extui %lt3A_213 : i1 to i32
    %cond3A_215 = arith.constant 0 : i32
    %cond3A_216 = arith.cmpi ne, %convert_element_type3A_214, %cond3A_215 : i32
    scf.if %cond3A_216 {
      %mul3A_287 = arith.constant 40 : i32
      %mul3A_288 = arith.muli %add3A_211, %mul3A_287 : i32
      %mul3A_289 = arith.constant 40 : i32
      %mul3A_290 = arith.muli %add3A_211, %mul3A_289 : i32
      "tpu.region"() ({
        %run_scoped3A = tpu.sem_alloc : memref<!tpu.dma_semaphore, #tpu.memory_space<semaphore_mem>>
        %dma_start3A_291 = arith.constant 0 : i32
        %dma_start3A_292 = tpu.memref_slice %arg7[%arg0, %mul3A_290, %dma_start3A_291] : memref<2x10000x128xf32, #tpu.memory_space<hbm>> -> memref<1x40x128xf32, #tpu.memory_space<hbm>>
        %dma_start3A_293 = tpu.memref_squeeze %dma_start3A_292 : memref<1x40x128xf32, #tpu.memory_space<hbm>> -> memref<40x128xf32, #tpu.memory_space<hbm>>
        %dma_start3A_294 = arith.constant 0 : i32
        %dma_start3A_295 = tpu.memref_slice %arg8[%mul3A_288, %dma_start3A_294] : memref<10000x128xf32, #tpu.memory_space<vmem_shared>> -> memref<40x128xf32, #tpu.memory_space<vmem_shared>>
        tpu.enqueue_dma source(%dma_start3A_295 : memref<40x128xf32, #tpu.memory_space<vmem_shared>>) target(%dma_start3A_293 : memref<40x128xf32, #tpu.memory_space<hbm>>) target_semaphore(%run_scoped3A : memref<!tpu.dma_semaphore, #tpu.memory_space<semaphore_mem>>)
        %dma_wait3A_296 = arith.constant 0 : i32
        %dma_wait3A_297 = tpu.memref_slice %arg7[%arg0, %mul3A_290, %dma_wait3A_296] : memref<2x10000x128xf32, #tpu.memory_space<hbm>> -> memref<1x40x128xf32, #tpu.memory_space<hbm>>
        %dma_wait3A_298 = tpu.memref_squeeze %dma_wait3A_297 : memref<1x40x128xf32, #tpu.memory_space<hbm>> -> memref<40x128xf32, #tpu.memory_space<hbm>>
        %dma_wait3A_299 = arith.constant 0 : i32
        %dma_wait3A_300 = tpu.memref_slice %arg8[%mul3A_288, %dma_wait3A_299] : memref<10000x128xf32, #tpu.memory_space<vmem_shared>> -> memref<40x128xf32, #tpu.memory_space<vmem_shared>>
        tpu.wait_dma2 semaphore(%run_scoped3A : memref<!tpu.dma_semaphore, #tpu.memory_space<semaphore_mem>>) src(%dma_wait3A_300 : memref<40x128xf32, #tpu.memory_space<vmem_shared>>) dst(%dma_wait3A_298 : memref<40x128xf32, #tpu.memory_space<hbm>>)
        tpu.yield
      }) : () -> ()
    } else {
    }
    %add3A_217 = arith.constant 96 : i32
    %add3A_218 = arith.addi %arg1, %add3A_217 : i32
    %lt3A_219 = arith.constant 250 : i32
    %lt3A_220 = arith.cmpi slt, %add3A_218, %lt3A_219 : i32
    %convert_element_type3A_221 = arith.extui %lt3A_220 : i1 to i32
    %cond3A_222 = arith.constant 0 : i32
    %cond3A_223 = arith.cmpi ne, %convert_element_type3A_221, %cond3A_222 : i32
    scf.if %cond3A_223 {
      %mul3A_287 = arith.constant 40 : i32
      %mul3A_288 = arith.muli %add3A_218, %mul3A_287 : i32
      %mul3A_289 = arith.constant 40 : i32
      %mul3A_290 = arith.muli %add3A_218, %mul3A_289 : i32
      "tpu.region"() ({
        %run_scoped3A = tpu.sem_alloc : memref<!tpu.dma_semaphore, #tpu.memory_space<semaphore_mem>>
        %dma_start3A_291 = arith.constant 0 : i32
        %dma_start3A_292 = tpu.memref_slice %arg7[%arg0, %mul3A_290, %dma_start3A_291] : memref<2x10000x128xf32, #tpu.memory_space<hbm>> -> memref<1x40x128xf32, #tpu.memory_space<hbm>>
        %dma_start3A_293 = tpu.memref_squeeze %dma_start3A_292 : memref<1x40x128xf32, #tpu.memory_space<hbm>> -> memref<40x128xf32, #tpu.memory_space<hbm>>
        %dma_start3A_294 = arith.constant 0 : i32
        %dma_start3A_295 = tpu.memref_slice %arg8[%mul3A_288, %dma_start3A_294] : memref<10000x128xf32, #tpu.memory_space<vmem_shared>> -> memref<40x128xf32, #tpu.memory_space<vmem_shared>>
        tpu.enqueue_dma source(%dma_start3A_295 : memref<40x128xf32, #tpu.memory_space<vmem_shared>>) target(%dma_start3A_293 : memref<40x128xf32, #tpu.memory_space<hbm>>) target_semaphore(%run_scoped3A : memref<!tpu.dma_semaphore, #tpu.memory_space<semaphore_mem>>)
        %dma_wait3A_296 = arith.constant 0 : i32
        %dma_wait3A_297 = tpu.memref_slice %arg7[%arg0, %mul3A_290, %dma_wait3A_296] : memref<2x10000x128xf32, #tpu.memory_space<hbm>> -> memref<1x40x128xf32, #tpu.memory_space<hbm>>
        %dma_wait3A_298 = tpu.memref_squeeze %dma_wait3A_297 : memref<1x40x128xf32, #tpu.memory_space<hbm>> -> memref<40x128xf32, #tpu.memory_space<hbm>>
        %dma_wait3A_299 = arith.constant 0 : i32
        %dma_wait3A_300 = tpu.memref_slice %arg8[%mul3A_288, %dma_wait3A_299] : memref<10000x128xf32, #tpu.memory_space<vmem_shared>> -> memref<40x128xf32, #tpu.memory_space<vmem_shared>>
        tpu.wait_dma2 semaphore(%run_scoped3A : memref<!tpu.dma_semaphore, #tpu.memory_space<semaphore_mem>>) src(%dma_wait3A_300 : memref<40x128xf32, #tpu.memory_space<vmem_shared>>) dst(%dma_wait3A_298 : memref<40x128xf32, #tpu.memory_space<hbm>>)
        tpu.yield
      }) : () -> ()
    } else {
    }
    %add3A_224 = arith.constant 112 : i32
    %add3A_225 = arith.addi %arg1, %add3A_224 : i32
    %lt3A_226 = arith.constant 250 : i32
    %lt3A_227 = arith.cmpi slt, %add3A_225, %lt3A_226 : i32
    %convert_element_type3A_228 = arith.extui %lt3A_227 : i1 to i32
    %cond3A_229 = arith.constant 0 : i32
    %cond3A_230 = arith.cmpi ne, %convert_element_type3A_228, %cond3A_229 : i32
    scf.if %cond3A_230 {
      %mul3A_287 = arith.constant 40 : i32
      %mul3A_288 = arith.muli %add3A_225, %mul3A_287 : i32
      %mul3A_289 = arith.constant 40 : i32
      %mul3A_290 = arith.muli %add3A_225, %mul3A_289 : i32
      "tpu.region"() ({
        %run_scoped3A = tpu.sem_alloc : memref<!tpu.dma_semaphore, #tpu.memory_space<semaphore_mem>>
        %dma_start3A_291 = arith.constant 0 : i32
        %dma_start3A_292 = tpu.memref_slice %arg7[%arg0, %mul3A_290, %dma_start3A_291] : memref<2x10000x128xf32, #tpu.memory_space<hbm>> -> memref<1x40x128xf32, #tpu.memory_space<hbm>>
        %dma_start3A_293 = tpu.memref_squeeze %dma_start3A_292 : memref<1x40x128xf32, #tpu.memory_space<hbm>> -> memref<40x128xf32, #tpu.memory_space<hbm>>
        %dma_start3A_294 = arith.constant 0 : i32
        %dma_start3A_295 = tpu.memref_slice %arg8[%mul3A_288, %dma_start3A_294] : memref<10000x128xf32, #tpu.memory_space<vmem_shared>> -> memref<40x128xf32, #tpu.memory_space<vmem_shared>>
        tpu.enqueue_dma source(%dma_start3A_295 : memref<40x128xf32, #tpu.memory_space<vmem_shared>>) target(%dma_start3A_293 : memref<40x128xf32, #tpu.memory_space<hbm>>) target_semaphore(%run_scoped3A : memref<!tpu.dma_semaphore, #tpu.memory_space<semaphore_mem>>)
        %dma_wait3A_296 = arith.constant 0 : i32
        %dma_wait3A_297 = tpu.memref_slice %arg7[%arg0, %mul3A_290, %dma_wait3A_296] : memref<2x10000x128xf32, #tpu.memory_space<hbm>> -> memref<1x40x128xf32, #tpu.memory_space<hbm>>
        %dma_wait3A_298 = tpu.memref_squeeze %dma_wait3A_297 : memref<1x40x128xf32, #tpu.memory_space<hbm>> -> memref<40x128xf32, #tpu.memory_space<hbm>>
        %dma_wait3A_299 = arith.constant 0 : i32
        %dma_wait3A_300 = tpu.memref_slice %arg8[%mul3A_288, %dma_wait3A_299] : memref<10000x128xf32, #tpu.memory_space<vmem_shared>> -> memref<40x128xf32, #tpu.memory_space<vmem_shared>>
        tpu.wait_dma2 semaphore(%run_scoped3A : memref<!tpu.dma_semaphore, #tpu.memory_space<semaphore_mem>>) src(%dma_wait3A_300 : memref<40x128xf32, #tpu.memory_space<vmem_shared>>) dst(%dma_wait3A_298 : memref<40x128xf32, #tpu.memory_space<hbm>>)
        tpu.yield
      }) : () -> ()
    } else {
    }
    %add3A_231 = arith.constant 128 : i32
    %add3A_232 = arith.addi %arg1, %add3A_231 : i32
    %lt3A_233 = arith.constant 250 : i32
    %lt3A_234 = arith.cmpi slt, %add3A_232, %lt3A_233 : i32
    %convert_element_type3A_235 = arith.extui %lt3A_234 : i1 to i32
    %cond3A_236 = arith.constant 0 : i32
    %cond3A_237 = arith.cmpi ne, %convert_element_type3A_235, %cond3A_236 : i32
    scf.if %cond3A_237 {
      %mul3A_287 = arith.constant 40 : i32
      %mul3A_288 = arith.muli %add3A_232, %mul3A_287 : i32
      %mul3A_289 = arith.constant 40 : i32
      %mul3A_290 = arith.muli %add3A_232, %mul3A_289 : i32
      "tpu.region"() ({
        %run_scoped3A = tpu.sem_alloc : memref<!tpu.dma_semaphore, #tpu.memory_space<semaphore_mem>>
        %dma_start3A_291 = arith.constant 0 : i32
        %dma_start3A_292 = tpu.memref_slice %arg7[%arg0, %mul3A_290, %dma_start3A_291] : memref<2x10000x128xf32, #tpu.memory_space<hbm>> -> memref<1x40x128xf32, #tpu.memory_space<hbm>>
        %dma_start3A_293 = tpu.memref_squeeze %dma_start3A_292 : memref<1x40x128xf32, #tpu.memory_space<hbm>> -> memref<40x128xf32, #tpu.memory_space<hbm>>
        %dma_start3A_294 = arith.constant 0 : i32
        %dma_start3A_295 = tpu.memref_slice %arg8[%mul3A_288, %dma_start3A_294] : memref<10000x128xf32, #tpu.memory_space<vmem_shared>> -> memref<40x128xf32, #tpu.memory_space<vmem_shared>>
        tpu.enqueue_dma source(%dma_start3A_295 : memref<40x128xf32, #tpu.memory_space<vmem_shared>>) target(%dma_start3A_293 : memref<40x128xf32, #tpu.memory_space<hbm>>) target_semaphore(%run_scoped3A : memref<!tpu.dma_semaphore, #tpu.memory_space<semaphore_mem>>)
        %dma_wait3A_296 = arith.constant 0 : i32
        %dma_wait3A_297 = tpu.memref_slice %arg7[%arg0, %mul3A_290, %dma_wait3A_296] : memref<2x10000x128xf32, #tpu.memory_space<hbm>> -> memref<1x40x128xf32, #tpu.memory_space<hbm>>
        %dma_wait3A_298 = tpu.memref_squeeze %dma_wait3A_297 : memref<1x40x128xf32, #tpu.memory_space<hbm>> -> memref<40x128xf32, #tpu.memory_space<hbm>>
        %dma_wait3A_299 = arith.constant 0 : i32
        %dma_wait3A_300 = tpu.memref_slice %arg8[%mul3A_288, %dma_wait3A_299] : memref<10000x128xf32, #tpu.memory_space<vmem_shared>> -> memref<40x128xf32, #tpu.memory_space<vmem_shared>>
        tpu.wait_dma2 semaphore(%run_scoped3A : memref<!tpu.dma_semaphore, #tpu.memory_space<semaphore_mem>>) src(%dma_wait3A_300 : memref<40x128xf32, #tpu.memory_space<vmem_shared>>) dst(%dma_wait3A_298 : memref<40x128xf32, #tpu.memory_space<hbm>>)
        tpu.yield
      }) : () -> ()
    } else {
    }
    %add3A_238 = arith.constant 144 : i32
    %add3A_239 = arith.addi %arg1, %add3A_238 : i32
    %lt3A_240 = arith.constant 250 : i32
    %lt3A_241 = arith.cmpi slt, %add3A_239, %lt3A_240 : i32
    %convert_element_type3A_242 = arith.extui %lt3A_241 : i1 to i32
    %cond3A_243 = arith.constant 0 : i32
    %cond3A_244 = arith.cmpi ne, %convert_element_type3A_242, %cond3A_243 : i32
    scf.if %cond3A_244 {
      %mul3A_287 = arith.constant 40 : i32
      %mul3A_288 = arith.muli %add3A_239, %mul3A_287 : i32
      %mul3A_289 = arith.constant 40 : i32
      %mul3A_290 = arith.muli %add3A_239, %mul3A_289 : i32
      "tpu.region"() ({
        %run_scoped3A = tpu.sem_alloc : memref<!tpu.dma_semaphore, #tpu.memory_space<semaphore_mem>>
        %dma_start3A_291 = arith.constant 0 : i32
        %dma_start3A_292 = tpu.memref_slice %arg7[%arg0, %mul3A_290, %dma_start3A_291] : memref<2x10000x128xf32, #tpu.memory_space<hbm>> -> memref<1x40x128xf32, #tpu.memory_space<hbm>>
        %dma_start3A_293 = tpu.memref_squeeze %dma_start3A_292 : memref<1x40x128xf32, #tpu.memory_space<hbm>> -> memref<40x128xf32, #tpu.memory_space<hbm>>
        %dma_start3A_294 = arith.constant 0 : i32
        %dma_start3A_295 = tpu.memref_slice %arg8[%mul3A_288, %dma_start3A_294] : memref<10000x128xf32, #tpu.memory_space<vmem_shared>> -> memref<40x128xf32, #tpu.memory_space<vmem_shared>>
        tpu.enqueue_dma source(%dma_start3A_295 : memref<40x128xf32, #tpu.memory_space<vmem_shared>>) target(%dma_start3A_293 : memref<40x128xf32, #tpu.memory_space<hbm>>) target_semaphore(%run_scoped3A : memref<!tpu.dma_semaphore, #tpu.memory_space<semaphore_mem>>)
        %dma_wait3A_296 = arith.constant 0 : i32
        %dma_wait3A_297 = tpu.memref_slice %arg7[%arg0, %mul3A_290, %dma_wait3A_296] : memref<2x10000x128xf32, #tpu.memory_space<hbm>> -> memref<1x40x128xf32, #tpu.memory_space<hbm>>
        %dma_wait3A_298 = tpu.memref_squeeze %dma_wait3A_297 : memref<1x40x128xf32, #tpu.memory_space<hbm>> -> memref<40x128xf32, #tpu.memory_space<hbm>>
        %dma_wait3A_299 = arith.constant 0 : i32
        %dma_wait3A_300 = tpu.memref_slice %arg8[%mul3A_288, %dma_wait3A_299] : memref<10000x128xf32, #tpu.memory_space<vmem_shared>> -> memref<40x128xf32, #tpu.memory_space<vmem_shared>>
        tpu.wait_dma2 semaphore(%run_scoped3A : memref<!tpu.dma_semaphore, #tpu.memory_space<semaphore_mem>>) src(%dma_wait3A_300 : memref<40x128xf32, #tpu.memory_space<vmem_shared>>) dst(%dma_wait3A_298 : memref<40x128xf32, #tpu.memory_space<hbm>>)
        tpu.yield
      }) : () -> ()
    } else {
    }
    %add3A_245 = arith.constant 160 : i32
    %add3A_246 = arith.addi %arg1, %add3A_245 : i32
    %lt3A_247 = arith.constant 250 : i32
    %lt3A_248 = arith.cmpi slt, %add3A_246, %lt3A_247 : i32
    %convert_element_type3A_249 = arith.extui %lt3A_248 : i1 to i32
    %cond3A_250 = arith.constant 0 : i32
    %cond3A_251 = arith.cmpi ne, %convert_element_type3A_249, %cond3A_250 : i32
    scf.if %cond3A_251 {
      %mul3A_287 = arith.constant 40 : i32
      %mul3A_288 = arith.muli %add3A_246, %mul3A_287 : i32
      %mul3A_289 = arith.constant 40 : i32
      %mul3A_290 = arith.muli %add3A_246, %mul3A_289 : i32
      "tpu.region"() ({
        %run_scoped3A = tpu.sem_alloc : memref<!tpu.dma_semaphore, #tpu.memory_space<semaphore_mem>>
        %dma_start3A_291 = arith.constant 0 : i32
        %dma_start3A_292 = tpu.memref_slice %arg7[%arg0, %mul3A_290, %dma_start3A_291] : memref<2x10000x128xf32, #tpu.memory_space<hbm>> -> memref<1x40x128xf32, #tpu.memory_space<hbm>>
        %dma_start3A_293 = tpu.memref_squeeze %dma_start3A_292 : memref<1x40x128xf32, #tpu.memory_space<hbm>> -> memref<40x128xf32, #tpu.memory_space<hbm>>
        %dma_start3A_294 = arith.constant 0 : i32
        %dma_start3A_295 = tpu.memref_slice %arg8[%mul3A_288, %dma_start3A_294] : memref<10000x128xf32, #tpu.memory_space<vmem_shared>> -> memref<40x128xf32, #tpu.memory_space<vmem_shared>>
        tpu.enqueue_dma source(%dma_start3A_295 : memref<40x128xf32, #tpu.memory_space<vmem_shared>>) target(%dma_start3A_293 : memref<40x128xf32, #tpu.memory_space<hbm>>) target_semaphore(%run_scoped3A : memref<!tpu.dma_semaphore, #tpu.memory_space<semaphore_mem>>)
        %dma_wait3A_296 = arith.constant 0 : i32
        %dma_wait3A_297 = tpu.memref_slice %arg7[%arg0, %mul3A_290, %dma_wait3A_296] : memref<2x10000x128xf32, #tpu.memory_space<hbm>> -> memref<1x40x128xf32, #tpu.memory_space<hbm>>
        %dma_wait3A_298 = tpu.memref_squeeze %dma_wait3A_297 : memref<1x40x128xf32, #tpu.memory_space<hbm>> -> memref<40x128xf32, #tpu.memory_space<hbm>>
        %dma_wait3A_299 = arith.constant 0 : i32
        %dma_wait3A_300 = tpu.memref_slice %arg8[%mul3A_288, %dma_wait3A_299] : memref<10000x128xf32, #tpu.memory_space<vmem_shared>> -> memref<40x128xf32, #tpu.memory_space<vmem_shared>>
        tpu.wait_dma2 semaphore(%run_scoped3A : memref<!tpu.dma_semaphore, #tpu.memory_space<semaphore_mem>>) src(%dma_wait3A_300 : memref<40x128xf32, #tpu.memory_space<vmem_shared>>) dst(%dma_wait3A_298 : memref<40x128xf32, #tpu.memory_space<hbm>>)
        tpu.yield
      }) : () -> ()
    } else {
    }
    %add3A_252 = arith.constant 176 : i32
    %add3A_253 = arith.addi %arg1, %add3A_252 : i32
    %lt3A_254 = arith.constant 250 : i32
    %lt3A_255 = arith.cmpi slt, %add3A_253, %lt3A_254 : i32
    %convert_element_type3A_256 = arith.extui %lt3A_255 : i1 to i32
    %cond3A_257 = arith.constant 0 : i32
    %cond3A_258 = arith.cmpi ne, %convert_element_type3A_256, %cond3A_257 : i32
    scf.if %cond3A_258 {
      %mul3A_287 = arith.constant 40 : i32
      %mul3A_288 = arith.muli %add3A_253, %mul3A_287 : i32
      %mul3A_289 = arith.constant 40 : i32
      %mul3A_290 = arith.muli %add3A_253, %mul3A_289 : i32
      "tpu.region"() ({
        %run_scoped3A = tpu.sem_alloc : memref<!tpu.dma_semaphore, #tpu.memory_space<semaphore_mem>>
        %dma_start3A_291 = arith.constant 0 : i32
        %dma_start3A_292 = tpu.memref_slice %arg7[%arg0, %mul3A_290, %dma_start3A_291] : memref<2x10000x128xf32, #tpu.memory_space<hbm>> -> memref<1x40x128xf32, #tpu.memory_space<hbm>>
        %dma_start3A_293 = tpu.memref_squeeze %dma_start3A_292 : memref<1x40x128xf32, #tpu.memory_space<hbm>> -> memref<40x128xf32, #tpu.memory_space<hbm>>
        %dma_start3A_294 = arith.constant 0 : i32
        %dma_start3A_295 = tpu.memref_slice %arg8[%mul3A_288, %dma_start3A_294] : memref<10000x128xf32, #tpu.memory_space<vmem_shared>> -> memref<40x128xf32, #tpu.memory_space<vmem_shared>>
        tpu.enqueue_dma source(%dma_start3A_295 : memref<40x128xf32, #tpu.memory_space<vmem_shared>>) target(%dma_start3A_293 : memref<40x128xf32, #tpu.memory_space<hbm>>) target_semaphore(%run_scoped3A : memref<!tpu.dma_semaphore, #tpu.memory_space<semaphore_mem>>)
        %dma_wait3A_296 = arith.constant 0 : i32
        %dma_wait3A_297 = tpu.memref_slice %arg7[%arg0, %mul3A_290, %dma_wait3A_296] : memref<2x10000x128xf32, #tpu.memory_space<hbm>> -> memref<1x40x128xf32, #tpu.memory_space<hbm>>
        %dma_wait3A_298 = tpu.memref_squeeze %dma_wait3A_297 : memref<1x40x128xf32, #tpu.memory_space<hbm>> -> memref<40x128xf32, #tpu.memory_space<hbm>>
        %dma_wait3A_299 = arith.constant 0 : i32
        %dma_wait3A_300 = tpu.memref_slice %arg8[%mul3A_288, %dma_wait3A_299] : memref<10000x128xf32, #tpu.memory_space<vmem_shared>> -> memref<40x128xf32, #tpu.memory_space<vmem_shared>>
        tpu.wait_dma2 semaphore(%run_scoped3A : memref<!tpu.dma_semaphore, #tpu.memory_space<semaphore_mem>>) src(%dma_wait3A_300 : memref<40x128xf32, #tpu.memory_space<vmem_shared>>) dst(%dma_wait3A_298 : memref<40x128xf32, #tpu.memory_space<hbm>>)
        tpu.yield
      }) : () -> ()
    } else {
    }
    %add3A_259 = arith.constant 192 : i32
    %add3A_260 = arith.addi %arg1, %add3A_259 : i32
    %lt3A_261 = arith.constant 250 : i32
    %lt3A_262 = arith.cmpi slt, %add3A_260, %lt3A_261 : i32
    %convert_element_type3A_263 = arith.extui %lt3A_262 : i1 to i32
    %cond3A_264 = arith.constant 0 : i32
    %cond3A_265 = arith.cmpi ne, %convert_element_type3A_263, %cond3A_264 : i32
    scf.if %cond3A_265 {
      %mul3A_287 = arith.constant 40 : i32
      %mul3A_288 = arith.muli %add3A_260, %mul3A_287 : i32
      %mul3A_289 = arith.constant 40 : i32
      %mul3A_290 = arith.muli %add3A_260, %mul3A_289 : i32
      "tpu.region"() ({
        %run_scoped3A = tpu.sem_alloc : memref<!tpu.dma_semaphore, #tpu.memory_space<semaphore_mem>>
        %dma_start3A_291 = arith.constant 0 : i32
        %dma_start3A_292 = tpu.memref_slice %arg7[%arg0, %mul3A_290, %dma_start3A_291] : memref<2x10000x128xf32, #tpu.memory_space<hbm>> -> memref<1x40x128xf32, #tpu.memory_space<hbm>>
        %dma_start3A_293 = tpu.memref_squeeze %dma_start3A_292 : memref<1x40x128xf32, #tpu.memory_space<hbm>> -> memref<40x128xf32, #tpu.memory_space<hbm>>
        %dma_start3A_294 = arith.constant 0 : i32
        %dma_start3A_295 = tpu.memref_slice %arg8[%mul3A_288, %dma_start3A_294] : memref<10000x128xf32, #tpu.memory_space<vmem_shared>> -> memref<40x128xf32, #tpu.memory_space<vmem_shared>>
        tpu.enqueue_dma source(%dma_start3A_295 : memref<40x128xf32, #tpu.memory_space<vmem_shared>>) target(%dma_start3A_293 : memref<40x128xf32, #tpu.memory_space<hbm>>) target_semaphore(%run_scoped3A : memref<!tpu.dma_semaphore, #tpu.memory_space<semaphore_mem>>)
        %dma_wait3A_296 = arith.constant 0 : i32
        %dma_wait3A_297 = tpu.memref_slice %arg7[%arg0, %mul3A_290, %dma_wait3A_296] : memref<2x10000x128xf32, #tpu.memory_space<hbm>> -> memref<1x40x128xf32, #tpu.memory_space<hbm>>
        %dma_wait3A_298 = tpu.memref_squeeze %dma_wait3A_297 : memref<1x40x128xf32, #tpu.memory_space<hbm>> -> memref<40x128xf32, #tpu.memory_space<hbm>>
        %dma_wait3A_299 = arith.constant 0 : i32
        %dma_wait3A_300 = tpu.memref_slice %arg8[%mul3A_288, %dma_wait3A_299] : memref<10000x128xf32, #tpu.memory_space<vmem_shared>> -> memref<40x128xf32, #tpu.memory_space<vmem_shared>>
        tpu.wait_dma2 semaphore(%run_scoped3A : memref<!tpu.dma_semaphore, #tpu.memory_space<semaphore_mem>>) src(%dma_wait3A_300 : memref<40x128xf32, #tpu.memory_space<vmem_shared>>) dst(%dma_wait3A_298 : memref<40x128xf32, #tpu.memory_space<hbm>>)
        tpu.yield
      }) : () -> ()
    } else {
    }
    %add3A_266 = arith.constant 208 : i32
    %add3A_267 = arith.addi %arg1, %add3A_266 : i32
    %lt3A_268 = arith.constant 250 : i32
    %lt3A_269 = arith.cmpi slt, %add3A_267, %lt3A_268 : i32
    %convert_element_type3A_270 = arith.extui %lt3A_269 : i1 to i32
    %cond3A_271 = arith.constant 0 : i32
    %cond3A_272 = arith.cmpi ne, %convert_element_type3A_270, %cond3A_271 : i32
    scf.if %cond3A_272 {
      %mul3A_287 = arith.constant 40 : i32
      %mul3A_288 = arith.muli %add3A_267, %mul3A_287 : i32
      %mul3A_289 = arith.constant 40 : i32
      %mul3A_290 = arith.muli %add3A_267, %mul3A_289 : i32
      "tpu.region"() ({
        %run_scoped3A = tpu.sem_alloc : memref<!tpu.dma_semaphore, #tpu.memory_space<semaphore_mem>>
        %dma_start3A_291 = arith.constant 0 : i32
        %dma_start3A_292 = tpu.memref_slice %arg7[%arg0, %mul3A_290, %dma_start3A_291] : memref<2x10000x128xf32, #tpu.memory_space<hbm>> -> memref<1x40x128xf32, #tpu.memory_space<hbm>>
        %dma_start3A_293 = tpu.memref_squeeze %dma_start3A_292 : memref<1x40x128xf32, #tpu.memory_space<hbm>> -> memref<40x128xf32, #tpu.memory_space<hbm>>
        %dma_start3A_294 = arith.constant 0 : i32
        %dma_start3A_295 = tpu.memref_slice %arg8[%mul3A_288, %dma_start3A_294] : memref<10000x128xf32, #tpu.memory_space<vmem_shared>> -> memref<40x128xf32, #tpu.memory_space<vmem_shared>>
        tpu.enqueue_dma source(%dma_start3A_295 : memref<40x128xf32, #tpu.memory_space<vmem_shared>>) target(%dma_start3A_293 : memref<40x128xf32, #tpu.memory_space<hbm>>) target_semaphore(%run_scoped3A : memref<!tpu.dma_semaphore, #tpu.memory_space<semaphore_mem>>)
        %dma_wait3A_296 = arith.constant 0 : i32
        %dma_wait3A_297 = tpu.memref_slice %arg7[%arg0, %mul3A_290, %dma_wait3A_296] : memref<2x10000x128xf32, #tpu.memory_space<hbm>> -> memref<1x40x128xf32, #tpu.memory_space<hbm>>
        %dma_wait3A_298 = tpu.memref_squeeze %dma_wait3A_297 : memref<1x40x128xf32, #tpu.memory_space<hbm>> -> memref<40x128xf32, #tpu.memory_space<hbm>>
        %dma_wait3A_299 = arith.constant 0 : i32
        %dma_wait3A_300 = tpu.memref_slice %arg8[%mul3A_288, %dma_wait3A_299] : memref<10000x128xf32, #tpu.memory_space<vmem_shared>> -> memref<40x128xf32, #tpu.memory_space<vmem_shared>>
        tpu.wait_dma2 semaphore(%run_scoped3A : memref<!tpu.dma_semaphore, #tpu.memory_space<semaphore_mem>>) src(%dma_wait3A_300 : memref<40x128xf32, #tpu.memory_space<vmem_shared>>) dst(%dma_wait3A_298 : memref<40x128xf32, #tpu.memory_space<hbm>>)
        tpu.yield
      }) : () -> ()
    } else {
    }
    %add3A_273 = arith.constant 224 : i32
    %add3A_274 = arith.addi %arg1, %add3A_273 : i32
    %lt3A_275 = arith.constant 250 : i32
    %lt3A_276 = arith.cmpi slt, %add3A_274, %lt3A_275 : i32
    %convert_element_type3A_277 = arith.extui %lt3A_276 : i1 to i32
    %cond3A_278 = arith.constant 0 : i32
    %cond3A_279 = arith.cmpi ne, %convert_element_type3A_277, %cond3A_278 : i32
    scf.if %cond3A_279 {
      %mul3A_287 = arith.constant 40 : i32
      %mul3A_288 = arith.muli %add3A_274, %mul3A_287 : i32
      %mul3A_289 = arith.constant 40 : i32
      %mul3A_290 = arith.muli %add3A_274, %mul3A_289 : i32
      "tpu.region"() ({
        %run_scoped3A = tpu.sem_alloc : memref<!tpu.dma_semaphore, #tpu.memory_space<semaphore_mem>>
        %dma_start3A_291 = arith.constant 0 : i32
        %dma_start3A_292 = tpu.memref_slice %arg7[%arg0, %mul3A_290, %dma_start3A_291] : memref<2x10000x128xf32, #tpu.memory_space<hbm>> -> memref<1x40x128xf32, #tpu.memory_space<hbm>>
        %dma_start3A_293 = tpu.memref_squeeze %dma_start3A_292 : memref<1x40x128xf32, #tpu.memory_space<hbm>> -> memref<40x128xf32, #tpu.memory_space<hbm>>
        %dma_start3A_294 = arith.constant 0 : i32
        %dma_start3A_295 = tpu.memref_slice %arg8[%mul3A_288, %dma_start3A_294] : memref<10000x128xf32, #tpu.memory_space<vmem_shared>> -> memref<40x128xf32, #tpu.memory_space<vmem_shared>>
        tpu.enqueue_dma source(%dma_start3A_295 : memref<40x128xf32, #tpu.memory_space<vmem_shared>>) target(%dma_start3A_293 : memref<40x128xf32, #tpu.memory_space<hbm>>) target_semaphore(%run_scoped3A : memref<!tpu.dma_semaphore, #tpu.memory_space<semaphore_mem>>)
        %dma_wait3A_296 = arith.constant 0 : i32
        %dma_wait3A_297 = tpu.memref_slice %arg7[%arg0, %mul3A_290, %dma_wait3A_296] : memref<2x10000x128xf32, #tpu.memory_space<hbm>> -> memref<1x40x128xf32, #tpu.memory_space<hbm>>
        %dma_wait3A_298 = tpu.memref_squeeze %dma_wait3A_297 : memref<1x40x128xf32, #tpu.memory_space<hbm>> -> memref<40x128xf32, #tpu.memory_space<hbm>>
        %dma_wait3A_299 = arith.constant 0 : i32
        %dma_wait3A_300 = tpu.memref_slice %arg8[%mul3A_288, %dma_wait3A_299] : memref<10000x128xf32, #tpu.memory_space<vmem_shared>> -> memref<40x128xf32, #tpu.memory_space<vmem_shared>>
        tpu.wait_dma2 semaphore(%run_scoped3A : memref<!tpu.dma_semaphore, #tpu.memory_space<semaphore_mem>>) src(%dma_wait3A_300 : memref<40x128xf32, #tpu.memory_space<vmem_shared>>) dst(%dma_wait3A_298 : memref<40x128xf32, #tpu.memory_space<hbm>>)
        tpu.yield
      }) : () -> ()
    } else {
    }
    %add3A_280 = arith.constant 240 : i32
    %add3A_281 = arith.addi %arg1, %add3A_280 : i32
    %lt3A_282 = arith.constant 250 : i32
    %lt3A_283 = arith.cmpi slt, %add3A_281, %lt3A_282 : i32
    %convert_element_type3A_284 = arith.extui %lt3A_283 : i1 to i32
    %cond3A_285 = arith.constant 0 : i32
    %cond3A_286 = arith.cmpi ne, %convert_element_type3A_284, %cond3A_285 : i32
    scf.if %cond3A_286 {
      %mul3A_287 = arith.constant 40 : i32
      %mul3A_288 = arith.muli %add3A_281, %mul3A_287 : i32
      %mul3A_289 = arith.constant 40 : i32
      %mul3A_290 = arith.muli %add3A_281, %mul3A_289 : i32
      "tpu.region"() ({
        %run_scoped3A = tpu.sem_alloc : memref<!tpu.dma_semaphore, #tpu.memory_space<semaphore_mem>>
        %dma_start3A_291 = arith.constant 0 : i32
        %dma_start3A_292 = tpu.memref_slice %arg7[%arg0, %mul3A_290, %dma_start3A_291] : memref<2x10000x128xf32, #tpu.memory_space<hbm>> -> memref<1x40x128xf32, #tpu.memory_space<hbm>>
        %dma_start3A_293 = tpu.memref_squeeze %dma_start3A_292 : memref<1x40x128xf32, #tpu.memory_space<hbm>> -> memref<40x128xf32, #tpu.memory_space<hbm>>
        %dma_start3A_294 = arith.constant 0 : i32
        %dma_start3A_295 = tpu.memref_slice %arg8[%mul3A_288, %dma_start3A_294] : memref<10000x128xf32, #tpu.memory_space<vmem_shared>> -> memref<40x128xf32, #tpu.memory_space<vmem_shared>>
        tpu.enqueue_dma source(%dma_start3A_295 : memref<40x128xf32, #tpu.memory_space<vmem_shared>>) target(%dma_start3A_293 : memref<40x128xf32, #tpu.memory_space<hbm>>) target_semaphore(%run_scoped3A : memref<!tpu.dma_semaphore, #tpu.memory_space<semaphore_mem>>)
        %dma_wait3A_296 = arith.constant 0 : i32
        %dma_wait3A_297 = tpu.memref_slice %arg7[%arg0, %mul3A_290, %dma_wait3A_296] : memref<2x10000x128xf32, #tpu.memory_space<hbm>> -> memref<1x40x128xf32, #tpu.memory_space<hbm>>
        %dma_wait3A_298 = tpu.memref_squeeze %dma_wait3A_297 : memref<1x40x128xf32, #tpu.memory_space<hbm>> -> memref<40x128xf32, #tpu.memory_space<hbm>>
        %dma_wait3A_299 = arith.constant 0 : i32
        %dma_wait3A_300 = tpu.memref_slice %arg8[%mul3A_288, %dma_wait3A_299] : memref<10000x128xf32, #tpu.memory_space<vmem_shared>> -> memref<40x128xf32, #tpu.memory_space<vmem_shared>>
        tpu.wait_dma2 semaphore(%run_scoped3A : memref<!tpu.dma_semaphore, #tpu.memory_space<semaphore_mem>>) src(%dma_wait3A_300 : memref<40x128xf32, #tpu.memory_space<vmem_shared>>) dst(%dma_wait3A_298 : memref<40x128xf32, #tpu.memory_space<hbm>>)
        tpu.yield
      }) : () -> ()
    } else {
    }
    return
  }
}

#map = affine_map<(d0, d1) -> (0, 0)>
#map1 = affine_map<(d0, d1) -> (0)>
#map2 = affine_map<(d0, d1) -> (0, 0, 0)>
module attributes {stable_mosaic.version = 14 : i64} {
  func.func @_sc_body(%arg0: i32, %arg1: i32, %arg2: memref<10000x128xf32, #tpu.memory_space<hbm>>, %arg3: memref<160000x128xf32, #tpu.memory_space<hbm>>, %arg4: memref<320000xi32, #tpu.memory_space<hbm>>, %arg5: memref<320000xi32, #tpu.memory_space<hbm>>, %arg6: memref<10000xi32, #tpu.memory_space<hbm>>, %arg7: memref<2x10000x128xf32, #tpu.memory_space<hbm>>, %arg8: memref<10000x128xf32, #tpu.memory_space<hbm>>, %arg9: memref<10000x128xf32, #tpu.memory_space<vmem_shared>>, %arg10: memref<5000xi32, #tpu.memory_space<vmem>>, %arg11: memref<40xi32, #tpu.memory_space<vmem>>, %arg12: memref<40xi32, #tpu.memory_space<vmem>>, %arg13: memref<40x128xf32, #tpu.memory_space<vmem>>, %arg14: memref<40x128xf32, #tpu.memory_space<vmem>>, %arg15: memref<40x128xf32, #tpu.memory_space<vmem>>, %arg16: memref<40x128xf32, #tpu.memory_space<vmem>>, %arg17: memref<!tpu.dma_semaphore, #tpu.memory_space<semaphore_mem>>, %arg18: memref<!tpu.dma_semaphore, #tpu.memory_space<semaphore_mem>>, %arg19: memref<!tpu.dma_semaphore, #tpu.memory_space<semaphore_mem>>, %arg20: memref<!tpu.dma_semaphore, #tpu.memory_space<semaphore_mem>>, %arg21: memref<!tpu.dma_semaphore, #tpu.memory_space<semaphore_mem>>, %arg22: memref<!tpu.dma_semaphore, #tpu.memory_space<semaphore_mem>>) attributes {dimension_semantics = [#tpu.dimension_semantics<core_parallel>, #tpu.dimension_semantics<subcore_parallel>], iteration_bounds = array<i64: 2, 16>, scalar_prefetch = 0 : i64, scratch_operands = 14 : i64, tpu.core_type = #tpu.core_type<sc_vector_subcore>, window_params = [{transform_indices = #map}, {transform_indices = #map}, {transform_indices = #map1}, {transform_indices = #map1}, {transform_indices = #map1}, {transform_indices = #map2}, {transform_indices = #map}]} {
    %mul3A = arith.constant 2 : i32
    %mul3A_0 = arith.muli %arg1, %mul3A : i32
    %add3A = arith.addi %mul3A_0, %arg0 : i32
    %mul3A_1 = arith.constant 5000 : i32
    %mul3A_2 = arith.muli %add3A, %mul3A_1 : i32
    %add3A_3 = arith.constant 0 : i32
    %add3A_4 = arith.addi %add3A_3, %mul3A_2 : i32
    "tpu.region"() ({
      %run_scoped3A = tpu.sem_alloc : memref<!tpu.dma_semaphore, #tpu.memory_space<semaphore_mem>>
      %dma_start3A_343 = tpu.memref_slice %arg4[%add3A_4] : memref<320000xi32, #tpu.memory_space<hbm>> -> memref<5000xi32, #tpu.memory_space<hbm>>
      %dma_start3A_344 = tpu.memref_slice %arg4[%add3A_4] : memref<320000xi32, #tpu.memory_space<hbm>> -> memref<5000xi32, #tpu.memory_space<hbm>>
      tpu.enqueue_dma source(%dma_start3A_344 : memref<5000xi32, #tpu.memory_space<hbm>>) target(%arg10 : memref<5000xi32, #tpu.memory_space<vmem>>) target_semaphore(%run_scoped3A : memref<!tpu.dma_semaphore, #tpu.memory_space<semaphore_mem>>)
      %dma_wait3A_345 = tpu.memref_slice %arg4[%add3A_4] : memref<320000xi32, #tpu.memory_space<hbm>> -> memref<5000xi32, #tpu.memory_space<hbm>>
      %dma_wait3A_346 = tpu.memref_slice %arg4[%add3A_4] : memref<320000xi32, #tpu.memory_space<hbm>> -> memref<5000xi32, #tpu.memory_space<hbm>>
      tpu.wait_dma2 semaphore(%run_scoped3A : memref<!tpu.dma_semaphore, #tpu.memory_space<semaphore_mem>>) src(%dma_wait3A_346 : memref<5000xi32, #tpu.memory_space<hbm>>) dst(%arg10 : memref<5000xi32, #tpu.memory_space<vmem>>)
      tpu.yield
    }) : () -> ()
    %broadcast_in_dim3A = arith.constant 0.000000e+00 : f32
    %broadcast_in_dim3A_5 = vector.broadcast %broadcast_in_dim3A : f32 to vector<16xf32>
    %scan3A = arith.constant 0 : i32
    %scan3A_6 = arith.constant 0 : i32
    %scan3A_7 = arith.constant 40 : i32
    %scan3A_8 = arith.addi %scan3A_6, %scan3A_7 : i32
    %scan3A_9 = arith.constant 1 : i32
    scf.for %scan3A_343 = %scan3A_6 to %scan3A_8 step %scan3A_9  : i32 {
      %swap3A = arith.index_cast %scan3A_343 : i32 to index
      %swap3A_344 = arith.constant 0 : index
      %swap3A_345 = tpu.vector_load %arg13[%swap3A, %swap3A_344] {strides = array<i32>} : memref<40x128xf32, #tpu.memory_space<vmem>>, vector<1x16xf32>,
      %swap3A_346 = vector.shape_cast %swap3A_345 : vector<1x16xf32> to vector<16xf32>
      %swap3A_347 = vector.shape_cast %broadcast_in_dim3A_5 : vector<16xf32> to vector<1x16xf32>
      tpu.vector_store %arg13[%swap3A, %swap3A_344], %swap3A_347 {strides = array<i32>} : memref<40x128xf32, #tpu.memory_space<vmem>>, vector<1x16xf32>,
      %swap3A_348 = arith.index_cast %scan3A_343 : i32 to index
      %swap3A_349 = arith.constant 16 : index
      %swap3A_350 = tpu.vector_load %arg13[%swap3A_348, %swap3A_349] {strides = array<i32>} : memref<40x128xf32, #tpu.memory_space<vmem>>, vector<1x16xf32>,
      %swap3A_351 = vector.shape_cast %swap3A_350 : vector<1x16xf32> to vector<16xf32>
      %swap3A_352 = vector.shape_cast %broadcast_in_dim3A_5 : vector<16xf32> to vector<1x16xf32>
      tpu.vector_store %arg13[%swap3A_348, %swap3A_349], %swap3A_352 {strides = array<i32>} : memref<40x128xf32, #tpu.memory_space<vmem>>, vector<1x16xf32>,
      %swap3A_353 = arith.index_cast %scan3A_343 : i32 to index
      %swap3A_354 = arith.constant 32 : index
      %swap3A_355 = tpu.vector_load %arg13[%swap3A_353, %swap3A_354] {strides = array<i32>} : memref<40x128xf32, #tpu.memory_space<vmem>>, vector<1x16xf32>,
      %swap3A_356 = vector.shape_cast %swap3A_355 : vector<1x16xf32> to vector<16xf32>
      %swap3A_357 = vector.shape_cast %broadcast_in_dim3A_5 : vector<16xf32> to vector<1x16xf32>
      tpu.vector_store %arg13[%swap3A_353, %swap3A_354], %swap3A_357 {strides = array<i32>} : memref<40x128xf32, #tpu.memory_space<vmem>>, vector<1x16xf32>,
      %swap3A_358 = arith.index_cast %scan3A_343 : i32 to index
      %swap3A_359 = arith.constant 48 : index
      %swap3A_360 = tpu.vector_load %arg13[%swap3A_358, %swap3A_359] {strides = array<i32>} : memref<40x128xf32, #tpu.memory_space<vmem>>, vector<1x16xf32>,
      %swap3A_361 = vector.shape_cast %swap3A_360 : vector<1x16xf32> to vector<16xf32>
      %swap3A_362 = vector.shape_cast %broadcast_in_dim3A_5 : vector<16xf32> to vector<1x16xf32>
      tpu.vector_store %arg13[%swap3A_358, %swap3A_359], %swap3A_362 {strides = array<i32>} : memref<40x128xf32, #tpu.memory_space<vmem>>, vector<1x16xf32>,
      %swap3A_363 = arith.index_cast %scan3A_343 : i32 to index
      %swap3A_364 = arith.constant 64 : index
      %swap3A_365 = tpu.vector_load %arg13[%swap3A_363, %swap3A_364] {strides = array<i32>} : memref<40x128xf32, #tpu.memory_space<vmem>>, vector<1x16xf32>,
      %swap3A_366 = vector.shape_cast %swap3A_365 : vector<1x16xf32> to vector<16xf32>
      %swap3A_367 = vector.shape_cast %broadcast_in_dim3A_5 : vector<16xf32> to vector<1x16xf32>
      tpu.vector_store %arg13[%swap3A_363, %swap3A_364], %swap3A_367 {strides = array<i32>} : memref<40x128xf32, #tpu.memory_space<vmem>>, vector<1x16xf32>,
      %swap3A_368 = arith.index_cast %scan3A_343 : i32 to index
      %swap3A_369 = arith.constant 80 : index
      %swap3A_370 = tpu.vector_load %arg13[%swap3A_368, %swap3A_369] {strides = array<i32>} : memref<40x128xf32, #tpu.memory_space<vmem>>, vector<1x16xf32>,
      %swap3A_371 = vector.shape_cast %swap3A_370 : vector<1x16xf32> to vector<16xf32>
      %swap3A_372 = vector.shape_cast %broadcast_in_dim3A_5 : vector<16xf32> to vector<1x16xf32>
      tpu.vector_store %arg13[%swap3A_368, %swap3A_369], %swap3A_372 {strides = array<i32>} : memref<40x128xf32, #tpu.memory_space<vmem>>, vector<1x16xf32>,
      %swap3A_373 = arith.index_cast %scan3A_343 : i32 to index
      %swap3A_374 = arith.constant 96 : index
      %swap3A_375 = tpu.vector_load %arg13[%swap3A_373, %swap3A_374] {strides = array<i32>} : memref<40x128xf32, #tpu.memory_space<vmem>>, vector<1x16xf32>,
      %swap3A_376 = vector.shape_cast %swap3A_375 : vector<1x16xf32> to vector<16xf32>
      %swap3A_377 = vector.shape_cast %broadcast_in_dim3A_5 : vector<16xf32> to vector<1x16xf32>
      tpu.vector_store %arg13[%swap3A_373, %swap3A_374], %swap3A_377 {strides = array<i32>} : memref<40x128xf32, #tpu.memory_space<vmem>>, vector<1x16xf32>,
      %swap3A_378 = arith.index_cast %scan3A_343 : i32 to index
      %swap3A_379 = arith.constant 112 : index
      %swap3A_380 = tpu.vector_load %arg13[%swap3A_378, %swap3A_379] {strides = array<i32>} : memref<40x128xf32, #tpu.memory_space<vmem>>, vector<1x16xf32>,
      %swap3A_381 = vector.shape_cast %swap3A_380 : vector<1x16xf32> to vector<16xf32>
      %swap3A_382 = vector.shape_cast %broadcast_in_dim3A_5 : vector<16xf32> to vector<1x16xf32>
      tpu.vector_store %arg13[%swap3A_378, %swap3A_379], %swap3A_382 {strides = array<i32>} : memref<40x128xf32, #tpu.memory_space<vmem>>, vector<1x16xf32>,
    }
    %scan3A_10 = arith.constant 40 : i32
    %add3A_11 = arith.constant 0 : i32
    %add3A_12 = arith.addi %arg1, %add3A_11 : i32
    %lt3A = arith.constant 250 : i32
    %lt3A_13 = arith.cmpi slt, %add3A_12, %lt3A : i32
    %convert_element_type3A = arith.extui %lt3A_13 : i1 to i32
    %cond3A = arith.constant 0 : i32
    %cond3A_14 = arith.cmpi ne, %convert_element_type3A, %cond3A : i32
    scf.if %cond3A_14 {
      %mul3A_343 = arith.constant 40 : i32
      %mul3A_344 = arith.muli %add3A_12, %mul3A_343 : i32
      "tpu.region"() ({
        %run_scoped3A = tpu.sem_alloc : memref<!tpu.dma_semaphore, #tpu.memory_space<semaphore_mem>>
        %dma_start3A_345 = arith.constant 0 : i32
        %dma_start3A_346 = tpu.memref_slice %arg9[%mul3A_344, %dma_start3A_345] : memref<10000x128xf32, #tpu.memory_space<vmem_shared>> -> memref<40x128xf32, #tpu.memory_space<vmem_shared>>
        %dma_start3A_347 = arith.constant 0 : i32
        %dma_start3A_348 = tpu.memref_slice %arg9[%mul3A_344, %dma_start3A_347] : memref<10000x128xf32, #tpu.memory_space<vmem_shared>> -> memref<40x128xf32, #tpu.memory_space<vmem_shared>>
        tpu.enqueue_dma source(%arg13 : memref<40x128xf32, #tpu.memory_space<vmem>>) target(%dma_start3A_348 : memref<40x128xf32, #tpu.memory_space<vmem_shared>>) target_semaphore(%run_scoped3A : memref<!tpu.dma_semaphore, #tpu.memory_space<semaphore_mem>>)
        %dma_wait3A_349 = arith.constant 0 : i32
        %dma_wait3A_350 = tpu.memref_slice %arg9[%mul3A_344, %dma_wait3A_349] : memref<10000x128xf32, #tpu.memory_space<vmem_shared>> -> memref<40x128xf32, #tpu.memory_space<vmem_shared>>
        %dma_wait3A_351 = arith.constant 0 : i32
        %dma_wait3A_352 = tpu.memref_slice %arg9[%mul3A_344, %dma_wait3A_351] : memref<10000x128xf32, #tpu.memory_space<vmem_shared>> -> memref<40x128xf32, #tpu.memory_space<vmem_shared>>
        tpu.wait_dma2 semaphore(%run_scoped3A : memref<!tpu.dma_semaphore, #tpu.memory_space<semaphore_mem>>) src(%arg13 : memref<40x128xf32, #tpu.memory_space<vmem>>) dst(%dma_wait3A_352 : memref<40x128xf32, #tpu.memory_space<vmem_shared>>)
        tpu.yield
      }) : () -> ()
    } else {
    }
    %add3A_15 = arith.constant 16 : i32
    %add3A_16 = arith.addi %arg1, %add3A_15 : i32
    %lt3A_17 = arith.constant 250 : i32
    %lt3A_18 = arith.cmpi slt, %add3A_16, %lt3A_17 : i32
    %convert_element_type3A_19 = arith.extui %lt3A_18 : i1 to i32
    %cond3A_20 = arith.constant 0 : i32
    %cond3A_21 = arith.cmpi ne, %convert_element_type3A_19, %cond3A_20 : i32
    scf.if %cond3A_21 {
      %mul3A_343 = arith.constant 40 : i32
      %mul3A_344 = arith.muli %add3A_16, %mul3A_343 : i32
      "tpu.region"() ({
        %run_scoped3A = tpu.sem_alloc : memref<!tpu.dma_semaphore, #tpu.memory_space<semaphore_mem>>
        %dma_start3A_345 = arith.constant 0 : i32
        %dma_start3A_346 = tpu.memref_slice %arg9[%mul3A_344, %dma_start3A_345] : memref<10000x128xf32, #tpu.memory_space<vmem_shared>> -> memref<40x128xf32, #tpu.memory_space<vmem_shared>>
        %dma_start3A_347 = arith.constant 0 : i32
        %dma_start3A_348 = tpu.memref_slice %arg9[%mul3A_344, %dma_start3A_347] : memref<10000x128xf32, #tpu.memory_space<vmem_shared>> -> memref<40x128xf32, #tpu.memory_space<vmem_shared>>
        tpu.enqueue_dma source(%arg13 : memref<40x128xf32, #tpu.memory_space<vmem>>) target(%dma_start3A_348 : memref<40x128xf32, #tpu.memory_space<vmem_shared>>) target_semaphore(%run_scoped3A : memref<!tpu.dma_semaphore, #tpu.memory_space<semaphore_mem>>)
        %dma_wait3A_349 = arith.constant 0 : i32
        %dma_wait3A_350 = tpu.memref_slice %arg9[%mul3A_344, %dma_wait3A_349] : memref<10000x128xf32, #tpu.memory_space<vmem_shared>> -> memref<40x128xf32, #tpu.memory_space<vmem_shared>>
        %dma_wait3A_351 = arith.constant 0 : i32
        %dma_wait3A_352 = tpu.memref_slice %arg9[%mul3A_344, %dma_wait3A_351] : memref<10000x128xf32, #tpu.memory_space<vmem_shared>> -> memref<40x128xf32, #tpu.memory_space<vmem_shared>>
        tpu.wait_dma2 semaphore(%run_scoped3A : memref<!tpu.dma_semaphore, #tpu.memory_space<semaphore_mem>>) src(%arg13 : memref<40x128xf32, #tpu.memory_space<vmem>>) dst(%dma_wait3A_352 : memref<40x128xf32, #tpu.memory_space<vmem_shared>>)
        tpu.yield
      }) : () -> ()
    } else {
    }
    %add3A_22 = arith.constant 32 : i32
    %add3A_23 = arith.addi %arg1, %add3A_22 : i32
    %lt3A_24 = arith.constant 250 : i32
    %lt3A_25 = arith.cmpi slt, %add3A_23, %lt3A_24 : i32
    %convert_element_type3A_26 = arith.extui %lt3A_25 : i1 to i32
    %cond3A_27 = arith.constant 0 : i32
    %cond3A_28 = arith.cmpi ne, %convert_element_type3A_26, %cond3A_27 : i32
    scf.if %cond3A_28 {
      %mul3A_343 = arith.constant 40 : i32
      %mul3A_344 = arith.muli %add3A_23, %mul3A_343 : i32
      "tpu.region"() ({
        %run_scoped3A = tpu.sem_alloc : memref<!tpu.dma_semaphore, #tpu.memory_space<semaphore_mem>>
        %dma_start3A_345 = arith.constant 0 : i32
        %dma_start3A_346 = tpu.memref_slice %arg9[%mul3A_344, %dma_start3A_345] : memref<10000x128xf32, #tpu.memory_space<vmem_shared>> -> memref<40x128xf32, #tpu.memory_space<vmem_shared>>
        %dma_start3A_347 = arith.constant 0 : i32
        %dma_start3A_348 = tpu.memref_slice %arg9[%mul3A_344, %dma_start3A_347] : memref<10000x128xf32, #tpu.memory_space<vmem_shared>> -> memref<40x128xf32, #tpu.memory_space<vmem_shared>>
        tpu.enqueue_dma source(%arg13 : memref<40x128xf32, #tpu.memory_space<vmem>>) target(%dma_start3A_348 : memref<40x128xf32, #tpu.memory_space<vmem_shared>>) target_semaphore(%run_scoped3A : memref<!tpu.dma_semaphore, #tpu.memory_space<semaphore_mem>>)
        %dma_wait3A_349 = arith.constant 0 : i32
        %dma_wait3A_350 = tpu.memref_slice %arg9[%mul3A_344, %dma_wait3A_349] : memref<10000x128xf32, #tpu.memory_space<vmem_shared>> -> memref<40x128xf32, #tpu.memory_space<vmem_shared>>
        %dma_wait3A_351 = arith.constant 0 : i32
        %dma_wait3A_352 = tpu.memref_slice %arg9[%mul3A_344, %dma_wait3A_351] : memref<10000x128xf32, #tpu.memory_space<vmem_shared>> -> memref<40x128xf32, #tpu.memory_space<vmem_shared>>
        tpu.wait_dma2 semaphore(%run_scoped3A : memref<!tpu.dma_semaphore, #tpu.memory_space<semaphore_mem>>) src(%arg13 : memref<40x128xf32, #tpu.memory_space<vmem>>) dst(%dma_wait3A_352 : memref<40x128xf32, #tpu.memory_space<vmem_shared>>)
        tpu.yield
      }) : () -> ()
    } else {
    }
    %add3A_29 = arith.constant 48 : i32
    %add3A_30 = arith.addi %arg1, %add3A_29 : i32
    %lt3A_31 = arith.constant 250 : i32
    %lt3A_32 = arith.cmpi slt, %add3A_30, %lt3A_31 : i32
    %convert_element_type3A_33 = arith.extui %lt3A_32 : i1 to i32
    %cond3A_34 = arith.constant 0 : i32
    %cond3A_35 = arith.cmpi ne, %convert_element_type3A_33, %cond3A_34 : i32
    scf.if %cond3A_35 {
      %mul3A_343 = arith.constant 40 : i32
      %mul3A_344 = arith.muli %add3A_30, %mul3A_343 : i32
      "tpu.region"() ({
        %run_scoped3A = tpu.sem_alloc : memref<!tpu.dma_semaphore, #tpu.memory_space<semaphore_mem>>
        %dma_start3A_345 = arith.constant 0 : i32
        %dma_start3A_346 = tpu.memref_slice %arg9[%mul3A_344, %dma_start3A_345] : memref<10000x128xf32, #tpu.memory_space<vmem_shared>> -> memref<40x128xf32, #tpu.memory_space<vmem_shared>>
        %dma_start3A_347 = arith.constant 0 : i32
        %dma_start3A_348 = tpu.memref_slice %arg9[%mul3A_344, %dma_start3A_347] : memref<10000x128xf32, #tpu.memory_space<vmem_shared>> -> memref<40x128xf32, #tpu.memory_space<vmem_shared>>
        tpu.enqueue_dma source(%arg13 : memref<40x128xf32, #tpu.memory_space<vmem>>) target(%dma_start3A_348 : memref<40x128xf32, #tpu.memory_space<vmem_shared>>) target_semaphore(%run_scoped3A : memref<!tpu.dma_semaphore, #tpu.memory_space<semaphore_mem>>)
        %dma_wait3A_349 = arith.constant 0 : i32
        %dma_wait3A_350 = tpu.memref_slice %arg9[%mul3A_344, %dma_wait3A_349] : memref<10000x128xf32, #tpu.memory_space<vmem_shared>> -> memref<40x128xf32, #tpu.memory_space<vmem_shared>>
        %dma_wait3A_351 = arith.constant 0 : i32
        %dma_wait3A_352 = tpu.memref_slice %arg9[%mul3A_344, %dma_wait3A_351] : memref<10000x128xf32, #tpu.memory_space<vmem_shared>> -> memref<40x128xf32, #tpu.memory_space<vmem_shared>>
        tpu.wait_dma2 semaphore(%run_scoped3A : memref<!tpu.dma_semaphore, #tpu.memory_space<semaphore_mem>>) src(%arg13 : memref<40x128xf32, #tpu.memory_space<vmem>>) dst(%dma_wait3A_352 : memref<40x128xf32, #tpu.memory_space<vmem_shared>>)
        tpu.yield
      }) : () -> ()
    } else {
    }
    %add3A_36 = arith.constant 64 : i32
    %add3A_37 = arith.addi %arg1, %add3A_36 : i32
    %lt3A_38 = arith.constant 250 : i32
    %lt3A_39 = arith.cmpi slt, %add3A_37, %lt3A_38 : i32
    %convert_element_type3A_40 = arith.extui %lt3A_39 : i1 to i32
    %cond3A_41 = arith.constant 0 : i32
    %cond3A_42 = arith.cmpi ne, %convert_element_type3A_40, %cond3A_41 : i32
    scf.if %cond3A_42 {
      %mul3A_343 = arith.constant 40 : i32
      %mul3A_344 = arith.muli %add3A_37, %mul3A_343 : i32
      "tpu.region"() ({
        %run_scoped3A = tpu.sem_alloc : memref<!tpu.dma_semaphore, #tpu.memory_space<semaphore_mem>>
        %dma_start3A_345 = arith.constant 0 : i32
        %dma_start3A_346 = tpu.memref_slice %arg9[%mul3A_344, %dma_start3A_345] : memref<10000x128xf32, #tpu.memory_space<vmem_shared>> -> memref<40x128xf32, #tpu.memory_space<vmem_shared>>
        %dma_start3A_347 = arith.constant 0 : i32
        %dma_start3A_348 = tpu.memref_slice %arg9[%mul3A_344, %dma_start3A_347] : memref<10000x128xf32, #tpu.memory_space<vmem_shared>> -> memref<40x128xf32, #tpu.memory_space<vmem_shared>>
        tpu.enqueue_dma source(%arg13 : memref<40x128xf32, #tpu.memory_space<vmem>>) target(%dma_start3A_348 : memref<40x128xf32, #tpu.memory_space<vmem_shared>>) target_semaphore(%run_scoped3A : memref<!tpu.dma_semaphore, #tpu.memory_space<semaphore_mem>>)
        %dma_wait3A_349 = arith.constant 0 : i32
        %dma_wait3A_350 = tpu.memref_slice %arg9[%mul3A_344, %dma_wait3A_349] : memref<10000x128xf32, #tpu.memory_space<vmem_shared>> -> memref<40x128xf32, #tpu.memory_space<vmem_shared>>
        %dma_wait3A_351 = arith.constant 0 : i32
        %dma_wait3A_352 = tpu.memref_slice %arg9[%mul3A_344, %dma_wait3A_351] : memref<10000x128xf32, #tpu.memory_space<vmem_shared>> -> memref<40x128xf32, #tpu.memory_space<vmem_shared>>
        tpu.wait_dma2 semaphore(%run_scoped3A : memref<!tpu.dma_semaphore, #tpu.memory_space<semaphore_mem>>) src(%arg13 : memref<40x128xf32, #tpu.memory_space<vmem>>) dst(%dma_wait3A_352 : memref<40x128xf32, #tpu.memory_space<vmem_shared>>)
        tpu.yield
      }) : () -> ()
    } else {
    }
    %add3A_43 = arith.constant 80 : i32
    %add3A_44 = arith.addi %arg1, %add3A_43 : i32
    %lt3A_45 = arith.constant 250 : i32
    %lt3A_46 = arith.cmpi slt, %add3A_44, %lt3A_45 : i32
    %convert_element_type3A_47 = arith.extui %lt3A_46 : i1 to i32
    %cond3A_48 = arith.constant 0 : i32
    %cond3A_49 = arith.cmpi ne, %convert_element_type3A_47, %cond3A_48 : i32
    scf.if %cond3A_49 {
      %mul3A_343 = arith.constant 40 : i32
      %mul3A_344 = arith.muli %add3A_44, %mul3A_343 : i32
      "tpu.region"() ({
        %run_scoped3A = tpu.sem_alloc : memref<!tpu.dma_semaphore, #tpu.memory_space<semaphore_mem>>
        %dma_start3A_345 = arith.constant 0 : i32
        %dma_start3A_346 = tpu.memref_slice %arg9[%mul3A_344, %dma_start3A_345] : memref<10000x128xf32, #tpu.memory_space<vmem_shared>> -> memref<40x128xf32, #tpu.memory_space<vmem_shared>>
        %dma_start3A_347 = arith.constant 0 : i32
        %dma_start3A_348 = tpu.memref_slice %arg9[%mul3A_344, %dma_start3A_347] : memref<10000x128xf32, #tpu.memory_space<vmem_shared>> -> memref<40x128xf32, #tpu.memory_space<vmem_shared>>
        tpu.enqueue_dma source(%arg13 : memref<40x128xf32, #tpu.memory_space<vmem>>) target(%dma_start3A_348 : memref<40x128xf32, #tpu.memory_space<vmem_shared>>) target_semaphore(%run_scoped3A : memref<!tpu.dma_semaphore, #tpu.memory_space<semaphore_mem>>)
        %dma_wait3A_349 = arith.constant 0 : i32
        %dma_wait3A_350 = tpu.memref_slice %arg9[%mul3A_344, %dma_wait3A_349] : memref<10000x128xf32, #tpu.memory_space<vmem_shared>> -> memref<40x128xf32, #tpu.memory_space<vmem_shared>>
        %dma_wait3A_351 = arith.constant 0 : i32
        %dma_wait3A_352 = tpu.memref_slice %arg9[%mul3A_344, %dma_wait3A_351] : memref<10000x128xf32, #tpu.memory_space<vmem_shared>> -> memref<40x128xf32, #tpu.memory_space<vmem_shared>>
        tpu.wait_dma2 semaphore(%run_scoped3A : memref<!tpu.dma_semaphore, #tpu.memory_space<semaphore_mem>>) src(%arg13 : memref<40x128xf32, #tpu.memory_space<vmem>>) dst(%dma_wait3A_352 : memref<40x128xf32, #tpu.memory_space<vmem_shared>>)
        tpu.yield
      }) : () -> ()
    } else {
    }
    %add3A_50 = arith.constant 96 : i32
    %add3A_51 = arith.addi %arg1, %add3A_50 : i32
    %lt3A_52 = arith.constant 250 : i32
    %lt3A_53 = arith.cmpi slt, %add3A_51, %lt3A_52 : i32
    %convert_element_type3A_54 = arith.extui %lt3A_53 : i1 to i32
    %cond3A_55 = arith.constant 0 : i32
    %cond3A_56 = arith.cmpi ne, %convert_element_type3A_54, %cond3A_55 : i32
    scf.if %cond3A_56 {
      %mul3A_343 = arith.constant 40 : i32
      %mul3A_344 = arith.muli %add3A_51, %mul3A_343 : i32
      "tpu.region"() ({
        %run_scoped3A = tpu.sem_alloc : memref<!tpu.dma_semaphore, #tpu.memory_space<semaphore_mem>>
        %dma_start3A_345 = arith.constant 0 : i32
        %dma_start3A_346 = tpu.memref_slice %arg9[%mul3A_344, %dma_start3A_345] : memref<10000x128xf32, #tpu.memory_space<vmem_shared>> -> memref<40x128xf32, #tpu.memory_space<vmem_shared>>
        %dma_start3A_347 = arith.constant 0 : i32
        %dma_start3A_348 = tpu.memref_slice %arg9[%mul3A_344, %dma_start3A_347] : memref<10000x128xf32, #tpu.memory_space<vmem_shared>> -> memref<40x128xf32, #tpu.memory_space<vmem_shared>>
        tpu.enqueue_dma source(%arg13 : memref<40x128xf32, #tpu.memory_space<vmem>>) target(%dma_start3A_348 : memref<40x128xf32, #tpu.memory_space<vmem_shared>>) target_semaphore(%run_scoped3A : memref<!tpu.dma_semaphore, #tpu.memory_space<semaphore_mem>>)
        %dma_wait3A_349 = arith.constant 0 : i32
        %dma_wait3A_350 = tpu.memref_slice %arg9[%mul3A_344, %dma_wait3A_349] : memref<10000x128xf32, #tpu.memory_space<vmem_shared>> -> memref<40x128xf32, #tpu.memory_space<vmem_shared>>
        %dma_wait3A_351 = arith.constant 0 : i32
        %dma_wait3A_352 = tpu.memref_slice %arg9[%mul3A_344, %dma_wait3A_351] : memref<10000x128xf32, #tpu.memory_space<vmem_shared>> -> memref<40x128xf32, #tpu.memory_space<vmem_shared>>
        tpu.wait_dma2 semaphore(%run_scoped3A : memref<!tpu.dma_semaphore, #tpu.memory_space<semaphore_mem>>) src(%arg13 : memref<40x128xf32, #tpu.memory_space<vmem>>) dst(%dma_wait3A_352 : memref<40x128xf32, #tpu.memory_space<vmem_shared>>)
        tpu.yield
      }) : () -> ()
    } else {
    }
    %add3A_57 = arith.constant 112 : i32
    %add3A_58 = arith.addi %arg1, %add3A_57 : i32
    %lt3A_59 = arith.constant 250 : i32
    %lt3A_60 = arith.cmpi slt, %add3A_58, %lt3A_59 : i32
    %convert_element_type3A_61 = arith.extui %lt3A_60 : i1 to i32
    %cond3A_62 = arith.constant 0 : i32
    %cond3A_63 = arith.cmpi ne, %convert_element_type3A_61, %cond3A_62 : i32
    scf.if %cond3A_63 {
      %mul3A_343 = arith.constant 40 : i32
      %mul3A_344 = arith.muli %add3A_58, %mul3A_343 : i32
      "tpu.region"() ({
        %run_scoped3A = tpu.sem_alloc : memref<!tpu.dma_semaphore, #tpu.memory_space<semaphore_mem>>
        %dma_start3A_345 = arith.constant 0 : i32
        %dma_start3A_346 = tpu.memref_slice %arg9[%mul3A_344, %dma_start3A_345] : memref<10000x128xf32, #tpu.memory_space<vmem_shared>> -> memref<40x128xf32, #tpu.memory_space<vmem_shared>>
        %dma_start3A_347 = arith.constant 0 : i32
        %dma_start3A_348 = tpu.memref_slice %arg9[%mul3A_344, %dma_start3A_347] : memref<10000x128xf32, #tpu.memory_space<vmem_shared>> -> memref<40x128xf32, #tpu.memory_space<vmem_shared>>
        tpu.enqueue_dma source(%arg13 : memref<40x128xf32, #tpu.memory_space<vmem>>) target(%dma_start3A_348 : memref<40x128xf32, #tpu.memory_space<vmem_shared>>) target_semaphore(%run_scoped3A : memref<!tpu.dma_semaphore, #tpu.memory_space<semaphore_mem>>)
        %dma_wait3A_349 = arith.constant 0 : i32
        %dma_wait3A_350 = tpu.memref_slice %arg9[%mul3A_344, %dma_wait3A_349] : memref<10000x128xf32, #tpu.memory_space<vmem_shared>> -> memref<40x128xf32, #tpu.memory_space<vmem_shared>>
        %dma_wait3A_351 = arith.constant 0 : i32
        %dma_wait3A_352 = tpu.memref_slice %arg9[%mul3A_344, %dma_wait3A_351] : memref<10000x128xf32, #tpu.memory_space<vmem_shared>> -> memref<40x128xf32, #tpu.memory_space<vmem_shared>>
        tpu.wait_dma2 semaphore(%run_scoped3A : memref<!tpu.dma_semaphore, #tpu.memory_space<semaphore_mem>>) src(%arg13 : memref<40x128xf32, #tpu.memory_space<vmem>>) dst(%dma_wait3A_352 : memref<40x128xf32, #tpu.memory_space<vmem_shared>>)
        tpu.yield
      }) : () -> ()
    } else {
    }
    %add3A_64 = arith.constant 128 : i32
    %add3A_65 = arith.addi %arg1, %add3A_64 : i32
    %lt3A_66 = arith.constant 250 : i32
    %lt3A_67 = arith.cmpi slt, %add3A_65, %lt3A_66 : i32
    %convert_element_type3A_68 = arith.extui %lt3A_67 : i1 to i32
    %cond3A_69 = arith.constant 0 : i32
    %cond3A_70 = arith.cmpi ne, %convert_element_type3A_68, %cond3A_69 : i32
    scf.if %cond3A_70 {
      %mul3A_343 = arith.constant 40 : i32
      %mul3A_344 = arith.muli %add3A_65, %mul3A_343 : i32
      "tpu.region"() ({
        %run_scoped3A = tpu.sem_alloc : memref<!tpu.dma_semaphore, #tpu.memory_space<semaphore_mem>>
        %dma_start3A_345 = arith.constant 0 : i32
        %dma_start3A_346 = tpu.memref_slice %arg9[%mul3A_344, %dma_start3A_345] : memref<10000x128xf32, #tpu.memory_space<vmem_shared>> -> memref<40x128xf32, #tpu.memory_space<vmem_shared>>
        %dma_start3A_347 = arith.constant 0 : i32
        %dma_start3A_348 = tpu.memref_slice %arg9[%mul3A_344, %dma_start3A_347] : memref<10000x128xf32, #tpu.memory_space<vmem_shared>> -> memref<40x128xf32, #tpu.memory_space<vmem_shared>>
        tpu.enqueue_dma source(%arg13 : memref<40x128xf32, #tpu.memory_space<vmem>>) target(%dma_start3A_348 : memref<40x128xf32, #tpu.memory_space<vmem_shared>>) target_semaphore(%run_scoped3A : memref<!tpu.dma_semaphore, #tpu.memory_space<semaphore_mem>>)
        %dma_wait3A_349 = arith.constant 0 : i32
        %dma_wait3A_350 = tpu.memref_slice %arg9[%mul3A_344, %dma_wait3A_349] : memref<10000x128xf32, #tpu.memory_space<vmem_shared>> -> memref<40x128xf32, #tpu.memory_space<vmem_shared>>
        %dma_wait3A_351 = arith.constant 0 : i32
        %dma_wait3A_352 = tpu.memref_slice %arg9[%mul3A_344, %dma_wait3A_351] : memref<10000x128xf32, #tpu.memory_space<vmem_shared>> -> memref<40x128xf32, #tpu.memory_space<vmem_shared>>
        tpu.wait_dma2 semaphore(%run_scoped3A : memref<!tpu.dma_semaphore, #tpu.memory_space<semaphore_mem>>) src(%arg13 : memref<40x128xf32, #tpu.memory_space<vmem>>) dst(%dma_wait3A_352 : memref<40x128xf32, #tpu.memory_space<vmem_shared>>)
        tpu.yield
      }) : () -> ()
    } else {
    }
    %add3A_71 = arith.constant 144 : i32
    %add3A_72 = arith.addi %arg1, %add3A_71 : i32
    %lt3A_73 = arith.constant 250 : i32
    %lt3A_74 = arith.cmpi slt, %add3A_72, %lt3A_73 : i32
    %convert_element_type3A_75 = arith.extui %lt3A_74 : i1 to i32
    %cond3A_76 = arith.constant 0 : i32
    %cond3A_77 = arith.cmpi ne, %convert_element_type3A_75, %cond3A_76 : i32
    scf.if %cond3A_77 {
      %mul3A_343 = arith.constant 40 : i32
      %mul3A_344 = arith.muli %add3A_72, %mul3A_343 : i32
      "tpu.region"() ({
        %run_scoped3A = tpu.sem_alloc : memref<!tpu.dma_semaphore, #tpu.memory_space<semaphore_mem>>
        %dma_start3A_345 = arith.constant 0 : i32
        %dma_start3A_346 = tpu.memref_slice %arg9[%mul3A_344, %dma_start3A_345] : memref<10000x128xf32, #tpu.memory_space<vmem_shared>> -> memref<40x128xf32, #tpu.memory_space<vmem_shared>>
        %dma_start3A_347 = arith.constant 0 : i32
        %dma_start3A_348 = tpu.memref_slice %arg9[%mul3A_344, %dma_start3A_347] : memref<10000x128xf32, #tpu.memory_space<vmem_shared>> -> memref<40x128xf32, #tpu.memory_space<vmem_shared>>
        tpu.enqueue_dma source(%arg13 : memref<40x128xf32, #tpu.memory_space<vmem>>) target(%dma_start3A_348 : memref<40x128xf32, #tpu.memory_space<vmem_shared>>) target_semaphore(%run_scoped3A : memref<!tpu.dma_semaphore, #tpu.memory_space<semaphore_mem>>)
        %dma_wait3A_349 = arith.constant 0 : i32
        %dma_wait3A_350 = tpu.memref_slice %arg9[%mul3A_344, %dma_wait3A_349] : memref<10000x128xf32, #tpu.memory_space<vmem_shared>> -> memref<40x128xf32, #tpu.memory_space<vmem_shared>>
        %dma_wait3A_351 = arith.constant 0 : i32
        %dma_wait3A_352 = tpu.memref_slice %arg9[%mul3A_344, %dma_wait3A_351] : memref<10000x128xf32, #tpu.memory_space<vmem_shared>> -> memref<40x128xf32, #tpu.memory_space<vmem_shared>>
        tpu.wait_dma2 semaphore(%run_scoped3A : memref<!tpu.dma_semaphore, #tpu.memory_space<semaphore_mem>>) src(%arg13 : memref<40x128xf32, #tpu.memory_space<vmem>>) dst(%dma_wait3A_352 : memref<40x128xf32, #tpu.memory_space<vmem_shared>>)
        tpu.yield
      }) : () -> ()
    } else {
    }
    %add3A_78 = arith.constant 160 : i32
    %add3A_79 = arith.addi %arg1, %add3A_78 : i32
    %lt3A_80 = arith.constant 250 : i32
    %lt3A_81 = arith.cmpi slt, %add3A_79, %lt3A_80 : i32
    %convert_element_type3A_82 = arith.extui %lt3A_81 : i1 to i32
    %cond3A_83 = arith.constant 0 : i32
    %cond3A_84 = arith.cmpi ne, %convert_element_type3A_82, %cond3A_83 : i32
    scf.if %cond3A_84 {
      %mul3A_343 = arith.constant 40 : i32
      %mul3A_344 = arith.muli %add3A_79, %mul3A_343 : i32
      "tpu.region"() ({
        %run_scoped3A = tpu.sem_alloc : memref<!tpu.dma_semaphore, #tpu.memory_space<semaphore_mem>>
        %dma_start3A_345 = arith.constant 0 : i32
        %dma_start3A_346 = tpu.memref_slice %arg9[%mul3A_344, %dma_start3A_345] : memref<10000x128xf32, #tpu.memory_space<vmem_shared>> -> memref<40x128xf32, #tpu.memory_space<vmem_shared>>
        %dma_start3A_347 = arith.constant 0 : i32
        %dma_start3A_348 = tpu.memref_slice %arg9[%mul3A_344, %dma_start3A_347] : memref<10000x128xf32, #tpu.memory_space<vmem_shared>> -> memref<40x128xf32, #tpu.memory_space<vmem_shared>>
        tpu.enqueue_dma source(%arg13 : memref<40x128xf32, #tpu.memory_space<vmem>>) target(%dma_start3A_348 : memref<40x128xf32, #tpu.memory_space<vmem_shared>>) target_semaphore(%run_scoped3A : memref<!tpu.dma_semaphore, #tpu.memory_space<semaphore_mem>>)
        %dma_wait3A_349 = arith.constant 0 : i32
        %dma_wait3A_350 = tpu.memref_slice %arg9[%mul3A_344, %dma_wait3A_349] : memref<10000x128xf32, #tpu.memory_space<vmem_shared>> -> memref<40x128xf32, #tpu.memory_space<vmem_shared>>
        %dma_wait3A_351 = arith.constant 0 : i32
        %dma_wait3A_352 = tpu.memref_slice %arg9[%mul3A_344, %dma_wait3A_351] : memref<10000x128xf32, #tpu.memory_space<vmem_shared>> -> memref<40x128xf32, #tpu.memory_space<vmem_shared>>
        tpu.wait_dma2 semaphore(%run_scoped3A : memref<!tpu.dma_semaphore, #tpu.memory_space<semaphore_mem>>) src(%arg13 : memref<40x128xf32, #tpu.memory_space<vmem>>) dst(%dma_wait3A_352 : memref<40x128xf32, #tpu.memory_space<vmem_shared>>)
        tpu.yield
      }) : () -> ()
    } else {
    }
    %add3A_85 = arith.constant 176 : i32
    %add3A_86 = arith.addi %arg1, %add3A_85 : i32
    %lt3A_87 = arith.constant 250 : i32
    %lt3A_88 = arith.cmpi slt, %add3A_86, %lt3A_87 : i32
    %convert_element_type3A_89 = arith.extui %lt3A_88 : i1 to i32
    %cond3A_90 = arith.constant 0 : i32
    %cond3A_91 = arith.cmpi ne, %convert_element_type3A_89, %cond3A_90 : i32
    scf.if %cond3A_91 {
      %mul3A_343 = arith.constant 40 : i32
      %mul3A_344 = arith.muli %add3A_86, %mul3A_343 : i32
      "tpu.region"() ({
        %run_scoped3A = tpu.sem_alloc : memref<!tpu.dma_semaphore, #tpu.memory_space<semaphore_mem>>
        %dma_start3A_345 = arith.constant 0 : i32
        %dma_start3A_346 = tpu.memref_slice %arg9[%mul3A_344, %dma_start3A_345] : memref<10000x128xf32, #tpu.memory_space<vmem_shared>> -> memref<40x128xf32, #tpu.memory_space<vmem_shared>>
        %dma_start3A_347 = arith.constant 0 : i32
        %dma_start3A_348 = tpu.memref_slice %arg9[%mul3A_344, %dma_start3A_347] : memref<10000x128xf32, #tpu.memory_space<vmem_shared>> -> memref<40x128xf32, #tpu.memory_space<vmem_shared>>
        tpu.enqueue_dma source(%arg13 : memref<40x128xf32, #tpu.memory_space<vmem>>) target(%dma_start3A_348 : memref<40x128xf32, #tpu.memory_space<vmem_shared>>) target_semaphore(%run_scoped3A : memref<!tpu.dma_semaphore, #tpu.memory_space<semaphore_mem>>)
        %dma_wait3A_349 = arith.constant 0 : i32
        %dma_wait3A_350 = tpu.memref_slice %arg9[%mul3A_344, %dma_wait3A_349] : memref<10000x128xf32, #tpu.memory_space<vmem_shared>> -> memref<40x128xf32, #tpu.memory_space<vmem_shared>>
        %dma_wait3A_351 = arith.constant 0 : i32
        %dma_wait3A_352 = tpu.memref_slice %arg9[%mul3A_344, %dma_wait3A_351] : memref<10000x128xf32, #tpu.memory_space<vmem_shared>> -> memref<40x128xf32, #tpu.memory_space<vmem_shared>>
        tpu.wait_dma2 semaphore(%run_scoped3A : memref<!tpu.dma_semaphore, #tpu.memory_space<semaphore_mem>>) src(%arg13 : memref<40x128xf32, #tpu.memory_space<vmem>>) dst(%dma_wait3A_352 : memref<40x128xf32, #tpu.memory_space<vmem_shared>>)
        tpu.yield
      }) : () -> ()
    } else {
    }
    %add3A_92 = arith.constant 192 : i32
    %add3A_93 = arith.addi %arg1, %add3A_92 : i32
    %lt3A_94 = arith.constant 250 : i32
    %lt3A_95 = arith.cmpi slt, %add3A_93, %lt3A_94 : i32
    %convert_element_type3A_96 = arith.extui %lt3A_95 : i1 to i32
    %cond3A_97 = arith.constant 0 : i32
    %cond3A_98 = arith.cmpi ne, %convert_element_type3A_96, %cond3A_97 : i32
    scf.if %cond3A_98 {
      %mul3A_343 = arith.constant 40 : i32
      %mul3A_344 = arith.muli %add3A_93, %mul3A_343 : i32
      "tpu.region"() ({
        %run_scoped3A = tpu.sem_alloc : memref<!tpu.dma_semaphore, #tpu.memory_space<semaphore_mem>>
        %dma_start3A_345 = arith.constant 0 : i32
        %dma_start3A_346 = tpu.memref_slice %arg9[%mul3A_344, %dma_start3A_345] : memref<10000x128xf32, #tpu.memory_space<vmem_shared>> -> memref<40x128xf32, #tpu.memory_space<vmem_shared>>
        %dma_start3A_347 = arith.constant 0 : i32
        %dma_start3A_348 = tpu.memref_slice %arg9[%mul3A_344, %dma_start3A_347] : memref<10000x128xf32, #tpu.memory_space<vmem_shared>> -> memref<40x128xf32, #tpu.memory_space<vmem_shared>>
        tpu.enqueue_dma source(%arg13 : memref<40x128xf32, #tpu.memory_space<vmem>>) target(%dma_start3A_348 : memref<40x128xf32, #tpu.memory_space<vmem_shared>>) target_semaphore(%run_scoped3A : memref<!tpu.dma_semaphore, #tpu.memory_space<semaphore_mem>>)
        %dma_wait3A_349 = arith.constant 0 : i32
        %dma_wait3A_350 = tpu.memref_slice %arg9[%mul3A_344, %dma_wait3A_349] : memref<10000x128xf32, #tpu.memory_space<vmem_shared>> -> memref<40x128xf32, #tpu.memory_space<vmem_shared>>
        %dma_wait3A_351 = arith.constant 0 : i32
        %dma_wait3A_352 = tpu.memref_slice %arg9[%mul3A_344, %dma_wait3A_351] : memref<10000x128xf32, #tpu.memory_space<vmem_shared>> -> memref<40x128xf32, #tpu.memory_space<vmem_shared>>
        tpu.wait_dma2 semaphore(%run_scoped3A : memref<!tpu.dma_semaphore, #tpu.memory_space<semaphore_mem>>) src(%arg13 : memref<40x128xf32, #tpu.memory_space<vmem>>) dst(%dma_wait3A_352 : memref<40x128xf32, #tpu.memory_space<vmem_shared>>)
        tpu.yield
      }) : () -> ()
    } else {
    }
    %add3A_99 = arith.constant 208 : i32
    %add3A_100 = arith.addi %arg1, %add3A_99 : i32
    %lt3A_101 = arith.constant 250 : i32
    %lt3A_102 = arith.cmpi slt, %add3A_100, %lt3A_101 : i32
    %convert_element_type3A_103 = arith.extui %lt3A_102 : i1 to i32
    %cond3A_104 = arith.constant 0 : i32
    %cond3A_105 = arith.cmpi ne, %convert_element_type3A_103, %cond3A_104 : i32
    scf.if %cond3A_105 {
      %mul3A_343 = arith.constant 40 : i32
      %mul3A_344 = arith.muli %add3A_100, %mul3A_343 : i32
      "tpu.region"() ({
        %run_scoped3A = tpu.sem_alloc : memref<!tpu.dma_semaphore, #tpu.memory_space<semaphore_mem>>
        %dma_start3A_345 = arith.constant 0 : i32
        %dma_start3A_346 = tpu.memref_slice %arg9[%mul3A_344, %dma_start3A_345] : memref<10000x128xf32, #tpu.memory_space<vmem_shared>> -> memref<40x128xf32, #tpu.memory_space<vmem_shared>>
        %dma_start3A_347 = arith.constant 0 : i32
        %dma_start3A_348 = tpu.memref_slice %arg9[%mul3A_344, %dma_start3A_347] : memref<10000x128xf32, #tpu.memory_space<vmem_shared>> -> memref<40x128xf32, #tpu.memory_space<vmem_shared>>
        tpu.enqueue_dma source(%arg13 : memref<40x128xf32, #tpu.memory_space<vmem>>) target(%dma_start3A_348 : memref<40x128xf32, #tpu.memory_space<vmem_shared>>) target_semaphore(%run_scoped3A : memref<!tpu.dma_semaphore, #tpu.memory_space<semaphore_mem>>)
        %dma_wait3A_349 = arith.constant 0 : i32
        %dma_wait3A_350 = tpu.memref_slice %arg9[%mul3A_344, %dma_wait3A_349] : memref<10000x128xf32, #tpu.memory_space<vmem_shared>> -> memref<40x128xf32, #tpu.memory_space<vmem_shared>>
        %dma_wait3A_351 = arith.constant 0 : i32
        %dma_wait3A_352 = tpu.memref_slice %arg9[%mul3A_344, %dma_wait3A_351] : memref<10000x128xf32, #tpu.memory_space<vmem_shared>> -> memref<40x128xf32, #tpu.memory_space<vmem_shared>>
        tpu.wait_dma2 semaphore(%run_scoped3A : memref<!tpu.dma_semaphore, #tpu.memory_space<semaphore_mem>>) src(%arg13 : memref<40x128xf32, #tpu.memory_space<vmem>>) dst(%dma_wait3A_352 : memref<40x128xf32, #tpu.memory_space<vmem_shared>>)
        tpu.yield
      }) : () -> ()
    } else {
    }
    %add3A_106 = arith.constant 224 : i32
    %add3A_107 = arith.addi %arg1, %add3A_106 : i32
    %lt3A_108 = arith.constant 250 : i32
    %lt3A_109 = arith.cmpi slt, %add3A_107, %lt3A_108 : i32
    %convert_element_type3A_110 = arith.extui %lt3A_109 : i1 to i32
    %cond3A_111 = arith.constant 0 : i32
    %cond3A_112 = arith.cmpi ne, %convert_element_type3A_110, %cond3A_111 : i32
    scf.if %cond3A_112 {
      %mul3A_343 = arith.constant 40 : i32
      %mul3A_344 = arith.muli %add3A_107, %mul3A_343 : i32
      "tpu.region"() ({
        %run_scoped3A = tpu.sem_alloc : memref<!tpu.dma_semaphore, #tpu.memory_space<semaphore_mem>>
        %dma_start3A_345 = arith.constant 0 : i32
        %dma_start3A_346 = tpu.memref_slice %arg9[%mul3A_344, %dma_start3A_345] : memref<10000x128xf32, #tpu.memory_space<vmem_shared>> -> memref<40x128xf32, #tpu.memory_space<vmem_shared>>
        %dma_start3A_347 = arith.constant 0 : i32
        %dma_start3A_348 = tpu.memref_slice %arg9[%mul3A_344, %dma_start3A_347] : memref<10000x128xf32, #tpu.memory_space<vmem_shared>> -> memref<40x128xf32, #tpu.memory_space<vmem_shared>>
        tpu.enqueue_dma source(%arg13 : memref<40x128xf32, #tpu.memory_space<vmem>>) target(%dma_start3A_348 : memref<40x128xf32, #tpu.memory_space<vmem_shared>>) target_semaphore(%run_scoped3A : memref<!tpu.dma_semaphore, #tpu.memory_space<semaphore_mem>>)
        %dma_wait3A_349 = arith.constant 0 : i32
        %dma_wait3A_350 = tpu.memref_slice %arg9[%mul3A_344, %dma_wait3A_349] : memref<10000x128xf32, #tpu.memory_space<vmem_shared>> -> memref<40x128xf32, #tpu.memory_space<vmem_shared>>
        %dma_wait3A_351 = arith.constant 0 : i32
        %dma_wait3A_352 = tpu.memref_slice %arg9[%mul3A_344, %dma_wait3A_351] : memref<10000x128xf32, #tpu.memory_space<vmem_shared>> -> memref<40x128xf32, #tpu.memory_space<vmem_shared>>
        tpu.wait_dma2 semaphore(%run_scoped3A : memref<!tpu.dma_semaphore, #tpu.memory_space<semaphore_mem>>) src(%arg13 : memref<40x128xf32, #tpu.memory_space<vmem>>) dst(%dma_wait3A_352 : memref<40x128xf32, #tpu.memory_space<vmem_shared>>)
        tpu.yield
      }) : () -> ()
    } else {
    }
    %add3A_113 = arith.constant 240 : i32
    %add3A_114 = arith.addi %arg1, %add3A_113 : i32
    %lt3A_115 = arith.constant 250 : i32
    %lt3A_116 = arith.cmpi slt, %add3A_114, %lt3A_115 : i32
    %convert_element_type3A_117 = arith.extui %lt3A_116 : i1 to i32
    %cond3A_118 = arith.constant 0 : i32
    %cond3A_119 = arith.cmpi ne, %convert_element_type3A_117, %cond3A_118 : i32
    scf.if %cond3A_119 {
      %mul3A_343 = arith.constant 40 : i32
      %mul3A_344 = arith.muli %add3A_114, %mul3A_343 : i32
      "tpu.region"() ({
        %run_scoped3A = tpu.sem_alloc : memref<!tpu.dma_semaphore, #tpu.memory_space<semaphore_mem>>
        %dma_start3A_345 = arith.constant 0 : i32
        %dma_start3A_346 = tpu.memref_slice %arg9[%mul3A_344, %dma_start3A_345] : memref<10000x128xf32, #tpu.memory_space<vmem_shared>> -> memref<40x128xf32, #tpu.memory_space<vmem_shared>>
        %dma_start3A_347 = arith.constant 0 : i32
        %dma_start3A_348 = tpu.memref_slice %arg9[%mul3A_344, %dma_start3A_347] : memref<10000x128xf32, #tpu.memory_space<vmem_shared>> -> memref<40x128xf32, #tpu.memory_space<vmem_shared>>
        tpu.enqueue_dma source(%arg13 : memref<40x128xf32, #tpu.memory_space<vmem>>) target(%dma_start3A_348 : memref<40x128xf32, #tpu.memory_space<vmem_shared>>) target_semaphore(%run_scoped3A : memref<!tpu.dma_semaphore, #tpu.memory_space<semaphore_mem>>)
        %dma_wait3A_349 = arith.constant 0 : i32
        %dma_wait3A_350 = tpu.memref_slice %arg9[%mul3A_344, %dma_wait3A_349] : memref<10000x128xf32, #tpu.memory_space<vmem_shared>> -> memref<40x128xf32, #tpu.memory_space<vmem_shared>>
        %dma_wait3A_351 = arith.constant 0 : i32
        %dma_wait3A_352 = tpu.memref_slice %arg9[%mul3A_344, %dma_wait3A_351] : memref<10000x128xf32, #tpu.memory_space<vmem_shared>> -> memref<40x128xf32, #tpu.memory_space<vmem_shared>>
        tpu.wait_dma2 semaphore(%run_scoped3A : memref<!tpu.dma_semaphore, #tpu.memory_space<semaphore_mem>>) src(%arg13 : memref<40x128xf32, #tpu.memory_space<vmem>>) dst(%dma_wait3A_352 : memref<40x128xf32, #tpu.memory_space<vmem_shared>>)
        tpu.yield
      }) : () -> ()
    } else {
    }
    %barrier3A = arith.constant 0 : index
    tpu.barrier barrier_id(%barrier3A)
    %mul3A_120 = arith.constant 5000 : i32
    %mul3A_121 = arith.muli %add3A, %mul3A_120 : i32
    %add3A_122 = arith.constant 0 : i32
    %add3A_123 = arith.addi %add3A_122, %mul3A_121 : i32
    %add3A_124 = arith.constant 0 : i32
    %add3A_125 = arith.addi %add3A_123, %add3A_124 : i32
    %dma_start3A = tpu.memref_slice %arg5[%add3A_125] : memref<320000xi32, #tpu.memory_space<hbm>> -> memref<40xi32, #tpu.memory_space<hbm>>
    %dma_start3A_126 = tpu.memref_slice %arg5[%add3A_125] : memref<320000xi32, #tpu.memory_space<hbm>> -> memref<40xi32, #tpu.memory_space<hbm>>
    tpu.enqueue_dma source(%dma_start3A_126 : memref<40xi32, #tpu.memory_space<hbm>>) target(%arg11 : memref<40xi32, #tpu.memory_space<vmem>>) target_semaphore(%arg21 : memref<!tpu.dma_semaphore, #tpu.memory_space<semaphore_mem>>)
    %dma_start3A_127 = arith.constant 0 : i32
    %dma_start3A_128 = tpu.memref_slice %arg10[%dma_start3A_127] : memref<5000xi32, #tpu.memory_space<vmem>> -> memref<40xi32, #tpu.memory_space<vmem>>
    %dma_start3A_129 = arith.constant 0 : i32
    %dma_start3A_130 = arith.constant 0 : i32
    %dma_start3A_131 = tpu.memref_slice %arg2[%dma_start3A_129, %dma_start3A_130] : memref<10000x128xf32, #tpu.memory_space<hbm>> -> memref<10000x128xf32, #tpu.memory_space<hbm>>
    tpu.enqueue_indirect_dma source(%dma_start3A_131 : memref<10000x128xf32, #tpu.memory_space<hbm>>) target(%arg15 : memref<40x128xf32, #tpu.memory_space<vmem>>) offsets(%dma_start3A_128 : memref<40xi32, #tpu.memory_space<vmem>>) semaphore(%arg17 : memref<!tpu.dma_semaphore, #tpu.memory_space<semaphore_mem>>)
    %mul3A_132 = arith.constant 5000 : i32
    %mul3A_133 = arith.muli %add3A, %mul3A_132 : i32
    %add3A_134 = arith.constant 0 : i32
    %add3A_135 = arith.addi %mul3A_133, %add3A_134 : i32
    %dma_start3A_136 = arith.constant 0 : i32
    %dma_start3A_137 = tpu.memref_slice %arg3[%add3A_135, %dma_start3A_136] : memref<160000x128xf32, #tpu.memory_space<hbm>> -> memref<40x128xf32, #tpu.memory_space<hbm>>
    %dma_start3A_138 = arith.constant 0 : i32
    %dma_start3A_139 = tpu.memref_slice %arg3[%add3A_135, %dma_start3A_138] : memref<160000x128xf32, #tpu.memory_space<hbm>> -> memref<40x128xf32, #tpu.memory_space<hbm>>
    tpu.enqueue_dma source(%dma_start3A_139 : memref<40x128xf32, #tpu.memory_space<hbm>>) target(%arg13 : memref<40x128xf32, #tpu.memory_space<vmem>>) target_semaphore(%arg19 : memref<!tpu.dma_semaphore, #tpu.memory_space<semaphore_mem>>)
    %mul3A_140 = arith.constant 5000 : i32
    %mul3A_141 = arith.muli %add3A, %mul3A_140 : i32
    %add3A_142 = arith.constant 0 : i32
    %add3A_143 = arith.addi %add3A_142, %mul3A_141 : i32
    %add3A_144 = arith.constant 40 : i32
    %add3A_145 = arith.addi %add3A_143, %add3A_144 : i32
    %dma_start3A_146 = tpu.memref_slice %arg5[%add3A_145] : memref<320000xi32, #tpu.memory_space<hbm>> -> memref<40xi32, #tpu.memory_space<hbm>>
    %dma_start3A_147 = tpu.memref_slice %arg5[%add3A_145] : memref<320000xi32, #tpu.memory_space<hbm>> -> memref<40xi32, #tpu.memory_space<hbm>>
    tpu.enqueue_dma source(%dma_start3A_147 : memref<40xi32, #tpu.memory_space<hbm>>) target(%arg12 : memref<40xi32, #tpu.memory_space<vmem>>) target_semaphore(%arg22 : memref<!tpu.dma_semaphore, #tpu.memory_space<semaphore_mem>>)
    %scan3A_148 = arith.constant 0 : i32
    %scan3A_149 = arith.constant 0 : i32
    %scan3A_150 = arith.constant 62 : i32
    %scan3A_151 = arith.addi %scan3A_149, %scan3A_150 : i32
    %scan3A_152 = arith.constant 1 : i32
    scf.for %scan3A_343 = %scan3A_149 to %scan3A_151 step %scan3A_152  : i32 {
      %mul3A_344 = arith.constant 2 : i32
      %mul3A_345 = arith.muli %mul3A_344, %scan3A_343 : i32
      %add3A_346 = arith.constant 2 : i32
      %add3A_347 = arith.addi %mul3A_345, %add3A_346 : i32
      %add3A_348 = arith.constant 1 : i32
      %add3A_349 = arith.addi %mul3A_345, %add3A_348 : i32
      %lt3A_350 = arith.constant 125 : i32
      %lt3A_351 = arith.cmpi slt, %add3A_349, %lt3A_350 : i32
      %convert_element_type3A_352 = arith.extui %lt3A_351 : i1 to i32
      %cond3A_353 = arith.constant 0 : i32
      %cond3A_354 = arith.cmpi ne, %convert_element_type3A_352, %cond3A_353 : i32
      scf.if %cond3A_354 {
        %add3A_418 = arith.constant 1 : i32
        %add3A_419 = arith.addi %mul3A_345, %add3A_418 : i32
        %mul3A_420 = arith.constant 40 : i32
        %mul3A_421 = arith.muli %add3A_419, %mul3A_420 : i32
        %dma_start3A_422 = tpu.memref_slice %arg10[%mul3A_421] : memref<5000xi32, #tpu.memory_space<vmem>> -> memref<40xi32, #tpu.memory_space<vmem>>
        %dma_start3A_423 = arith.constant 0 : i32
        %dma_start3A_424 = arith.constant 0 : i32
        %dma_start3A_425 = tpu.memref_slice %arg2[%dma_start3A_423, %dma_start3A_424] : memref<10000x128xf32, #tpu.memory_space<hbm>> -> memref<10000x128xf32, #tpu.memory_space<hbm>>
        tpu.enqueue_indirect_dma source(%dma_start3A_425 : memref<10000x128xf32, #tpu.memory_space<hbm>>) target(%arg16 : memref<40x128xf32, #tpu.memory_space<vmem>>) offsets(%dma_start3A_422 : memref<40xi32, #tpu.memory_space<vmem>>) semaphore(%arg18 : memref<!tpu.dma_semaphore, #tpu.memory_space<semaphore_mem>>)
        %mul3A_426 = arith.constant 5000 : i32
        %mul3A_427 = arith.muli %add3A, %mul3A_426 : i32
        %mul3A_428 = arith.constant 40 : i32
        %mul3A_429 = arith.muli %add3A_419, %mul3A_428 : i32
        %add3A_430 = arith.addi %mul3A_427, %mul3A_429 : i32
        %dma_start3A_431 = arith.constant 0 : i32
        %dma_start3A_432 = tpu.memref_slice %arg3[%add3A_430, %dma_start3A_431] : memref<160000x128xf32, #tpu.memory_space<hbm>> -> memref<40x128xf32, #tpu.memory_space<hbm>>
        %dma_start3A_433 = arith.constant 0 : i32
        %dma_start3A_434 = tpu.memref_slice %arg3[%add3A_430, %dma_start3A_433] : memref<160000x128xf32, #tpu.memory_space<hbm>> -> memref<40x128xf32, #tpu.memory_space<hbm>>
        tpu.enqueue_dma source(%dma_start3A_434 : memref<40x128xf32, #tpu.memory_space<hbm>>) target(%arg14 : memref<40x128xf32, #tpu.memory_space<vmem>>) target_semaphore(%arg20 : memref<!tpu.dma_semaphore, #tpu.memory_space<semaphore_mem>>)
      } else {
      }
      %dma_wait3A_355 = arith.constant 0 : i32
      %dma_wait3A_356 = tpu.memref_slice %arg10[%dma_wait3A_355] : memref<5000xi32, #tpu.memory_space<vmem>> -> memref<40xi32, #tpu.memory_space<vmem>>
      %dma_wait3A_357 = arith.constant 0 : i32
      %dma_wait3A_358 = arith.constant 0 : i32
      %dma_wait3A_359 = tpu.memref_slice %arg2[%dma_wait3A_357, %dma_wait3A_358] : memref<10000x128xf32, #tpu.memory_space<hbm>> -> memref<10000x128xf32, #tpu.memory_space<hbm>>
      tpu.wait_indirect_dma semaphore(%arg17 : memref<!tpu.dma_semaphore, #tpu.memory_space<semaphore_mem>>) src(%dma_wait3A_359 : memref<10000x128xf32, #tpu.memory_space<hbm>>) dst(%arg15 : memref<40x128xf32, #tpu.memory_space<vmem>>)
      %dma_wait3A_360 = arith.constant 0 : i32
      %dma_wait3A_361 = arith.constant 0 : i32
      %dma_wait3A_362 = tpu.memref_slice %arg3[%dma_wait3A_360, %dma_wait3A_361] : memref<160000x128xf32, #tpu.memory_space<hbm>> -> memref<40x128xf32, #tpu.memory_space<hbm>>
      %dma_wait3A_363 = arith.constant 0 : i32
      %dma_wait3A_364 = arith.constant 0 : i32
      %dma_wait3A_365 = tpu.memref_slice %arg3[%dma_wait3A_363, %dma_wait3A_364] : memref<160000x128xf32, #tpu.memory_space<hbm>> -> memref<40x128xf32, #tpu.memory_space<hbm>>
      tpu.wait_dma2 semaphore(%arg19 : memref<!tpu.dma_semaphore, #tpu.memory_space<semaphore_mem>>) src(%dma_wait3A_365 : memref<40x128xf32, #tpu.memory_space<hbm>>) dst(%arg13 : memref<40x128xf32, #tpu.memory_space<vmem>>)
      %scan3A_366 = arith.constant 0 : i32
      %scan3A_367 = arith.constant 0 : i32
      %scan3A_368 = arith.constant 40 : i32
      %scan3A_369 = arith.addi %scan3A_367, %scan3A_368 : i32
      %scan3A_370 = arith.constant 1 : i32
      scf.for %scan3A_418 = %scan3A_367 to %scan3A_369 step %scan3A_370  : i32 {
        %get3A = arith.index_cast %scan3A_418 : i32 to index
        %get3A_419 = arith.constant 0 : index
        %get3A_420 = tpu.vector_load %arg15[%get3A, %get3A_419] {strides = array<i32>} : memref<40x128xf32, #tpu.memory_space<vmem>>, vector<1x16xf32>,
        %get3A_421 = vector.shape_cast %get3A_420 : vector<1x16xf32> to vector<16xf32>
        %get3A_422 = arith.index_cast %scan3A_418 : i32 to index
        %get3A_423 = arith.constant 0 : index
        %get3A_424 = tpu.vector_load %arg13[%get3A_422, %get3A_423] {strides = array<i32>} : memref<40x128xf32, #tpu.memory_space<vmem>>, vector<1x16xf32>,
        %get3A_425 = vector.shape_cast %get3A_424 : vector<1x16xf32> to vector<16xf32>
        %mul3A_426 = arith.mulf %get3A_421, %get3A_425 : vector<16xf32>
        %swap3A = arith.index_cast %scan3A_418 : i32 to index
        %swap3A_427 = arith.constant 0 : index
        %swap3A_428 = tpu.vector_load %arg15[%swap3A, %swap3A_427] {strides = array<i32>} : memref<40x128xf32, #tpu.memory_space<vmem>>, vector<1x16xf32>,
        %swap3A_429 = vector.shape_cast %swap3A_428 : vector<1x16xf32> to vector<16xf32>
        %swap3A_430 = vector.shape_cast %mul3A_426 : vector<16xf32> to vector<1x16xf32>
        tpu.vector_store %arg15[%swap3A, %swap3A_427], %swap3A_430 {strides = array<i32>} : memref<40x128xf32, #tpu.memory_space<vmem>>, vector<1x16xf32>,
        %get3A_431 = arith.index_cast %scan3A_418 : i32 to index
        %get3A_432 = arith.constant 16 : index
        %get3A_433 = tpu.vector_load %arg15[%get3A_431, %get3A_432] {strides = array<i32>} : memref<40x128xf32, #tpu.memory_space<vmem>>, vector<1x16xf32>,
        %get3A_434 = vector.shape_cast %get3A_433 : vector<1x16xf32> to vector<16xf32>
        %get3A_435 = arith.index_cast %scan3A_418 : i32 to index
        %get3A_436 = arith.constant 16 : index
        %get3A_437 = tpu.vector_load %arg13[%get3A_435, %get3A_436] {strides = array<i32>} : memref<40x128xf32, #tpu.memory_space<vmem>>, vector<1x16xf32>,
        %get3A_438 = vector.shape_cast %get3A_437 : vector<1x16xf32> to vector<16xf32>
        %mul3A_439 = arith.mulf %get3A_434, %get3A_438 : vector<16xf32>
        %swap3A_440 = arith.index_cast %scan3A_418 : i32 to index
        %swap3A_441 = arith.constant 16 : index
        %swap3A_442 = tpu.vector_load %arg15[%swap3A_440, %swap3A_441] {strides = array<i32>} : memref<40x128xf32, #tpu.memory_space<vmem>>, vector<1x16xf32>,
        %swap3A_443 = vector.shape_cast %swap3A_442 : vector<1x16xf32> to vector<16xf32>
        %swap3A_444 = vector.shape_cast %mul3A_439 : vector<16xf32> to vector<1x16xf32>
        tpu.vector_store %arg15[%swap3A_440, %swap3A_441], %swap3A_444 {strides = array<i32>} : memref<40x128xf32, #tpu.memory_space<vmem>>, vector<1x16xf32>,
        %get3A_445 = arith.index_cast %scan3A_418 : i32 to index
        %get3A_446 = arith.constant 32 : index
        %get3A_447 = tpu.vector_load %arg15[%get3A_445, %get3A_446] {strides = array<i32>} : memref<40x128xf32, #tpu.memory_space<vmem>>, vector<1x16xf32>,
        %get3A_448 = vector.shape_cast %get3A_447 : vector<1x16xf32> to vector<16xf32>
        %get3A_449 = arith.index_cast %scan3A_418 : i32 to index
        %get3A_450 = arith.constant 32 : index
        %get3A_451 = tpu.vector_load %arg13[%get3A_449, %get3A_450] {strides = array<i32>} : memref<40x128xf32, #tpu.memory_space<vmem>>, vector<1x16xf32>,
        %get3A_452 = vector.shape_cast %get3A_451 : vector<1x16xf32> to vector<16xf32>
        %mul3A_453 = arith.mulf %get3A_448, %get3A_452 : vector<16xf32>
        %swap3A_454 = arith.index_cast %scan3A_418 : i32 to index
        %swap3A_455 = arith.constant 32 : index
        %swap3A_456 = tpu.vector_load %arg15[%swap3A_454, %swap3A_455] {strides = array<i32>} : memref<40x128xf32, #tpu.memory_space<vmem>>, vector<1x16xf32>,
        %swap3A_457 = vector.shape_cast %swap3A_456 : vector<1x16xf32> to vector<16xf32>
        %swap3A_458 = vector.shape_cast %mul3A_453 : vector<16xf32> to vector<1x16xf32>
        tpu.vector_store %arg15[%swap3A_454, %swap3A_455], %swap3A_458 {strides = array<i32>} : memref<40x128xf32, #tpu.memory_space<vmem>>, vector<1x16xf32>,
        %get3A_459 = arith.index_cast %scan3A_418 : i32 to index
        %get3A_460 = arith.constant 48 : index
        %get3A_461 = tpu.vector_load %arg15[%get3A_459, %get3A_460] {strides = array<i32>} : memref<40x128xf32, #tpu.memory_space<vmem>>, vector<1x16xf32>,
        %get3A_462 = vector.shape_cast %get3A_461 : vector<1x16xf32> to vector<16xf32>
        %get3A_463 = arith.index_cast %scan3A_418 : i32 to index
        %get3A_464 = arith.constant 48 : index
        %get3A_465 = tpu.vector_load %arg13[%get3A_463, %get3A_464] {strides = array<i32>} : memref<40x128xf32, #tpu.memory_space<vmem>>, vector<1x16xf32>,
        %get3A_466 = vector.shape_cast %get3A_465 : vector<1x16xf32> to vector<16xf32>
        %mul3A_467 = arith.mulf %get3A_462, %get3A_466 : vector<16xf32>
        %swap3A_468 = arith.index_cast %scan3A_418 : i32 to index
        %swap3A_469 = arith.constant 48 : index
        %swap3A_470 = tpu.vector_load %arg15[%swap3A_468, %swap3A_469] {strides = array<i32>} : memref<40x128xf32, #tpu.memory_space<vmem>>, vector<1x16xf32>,
        %swap3A_471 = vector.shape_cast %swap3A_470 : vector<1x16xf32> to vector<16xf32>
        %swap3A_472 = vector.shape_cast %mul3A_467 : vector<16xf32> to vector<1x16xf32>
        tpu.vector_store %arg15[%swap3A_468, %swap3A_469], %swap3A_472 {strides = array<i32>} : memref<40x128xf32, #tpu.memory_space<vmem>>, vector<1x16xf32>,
        %get3A_473 = arith.index_cast %scan3A_418 : i32 to index
        %get3A_474 = arith.constant 64 : index
        %get3A_475 = tpu.vector_load %arg15[%get3A_473, %get3A_474] {strides = array<i32>} : memref<40x128xf32, #tpu.memory_space<vmem>>, vector<1x16xf32>,
        %get3A_476 = vector.shape_cast %get3A_475 : vector<1x16xf32> to vector<16xf32>
        %get3A_477 = arith.index_cast %scan3A_418 : i32 to index
        %get3A_478 = arith.constant 64 : index
        %get3A_479 = tpu.vector_load %arg13[%get3A_477, %get3A_478] {strides = array<i32>} : memref<40x128xf32, #tpu.memory_space<vmem>>, vector<1x16xf32>,
        %get3A_480 = vector.shape_cast %get3A_479 : vector<1x16xf32> to vector<16xf32>
        %mul3A_481 = arith.mulf %get3A_476, %get3A_480 : vector<16xf32>
        %swap3A_482 = arith.index_cast %scan3A_418 : i32 to index
        %swap3A_483 = arith.constant 64 : index
        %swap3A_484 = tpu.vector_load %arg15[%swap3A_482, %swap3A_483] {strides = array<i32>} : memref<40x128xf32, #tpu.memory_space<vmem>>, vector<1x16xf32>,
        %swap3A_485 = vector.shape_cast %swap3A_484 : vector<1x16xf32> to vector<16xf32>
        %swap3A_486 = vector.shape_cast %mul3A_481 : vector<16xf32> to vector<1x16xf32>
        tpu.vector_store %arg15[%swap3A_482, %swap3A_483], %swap3A_486 {strides = array<i32>} : memref<40x128xf32, #tpu.memory_space<vmem>>, vector<1x16xf32>,
        %get3A_487 = arith.index_cast %scan3A_418 : i32 to index
        %get3A_488 = arith.constant 80 : index
        %get3A_489 = tpu.vector_load %arg15[%get3A_487, %get3A_488] {strides = array<i32>} : memref<40x128xf32, #tpu.memory_space<vmem>>, vector<1x16xf32>,
        %get3A_490 = vector.shape_cast %get3A_489 : vector<1x16xf32> to vector<16xf32>
        %get3A_491 = arith.index_cast %scan3A_418 : i32 to index
        %get3A_492 = arith.constant 80 : index
        %get3A_493 = tpu.vector_load %arg13[%get3A_491, %get3A_492] {strides = array<i32>} : memref<40x128xf32, #tpu.memory_space<vmem>>, vector<1x16xf32>,
        %get3A_494 = vector.shape_cast %get3A_493 : vector<1x16xf32> to vector<16xf32>
        %mul3A_495 = arith.mulf %get3A_490, %get3A_494 : vector<16xf32>
        %swap3A_496 = arith.index_cast %scan3A_418 : i32 to index
        %swap3A_497 = arith.constant 80 : index
        %swap3A_498 = tpu.vector_load %arg15[%swap3A_496, %swap3A_497] {strides = array<i32>} : memref<40x128xf32, #tpu.memory_space<vmem>>, vector<1x16xf32>,
        %swap3A_499 = vector.shape_cast %swap3A_498 : vector<1x16xf32> to vector<16xf32>
        %swap3A_500 = vector.shape_cast %mul3A_495 : vector<16xf32> to vector<1x16xf32>
        tpu.vector_store %arg15[%swap3A_496, %swap3A_497], %swap3A_500 {strides = array<i32>} : memref<40x128xf32, #tpu.memory_space<vmem>>, vector<1x16xf32>,
        %get3A_501 = arith.index_cast %scan3A_418 : i32 to index
        %get3A_502 = arith.constant 96 : index
        %get3A_503 = tpu.vector_load %arg15[%get3A_501, %get3A_502] {strides = array<i32>} : memref<40x128xf32, #tpu.memory_space<vmem>>, vector<1x16xf32>,
        %get3A_504 = vector.shape_cast %get3A_503 : vector<1x16xf32> to vector<16xf32>
        %get3A_505 = arith.index_cast %scan3A_418 : i32 to index
        %get3A_506 = arith.constant 96 : index
        %get3A_507 = tpu.vector_load %arg13[%get3A_505, %get3A_506] {strides = array<i32>} : memref<40x128xf32, #tpu.memory_space<vmem>>, vector<1x16xf32>,
        %get3A_508 = vector.shape_cast %get3A_507 : vector<1x16xf32> to vector<16xf32>
        %mul3A_509 = arith.mulf %get3A_504, %get3A_508 : vector<16xf32>
        %swap3A_510 = arith.index_cast %scan3A_418 : i32 to index
        %swap3A_511 = arith.constant 96 : index
        %swap3A_512 = tpu.vector_load %arg15[%swap3A_510, %swap3A_511] {strides = array<i32>} : memref<40x128xf32, #tpu.memory_space<vmem>>, vector<1x16xf32>,
        %swap3A_513 = vector.shape_cast %swap3A_512 : vector<1x16xf32> to vector<16xf32>
        %swap3A_514 = vector.shape_cast %mul3A_509 : vector<16xf32> to vector<1x16xf32>
        tpu.vector_store %arg15[%swap3A_510, %swap3A_511], %swap3A_514 {strides = array<i32>} : memref<40x128xf32, #tpu.memory_space<vmem>>, vector<1x16xf32>,
        %get3A_515 = arith.index_cast %scan3A_418 : i32 to index
        %get3A_516 = arith.constant 112 : index
        %get3A_517 = tpu.vector_load %arg15[%get3A_515, %get3A_516] {strides = array<i32>} : memref<40x128xf32, #tpu.memory_space<vmem>>, vector<1x16xf32>,
        %get3A_518 = vector.shape_cast %get3A_517 : vector<1x16xf32> to vector<16xf32>
        %get3A_519 = arith.index_cast %scan3A_418 : i32 to index
        %get3A_520 = arith.constant 112 : index
        %get3A_521 = tpu.vector_load %arg13[%get3A_519, %get3A_520] {strides = array<i32>} : memref<40x128xf32, #tpu.memory_space<vmem>>, vector<1x16xf32>,
        %get3A_522 = vector.shape_cast %get3A_521 : vector<1x16xf32> to vector<16xf32>
        %mul3A_523 = arith.mulf %get3A_518, %get3A_522 : vector<16xf32>
        %swap3A_524 = arith.index_cast %scan3A_418 : i32 to index
        %swap3A_525 = arith.constant 112 : index
        %swap3A_526 = tpu.vector_load %arg15[%swap3A_524, %swap3A_525] {strides = array<i32>} : memref<40x128xf32, #tpu.memory_space<vmem>>, vector<1x16xf32>,
        %swap3A_527 = vector.shape_cast %swap3A_526 : vector<1x16xf32> to vector<16xf32>
        %swap3A_528 = vector.shape_cast %mul3A_523 : vector<16xf32> to vector<1x16xf32>
        tpu.vector_store %arg15[%swap3A_524, %swap3A_525], %swap3A_528 {strides = array<i32>} : memref<40x128xf32, #tpu.memory_space<vmem>>, vector<1x16xf32>,
      }
      %scan3A_371 = arith.constant 40 : i32
      %dma_wait3A_372 = arith.constant 0 : i32
      %dma_wait3A_373 = tpu.memref_slice %arg5[%dma_wait3A_372] : memref<320000xi32, #tpu.memory_space<hbm>> -> memref<40xi32, #tpu.memory_space<hbm>>
      %dma_wait3A_374 = arith.constant 0 : i32
      %dma_wait3A_375 = tpu.memref_slice %arg5[%dma_wait3A_374] : memref<320000xi32, #tpu.memory_space<hbm>> -> memref<40xi32, #tpu.memory_space<hbm>>
      tpu.wait_dma2 semaphore(%arg21 : memref<!tpu.dma_semaphore, #tpu.memory_space<semaphore_mem>>) src(%dma_wait3A_375 : memref<40xi32, #tpu.memory_space<hbm>>) dst(%arg11 : memref<40xi32, #tpu.memory_space<vmem>>)
      "tpu.region"() ({
        %run_scoped3A = tpu.sem_alloc : memref<!tpu.dma_semaphore, #tpu.memory_space<semaphore_mem>>
        %dma_start3A_418 = arith.constant 0 : i32
        %dma_start3A_419 = arith.constant 0 : i32
        %dma_start3A_420 = tpu.memref_slice %arg9[%dma_start3A_418, %dma_start3A_419] : memref<10000x128xf32, #tpu.memory_space<vmem_shared>> -> memref<10000x128xf32, #tpu.memory_space<vmem_shared>>
        tpu.enqueue_indirect_dma source(%arg15 : memref<40x128xf32, #tpu.memory_space<vmem>>) target(%dma_start3A_420 : memref<10000x128xf32, #tpu.memory_space<vmem_shared>>) offsets(%arg11 : memref<40xi32, #tpu.memory_space<vmem>>) semaphore(%run_scoped3A : memref<!tpu.dma_semaphore, #tpu.memory_space<semaphore_mem>>) {add = true}
        %dma_wait3A_421 = arith.constant 0 : i32
        %dma_wait3A_422 = arith.constant 0 : i32
        %dma_wait3A_423 = tpu.memref_slice %arg9[%dma_wait3A_421, %dma_wait3A_422] : memref<10000x128xf32, #tpu.memory_space<vmem_shared>> -> memref<10000x128xf32, #tpu.memory_space<vmem_shared>>
        tpu.wait_indirect_dma semaphore(%run_scoped3A : memref<!tpu.dma_semaphore, #tpu.memory_space<semaphore_mem>>) src(%arg15 : memref<40x128xf32, #tpu.memory_space<vmem>>) dst(%dma_wait3A_423 : memref<10000x128xf32, #tpu.memory_space<vmem_shared>>)
        tpu.yield
      }) : () -> ()
      %lt3A_376 = arith.constant 125 : i32
      %lt3A_377 = arith.cmpi slt, %add3A_347, %lt3A_376 : i32
      %convert_element_type3A_378 = arith.extui %lt3A_377 : i1 to i32
      %cond3A_379 = arith.constant 0 : i32
      %cond3A_380 = arith.cmpi ne, %convert_element_type3A_378, %cond3A_379 : i32
      scf.if %cond3A_380 {
        %mul3A_418 = arith.constant 5000 : i32
        %mul3A_419 = arith.muli %add3A, %mul3A_418 : i32
        %add3A_420 = arith.constant 0 : i32
        %add3A_421 = arith.addi %add3A_420, %mul3A_419 : i32
        %mul3A_422 = arith.constant 40 : i32
        %mul3A_423 = arith.muli %add3A_347, %mul3A_422 : i32
        %add3A_424 = arith.addi %add3A_421, %mul3A_423 : i32
        %dma_start3A_425 = tpu.memref_slice %arg5[%add3A_424] : memref<320000xi32, #tpu.memory_space<hbm>> -> memref<40xi32, #tpu.memory_space<hbm>>
        %dma_start3A_426 = tpu.memref_slice %arg5[%add3A_424] : memref<320000xi32, #tpu.memory_space<hbm>> -> memref<40xi32, #tpu.memory_space<hbm>>
        tpu.enqueue_dma source(%dma_start3A_426 : memref<40xi32, #tpu.memory_space<hbm>>) target(%arg11 : memref<40xi32, #tpu.memory_space<vmem>>) target_semaphore(%arg21 : memref<!tpu.dma_semaphore, #tpu.memory_space<semaphore_mem>>)
      } else {
      }
      %add3A_381 = arith.constant 1 : i32
      %add3A_382 = arith.addi %mul3A_345, %add3A_381 : i32
      %add3A_383 = arith.constant 3 : i32
      %add3A_384 = arith.addi %mul3A_345, %add3A_383 : i32
      %add3A_385 = arith.constant 1 : i32
      %add3A_386 = arith.addi %add3A_382, %add3A_385 : i32
      %lt3A_387 = arith.constant 125 : i32
      %lt3A_388 = arith.cmpi slt, %add3A_386, %lt3A_387 : i32
      %convert_element_type3A_389 = arith.extui %lt3A_388 : i1 to i32
      %cond3A_390 = arith.constant 0 : i32
      %cond3A_391 = arith.cmpi ne, %convert_element_type3A_389, %cond3A_390 : i32
      scf.if %cond3A_391 {
        %add3A_418 = arith.constant 1 : i32
        %add3A_419 = arith.addi %add3A_382, %add3A_418 : i32
        %mul3A_420 = arith.constant 40 : i32
        %mul3A_421 = arith.muli %add3A_419, %mul3A_420 : i32
        %dma_start3A_422 = tpu.memref_slice %arg10[%mul3A_421] : memref<5000xi32, #tpu.memory_space<vmem>> -> memref<40xi32, #tpu.memory_space<vmem>>
        %dma_start3A_423 = arith.constant 0 : i32
        %dma_start3A_424 = arith.constant 0 : i32
        %dma_start3A_425 = tpu.memref_slice %arg2[%dma_start3A_423, %dma_start3A_424] : memref<10000x128xf32, #tpu.memory_space<hbm>> -> memref<10000x128xf32, #tpu.memory_space<hbm>>
        tpu.enqueue_indirect_dma source(%dma_start3A_425 : memref<10000x128xf32, #tpu.memory_space<hbm>>) target(%arg15 : memref<40x128xf32, #tpu.memory_space<vmem>>) offsets(%dma_start3A_422 : memref<40xi32, #tpu.memory_space<vmem>>) semaphore(%arg17 : memref<!tpu.dma_semaphore, #tpu.memory_space<semaphore_mem>>)
        %mul3A_426 = arith.constant 5000 : i32
        %mul3A_427 = arith.muli %add3A, %mul3A_426 : i32
        %mul3A_428 = arith.constant 40 : i32
        %mul3A_429 = arith.muli %add3A_419, %mul3A_428 : i32
        %add3A_430 = arith.addi %mul3A_427, %mul3A_429 : i32
        %dma_start3A_431 = arith.constant 0 : i32
        %dma_start3A_432 = tpu.memref_slice %arg3[%add3A_430, %dma_start3A_431] : memref<160000x128xf32, #tpu.memory_space<hbm>> -> memref<40x128xf32, #tpu.memory_space<hbm>>
        %dma_start3A_433 = arith.constant 0 : i32
        %dma_start3A_434 = tpu.memref_slice %arg3[%add3A_430, %dma_start3A_433] : memref<160000x128xf32, #tpu.memory_space<hbm>> -> memref<40x128xf32, #tpu.memory_space<hbm>>
        tpu.enqueue_dma source(%dma_start3A_434 : memref<40x128xf32, #tpu.memory_space<hbm>>) target(%arg13 : memref<40x128xf32, #tpu.memory_space<vmem>>) target_semaphore(%arg19 : memref<!tpu.dma_semaphore, #tpu.memory_space<semaphore_mem>>)
      } else {
      }
      %dma_wait3A_392 = arith.constant 0 : i32
      %dma_wait3A_393 = tpu.memref_slice %arg10[%dma_wait3A_392] : memref<5000xi32, #tpu.memory_space<vmem>> -> memref<40xi32, #tpu.memory_space<vmem>>
      %dma_wait3A_394 = arith.constant 0 : i32
      %dma_wait3A_395 = arith.constant 0 : i32
      %dma_wait3A_396 = tpu.memref_slice %arg2[%dma_wait3A_394, %dma_wait3A_395] : memref<10000x128xf32, #tpu.memory_space<hbm>> -> memref<10000x128xf32, #tpu.memory_space<hbm>>
      tpu.wait_indirect_dma semaphore(%arg18 : memref<!tpu.dma_semaphore, #tpu.memory_space<semaphore_mem>>) src(%dma_wait3A_396 : memref<10000x128xf32, #tpu.memory_space<hbm>>) dst(%arg16 : memref<40x128xf32, #tpu.memory_space<vmem>>)
      %dma_wait3A_397 = arith.constant 0 : i32
      %dma_wait3A_398 = arith.constant 0 : i32
      %dma_wait3A_399 = tpu.memref_slice %arg3[%dma_wait3A_397, %dma_wait3A_398] : memref<160000x128xf32, #tpu.memory_space<hbm>> -> memref<40x128xf32, #tpu.memory_space<hbm>>
      %dma_wait3A_400 = arith.constant 0 : i32
      %dma_wait3A_401 = arith.constant 0 : i32
      %dma_wait3A_402 = tpu.memref_slice %arg3[%dma_wait3A_400, %dma_wait3A_401] : memref<160000x128xf32, #tpu.memory_space<hbm>> -> memref<40x128xf32, #tpu.memory_space<hbm>>
      tpu.wait_dma2 semaphore(%arg20 : memref<!tpu.dma_semaphore, #tpu.memory_space<semaphore_mem>>) src(%dma_wait3A_402 : memref<40x128xf32, #tpu.memory_space<hbm>>) dst(%arg14 : memref<40x128xf32, #tpu.memory_space<vmem>>)
      %scan3A_403 = arith.constant 0 : i32
      %scan3A_404 = arith.constant 0 : i32
      %scan3A_405 = arith.constant 40 : i32
      %scan3A_406 = arith.addi %scan3A_404, %scan3A_405 : i32
      %scan3A_407 = arith.constant 1 : i32
      scf.for %scan3A_418 = %scan3A_404 to %scan3A_406 step %scan3A_407  : i32 {
        %get3A = arith.index_cast %scan3A_418 : i32 to index
        %get3A_419 = arith.constant 0 : index
        %get3A_420 = tpu.vector_load %arg16[%get3A, %get3A_419] {strides = array<i32>} : memref<40x128xf32, #tpu.memory_space<vmem>>, vector<1x16xf32>,
        %get3A_421 = vector.shape_cast %get3A_420 : vector<1x16xf32> to vector<16xf32>
        %get3A_422 = arith.index_cast %scan3A_418 : i32 to index
        %get3A_423 = arith.constant 0 : index
        %get3A_424 = tpu.vector_load %arg14[%get3A_422, %get3A_423] {strides = array<i32>} : memref<40x128xf32, #tpu.memory_space<vmem>>, vector<1x16xf32>,
        %get3A_425 = vector.shape_cast %get3A_424 : vector<1x16xf32> to vector<16xf32>
        %mul3A_426 = arith.mulf %get3A_421, %get3A_425 : vector<16xf32>
        %swap3A = arith.index_cast %scan3A_418 : i32 to index
        %swap3A_427 = arith.constant 0 : index
        %swap3A_428 = tpu.vector_load %arg16[%swap3A, %swap3A_427] {strides = array<i32>} : memref<40x128xf32, #tpu.memory_space<vmem>>, vector<1x16xf32>,
        %swap3A_429 = vector.shape_cast %swap3A_428 : vector<1x16xf32> to vector<16xf32>
        %swap3A_430 = vector.shape_cast %mul3A_426 : vector<16xf32> to vector<1x16xf32>
        tpu.vector_store %arg16[%swap3A, %swap3A_427], %swap3A_430 {strides = array<i32>} : memref<40x128xf32, #tpu.memory_space<vmem>>, vector<1x16xf32>,
        %get3A_431 = arith.index_cast %scan3A_418 : i32 to index
        %get3A_432 = arith.constant 16 : index
        %get3A_433 = tpu.vector_load %arg16[%get3A_431, %get3A_432] {strides = array<i32>} : memref<40x128xf32, #tpu.memory_space<vmem>>, vector<1x16xf32>,
        %get3A_434 = vector.shape_cast %get3A_433 : vector<1x16xf32> to vector<16xf32>
        %get3A_435 = arith.index_cast %scan3A_418 : i32 to index
        %get3A_436 = arith.constant 16 : index
        %get3A_437 = tpu.vector_load %arg14[%get3A_435, %get3A_436] {strides = array<i32>} : memref<40x128xf32, #tpu.memory_space<vmem>>, vector<1x16xf32>,
        %get3A_438 = vector.shape_cast %get3A_437 : vector<1x16xf32> to vector<16xf32>
        %mul3A_439 = arith.mulf %get3A_434, %get3A_438 : vector<16xf32>
        %swap3A_440 = arith.index_cast %scan3A_418 : i32 to index
        %swap3A_441 = arith.constant 16 : index
        %swap3A_442 = tpu.vector_load %arg16[%swap3A_440, %swap3A_441] {strides = array<i32>} : memref<40x128xf32, #tpu.memory_space<vmem>>, vector<1x16xf32>,
        %swap3A_443 = vector.shape_cast %swap3A_442 : vector<1x16xf32> to vector<16xf32>
        %swap3A_444 = vector.shape_cast %mul3A_439 : vector<16xf32> to vector<1x16xf32>
        tpu.vector_store %arg16[%swap3A_440, %swap3A_441], %swap3A_444 {strides = array<i32>} : memref<40x128xf32, #tpu.memory_space<vmem>>, vector<1x16xf32>,
        %get3A_445 = arith.index_cast %scan3A_418 : i32 to index
        %get3A_446 = arith.constant 32 : index
        %get3A_447 = tpu.vector_load %arg16[%get3A_445, %get3A_446] {strides = array<i32>} : memref<40x128xf32, #tpu.memory_space<vmem>>, vector<1x16xf32>,
        %get3A_448 = vector.shape_cast %get3A_447 : vector<1x16xf32> to vector<16xf32>
        %get3A_449 = arith.index_cast %scan3A_418 : i32 to index
        %get3A_450 = arith.constant 32 : index
        %get3A_451 = tpu.vector_load %arg14[%get3A_449, %get3A_450] {strides = array<i32>} : memref<40x128xf32, #tpu.memory_space<vmem>>, vector<1x16xf32>,
        %get3A_452 = vector.shape_cast %get3A_451 : vector<1x16xf32> to vector<16xf32>
        %mul3A_453 = arith.mulf %get3A_448, %get3A_452 : vector<16xf32>
        %swap3A_454 = arith.index_cast %scan3A_418 : i32 to index
        %swap3A_455 = arith.constant 32 : index
        %swap3A_456 = tpu.vector_load %arg16[%swap3A_454, %swap3A_455] {strides = array<i32>} : memref<40x128xf32, #tpu.memory_space<vmem>>, vector<1x16xf32>,
        %swap3A_457 = vector.shape_cast %swap3A_456 : vector<1x16xf32> to vector<16xf32>
        %swap3A_458 = vector.shape_cast %mul3A_453 : vector<16xf32> to vector<1x16xf32>
        tpu.vector_store %arg16[%swap3A_454, %swap3A_455], %swap3A_458 {strides = array<i32>} : memref<40x128xf32, #tpu.memory_space<vmem>>, vector<1x16xf32>,
        %get3A_459 = arith.index_cast %scan3A_418 : i32 to index
        %get3A_460 = arith.constant 48 : index
        %get3A_461 = tpu.vector_load %arg16[%get3A_459, %get3A_460] {strides = array<i32>} : memref<40x128xf32, #tpu.memory_space<vmem>>, vector<1x16xf32>,
        %get3A_462 = vector.shape_cast %get3A_461 : vector<1x16xf32> to vector<16xf32>
        %get3A_463 = arith.index_cast %scan3A_418 : i32 to index
        %get3A_464 = arith.constant 48 : index
        %get3A_465 = tpu.vector_load %arg14[%get3A_463, %get3A_464] {strides = array<i32>} : memref<40x128xf32, #tpu.memory_space<vmem>>, vector<1x16xf32>,
        %get3A_466 = vector.shape_cast %get3A_465 : vector<1x16xf32> to vector<16xf32>
        %mul3A_467 = arith.mulf %get3A_462, %get3A_466 : vector<16xf32>
        %swap3A_468 = arith.index_cast %scan3A_418 : i32 to index
        %swap3A_469 = arith.constant 48 : index
        %swap3A_470 = tpu.vector_load %arg16[%swap3A_468, %swap3A_469] {strides = array<i32>} : memref<40x128xf32, #tpu.memory_space<vmem>>, vector<1x16xf32>,
        %swap3A_471 = vector.shape_cast %swap3A_470 : vector<1x16xf32> to vector<16xf32>
        %swap3A_472 = vector.shape_cast %mul3A_467 : vector<16xf32> to vector<1x16xf32>
        tpu.vector_store %arg16[%swap3A_468, %swap3A_469], %swap3A_472 {strides = array<i32>} : memref<40x128xf32, #tpu.memory_space<vmem>>, vector<1x16xf32>,
        %get3A_473 = arith.index_cast %scan3A_418 : i32 to index
        %get3A_474 = arith.constant 64 : index
        %get3A_475 = tpu.vector_load %arg16[%get3A_473, %get3A_474] {strides = array<i32>} : memref<40x128xf32, #tpu.memory_space<vmem>>, vector<1x16xf32>,
        %get3A_476 = vector.shape_cast %get3A_475 : vector<1x16xf32> to vector<16xf32>
        %get3A_477 = arith.index_cast %scan3A_418 : i32 to index
        %get3A_478 = arith.constant 64 : index
        %get3A_479 = tpu.vector_load %arg14[%get3A_477, %get3A_478] {strides = array<i32>} : memref<40x128xf32, #tpu.memory_space<vmem>>, vector<1x16xf32>,
        %get3A_480 = vector.shape_cast %get3A_479 : vector<1x16xf32> to vector<16xf32>
        %mul3A_481 = arith.mulf %get3A_476, %get3A_480 : vector<16xf32>
        %swap3A_482 = arith.index_cast %scan3A_418 : i32 to index
        %swap3A_483 = arith.constant 64 : index
        %swap3A_484 = tpu.vector_load %arg16[%swap3A_482, %swap3A_483] {strides = array<i32>} : memref<40x128xf32, #tpu.memory_space<vmem>>, vector<1x16xf32>,
        %swap3A_485 = vector.shape_cast %swap3A_484 : vector<1x16xf32> to vector<16xf32>
        %swap3A_486 = vector.shape_cast %mul3A_481 : vector<16xf32> to vector<1x16xf32>
        tpu.vector_store %arg16[%swap3A_482, %swap3A_483], %swap3A_486 {strides = array<i32>} : memref<40x128xf32, #tpu.memory_space<vmem>>, vector<1x16xf32>,
        %get3A_487 = arith.index_cast %scan3A_418 : i32 to index
        %get3A_488 = arith.constant 80 : index
        %get3A_489 = tpu.vector_load %arg16[%get3A_487, %get3A_488] {strides = array<i32>} : memref<40x128xf32, #tpu.memory_space<vmem>>, vector<1x16xf32>,
        %get3A_490 = vector.shape_cast %get3A_489 : vector<1x16xf32> to vector<16xf32>
        %get3A_491 = arith.index_cast %scan3A_418 : i32 to index
        %get3A_492 = arith.constant 80 : index
        %get3A_493 = tpu.vector_load %arg14[%get3A_491, %get3A_492] {strides = array<i32>} : memref<40x128xf32, #tpu.memory_space<vmem>>, vector<1x16xf32>,
        %get3A_494 = vector.shape_cast %get3A_493 : vector<1x16xf32> to vector<16xf32>
        %mul3A_495 = arith.mulf %get3A_490, %get3A_494 : vector<16xf32>
        %swap3A_496 = arith.index_cast %scan3A_418 : i32 to index
        %swap3A_497 = arith.constant 80 : index
        %swap3A_498 = tpu.vector_load %arg16[%swap3A_496, %swap3A_497] {strides = array<i32>} : memref<40x128xf32, #tpu.memory_space<vmem>>, vector<1x16xf32>,
        %swap3A_499 = vector.shape_cast %swap3A_498 : vector<1x16xf32> to vector<16xf32>
        %swap3A_500 = vector.shape_cast %mul3A_495 : vector<16xf32> to vector<1x16xf32>
        tpu.vector_store %arg16[%swap3A_496, %swap3A_497], %swap3A_500 {strides = array<i32>} : memref<40x128xf32, #tpu.memory_space<vmem>>, vector<1x16xf32>,
        %get3A_501 = arith.index_cast %scan3A_418 : i32 to index
        %get3A_502 = arith.constant 96 : index
        %get3A_503 = tpu.vector_load %arg16[%get3A_501, %get3A_502] {strides = array<i32>} : memref<40x128xf32, #tpu.memory_space<vmem>>, vector<1x16xf32>,
        %get3A_504 = vector.shape_cast %get3A_503 : vector<1x16xf32> to vector<16xf32>
        %get3A_505 = arith.index_cast %scan3A_418 : i32 to index
        %get3A_506 = arith.constant 96 : index
        %get3A_507 = tpu.vector_load %arg14[%get3A_505, %get3A_506] {strides = array<i32>} : memref<40x128xf32, #tpu.memory_space<vmem>>, vector<1x16xf32>,
        %get3A_508 = vector.shape_cast %get3A_507 : vector<1x16xf32> to vector<16xf32>
        %mul3A_509 = arith.mulf %get3A_504, %get3A_508 : vector<16xf32>
        %swap3A_510 = arith.index_cast %scan3A_418 : i32 to index
        %swap3A_511 = arith.constant 96 : index
        %swap3A_512 = tpu.vector_load %arg16[%swap3A_510, %swap3A_511] {strides = array<i32>} : memref<40x128xf32, #tpu.memory_space<vmem>>, vector<1x16xf32>,
        %swap3A_513 = vector.shape_cast %swap3A_512 : vector<1x16xf32> to vector<16xf32>
        %swap3A_514 = vector.shape_cast %mul3A_509 : vector<16xf32> to vector<1x16xf32>
        tpu.vector_store %arg16[%swap3A_510, %swap3A_511], %swap3A_514 {strides = array<i32>} : memref<40x128xf32, #tpu.memory_space<vmem>>, vector<1x16xf32>,
        %get3A_515 = arith.index_cast %scan3A_418 : i32 to index
        %get3A_516 = arith.constant 112 : index
        %get3A_517 = tpu.vector_load %arg16[%get3A_515, %get3A_516] {strides = array<i32>} : memref<40x128xf32, #tpu.memory_space<vmem>>, vector<1x16xf32>,
        %get3A_518 = vector.shape_cast %get3A_517 : vector<1x16xf32> to vector<16xf32>
        %get3A_519 = arith.index_cast %scan3A_418 : i32 to index
        %get3A_520 = arith.constant 112 : index
        %get3A_521 = tpu.vector_load %arg14[%get3A_519, %get3A_520] {strides = array<i32>} : memref<40x128xf32, #tpu.memory_space<vmem>>, vector<1x16xf32>,
        %get3A_522 = vector.shape_cast %get3A_521 : vector<1x16xf32> to vector<16xf32>
        %mul3A_523 = arith.mulf %get3A_518, %get3A_522 : vector<16xf32>
        %swap3A_524 = arith.index_cast %scan3A_418 : i32 to index
        %swap3A_525 = arith.constant 112 : index
        %swap3A_526 = tpu.vector_load %arg16[%swap3A_524, %swap3A_525] {strides = array<i32>} : memref<40x128xf32, #tpu.memory_space<vmem>>, vector<1x16xf32>,
        %swap3A_527 = vector.shape_cast %swap3A_526 : vector<1x16xf32> to vector<16xf32>
        %swap3A_528 = vector.shape_cast %mul3A_523 : vector<16xf32> to vector<1x16xf32>
        tpu.vector_store %arg16[%swap3A_524, %swap3A_525], %swap3A_528 {strides = array<i32>} : memref<40x128xf32, #tpu.memory_space<vmem>>, vector<1x16xf32>,
      }
      %scan3A_408 = arith.constant 40 : i32
      %dma_wait3A_409 = arith.constant 0 : i32
      %dma_wait3A_410 = tpu.memref_slice %arg5[%dma_wait3A_409] : memref<320000xi32, #tpu.memory_space<hbm>> -> memref<40xi32, #tpu.memory_space<hbm>>
      %dma_wait3A_411 = arith.constant 0 : i32
      %dma_wait3A_412 = tpu.memref_slice %arg5[%dma_wait3A_411] : memref<320000xi32, #tpu.memory_space<hbm>> -> memref<40xi32, #tpu.memory_space<hbm>>
      tpu.wait_dma2 semaphore(%arg22 : memref<!tpu.dma_semaphore, #tpu.memory_space<semaphore_mem>>) src(%dma_wait3A_412 : memref<40xi32, #tpu.memory_space<hbm>>) dst(%arg12 : memref<40xi32, #tpu.memory_space<vmem>>)
      "tpu.region"() ({
        %run_scoped3A = tpu.sem_alloc : memref<!tpu.dma_semaphore, #tpu.memory_space<semaphore_mem>>
        %dma_start3A_418 = arith.constant 0 : i32
        %dma_start3A_419 = arith.constant 0 : i32
        %dma_start3A_420 = tpu.memref_slice %arg9[%dma_start3A_418, %dma_start3A_419] : memref<10000x128xf32, #tpu.memory_space<vmem_shared>> -> memref<10000x128xf32, #tpu.memory_space<vmem_shared>>
        tpu.enqueue_indirect_dma source(%arg16 : memref<40x128xf32, #tpu.memory_space<vmem>>) target(%dma_start3A_420 : memref<10000x128xf32, #tpu.memory_space<vmem_shared>>) offsets(%arg12 : memref<40xi32, #tpu.memory_space<vmem>>) semaphore(%run_scoped3A : memref<!tpu.dma_semaphore, #tpu.memory_space<semaphore_mem>>) {add = true}
        %dma_wait3A_421 = arith.constant 0 : i32
        %dma_wait3A_422 = arith.constant 0 : i32
        %dma_wait3A_423 = tpu.memref_slice %arg9[%dma_wait3A_421, %dma_wait3A_422] : memref<10000x128xf32, #tpu.memory_space<vmem_shared>> -> memref<10000x128xf32, #tpu.memory_space<vmem_shared>>
        tpu.wait_indirect_dma semaphore(%run_scoped3A : memref<!tpu.dma_semaphore, #tpu.memory_space<semaphore_mem>>) src(%arg16 : memref<40x128xf32, #tpu.memory_space<vmem>>) dst(%dma_wait3A_423 : memref<10000x128xf32, #tpu.memory_space<vmem_shared>>)
        tpu.yield
      }) : () -> ()
      %lt3A_413 = arith.constant 125 : i32
      %lt3A_414 = arith.cmpi slt, %add3A_384, %lt3A_413 : i32
      %convert_element_type3A_415 = arith.extui %lt3A_414 : i1 to i32
      %cond3A_416 = arith.constant 0 : i32
      %cond3A_417 = arith.cmpi ne, %convert_element_type3A_415, %cond3A_416 : i32
      scf.if %cond3A_417 {
        %mul3A_418 = arith.constant 5000 : i32
        %mul3A_419 = arith.muli %add3A, %mul3A_418 : i32
        %add3A_420 = arith.constant 0 : i32
        %add3A_421 = arith.addi %add3A_420, %mul3A_419 : i32
        %mul3A_422 = arith.constant 40 : i32
        %mul3A_423 = arith.muli %add3A_384, %mul3A_422 : i32
        %add3A_424 = arith.addi %add3A_421, %mul3A_423 : i32
        %dma_start3A_425 = tpu.memref_slice %arg5[%add3A_424] : memref<320000xi32, #tpu.memory_space<hbm>> -> memref<40xi32, #tpu.memory_space<hbm>>
        %dma_start3A_426 = tpu.memref_slice %arg5[%add3A_424] : memref<320000xi32, #tpu.memory_space<hbm>> -> memref<40xi32, #tpu.memory_space<hbm>>
        tpu.enqueue_dma source(%dma_start3A_426 : memref<40xi32, #tpu.memory_space<hbm>>) target(%arg12 : memref<40xi32, #tpu.memory_space<vmem>>) target_semaphore(%arg22 : memref<!tpu.dma_semaphore, #tpu.memory_space<semaphore_mem>>)
      } else {
      }
    }
    %scan3A_153 = arith.constant 62 : i32
    %dma_wait3A = arith.constant 0 : i32
    %dma_wait3A_154 = tpu.memref_slice %arg10[%dma_wait3A] : memref<5000xi32, #tpu.memory_space<vmem>> -> memref<40xi32, #tpu.memory_space<vmem>>
    %dma_wait3A_155 = arith.constant 0 : i32
    %dma_wait3A_156 = arith.constant 0 : i32
    %dma_wait3A_157 = tpu.memref_slice %arg2[%dma_wait3A_155, %dma_wait3A_156] : memref<10000x128xf32, #tpu.memory_space<hbm>> -> memref<10000x128xf32, #tpu.memory_space<hbm>>
    tpu.wait_indirect_dma semaphore(%arg17 : memref<!tpu.dma_semaphore, #tpu.memory_space<semaphore_mem>>) src(%dma_wait3A_157 : memref<10000x128xf32, #tpu.memory_space<hbm>>) dst(%arg15 : memref<40x128xf32, #tpu.memory_space<vmem>>)
    %dma_wait3A_158 = arith.constant 0 : i32
    %dma_wait3A_159 = arith.constant 0 : i32
    %dma_wait3A_160 = tpu.memref_slice %arg3[%dma_wait3A_158, %dma_wait3A_159] : memref<160000x128xf32, #tpu.memory_space<hbm>> -> memref<40x128xf32, #tpu.memory_space<hbm>>
    %dma_wait3A_161 = arith.constant 0 : i32
    %dma_wait3A_162 = arith.constant 0 : i32
    %dma_wait3A_163 = tpu.memref_slice %arg3[%dma_wait3A_161, %dma_wait3A_162] : memref<160000x128xf32, #tpu.memory_space<hbm>> -> memref<40x128xf32, #tpu.memory_space<hbm>>
    tpu.wait_dma2 semaphore(%arg19 : memref<!tpu.dma_semaphore, #tpu.memory_space<semaphore_mem>>) src(%dma_wait3A_163 : memref<40x128xf32, #tpu.memory_space<hbm>>) dst(%arg13 : memref<40x128xf32, #tpu.memory_space<vmem>>)
    %scan3A_164 = arith.constant 0 : i32
    %scan3A_165 = arith.constant 0 : i32
    %scan3A_166 = arith.constant 40 : i32
    %scan3A_167 = arith.addi %scan3A_165, %scan3A_166 : i32
    %scan3A_168 = arith.constant 1 : i32
    scf.for %scan3A_343 = %scan3A_165 to %scan3A_167 step %scan3A_168  : i32 {
      %get3A = arith.index_cast %scan3A_343 : i32 to index
      %get3A_344 = arith.constant 0 : index
      %get3A_345 = tpu.vector_load %arg15[%get3A, %get3A_344] {strides = array<i32>} : memref<40x128xf32, #tpu.memory_space<vmem>>, vector<1x16xf32>,
      %get3A_346 = vector.shape_cast %get3A_345 : vector<1x16xf32> to vector<16xf32>
      %get3A_347 = arith.index_cast %scan3A_343 : i32 to index
      %get3A_348 = arith.constant 0 : index
      %get3A_349 = tpu.vector_load %arg13[%get3A_347, %get3A_348] {strides = array<i32>} : memref<40x128xf32, #tpu.memory_space<vmem>>, vector<1x16xf32>,
      %get3A_350 = vector.shape_cast %get3A_349 : vector<1x16xf32> to vector<16xf32>
      %mul3A_351 = arith.mulf %get3A_346, %get3A_350 : vector<16xf32>
      %swap3A = arith.index_cast %scan3A_343 : i32 to index
      %swap3A_352 = arith.constant 0 : index
      %swap3A_353 = tpu.vector_load %arg15[%swap3A, %swap3A_352] {strides = array<i32>} : memref<40x128xf32, #tpu.memory_space<vmem>>, vector<1x16xf32>,
      %swap3A_354 = vector.shape_cast %swap3A_353 : vector<1x16xf32> to vector<16xf32>
      %swap3A_355 = vector.shape_cast %mul3A_351 : vector<16xf32> to vector<1x16xf32>
      tpu.vector_store %arg15[%swap3A, %swap3A_352], %swap3A_355 {strides = array<i32>} : memref<40x128xf32, #tpu.memory_space<vmem>>, vector<1x16xf32>,
      %get3A_356 = arith.index_cast %scan3A_343 : i32 to index
      %get3A_357 = arith.constant 16 : index
      %get3A_358 = tpu.vector_load %arg15[%get3A_356, %get3A_357] {strides = array<i32>} : memref<40x128xf32, #tpu.memory_space<vmem>>, vector<1x16xf32>,
      %get3A_359 = vector.shape_cast %get3A_358 : vector<1x16xf32> to vector<16xf32>
      %get3A_360 = arith.index_cast %scan3A_343 : i32 to index
      %get3A_361 = arith.constant 16 : index
      %get3A_362 = tpu.vector_load %arg13[%get3A_360, %get3A_361] {strides = array<i32>} : memref<40x128xf32, #tpu.memory_space<vmem>>, vector<1x16xf32>,
      %get3A_363 = vector.shape_cast %get3A_362 : vector<1x16xf32> to vector<16xf32>
      %mul3A_364 = arith.mulf %get3A_359, %get3A_363 : vector<16xf32>
      %swap3A_365 = arith.index_cast %scan3A_343 : i32 to index
      %swap3A_366 = arith.constant 16 : index
      %swap3A_367 = tpu.vector_load %arg15[%swap3A_365, %swap3A_366] {strides = array<i32>} : memref<40x128xf32, #tpu.memory_space<vmem>>, vector<1x16xf32>,
      %swap3A_368 = vector.shape_cast %swap3A_367 : vector<1x16xf32> to vector<16xf32>
      %swap3A_369 = vector.shape_cast %mul3A_364 : vector<16xf32> to vector<1x16xf32>
      tpu.vector_store %arg15[%swap3A_365, %swap3A_366], %swap3A_369 {strides = array<i32>} : memref<40x128xf32, #tpu.memory_space<vmem>>, vector<1x16xf32>,
      %get3A_370 = arith.index_cast %scan3A_343 : i32 to index
      %get3A_371 = arith.constant 32 : index
      %get3A_372 = tpu.vector_load %arg15[%get3A_370, %get3A_371] {strides = array<i32>} : memref<40x128xf32, #tpu.memory_space<vmem>>, vector<1x16xf32>,
      %get3A_373 = vector.shape_cast %get3A_372 : vector<1x16xf32> to vector<16xf32>
      %get3A_374 = arith.index_cast %scan3A_343 : i32 to index
      %get3A_375 = arith.constant 32 : index
      %get3A_376 = tpu.vector_load %arg13[%get3A_374, %get3A_375] {strides = array<i32>} : memref<40x128xf32, #tpu.memory_space<vmem>>, vector<1x16xf32>,
      %get3A_377 = vector.shape_cast %get3A_376 : vector<1x16xf32> to vector<16xf32>
      %mul3A_378 = arith.mulf %get3A_373, %get3A_377 : vector<16xf32>
      %swap3A_379 = arith.index_cast %scan3A_343 : i32 to index
      %swap3A_380 = arith.constant 32 : index
      %swap3A_381 = tpu.vector_load %arg15[%swap3A_379, %swap3A_380] {strides = array<i32>} : memref<40x128xf32, #tpu.memory_space<vmem>>, vector<1x16xf32>,
      %swap3A_382 = vector.shape_cast %swap3A_381 : vector<1x16xf32> to vector<16xf32>
      %swap3A_383 = vector.shape_cast %mul3A_378 : vector<16xf32> to vector<1x16xf32>
      tpu.vector_store %arg15[%swap3A_379, %swap3A_380], %swap3A_383 {strides = array<i32>} : memref<40x128xf32, #tpu.memory_space<vmem>>, vector<1x16xf32>,
      %get3A_384 = arith.index_cast %scan3A_343 : i32 to index
      %get3A_385 = arith.constant 48 : index
      %get3A_386 = tpu.vector_load %arg15[%get3A_384, %get3A_385] {strides = array<i32>} : memref<40x128xf32, #tpu.memory_space<vmem>>, vector<1x16xf32>,
      %get3A_387 = vector.shape_cast %get3A_386 : vector<1x16xf32> to vector<16xf32>
      %get3A_388 = arith.index_cast %scan3A_343 : i32 to index
      %get3A_389 = arith.constant 48 : index
      %get3A_390 = tpu.vector_load %arg13[%get3A_388, %get3A_389] {strides = array<i32>} : memref<40x128xf32, #tpu.memory_space<vmem>>, vector<1x16xf32>,
      %get3A_391 = vector.shape_cast %get3A_390 : vector<1x16xf32> to vector<16xf32>
      %mul3A_392 = arith.mulf %get3A_387, %get3A_391 : vector<16xf32>
      %swap3A_393 = arith.index_cast %scan3A_343 : i32 to index
      %swap3A_394 = arith.constant 48 : index
      %swap3A_395 = tpu.vector_load %arg15[%swap3A_393, %swap3A_394] {strides = array<i32>} : memref<40x128xf32, #tpu.memory_space<vmem>>, vector<1x16xf32>,
      %swap3A_396 = vector.shape_cast %swap3A_395 : vector<1x16xf32> to vector<16xf32>
      %swap3A_397 = vector.shape_cast %mul3A_392 : vector<16xf32> to vector<1x16xf32>
      tpu.vector_store %arg15[%swap3A_393, %swap3A_394], %swap3A_397 {strides = array<i32>} : memref<40x128xf32, #tpu.memory_space<vmem>>, vector<1x16xf32>,
      %get3A_398 = arith.index_cast %scan3A_343 : i32 to index
      %get3A_399 = arith.constant 64 : index
      %get3A_400 = tpu.vector_load %arg15[%get3A_398, %get3A_399] {strides = array<i32>} : memref<40x128xf32, #tpu.memory_space<vmem>>, vector<1x16xf32>,
      %get3A_401 = vector.shape_cast %get3A_400 : vector<1x16xf32> to vector<16xf32>
      %get3A_402 = arith.index_cast %scan3A_343 : i32 to index
      %get3A_403 = arith.constant 64 : index
      %get3A_404 = tpu.vector_load %arg13[%get3A_402, %get3A_403] {strides = array<i32>} : memref<40x128xf32, #tpu.memory_space<vmem>>, vector<1x16xf32>,
      %get3A_405 = vector.shape_cast %get3A_404 : vector<1x16xf32> to vector<16xf32>
      %mul3A_406 = arith.mulf %get3A_401, %get3A_405 : vector<16xf32>
      %swap3A_407 = arith.index_cast %scan3A_343 : i32 to index
      %swap3A_408 = arith.constant 64 : index
      %swap3A_409 = tpu.vector_load %arg15[%swap3A_407, %swap3A_408] {strides = array<i32>} : memref<40x128xf32, #tpu.memory_space<vmem>>, vector<1x16xf32>,
      %swap3A_410 = vector.shape_cast %swap3A_409 : vector<1x16xf32> to vector<16xf32>
      %swap3A_411 = vector.shape_cast %mul3A_406 : vector<16xf32> to vector<1x16xf32>
      tpu.vector_store %arg15[%swap3A_407, %swap3A_408], %swap3A_411 {strides = array<i32>} : memref<40x128xf32, #tpu.memory_space<vmem>>, vector<1x16xf32>,
      %get3A_412 = arith.index_cast %scan3A_343 : i32 to index
      %get3A_413 = arith.constant 80 : index
      %get3A_414 = tpu.vector_load %arg15[%get3A_412, %get3A_413] {strides = array<i32>} : memref<40x128xf32, #tpu.memory_space<vmem>>, vector<1x16xf32>,
      %get3A_415 = vector.shape_cast %get3A_414 : vector<1x16xf32> to vector<16xf32>
      %get3A_416 = arith.index_cast %scan3A_343 : i32 to index
      %get3A_417 = arith.constant 80 : index
      %get3A_418 = tpu.vector_load %arg13[%get3A_416, %get3A_417] {strides = array<i32>} : memref<40x128xf32, #tpu.memory_space<vmem>>, vector<1x16xf32>,
      %get3A_419 = vector.shape_cast %get3A_418 : vector<1x16xf32> to vector<16xf32>
      %mul3A_420 = arith.mulf %get3A_415, %get3A_419 : vector<16xf32>
      %swap3A_421 = arith.index_cast %scan3A_343 : i32 to index
      %swap3A_422 = arith.constant 80 : index
      %swap3A_423 = tpu.vector_load %arg15[%swap3A_421, %swap3A_422] {strides = array<i32>} : memref<40x128xf32, #tpu.memory_space<vmem>>, vector<1x16xf32>,
      %swap3A_424 = vector.shape_cast %swap3A_423 : vector<1x16xf32> to vector<16xf32>
      %swap3A_425 = vector.shape_cast %mul3A_420 : vector<16xf32> to vector<1x16xf32>
      tpu.vector_store %arg15[%swap3A_421, %swap3A_422], %swap3A_425 {strides = array<i32>} : memref<40x128xf32, #tpu.memory_space<vmem>>, vector<1x16xf32>,
      %get3A_426 = arith.index_cast %scan3A_343 : i32 to index
      %get3A_427 = arith.constant 96 : index
      %get3A_428 = tpu.vector_load %arg15[%get3A_426, %get3A_427] {strides = array<i32>} : memref<40x128xf32, #tpu.memory_space<vmem>>, vector<1x16xf32>,
      %get3A_429 = vector.shape_cast %get3A_428 : vector<1x16xf32> to vector<16xf32>
      %get3A_430 = arith.index_cast %scan3A_343 : i32 to index
      %get3A_431 = arith.constant 96 : index
      %get3A_432 = tpu.vector_load %arg13[%get3A_430, %get3A_431] {strides = array<i32>} : memref<40x128xf32, #tpu.memory_space<vmem>>, vector<1x16xf32>,
      %get3A_433 = vector.shape_cast %get3A_432 : vector<1x16xf32> to vector<16xf32>
      %mul3A_434 = arith.mulf %get3A_429, %get3A_433 : vector<16xf32>
      %swap3A_435 = arith.index_cast %scan3A_343 : i32 to index
      %swap3A_436 = arith.constant 96 : index
      %swap3A_437 = tpu.vector_load %arg15[%swap3A_435, %swap3A_436] {strides = array<i32>} : memref<40x128xf32, #tpu.memory_space<vmem>>, vector<1x16xf32>,
      %swap3A_438 = vector.shape_cast %swap3A_437 : vector<1x16xf32> to vector<16xf32>
      %swap3A_439 = vector.shape_cast %mul3A_434 : vector<16xf32> to vector<1x16xf32>
      tpu.vector_store %arg15[%swap3A_435, %swap3A_436], %swap3A_439 {strides = array<i32>} : memref<40x128xf32, #tpu.memory_space<vmem>>, vector<1x16xf32>,
      %get3A_440 = arith.index_cast %scan3A_343 : i32 to index
      %get3A_441 = arith.constant 112 : index
      %get3A_442 = tpu.vector_load %arg15[%get3A_440, %get3A_441] {strides = array<i32>} : memref<40x128xf32, #tpu.memory_space<vmem>>, vector<1x16xf32>,
      %get3A_443 = vector.shape_cast %get3A_442 : vector<1x16xf32> to vector<16xf32>
      %get3A_444 = arith.index_cast %scan3A_343 : i32 to index
      %get3A_445 = arith.constant 112 : index
      %get3A_446 = tpu.vector_load %arg13[%get3A_444, %get3A_445] {strides = array<i32>} : memref<40x128xf32, #tpu.memory_space<vmem>>, vector<1x16xf32>,
      %get3A_447 = vector.shape_cast %get3A_446 : vector<1x16xf32> to vector<16xf32>
      %mul3A_448 = arith.mulf %get3A_443, %get3A_447 : vector<16xf32>
      %swap3A_449 = arith.index_cast %scan3A_343 : i32 to index
      %swap3A_450 = arith.constant 112 : index
      %swap3A_451 = tpu.vector_load %arg15[%swap3A_449, %swap3A_450] {strides = array<i32>} : memref<40x128xf32, #tpu.memory_space<vmem>>, vector<1x16xf32>,
      %swap3A_452 = vector.shape_cast %swap3A_451 : vector<1x16xf32> to vector<16xf32>
      %swap3A_453 = vector.shape_cast %mul3A_448 : vector<16xf32> to vector<1x16xf32>
      tpu.vector_store %arg15[%swap3A_449, %swap3A_450], %swap3A_453 {strides = array<i32>} : memref<40x128xf32, #tpu.memory_space<vmem>>, vector<1x16xf32>,
    }
    %scan3A_169 = arith.constant 40 : i32
    %dma_wait3A_170 = arith.constant 0 : i32
    %dma_wait3A_171 = tpu.memref_slice %arg5[%dma_wait3A_170] : memref<320000xi32, #tpu.memory_space<hbm>> -> memref<40xi32, #tpu.memory_space<hbm>>
    %dma_wait3A_172 = arith.constant 0 : i32
    %dma_wait3A_173 = tpu.memref_slice %arg5[%dma_wait3A_172] : memref<320000xi32, #tpu.memory_space<hbm>> -> memref<40xi32, #tpu.memory_space<hbm>>
    tpu.wait_dma2 semaphore(%arg21 : memref<!tpu.dma_semaphore, #tpu.memory_space<semaphore_mem>>) src(%dma_wait3A_173 : memref<40xi32, #tpu.memory_space<hbm>>) dst(%arg11 : memref<40xi32, #tpu.memory_space<vmem>>)
    "tpu.region"() ({
      %run_scoped3A = tpu.sem_alloc : memref<!tpu.dma_semaphore, #tpu.memory_space<semaphore_mem>>
      %dma_start3A_343 = arith.constant 0 : i32
      %dma_start3A_344 = arith.constant 0 : i32
      %dma_start3A_345 = tpu.memref_slice %arg9[%dma_start3A_343, %dma_start3A_344] : memref<10000x128xf32, #tpu.memory_space<vmem_shared>> -> memref<10000x128xf32, #tpu.memory_space<vmem_shared>>
      tpu.enqueue_indirect_dma source(%arg15 : memref<40x128xf32, #tpu.memory_space<vmem>>) target(%dma_start3A_345 : memref<10000x128xf32, #tpu.memory_space<vmem_shared>>) offsets(%arg11 : memref<40xi32, #tpu.memory_space<vmem>>) semaphore(%run_scoped3A : memref<!tpu.dma_semaphore, #tpu.memory_space<semaphore_mem>>) {add = true}
      %dma_wait3A_346 = arith.constant 0 : i32
      %dma_wait3A_347 = arith.constant 0 : i32
      %dma_wait3A_348 = tpu.memref_slice %arg9[%dma_wait3A_346, %dma_wait3A_347] : memref<10000x128xf32, #tpu.memory_space<vmem_shared>> -> memref<10000x128xf32, #tpu.memory_space<vmem_shared>>
      tpu.wait_indirect_dma semaphore(%run_scoped3A : memref<!tpu.dma_semaphore, #tpu.memory_space<semaphore_mem>>) src(%arg15 : memref<40x128xf32, #tpu.memory_space<vmem>>) dst(%dma_wait3A_348 : memref<10000x128xf32, #tpu.memory_space<vmem_shared>>)
      tpu.yield
    }) : () -> ()
    %add3A_174 = arith.constant 0 : i32
    %add3A_175 = arith.addi %add3A, %add3A_174 : i32
    %lt3A_176 = arith.constant 250 : i32
    %lt3A_177 = arith.cmpi slt, %add3A_175, %lt3A_176 : i32
    %convert_element_type3A_178 = arith.extui %lt3A_177 : i1 to i32
    %cond3A_179 = arith.constant 0 : i32
    %cond3A_180 = arith.cmpi ne, %convert_element_type3A_178, %cond3A_179 : i32
    scf.if %cond3A_180 {
      %mul3A_343 = arith.constant 40 : i32
      %mul3A_344 = arith.muli %add3A_175, %mul3A_343 : i32
      "tpu.region"() ({
        %run_scoped3A = tpu.sem_alloc : memref<!tpu.dma_semaphore, #tpu.memory_space<semaphore_mem>>
        %dma_start3A_351 = tpu.memref_slice %arg6[%mul3A_344] : memref<10000xi32, #tpu.memory_space<hbm>> -> memref<40xi32, #tpu.memory_space<hbm>>
        %dma_start3A_352 = tpu.memref_slice %arg6[%mul3A_344] : memref<10000xi32, #tpu.memory_space<hbm>> -> memref<40xi32, #tpu.memory_space<hbm>>
        tpu.enqueue_dma source(%dma_start3A_352 : memref<40xi32, #tpu.memory_space<hbm>>) target(%arg11 : memref<40xi32, #tpu.memory_space<vmem>>) target_semaphore(%run_scoped3A : memref<!tpu.dma_semaphore, #tpu.memory_space<semaphore_mem>>)
        %dma_wait3A_353 = tpu.memref_slice %arg6[%mul3A_344] : memref<10000xi32, #tpu.memory_space<hbm>> -> memref<40xi32, #tpu.memory_space<hbm>>
        %dma_wait3A_354 = tpu.memref_slice %arg6[%mul3A_344] : memref<10000xi32, #tpu.memory_space<hbm>> -> memref<40xi32, #tpu.memory_space<hbm>>
        tpu.wait_dma2 semaphore(%run_scoped3A : memref<!tpu.dma_semaphore, #tpu.memory_space<semaphore_mem>>) src(%dma_wait3A_354 : memref<40xi32, #tpu.memory_space<hbm>>) dst(%arg11 : memref<40xi32, #tpu.memory_space<vmem>>)
        tpu.yield
      }) : () -> ()
      %dma_start3A_345 = arith.constant 0 : i32
      %dma_start3A_346 = arith.constant 0 : i32
      %dma_start3A_347 = tpu.memref_slice %arg2[%dma_start3A_345, %dma_start3A_346] : memref<10000x128xf32, #tpu.memory_space<hbm>> -> memref<10000x128xf32, #tpu.memory_space<hbm>>
      tpu.enqueue_indirect_dma source(%dma_start3A_347 : memref<10000x128xf32, #tpu.memory_space<hbm>>) target(%arg15 : memref<40x128xf32, #tpu.memory_space<vmem>>) offsets(%arg11 : memref<40xi32, #tpu.memory_space<vmem>>) semaphore(%arg17 : memref<!tpu.dma_semaphore, #tpu.memory_space<semaphore_mem>>)
      %dma_wait3A_348 = arith.constant 0 : i32
      %dma_wait3A_349 = arith.constant 0 : i32
      %dma_wait3A_350 = tpu.memref_slice %arg2[%dma_wait3A_348, %dma_wait3A_349] : memref<10000x128xf32, #tpu.memory_space<hbm>> -> memref<10000x128xf32, #tpu.memory_space<hbm>>
      tpu.wait_indirect_dma semaphore(%arg17 : memref<!tpu.dma_semaphore, #tpu.memory_space<semaphore_mem>>) src(%dma_wait3A_350 : memref<10000x128xf32, #tpu.memory_space<hbm>>) dst(%arg15 : memref<40x128xf32, #tpu.memory_space<vmem>>)
      "tpu.region"() ({
        %run_scoped3A = tpu.sem_alloc : memref<!tpu.dma_semaphore, #tpu.memory_space<semaphore_mem>>
        %dma_start3A_351 = arith.constant 0 : i32
        %dma_start3A_352 = tpu.memref_slice %arg8[%mul3A_344, %dma_start3A_351] : memref<10000x128xf32, #tpu.memory_space<hbm>> -> memref<40x128xf32, #tpu.memory_space<hbm>>
        %dma_start3A_353 = arith.constant 0 : i32
        %dma_start3A_354 = tpu.memref_slice %arg8[%mul3A_344, %dma_start3A_353] : memref<10000x128xf32, #tpu.memory_space<hbm>> -> memref<40x128xf32, #tpu.memory_space<hbm>>
        tpu.enqueue_dma source(%arg15 : memref<40x128xf32, #tpu.memory_space<vmem>>) target(%dma_start3A_354 : memref<40x128xf32, #tpu.memory_space<hbm>>) target_semaphore(%run_scoped3A : memref<!tpu.dma_semaphore, #tpu.memory_space<semaphore_mem>>)
        %dma_wait3A_355 = arith.constant 0 : i32
        %dma_wait3A_356 = tpu.memref_slice %arg8[%mul3A_344, %dma_wait3A_355] : memref<10000x128xf32, #tpu.memory_space<hbm>> -> memref<40x128xf32, #tpu.memory_space<hbm>>
        %dma_wait3A_357 = arith.constant 0 : i32
        %dma_wait3A_358 = tpu.memref_slice %arg8[%mul3A_344, %dma_wait3A_357] : memref<10000x128xf32, #tpu.memory_space<hbm>> -> memref<40x128xf32, #tpu.memory_space<hbm>>
        tpu.wait_dma2 semaphore(%run_scoped3A : memref<!tpu.dma_semaphore, #tpu.memory_space<semaphore_mem>>) src(%arg15 : memref<40x128xf32, #tpu.memory_space<vmem>>) dst(%dma_wait3A_358 : memref<40x128xf32, #tpu.memory_space<hbm>>)
        tpu.yield
      }) : () -> ()
    } else {
    }
    %add3A_181 = arith.constant 32 : i32
    %add3A_182 = arith.addi %add3A, %add3A_181 : i32
    %lt3A_183 = arith.constant 250 : i32
    %lt3A_184 = arith.cmpi slt, %add3A_182, %lt3A_183 : i32
    %convert_element_type3A_185 = arith.extui %lt3A_184 : i1 to i32
    %cond3A_186 = arith.constant 0 : i32
    %cond3A_187 = arith.cmpi ne, %convert_element_type3A_185, %cond3A_186 : i32
    scf.if %cond3A_187 {
      %mul3A_343 = arith.constant 40 : i32
      %mul3A_344 = arith.muli %add3A_182, %mul3A_343 : i32
      "tpu.region"() ({
        %run_scoped3A = tpu.sem_alloc : memref<!tpu.dma_semaphore, #tpu.memory_space<semaphore_mem>>
        %dma_start3A_351 = tpu.memref_slice %arg6[%mul3A_344] : memref<10000xi32, #tpu.memory_space<hbm>> -> memref<40xi32, #tpu.memory_space<hbm>>
        %dma_start3A_352 = tpu.memref_slice %arg6[%mul3A_344] : memref<10000xi32, #tpu.memory_space<hbm>> -> memref<40xi32, #tpu.memory_space<hbm>>
        tpu.enqueue_dma source(%dma_start3A_352 : memref<40xi32, #tpu.memory_space<hbm>>) target(%arg11 : memref<40xi32, #tpu.memory_space<vmem>>) target_semaphore(%run_scoped3A : memref<!tpu.dma_semaphore, #tpu.memory_space<semaphore_mem>>)
        %dma_wait3A_353 = tpu.memref_slice %arg6[%mul3A_344] : memref<10000xi32, #tpu.memory_space<hbm>> -> memref<40xi32, #tpu.memory_space<hbm>>
        %dma_wait3A_354 = tpu.memref_slice %arg6[%mul3A_344] : memref<10000xi32, #tpu.memory_space<hbm>> -> memref<40xi32, #tpu.memory_space<hbm>>
        tpu.wait_dma2 semaphore(%run_scoped3A : memref<!tpu.dma_semaphore, #tpu.memory_space<semaphore_mem>>) src(%dma_wait3A_354 : memref<40xi32, #tpu.memory_space<hbm>>) dst(%arg11 : memref<40xi32, #tpu.memory_space<vmem>>)
        tpu.yield
      }) : () -> ()
      %dma_start3A_345 = arith.constant 0 : i32
      %dma_start3A_346 = arith.constant 0 : i32
      %dma_start3A_347 = tpu.memref_slice %arg2[%dma_start3A_345, %dma_start3A_346] : memref<10000x128xf32, #tpu.memory_space<hbm>> -> memref<10000x128xf32, #tpu.memory_space<hbm>>
      tpu.enqueue_indirect_dma source(%dma_start3A_347 : memref<10000x128xf32, #tpu.memory_space<hbm>>) target(%arg15 : memref<40x128xf32, #tpu.memory_space<vmem>>) offsets(%arg11 : memref<40xi32, #tpu.memory_space<vmem>>) semaphore(%arg17 : memref<!tpu.dma_semaphore, #tpu.memory_space<semaphore_mem>>)
      %dma_wait3A_348 = arith.constant 0 : i32
      %dma_wait3A_349 = arith.constant 0 : i32
      %dma_wait3A_350 = tpu.memref_slice %arg2[%dma_wait3A_348, %dma_wait3A_349] : memref<10000x128xf32, #tpu.memory_space<hbm>> -> memref<10000x128xf32, #tpu.memory_space<hbm>>
      tpu.wait_indirect_dma semaphore(%arg17 : memref<!tpu.dma_semaphore, #tpu.memory_space<semaphore_mem>>) src(%dma_wait3A_350 : memref<10000x128xf32, #tpu.memory_space<hbm>>) dst(%arg15 : memref<40x128xf32, #tpu.memory_space<vmem>>)
      "tpu.region"() ({
        %run_scoped3A = tpu.sem_alloc : memref<!tpu.dma_semaphore, #tpu.memory_space<semaphore_mem>>
        %dma_start3A_351 = arith.constant 0 : i32
        %dma_start3A_352 = tpu.memref_slice %arg8[%mul3A_344, %dma_start3A_351] : memref<10000x128xf32, #tpu.memory_space<hbm>> -> memref<40x128xf32, #tpu.memory_space<hbm>>
        %dma_start3A_353 = arith.constant 0 : i32
        %dma_start3A_354 = tpu.memref_slice %arg8[%mul3A_344, %dma_start3A_353] : memref<10000x128xf32, #tpu.memory_space<hbm>> -> memref<40x128xf32, #tpu.memory_space<hbm>>
        tpu.enqueue_dma source(%arg15 : memref<40x128xf32, #tpu.memory_space<vmem>>) target(%dma_start3A_354 : memref<40x128xf32, #tpu.memory_space<hbm>>) target_semaphore(%run_scoped3A : memref<!tpu.dma_semaphore, #tpu.memory_space<semaphore_mem>>)
        %dma_wait3A_355 = arith.constant 0 : i32
        %dma_wait3A_356 = tpu.memref_slice %arg8[%mul3A_344, %dma_wait3A_355] : memref<10000x128xf32, #tpu.memory_space<hbm>> -> memref<40x128xf32, #tpu.memory_space<hbm>>
        %dma_wait3A_357 = arith.constant 0 : i32
        %dma_wait3A_358 = tpu.memref_slice %arg8[%mul3A_344, %dma_wait3A_357] : memref<10000x128xf32, #tpu.memory_space<hbm>> -> memref<40x128xf32, #tpu.memory_space<hbm>>
        tpu.wait_dma2 semaphore(%run_scoped3A : memref<!tpu.dma_semaphore, #tpu.memory_space<semaphore_mem>>) src(%arg15 : memref<40x128xf32, #tpu.memory_space<vmem>>) dst(%dma_wait3A_358 : memref<40x128xf32, #tpu.memory_space<hbm>>)
        tpu.yield
      }) : () -> ()
    } else {
    }
    %add3A_188 = arith.constant 64 : i32
    %add3A_189 = arith.addi %add3A, %add3A_188 : i32
    %lt3A_190 = arith.constant 250 : i32
    %lt3A_191 = arith.cmpi slt, %add3A_189, %lt3A_190 : i32
    %convert_element_type3A_192 = arith.extui %lt3A_191 : i1 to i32
    %cond3A_193 = arith.constant 0 : i32
    %cond3A_194 = arith.cmpi ne, %convert_element_type3A_192, %cond3A_193 : i32
    scf.if %cond3A_194 {
      %mul3A_343 = arith.constant 40 : i32
      %mul3A_344 = arith.muli %add3A_189, %mul3A_343 : i32
      "tpu.region"() ({
        %run_scoped3A = tpu.sem_alloc : memref<!tpu.dma_semaphore, #tpu.memory_space<semaphore_mem>>
        %dma_start3A_351 = tpu.memref_slice %arg6[%mul3A_344] : memref<10000xi32, #tpu.memory_space<hbm>> -> memref<40xi32, #tpu.memory_space<hbm>>
        %dma_start3A_352 = tpu.memref_slice %arg6[%mul3A_344] : memref<10000xi32, #tpu.memory_space<hbm>> -> memref<40xi32, #tpu.memory_space<hbm>>
        tpu.enqueue_dma source(%dma_start3A_352 : memref<40xi32, #tpu.memory_space<hbm>>) target(%arg11 : memref<40xi32, #tpu.memory_space<vmem>>) target_semaphore(%run_scoped3A : memref<!tpu.dma_semaphore, #tpu.memory_space<semaphore_mem>>)
        %dma_wait3A_353 = tpu.memref_slice %arg6[%mul3A_344] : memref<10000xi32, #tpu.memory_space<hbm>> -> memref<40xi32, #tpu.memory_space<hbm>>
        %dma_wait3A_354 = tpu.memref_slice %arg6[%mul3A_344] : memref<10000xi32, #tpu.memory_space<hbm>> -> memref<40xi32, #tpu.memory_space<hbm>>
        tpu.wait_dma2 semaphore(%run_scoped3A : memref<!tpu.dma_semaphore, #tpu.memory_space<semaphore_mem>>) src(%dma_wait3A_354 : memref<40xi32, #tpu.memory_space<hbm>>) dst(%arg11 : memref<40xi32, #tpu.memory_space<vmem>>)
        tpu.yield
      }) : () -> ()
      %dma_start3A_345 = arith.constant 0 : i32
      %dma_start3A_346 = arith.constant 0 : i32
      %dma_start3A_347 = tpu.memref_slice %arg2[%dma_start3A_345, %dma_start3A_346] : memref<10000x128xf32, #tpu.memory_space<hbm>> -> memref<10000x128xf32, #tpu.memory_space<hbm>>
      tpu.enqueue_indirect_dma source(%dma_start3A_347 : memref<10000x128xf32, #tpu.memory_space<hbm>>) target(%arg15 : memref<40x128xf32, #tpu.memory_space<vmem>>) offsets(%arg11 : memref<40xi32, #tpu.memory_space<vmem>>) semaphore(%arg17 : memref<!tpu.dma_semaphore, #tpu.memory_space<semaphore_mem>>)
      %dma_wait3A_348 = arith.constant 0 : i32
      %dma_wait3A_349 = arith.constant 0 : i32
      %dma_wait3A_350 = tpu.memref_slice %arg2[%dma_wait3A_348, %dma_wait3A_349] : memref<10000x128xf32, #tpu.memory_space<hbm>> -> memref<10000x128xf32, #tpu.memory_space<hbm>>
      tpu.wait_indirect_dma semaphore(%arg17 : memref<!tpu.dma_semaphore, #tpu.memory_space<semaphore_mem>>) src(%dma_wait3A_350 : memref<10000x128xf32, #tpu.memory_space<hbm>>) dst(%arg15 : memref<40x128xf32, #tpu.memory_space<vmem>>)
      "tpu.region"() ({
        %run_scoped3A = tpu.sem_alloc : memref<!tpu.dma_semaphore, #tpu.memory_space<semaphore_mem>>
        %dma_start3A_351 = arith.constant 0 : i32
        %dma_start3A_352 = tpu.memref_slice %arg8[%mul3A_344, %dma_start3A_351] : memref<10000x128xf32, #tpu.memory_space<hbm>> -> memref<40x128xf32, #tpu.memory_space<hbm>>
        %dma_start3A_353 = arith.constant 0 : i32
        %dma_start3A_354 = tpu.memref_slice %arg8[%mul3A_344, %dma_start3A_353] : memref<10000x128xf32, #tpu.memory_space<hbm>> -> memref<40x128xf32, #tpu.memory_space<hbm>>
        tpu.enqueue_dma source(%arg15 : memref<40x128xf32, #tpu.memory_space<vmem>>) target(%dma_start3A_354 : memref<40x128xf32, #tpu.memory_space<hbm>>) target_semaphore(%run_scoped3A : memref<!tpu.dma_semaphore, #tpu.memory_space<semaphore_mem>>)
        %dma_wait3A_355 = arith.constant 0 : i32
        %dma_wait3A_356 = tpu.memref_slice %arg8[%mul3A_344, %dma_wait3A_355] : memref<10000x128xf32, #tpu.memory_space<hbm>> -> memref<40x128xf32, #tpu.memory_space<hbm>>
        %dma_wait3A_357 = arith.constant 0 : i32
        %dma_wait3A_358 = tpu.memref_slice %arg8[%mul3A_344, %dma_wait3A_357] : memref<10000x128xf32, #tpu.memory_space<hbm>> -> memref<40x128xf32, #tpu.memory_space<hbm>>
        tpu.wait_dma2 semaphore(%run_scoped3A : memref<!tpu.dma_semaphore, #tpu.memory_space<semaphore_mem>>) src(%arg15 : memref<40x128xf32, #tpu.memory_space<vmem>>) dst(%dma_wait3A_358 : memref<40x128xf32, #tpu.memory_space<hbm>>)
        tpu.yield
      }) : () -> ()
    } else {
    }
    %add3A_195 = arith.constant 96 : i32
    %add3A_196 = arith.addi %add3A, %add3A_195 : i32
    %lt3A_197 = arith.constant 250 : i32
    %lt3A_198 = arith.cmpi slt, %add3A_196, %lt3A_197 : i32
    %convert_element_type3A_199 = arith.extui %lt3A_198 : i1 to i32
    %cond3A_200 = arith.constant 0 : i32
    %cond3A_201 = arith.cmpi ne, %convert_element_type3A_199, %cond3A_200 : i32
    scf.if %cond3A_201 {
      %mul3A_343 = arith.constant 40 : i32
      %mul3A_344 = arith.muli %add3A_196, %mul3A_343 : i32
      "tpu.region"() ({
        %run_scoped3A = tpu.sem_alloc : memref<!tpu.dma_semaphore, #tpu.memory_space<semaphore_mem>>
        %dma_start3A_351 = tpu.memref_slice %arg6[%mul3A_344] : memref<10000xi32, #tpu.memory_space<hbm>> -> memref<40xi32, #tpu.memory_space<hbm>>
        %dma_start3A_352 = tpu.memref_slice %arg6[%mul3A_344] : memref<10000xi32, #tpu.memory_space<hbm>> -> memref<40xi32, #tpu.memory_space<hbm>>
        tpu.enqueue_dma source(%dma_start3A_352 : memref<40xi32, #tpu.memory_space<hbm>>) target(%arg11 : memref<40xi32, #tpu.memory_space<vmem>>) target_semaphore(%run_scoped3A : memref<!tpu.dma_semaphore, #tpu.memory_space<semaphore_mem>>)
        %dma_wait3A_353 = tpu.memref_slice %arg6[%mul3A_344] : memref<10000xi32, #tpu.memory_space<hbm>> -> memref<40xi32, #tpu.memory_space<hbm>>
        %dma_wait3A_354 = tpu.memref_slice %arg6[%mul3A_344] : memref<10000xi32, #tpu.memory_space<hbm>> -> memref<40xi32, #tpu.memory_space<hbm>>
        tpu.wait_dma2 semaphore(%run_scoped3A : memref<!tpu.dma_semaphore, #tpu.memory_space<semaphore_mem>>) src(%dma_wait3A_354 : memref<40xi32, #tpu.memory_space<hbm>>) dst(%arg11 : memref<40xi32, #tpu.memory_space<vmem>>)
        tpu.yield
      }) : () -> ()
      %dma_start3A_345 = arith.constant 0 : i32
      %dma_start3A_346 = arith.constant 0 : i32
      %dma_start3A_347 = tpu.memref_slice %arg2[%dma_start3A_345, %dma_start3A_346] : memref<10000x128xf32, #tpu.memory_space<hbm>> -> memref<10000x128xf32, #tpu.memory_space<hbm>>
      tpu.enqueue_indirect_dma source(%dma_start3A_347 : memref<10000x128xf32, #tpu.memory_space<hbm>>) target(%arg15 : memref<40x128xf32, #tpu.memory_space<vmem>>) offsets(%arg11 : memref<40xi32, #tpu.memory_space<vmem>>) semaphore(%arg17 : memref<!tpu.dma_semaphore, #tpu.memory_space<semaphore_mem>>)
      %dma_wait3A_348 = arith.constant 0 : i32
      %dma_wait3A_349 = arith.constant 0 : i32
      %dma_wait3A_350 = tpu.memref_slice %arg2[%dma_wait3A_348, %dma_wait3A_349] : memref<10000x128xf32, #tpu.memory_space<hbm>> -> memref<10000x128xf32, #tpu.memory_space<hbm>>
      tpu.wait_indirect_dma semaphore(%arg17 : memref<!tpu.dma_semaphore, #tpu.memory_space<semaphore_mem>>) src(%dma_wait3A_350 : memref<10000x128xf32, #tpu.memory_space<hbm>>) dst(%arg15 : memref<40x128xf32, #tpu.memory_space<vmem>>)
      "tpu.region"() ({
        %run_scoped3A = tpu.sem_alloc : memref<!tpu.dma_semaphore, #tpu.memory_space<semaphore_mem>>
        %dma_start3A_351 = arith.constant 0 : i32
        %dma_start3A_352 = tpu.memref_slice %arg8[%mul3A_344, %dma_start3A_351] : memref<10000x128xf32, #tpu.memory_space<hbm>> -> memref<40x128xf32, #tpu.memory_space<hbm>>
        %dma_start3A_353 = arith.constant 0 : i32
        %dma_start3A_354 = tpu.memref_slice %arg8[%mul3A_344, %dma_start3A_353] : memref<10000x128xf32, #tpu.memory_space<hbm>> -> memref<40x128xf32, #tpu.memory_space<hbm>>
        tpu.enqueue_dma source(%arg15 : memref<40x128xf32, #tpu.memory_space<vmem>>) target(%dma_start3A_354 : memref<40x128xf32, #tpu.memory_space<hbm>>) target_semaphore(%run_scoped3A : memref<!tpu.dma_semaphore, #tpu.memory_space<semaphore_mem>>)
        %dma_wait3A_355 = arith.constant 0 : i32
        %dma_wait3A_356 = tpu.memref_slice %arg8[%mul3A_344, %dma_wait3A_355] : memref<10000x128xf32, #tpu.memory_space<hbm>> -> memref<40x128xf32, #tpu.memory_space<hbm>>
        %dma_wait3A_357 = arith.constant 0 : i32
        %dma_wait3A_358 = tpu.memref_slice %arg8[%mul3A_344, %dma_wait3A_357] : memref<10000x128xf32, #tpu.memory_space<hbm>> -> memref<40x128xf32, #tpu.memory_space<hbm>>
        tpu.wait_dma2 semaphore(%run_scoped3A : memref<!tpu.dma_semaphore, #tpu.memory_space<semaphore_mem>>) src(%arg15 : memref<40x128xf32, #tpu.memory_space<vmem>>) dst(%dma_wait3A_358 : memref<40x128xf32, #tpu.memory_space<hbm>>)
        tpu.yield
      }) : () -> ()
    } else {
    }
    %add3A_202 = arith.constant 128 : i32
    %add3A_203 = arith.addi %add3A, %add3A_202 : i32
    %lt3A_204 = arith.constant 250 : i32
    %lt3A_205 = arith.cmpi slt, %add3A_203, %lt3A_204 : i32
    %convert_element_type3A_206 = arith.extui %lt3A_205 : i1 to i32
    %cond3A_207 = arith.constant 0 : i32
    %cond3A_208 = arith.cmpi ne, %convert_element_type3A_206, %cond3A_207 : i32
    scf.if %cond3A_208 {
      %mul3A_343 = arith.constant 40 : i32
      %mul3A_344 = arith.muli %add3A_203, %mul3A_343 : i32
      "tpu.region"() ({
        %run_scoped3A = tpu.sem_alloc : memref<!tpu.dma_semaphore, #tpu.memory_space<semaphore_mem>>
        %dma_start3A_351 = tpu.memref_slice %arg6[%mul3A_344] : memref<10000xi32, #tpu.memory_space<hbm>> -> memref<40xi32, #tpu.memory_space<hbm>>
        %dma_start3A_352 = tpu.memref_slice %arg6[%mul3A_344] : memref<10000xi32, #tpu.memory_space<hbm>> -> memref<40xi32, #tpu.memory_space<hbm>>
        tpu.enqueue_dma source(%dma_start3A_352 : memref<40xi32, #tpu.memory_space<hbm>>) target(%arg11 : memref<40xi32, #tpu.memory_space<vmem>>) target_semaphore(%run_scoped3A : memref<!tpu.dma_semaphore, #tpu.memory_space<semaphore_mem>>)
        %dma_wait3A_353 = tpu.memref_slice %arg6[%mul3A_344] : memref<10000xi32, #tpu.memory_space<hbm>> -> memref<40xi32, #tpu.memory_space<hbm>>
        %dma_wait3A_354 = tpu.memref_slice %arg6[%mul3A_344] : memref<10000xi32, #tpu.memory_space<hbm>> -> memref<40xi32, #tpu.memory_space<hbm>>
        tpu.wait_dma2 semaphore(%run_scoped3A : memref<!tpu.dma_semaphore, #tpu.memory_space<semaphore_mem>>) src(%dma_wait3A_354 : memref<40xi32, #tpu.memory_space<hbm>>) dst(%arg11 : memref<40xi32, #tpu.memory_space<vmem>>)
        tpu.yield
      }) : () -> ()
      %dma_start3A_345 = arith.constant 0 : i32
      %dma_start3A_346 = arith.constant 0 : i32
      %dma_start3A_347 = tpu.memref_slice %arg2[%dma_start3A_345, %dma_start3A_346] : memref<10000x128xf32, #tpu.memory_space<hbm>> -> memref<10000x128xf32, #tpu.memory_space<hbm>>
      tpu.enqueue_indirect_dma source(%dma_start3A_347 : memref<10000x128xf32, #tpu.memory_space<hbm>>) target(%arg15 : memref<40x128xf32, #tpu.memory_space<vmem>>) offsets(%arg11 : memref<40xi32, #tpu.memory_space<vmem>>) semaphore(%arg17 : memref<!tpu.dma_semaphore, #tpu.memory_space<semaphore_mem>>)
      %dma_wait3A_348 = arith.constant 0 : i32
      %dma_wait3A_349 = arith.constant 0 : i32
      %dma_wait3A_350 = tpu.memref_slice %arg2[%dma_wait3A_348, %dma_wait3A_349] : memref<10000x128xf32, #tpu.memory_space<hbm>> -> memref<10000x128xf32, #tpu.memory_space<hbm>>
      tpu.wait_indirect_dma semaphore(%arg17 : memref<!tpu.dma_semaphore, #tpu.memory_space<semaphore_mem>>) src(%dma_wait3A_350 : memref<10000x128xf32, #tpu.memory_space<hbm>>) dst(%arg15 : memref<40x128xf32, #tpu.memory_space<vmem>>)
      "tpu.region"() ({
        %run_scoped3A = tpu.sem_alloc : memref<!tpu.dma_semaphore, #tpu.memory_space<semaphore_mem>>
        %dma_start3A_351 = arith.constant 0 : i32
        %dma_start3A_352 = tpu.memref_slice %arg8[%mul3A_344, %dma_start3A_351] : memref<10000x128xf32, #tpu.memory_space<hbm>> -> memref<40x128xf32, #tpu.memory_space<hbm>>
        %dma_start3A_353 = arith.constant 0 : i32
        %dma_start3A_354 = tpu.memref_slice %arg8[%mul3A_344, %dma_start3A_353] : memref<10000x128xf32, #tpu.memory_space<hbm>> -> memref<40x128xf32, #tpu.memory_space<hbm>>
        tpu.enqueue_dma source(%arg15 : memref<40x128xf32, #tpu.memory_space<vmem>>) target(%dma_start3A_354 : memref<40x128xf32, #tpu.memory_space<hbm>>) target_semaphore(%run_scoped3A : memref<!tpu.dma_semaphore, #tpu.memory_space<semaphore_mem>>)
        %dma_wait3A_355 = arith.constant 0 : i32
        %dma_wait3A_356 = tpu.memref_slice %arg8[%mul3A_344, %dma_wait3A_355] : memref<10000x128xf32, #tpu.memory_space<hbm>> -> memref<40x128xf32, #tpu.memory_space<hbm>>
        %dma_wait3A_357 = arith.constant 0 : i32
        %dma_wait3A_358 = tpu.memref_slice %arg8[%mul3A_344, %dma_wait3A_357] : memref<10000x128xf32, #tpu.memory_space<hbm>> -> memref<40x128xf32, #tpu.memory_space<hbm>>
        tpu.wait_dma2 semaphore(%run_scoped3A : memref<!tpu.dma_semaphore, #tpu.memory_space<semaphore_mem>>) src(%arg15 : memref<40x128xf32, #tpu.memory_space<vmem>>) dst(%dma_wait3A_358 : memref<40x128xf32, #tpu.memory_space<hbm>>)
        tpu.yield
      }) : () -> ()
    } else {
    }
    %add3A_209 = arith.constant 160 : i32
    %add3A_210 = arith.addi %add3A, %add3A_209 : i32
    %lt3A_211 = arith.constant 250 : i32
    %lt3A_212 = arith.cmpi slt, %add3A_210, %lt3A_211 : i32
    %convert_element_type3A_213 = arith.extui %lt3A_212 : i1 to i32
    %cond3A_214 = arith.constant 0 : i32
    %cond3A_215 = arith.cmpi ne, %convert_element_type3A_213, %cond3A_214 : i32
    scf.if %cond3A_215 {
      %mul3A_343 = arith.constant 40 : i32
      %mul3A_344 = arith.muli %add3A_210, %mul3A_343 : i32
      "tpu.region"() ({
        %run_scoped3A = tpu.sem_alloc : memref<!tpu.dma_semaphore, #tpu.memory_space<semaphore_mem>>
        %dma_start3A_351 = tpu.memref_slice %arg6[%mul3A_344] : memref<10000xi32, #tpu.memory_space<hbm>> -> memref<40xi32, #tpu.memory_space<hbm>>
        %dma_start3A_352 = tpu.memref_slice %arg6[%mul3A_344] : memref<10000xi32, #tpu.memory_space<hbm>> -> memref<40xi32, #tpu.memory_space<hbm>>
        tpu.enqueue_dma source(%dma_start3A_352 : memref<40xi32, #tpu.memory_space<hbm>>) target(%arg11 : memref<40xi32, #tpu.memory_space<vmem>>) target_semaphore(%run_scoped3A : memref<!tpu.dma_semaphore, #tpu.memory_space<semaphore_mem>>)
        %dma_wait3A_353 = tpu.memref_slice %arg6[%mul3A_344] : memref<10000xi32, #tpu.memory_space<hbm>> -> memref<40xi32, #tpu.memory_space<hbm>>
        %dma_wait3A_354 = tpu.memref_slice %arg6[%mul3A_344] : memref<10000xi32, #tpu.memory_space<hbm>> -> memref<40xi32, #tpu.memory_space<hbm>>
        tpu.wait_dma2 semaphore(%run_scoped3A : memref<!tpu.dma_semaphore, #tpu.memory_space<semaphore_mem>>) src(%dma_wait3A_354 : memref<40xi32, #tpu.memory_space<hbm>>) dst(%arg11 : memref<40xi32, #tpu.memory_space<vmem>>)
        tpu.yield
      }) : () -> ()
      %dma_start3A_345 = arith.constant 0 : i32
      %dma_start3A_346 = arith.constant 0 : i32
      %dma_start3A_347 = tpu.memref_slice %arg2[%dma_start3A_345, %dma_start3A_346] : memref<10000x128xf32, #tpu.memory_space<hbm>> -> memref<10000x128xf32, #tpu.memory_space<hbm>>
      tpu.enqueue_indirect_dma source(%dma_start3A_347 : memref<10000x128xf32, #tpu.memory_space<hbm>>) target(%arg15 : memref<40x128xf32, #tpu.memory_space<vmem>>) offsets(%arg11 : memref<40xi32, #tpu.memory_space<vmem>>) semaphore(%arg17 : memref<!tpu.dma_semaphore, #tpu.memory_space<semaphore_mem>>)
      %dma_wait3A_348 = arith.constant 0 : i32
      %dma_wait3A_349 = arith.constant 0 : i32
      %dma_wait3A_350 = tpu.memref_slice %arg2[%dma_wait3A_348, %dma_wait3A_349] : memref<10000x128xf32, #tpu.memory_space<hbm>> -> memref<10000x128xf32, #tpu.memory_space<hbm>>
      tpu.wait_indirect_dma semaphore(%arg17 : memref<!tpu.dma_semaphore, #tpu.memory_space<semaphore_mem>>) src(%dma_wait3A_350 : memref<10000x128xf32, #tpu.memory_space<hbm>>) dst(%arg15 : memref<40x128xf32, #tpu.memory_space<vmem>>)
      "tpu.region"() ({
        %run_scoped3A = tpu.sem_alloc : memref<!tpu.dma_semaphore, #tpu.memory_space<semaphore_mem>>
        %dma_start3A_351 = arith.constant 0 : i32
        %dma_start3A_352 = tpu.memref_slice %arg8[%mul3A_344, %dma_start3A_351] : memref<10000x128xf32, #tpu.memory_space<hbm>> -> memref<40x128xf32, #tpu.memory_space<hbm>>
        %dma_start3A_353 = arith.constant 0 : i32
        %dma_start3A_354 = tpu.memref_slice %arg8[%mul3A_344, %dma_start3A_353] : memref<10000x128xf32, #tpu.memory_space<hbm>> -> memref<40x128xf32, #tpu.memory_space<hbm>>
        tpu.enqueue_dma source(%arg15 : memref<40x128xf32, #tpu.memory_space<vmem>>) target(%dma_start3A_354 : memref<40x128xf32, #tpu.memory_space<hbm>>) target_semaphore(%run_scoped3A : memref<!tpu.dma_semaphore, #tpu.memory_space<semaphore_mem>>)
        %dma_wait3A_355 = arith.constant 0 : i32
        %dma_wait3A_356 = tpu.memref_slice %arg8[%mul3A_344, %dma_wait3A_355] : memref<10000x128xf32, #tpu.memory_space<hbm>> -> memref<40x128xf32, #tpu.memory_space<hbm>>
        %dma_wait3A_357 = arith.constant 0 : i32
        %dma_wait3A_358 = tpu.memref_slice %arg8[%mul3A_344, %dma_wait3A_357] : memref<10000x128xf32, #tpu.memory_space<hbm>> -> memref<40x128xf32, #tpu.memory_space<hbm>>
        tpu.wait_dma2 semaphore(%run_scoped3A : memref<!tpu.dma_semaphore, #tpu.memory_space<semaphore_mem>>) src(%arg15 : memref<40x128xf32, #tpu.memory_space<vmem>>) dst(%dma_wait3A_358 : memref<40x128xf32, #tpu.memory_space<hbm>>)
        tpu.yield
      }) : () -> ()
    } else {
    }
    %add3A_216 = arith.constant 192 : i32
    %add3A_217 = arith.addi %add3A, %add3A_216 : i32
    %lt3A_218 = arith.constant 250 : i32
    %lt3A_219 = arith.cmpi slt, %add3A_217, %lt3A_218 : i32
    %convert_element_type3A_220 = arith.extui %lt3A_219 : i1 to i32
    %cond3A_221 = arith.constant 0 : i32
    %cond3A_222 = arith.cmpi ne, %convert_element_type3A_220, %cond3A_221 : i32
    scf.if %cond3A_222 {
      %mul3A_343 = arith.constant 40 : i32
      %mul3A_344 = arith.muli %add3A_217, %mul3A_343 : i32
      "tpu.region"() ({
        %run_scoped3A = tpu.sem_alloc : memref<!tpu.dma_semaphore, #tpu.memory_space<semaphore_mem>>
        %dma_start3A_351 = tpu.memref_slice %arg6[%mul3A_344] : memref<10000xi32, #tpu.memory_space<hbm>> -> memref<40xi32, #tpu.memory_space<hbm>>
        %dma_start3A_352 = tpu.memref_slice %arg6[%mul3A_344] : memref<10000xi32, #tpu.memory_space<hbm>> -> memref<40xi32, #tpu.memory_space<hbm>>
        tpu.enqueue_dma source(%dma_start3A_352 : memref<40xi32, #tpu.memory_space<hbm>>) target(%arg11 : memref<40xi32, #tpu.memory_space<vmem>>) target_semaphore(%run_scoped3A : memref<!tpu.dma_semaphore, #tpu.memory_space<semaphore_mem>>)
        %dma_wait3A_353 = tpu.memref_slice %arg6[%mul3A_344] : memref<10000xi32, #tpu.memory_space<hbm>> -> memref<40xi32, #tpu.memory_space<hbm>>
        %dma_wait3A_354 = tpu.memref_slice %arg6[%mul3A_344] : memref<10000xi32, #tpu.memory_space<hbm>> -> memref<40xi32, #tpu.memory_space<hbm>>
        tpu.wait_dma2 semaphore(%run_scoped3A : memref<!tpu.dma_semaphore, #tpu.memory_space<semaphore_mem>>) src(%dma_wait3A_354 : memref<40xi32, #tpu.memory_space<hbm>>) dst(%arg11 : memref<40xi32, #tpu.memory_space<vmem>>)
        tpu.yield
      }) : () -> ()
      %dma_start3A_345 = arith.constant 0 : i32
      %dma_start3A_346 = arith.constant 0 : i32
      %dma_start3A_347 = tpu.memref_slice %arg2[%dma_start3A_345, %dma_start3A_346] : memref<10000x128xf32, #tpu.memory_space<hbm>> -> memref<10000x128xf32, #tpu.memory_space<hbm>>
      tpu.enqueue_indirect_dma source(%dma_start3A_347 : memref<10000x128xf32, #tpu.memory_space<hbm>>) target(%arg15 : memref<40x128xf32, #tpu.memory_space<vmem>>) offsets(%arg11 : memref<40xi32, #tpu.memory_space<vmem>>) semaphore(%arg17 : memref<!tpu.dma_semaphore, #tpu.memory_space<semaphore_mem>>)
      %dma_wait3A_348 = arith.constant 0 : i32
      %dma_wait3A_349 = arith.constant 0 : i32
      %dma_wait3A_350 = tpu.memref_slice %arg2[%dma_wait3A_348, %dma_wait3A_349] : memref<10000x128xf32, #tpu.memory_space<hbm>> -> memref<10000x128xf32, #tpu.memory_space<hbm>>
      tpu.wait_indirect_dma semaphore(%arg17 : memref<!tpu.dma_semaphore, #tpu.memory_space<semaphore_mem>>) src(%dma_wait3A_350 : memref<10000x128xf32, #tpu.memory_space<hbm>>) dst(%arg15 : memref<40x128xf32, #tpu.memory_space<vmem>>)
      "tpu.region"() ({
        %run_scoped3A = tpu.sem_alloc : memref<!tpu.dma_semaphore, #tpu.memory_space<semaphore_mem>>
        %dma_start3A_351 = arith.constant 0 : i32
        %dma_start3A_352 = tpu.memref_slice %arg8[%mul3A_344, %dma_start3A_351] : memref<10000x128xf32, #tpu.memory_space<hbm>> -> memref<40x128xf32, #tpu.memory_space<hbm>>
        %dma_start3A_353 = arith.constant 0 : i32
        %dma_start3A_354 = tpu.memref_slice %arg8[%mul3A_344, %dma_start3A_353] : memref<10000x128xf32, #tpu.memory_space<hbm>> -> memref<40x128xf32, #tpu.memory_space<hbm>>
        tpu.enqueue_dma source(%arg15 : memref<40x128xf32, #tpu.memory_space<vmem>>) target(%dma_start3A_354 : memref<40x128xf32, #tpu.memory_space<hbm>>) target_semaphore(%run_scoped3A : memref<!tpu.dma_semaphore, #tpu.memory_space<semaphore_mem>>)
        %dma_wait3A_355 = arith.constant 0 : i32
        %dma_wait3A_356 = tpu.memref_slice %arg8[%mul3A_344, %dma_wait3A_355] : memref<10000x128xf32, #tpu.memory_space<hbm>> -> memref<40x128xf32, #tpu.memory_space<hbm>>
        %dma_wait3A_357 = arith.constant 0 : i32
        %dma_wait3A_358 = tpu.memref_slice %arg8[%mul3A_344, %dma_wait3A_357] : memref<10000x128xf32, #tpu.memory_space<hbm>> -> memref<40x128xf32, #tpu.memory_space<hbm>>
        tpu.wait_dma2 semaphore(%run_scoped3A : memref<!tpu.dma_semaphore, #tpu.memory_space<semaphore_mem>>) src(%arg15 : memref<40x128xf32, #tpu.memory_space<vmem>>) dst(%dma_wait3A_358 : memref<40x128xf32, #tpu.memory_space<hbm>>)
        tpu.yield
      }) : () -> ()
    } else {
    }
    %add3A_223 = arith.constant 224 : i32
    %add3A_224 = arith.addi %add3A, %add3A_223 : i32
    %lt3A_225 = arith.constant 250 : i32
    %lt3A_226 = arith.cmpi slt, %add3A_224, %lt3A_225 : i32
    %convert_element_type3A_227 = arith.extui %lt3A_226 : i1 to i32
    %cond3A_228 = arith.constant 0 : i32
    %cond3A_229 = arith.cmpi ne, %convert_element_type3A_227, %cond3A_228 : i32
    scf.if %cond3A_229 {
      %mul3A_343 = arith.constant 40 : i32
      %mul3A_344 = arith.muli %add3A_224, %mul3A_343 : i32
      "tpu.region"() ({
        %run_scoped3A = tpu.sem_alloc : memref<!tpu.dma_semaphore, #tpu.memory_space<semaphore_mem>>
        %dma_start3A_351 = tpu.memref_slice %arg6[%mul3A_344] : memref<10000xi32, #tpu.memory_space<hbm>> -> memref<40xi32, #tpu.memory_space<hbm>>
        %dma_start3A_352 = tpu.memref_slice %arg6[%mul3A_344] : memref<10000xi32, #tpu.memory_space<hbm>> -> memref<40xi32, #tpu.memory_space<hbm>>
        tpu.enqueue_dma source(%dma_start3A_352 : memref<40xi32, #tpu.memory_space<hbm>>) target(%arg11 : memref<40xi32, #tpu.memory_space<vmem>>) target_semaphore(%run_scoped3A : memref<!tpu.dma_semaphore, #tpu.memory_space<semaphore_mem>>)
        %dma_wait3A_353 = tpu.memref_slice %arg6[%mul3A_344] : memref<10000xi32, #tpu.memory_space<hbm>> -> memref<40xi32, #tpu.memory_space<hbm>>
        %dma_wait3A_354 = tpu.memref_slice %arg6[%mul3A_344] : memref<10000xi32, #tpu.memory_space<hbm>> -> memref<40xi32, #tpu.memory_space<hbm>>
        tpu.wait_dma2 semaphore(%run_scoped3A : memref<!tpu.dma_semaphore, #tpu.memory_space<semaphore_mem>>) src(%dma_wait3A_354 : memref<40xi32, #tpu.memory_space<hbm>>) dst(%arg11 : memref<40xi32, #tpu.memory_space<vmem>>)
        tpu.yield
      }) : () -> ()
      %dma_start3A_345 = arith.constant 0 : i32
      %dma_start3A_346 = arith.constant 0 : i32
      %dma_start3A_347 = tpu.memref_slice %arg2[%dma_start3A_345, %dma_start3A_346] : memref<10000x128xf32, #tpu.memory_space<hbm>> -> memref<10000x128xf32, #tpu.memory_space<hbm>>
      tpu.enqueue_indirect_dma source(%dma_start3A_347 : memref<10000x128xf32, #tpu.memory_space<hbm>>) target(%arg15 : memref<40x128xf32, #tpu.memory_space<vmem>>) offsets(%arg11 : memref<40xi32, #tpu.memory_space<vmem>>) semaphore(%arg17 : memref<!tpu.dma_semaphore, #tpu.memory_space<semaphore_mem>>)
      %dma_wait3A_348 = arith.constant 0 : i32
      %dma_wait3A_349 = arith.constant 0 : i32
      %dma_wait3A_350 = tpu.memref_slice %arg2[%dma_wait3A_348, %dma_wait3A_349] : memref<10000x128xf32, #tpu.memory_space<hbm>> -> memref<10000x128xf32, #tpu.memory_space<hbm>>
      tpu.wait_indirect_dma semaphore(%arg17 : memref<!tpu.dma_semaphore, #tpu.memory_space<semaphore_mem>>) src(%dma_wait3A_350 : memref<10000x128xf32, #tpu.memory_space<hbm>>) dst(%arg15 : memref<40x128xf32, #tpu.memory_space<vmem>>)
      "tpu.region"() ({
        %run_scoped3A = tpu.sem_alloc : memref<!tpu.dma_semaphore, #tpu.memory_space<semaphore_mem>>
        %dma_start3A_351 = arith.constant 0 : i32
        %dma_start3A_352 = tpu.memref_slice %arg8[%mul3A_344, %dma_start3A_351] : memref<10000x128xf32, #tpu.memory_space<hbm>> -> memref<40x128xf32, #tpu.memory_space<hbm>>
        %dma_start3A_353 = arith.constant 0 : i32
        %dma_start3A_354 = tpu.memref_slice %arg8[%mul3A_344, %dma_start3A_353] : memref<10000x128xf32, #tpu.memory_space<hbm>> -> memref<40x128xf32, #tpu.memory_space<hbm>>
        tpu.enqueue_dma source(%arg15 : memref<40x128xf32, #tpu.memory_space<vmem>>) target(%dma_start3A_354 : memref<40x128xf32, #tpu.memory_space<hbm>>) target_semaphore(%run_scoped3A : memref<!tpu.dma_semaphore, #tpu.memory_space<semaphore_mem>>)
        %dma_wait3A_355 = arith.constant 0 : i32
        %dma_wait3A_356 = tpu.memref_slice %arg8[%mul3A_344, %dma_wait3A_355] : memref<10000x128xf32, #tpu.memory_space<hbm>> -> memref<40x128xf32, #tpu.memory_space<hbm>>
        %dma_wait3A_357 = arith.constant 0 : i32
        %dma_wait3A_358 = tpu.memref_slice %arg8[%mul3A_344, %dma_wait3A_357] : memref<10000x128xf32, #tpu.memory_space<hbm>> -> memref<40x128xf32, #tpu.memory_space<hbm>>
        tpu.wait_dma2 semaphore(%run_scoped3A : memref<!tpu.dma_semaphore, #tpu.memory_space<semaphore_mem>>) src(%arg15 : memref<40x128xf32, #tpu.memory_space<vmem>>) dst(%dma_wait3A_358 : memref<40x128xf32, #tpu.memory_space<hbm>>)
        tpu.yield
      }) : () -> ()
    } else {
    }
    %barrier3A_230 = arith.constant 0 : index
    tpu.barrier barrier_id(%barrier3A_230)
    %add3A_231 = arith.constant 0 : i32
    %add3A_232 = arith.addi %arg1, %add3A_231 : i32
    %lt3A_233 = arith.constant 250 : i32
    %lt3A_234 = arith.cmpi slt, %add3A_232, %lt3A_233 : i32
    %convert_element_type3A_235 = arith.extui %lt3A_234 : i1 to i32
    %cond3A_236 = arith.constant 0 : i32
    %cond3A_237 = arith.cmpi ne, %convert_element_type3A_235, %cond3A_236 : i32
    scf.if %cond3A_237 {
      %mul3A_343 = arith.constant 40 : i32
      %mul3A_344 = arith.muli %add3A_232, %mul3A_343 : i32
      %mul3A_345 = arith.constant 40 : i32
      %mul3A_346 = arith.muli %add3A_232, %mul3A_345 : i32
      "tpu.region"() ({
        %run_scoped3A = tpu.sem_alloc : memref<!tpu.dma_semaphore, #tpu.memory_space<semaphore_mem>>
        %dma_start3A_347 = arith.constant 0 : i32
        %dma_start3A_348 = tpu.memref_slice %arg7[%arg0, %mul3A_346, %dma_start3A_347] : memref<2x10000x128xf32, #tpu.memory_space<hbm>> -> memref<1x40x128xf32, #tpu.memory_space<hbm>>
        %dma_start3A_349 = tpu.memref_squeeze %dma_start3A_348 : memref<1x40x128xf32, #tpu.memory_space<hbm>> -> memref<40x128xf32, #tpu.memory_space<hbm>>
        %dma_start3A_350 = arith.constant 0 : i32
        %dma_start3A_351 = tpu.memref_slice %arg9[%mul3A_344, %dma_start3A_350] : memref<10000x128xf32, #tpu.memory_space<vmem_shared>> -> memref<40x128xf32, #tpu.memory_space<vmem_shared>>
        tpu.enqueue_dma source(%dma_start3A_351 : memref<40x128xf32, #tpu.memory_space<vmem_shared>>) target(%dma_start3A_349 : memref<40x128xf32, #tpu.memory_space<hbm>>) target_semaphore(%run_scoped3A : memref<!tpu.dma_semaphore, #tpu.memory_space<semaphore_mem>>)
        %dma_wait3A_352 = arith.constant 0 : i32
        %dma_wait3A_353 = tpu.memref_slice %arg7[%arg0, %mul3A_346, %dma_wait3A_352] : memref<2x10000x128xf32, #tpu.memory_space<hbm>> -> memref<1x40x128xf32, #tpu.memory_space<hbm>>
        %dma_wait3A_354 = tpu.memref_squeeze %dma_wait3A_353 : memref<1x40x128xf32, #tpu.memory_space<hbm>> -> memref<40x128xf32, #tpu.memory_space<hbm>>
        %dma_wait3A_355 = arith.constant 0 : i32
        %dma_wait3A_356 = tpu.memref_slice %arg9[%mul3A_344, %dma_wait3A_355] : memref<10000x128xf32, #tpu.memory_space<vmem_shared>> -> memref<40x128xf32, #tpu.memory_space<vmem_shared>>
        tpu.wait_dma2 semaphore(%run_scoped3A : memref<!tpu.dma_semaphore, #tpu.memory_space<semaphore_mem>>) src(%dma_wait3A_356 : memref<40x128xf32, #tpu.memory_space<vmem_shared>>) dst(%dma_wait3A_354 : memref<40x128xf32, #tpu.memory_space<hbm>>)
        tpu.yield
      }) : () -> ()
    } else {
    }
    %add3A_238 = arith.constant 16 : i32
    %add3A_239 = arith.addi %arg1, %add3A_238 : i32
    %lt3A_240 = arith.constant 250 : i32
    %lt3A_241 = arith.cmpi slt, %add3A_239, %lt3A_240 : i32
    %convert_element_type3A_242 = arith.extui %lt3A_241 : i1 to i32
    %cond3A_243 = arith.constant 0 : i32
    %cond3A_244 = arith.cmpi ne, %convert_element_type3A_242, %cond3A_243 : i32
    scf.if %cond3A_244 {
      %mul3A_343 = arith.constant 40 : i32
      %mul3A_344 = arith.muli %add3A_239, %mul3A_343 : i32
      %mul3A_345 = arith.constant 40 : i32
      %mul3A_346 = arith.muli %add3A_239, %mul3A_345 : i32
      "tpu.region"() ({
        %run_scoped3A = tpu.sem_alloc : memref<!tpu.dma_semaphore, #tpu.memory_space<semaphore_mem>>
        %dma_start3A_347 = arith.constant 0 : i32
        %dma_start3A_348 = tpu.memref_slice %arg7[%arg0, %mul3A_346, %dma_start3A_347] : memref<2x10000x128xf32, #tpu.memory_space<hbm>> -> memref<1x40x128xf32, #tpu.memory_space<hbm>>
        %dma_start3A_349 = tpu.memref_squeeze %dma_start3A_348 : memref<1x40x128xf32, #tpu.memory_space<hbm>> -> memref<40x128xf32, #tpu.memory_space<hbm>>
        %dma_start3A_350 = arith.constant 0 : i32
        %dma_start3A_351 = tpu.memref_slice %arg9[%mul3A_344, %dma_start3A_350] : memref<10000x128xf32, #tpu.memory_space<vmem_shared>> -> memref<40x128xf32, #tpu.memory_space<vmem_shared>>
        tpu.enqueue_dma source(%dma_start3A_351 : memref<40x128xf32, #tpu.memory_space<vmem_shared>>) target(%dma_start3A_349 : memref<40x128xf32, #tpu.memory_space<hbm>>) target_semaphore(%run_scoped3A : memref<!tpu.dma_semaphore, #tpu.memory_space<semaphore_mem>>)
        %dma_wait3A_352 = arith.constant 0 : i32
        %dma_wait3A_353 = tpu.memref_slice %arg7[%arg0, %mul3A_346, %dma_wait3A_352] : memref<2x10000x128xf32, #tpu.memory_space<hbm>> -> memref<1x40x128xf32, #tpu.memory_space<hbm>>
        %dma_wait3A_354 = tpu.memref_squeeze %dma_wait3A_353 : memref<1x40x128xf32, #tpu.memory_space<hbm>> -> memref<40x128xf32, #tpu.memory_space<hbm>>
        %dma_wait3A_355 = arith.constant 0 : i32
        %dma_wait3A_356 = tpu.memref_slice %arg9[%mul3A_344, %dma_wait3A_355] : memref<10000x128xf32, #tpu.memory_space<vmem_shared>> -> memref<40x128xf32, #tpu.memory_space<vmem_shared>>
        tpu.wait_dma2 semaphore(%run_scoped3A : memref<!tpu.dma_semaphore, #tpu.memory_space<semaphore_mem>>) src(%dma_wait3A_356 : memref<40x128xf32, #tpu.memory_space<vmem_shared>>) dst(%dma_wait3A_354 : memref<40x128xf32, #tpu.memory_space<hbm>>)
        tpu.yield
      }) : () -> ()
    } else {
    }
    %add3A_245 = arith.constant 32 : i32
    %add3A_246 = arith.addi %arg1, %add3A_245 : i32
    %lt3A_247 = arith.constant 250 : i32
    %lt3A_248 = arith.cmpi slt, %add3A_246, %lt3A_247 : i32
    %convert_element_type3A_249 = arith.extui %lt3A_248 : i1 to i32
    %cond3A_250 = arith.constant 0 : i32
    %cond3A_251 = arith.cmpi ne, %convert_element_type3A_249, %cond3A_250 : i32
    scf.if %cond3A_251 {
      %mul3A_343 = arith.constant 40 : i32
      %mul3A_344 = arith.muli %add3A_246, %mul3A_343 : i32
      %mul3A_345 = arith.constant 40 : i32
      %mul3A_346 = arith.muli %add3A_246, %mul3A_345 : i32
      "tpu.region"() ({
        %run_scoped3A = tpu.sem_alloc : memref<!tpu.dma_semaphore, #tpu.memory_space<semaphore_mem>>
        %dma_start3A_347 = arith.constant 0 : i32
        %dma_start3A_348 = tpu.memref_slice %arg7[%arg0, %mul3A_346, %dma_start3A_347] : memref<2x10000x128xf32, #tpu.memory_space<hbm>> -> memref<1x40x128xf32, #tpu.memory_space<hbm>>
        %dma_start3A_349 = tpu.memref_squeeze %dma_start3A_348 : memref<1x40x128xf32, #tpu.memory_space<hbm>> -> memref<40x128xf32, #tpu.memory_space<hbm>>
        %dma_start3A_350 = arith.constant 0 : i32
        %dma_start3A_351 = tpu.memref_slice %arg9[%mul3A_344, %dma_start3A_350] : memref<10000x128xf32, #tpu.memory_space<vmem_shared>> -> memref<40x128xf32, #tpu.memory_space<vmem_shared>>
        tpu.enqueue_dma source(%dma_start3A_351 : memref<40x128xf32, #tpu.memory_space<vmem_shared>>) target(%dma_start3A_349 : memref<40x128xf32, #tpu.memory_space<hbm>>) target_semaphore(%run_scoped3A : memref<!tpu.dma_semaphore, #tpu.memory_space<semaphore_mem>>)
        %dma_wait3A_352 = arith.constant 0 : i32
        %dma_wait3A_353 = tpu.memref_slice %arg7[%arg0, %mul3A_346, %dma_wait3A_352] : memref<2x10000x128xf32, #tpu.memory_space<hbm>> -> memref<1x40x128xf32, #tpu.memory_space<hbm>>
        %dma_wait3A_354 = tpu.memref_squeeze %dma_wait3A_353 : memref<1x40x128xf32, #tpu.memory_space<hbm>> -> memref<40x128xf32, #tpu.memory_space<hbm>>
        %dma_wait3A_355 = arith.constant 0 : i32
        %dma_wait3A_356 = tpu.memref_slice %arg9[%mul3A_344, %dma_wait3A_355] : memref<10000x128xf32, #tpu.memory_space<vmem_shared>> -> memref<40x128xf32, #tpu.memory_space<vmem_shared>>
        tpu.wait_dma2 semaphore(%run_scoped3A : memref<!tpu.dma_semaphore, #tpu.memory_space<semaphore_mem>>) src(%dma_wait3A_356 : memref<40x128xf32, #tpu.memory_space<vmem_shared>>) dst(%dma_wait3A_354 : memref<40x128xf32, #tpu.memory_space<hbm>>)
        tpu.yield
      }) : () -> ()
    } else {
    }
    %add3A_252 = arith.constant 48 : i32
    %add3A_253 = arith.addi %arg1, %add3A_252 : i32
    %lt3A_254 = arith.constant 250 : i32
    %lt3A_255 = arith.cmpi slt, %add3A_253, %lt3A_254 : i32
    %convert_element_type3A_256 = arith.extui %lt3A_255 : i1 to i32
    %cond3A_257 = arith.constant 0 : i32
    %cond3A_258 = arith.cmpi ne, %convert_element_type3A_256, %cond3A_257 : i32
    scf.if %cond3A_258 {
      %mul3A_343 = arith.constant 40 : i32
      %mul3A_344 = arith.muli %add3A_253, %mul3A_343 : i32
      %mul3A_345 = arith.constant 40 : i32
      %mul3A_346 = arith.muli %add3A_253, %mul3A_345 : i32
      "tpu.region"() ({
        %run_scoped3A = tpu.sem_alloc : memref<!tpu.dma_semaphore, #tpu.memory_space<semaphore_mem>>
        %dma_start3A_347 = arith.constant 0 : i32
        %dma_start3A_348 = tpu.memref_slice %arg7[%arg0, %mul3A_346, %dma_start3A_347] : memref<2x10000x128xf32, #tpu.memory_space<hbm>> -> memref<1x40x128xf32, #tpu.memory_space<hbm>>
        %dma_start3A_349 = tpu.memref_squeeze %dma_start3A_348 : memref<1x40x128xf32, #tpu.memory_space<hbm>> -> memref<40x128xf32, #tpu.memory_space<hbm>>
        %dma_start3A_350 = arith.constant 0 : i32
        %dma_start3A_351 = tpu.memref_slice %arg9[%mul3A_344, %dma_start3A_350] : memref<10000x128xf32, #tpu.memory_space<vmem_shared>> -> memref<40x128xf32, #tpu.memory_space<vmem_shared>>
        tpu.enqueue_dma source(%dma_start3A_351 : memref<40x128xf32, #tpu.memory_space<vmem_shared>>) target(%dma_start3A_349 : memref<40x128xf32, #tpu.memory_space<hbm>>) target_semaphore(%run_scoped3A : memref<!tpu.dma_semaphore, #tpu.memory_space<semaphore_mem>>)
        %dma_wait3A_352 = arith.constant 0 : i32
        %dma_wait3A_353 = tpu.memref_slice %arg7[%arg0, %mul3A_346, %dma_wait3A_352] : memref<2x10000x128xf32, #tpu.memory_space<hbm>> -> memref<1x40x128xf32, #tpu.memory_space<hbm>>
        %dma_wait3A_354 = tpu.memref_squeeze %dma_wait3A_353 : memref<1x40x128xf32, #tpu.memory_space<hbm>> -> memref<40x128xf32, #tpu.memory_space<hbm>>
        %dma_wait3A_355 = arith.constant 0 : i32
        %dma_wait3A_356 = tpu.memref_slice %arg9[%mul3A_344, %dma_wait3A_355] : memref<10000x128xf32, #tpu.memory_space<vmem_shared>> -> memref<40x128xf32, #tpu.memory_space<vmem_shared>>
        tpu.wait_dma2 semaphore(%run_scoped3A : memref<!tpu.dma_semaphore, #tpu.memory_space<semaphore_mem>>) src(%dma_wait3A_356 : memref<40x128xf32, #tpu.memory_space<vmem_shared>>) dst(%dma_wait3A_354 : memref<40x128xf32, #tpu.memory_space<hbm>>)
        tpu.yield
      }) : () -> ()
    } else {
    }
    %add3A_259 = arith.constant 64 : i32
    %add3A_260 = arith.addi %arg1, %add3A_259 : i32
    %lt3A_261 = arith.constant 250 : i32
    %lt3A_262 = arith.cmpi slt, %add3A_260, %lt3A_261 : i32
    %convert_element_type3A_263 = arith.extui %lt3A_262 : i1 to i32
    %cond3A_264 = arith.constant 0 : i32
    %cond3A_265 = arith.cmpi ne, %convert_element_type3A_263, %cond3A_264 : i32
    scf.if %cond3A_265 {
      %mul3A_343 = arith.constant 40 : i32
      %mul3A_344 = arith.muli %add3A_260, %mul3A_343 : i32
      %mul3A_345 = arith.constant 40 : i32
      %mul3A_346 = arith.muli %add3A_260, %mul3A_345 : i32
      "tpu.region"() ({
        %run_scoped3A = tpu.sem_alloc : memref<!tpu.dma_semaphore, #tpu.memory_space<semaphore_mem>>
        %dma_start3A_347 = arith.constant 0 : i32
        %dma_start3A_348 = tpu.memref_slice %arg7[%arg0, %mul3A_346, %dma_start3A_347] : memref<2x10000x128xf32, #tpu.memory_space<hbm>> -> memref<1x40x128xf32, #tpu.memory_space<hbm>>
        %dma_start3A_349 = tpu.memref_squeeze %dma_start3A_348 : memref<1x40x128xf32, #tpu.memory_space<hbm>> -> memref<40x128xf32, #tpu.memory_space<hbm>>
        %dma_start3A_350 = arith.constant 0 : i32
        %dma_start3A_351 = tpu.memref_slice %arg9[%mul3A_344, %dma_start3A_350] : memref<10000x128xf32, #tpu.memory_space<vmem_shared>> -> memref<40x128xf32, #tpu.memory_space<vmem_shared>>
        tpu.enqueue_dma source(%dma_start3A_351 : memref<40x128xf32, #tpu.memory_space<vmem_shared>>) target(%dma_start3A_349 : memref<40x128xf32, #tpu.memory_space<hbm>>) target_semaphore(%run_scoped3A : memref<!tpu.dma_semaphore, #tpu.memory_space<semaphore_mem>>)
        %dma_wait3A_352 = arith.constant 0 : i32
        %dma_wait3A_353 = tpu.memref_slice %arg7[%arg0, %mul3A_346, %dma_wait3A_352] : memref<2x10000x128xf32, #tpu.memory_space<hbm>> -> memref<1x40x128xf32, #tpu.memory_space<hbm>>
        %dma_wait3A_354 = tpu.memref_squeeze %dma_wait3A_353 : memref<1x40x128xf32, #tpu.memory_space<hbm>> -> memref<40x128xf32, #tpu.memory_space<hbm>>
        %dma_wait3A_355 = arith.constant 0 : i32
        %dma_wait3A_356 = tpu.memref_slice %arg9[%mul3A_344, %dma_wait3A_355] : memref<10000x128xf32, #tpu.memory_space<vmem_shared>> -> memref<40x128xf32, #tpu.memory_space<vmem_shared>>
        tpu.wait_dma2 semaphore(%run_scoped3A : memref<!tpu.dma_semaphore, #tpu.memory_space<semaphore_mem>>) src(%dma_wait3A_356 : memref<40x128xf32, #tpu.memory_space<vmem_shared>>) dst(%dma_wait3A_354 : memref<40x128xf32, #tpu.memory_space<hbm>>)
        tpu.yield
      }) : () -> ()
    } else {
    }
    %add3A_266 = arith.constant 80 : i32
    %add3A_267 = arith.addi %arg1, %add3A_266 : i32
    %lt3A_268 = arith.constant 250 : i32
    %lt3A_269 = arith.cmpi slt, %add3A_267, %lt3A_268 : i32
    %convert_element_type3A_270 = arith.extui %lt3A_269 : i1 to i32
    %cond3A_271 = arith.constant 0 : i32
    %cond3A_272 = arith.cmpi ne, %convert_element_type3A_270, %cond3A_271 : i32
    scf.if %cond3A_272 {
      %mul3A_343 = arith.constant 40 : i32
      %mul3A_344 = arith.muli %add3A_267, %mul3A_343 : i32
      %mul3A_345 = arith.constant 40 : i32
      %mul3A_346 = arith.muli %add3A_267, %mul3A_345 : i32
      "tpu.region"() ({
        %run_scoped3A = tpu.sem_alloc : memref<!tpu.dma_semaphore, #tpu.memory_space<semaphore_mem>>
        %dma_start3A_347 = arith.constant 0 : i32
        %dma_start3A_348 = tpu.memref_slice %arg7[%arg0, %mul3A_346, %dma_start3A_347] : memref<2x10000x128xf32, #tpu.memory_space<hbm>> -> memref<1x40x128xf32, #tpu.memory_space<hbm>>
        %dma_start3A_349 = tpu.memref_squeeze %dma_start3A_348 : memref<1x40x128xf32, #tpu.memory_space<hbm>> -> memref<40x128xf32, #tpu.memory_space<hbm>>
        %dma_start3A_350 = arith.constant 0 : i32
        %dma_start3A_351 = tpu.memref_slice %arg9[%mul3A_344, %dma_start3A_350] : memref<10000x128xf32, #tpu.memory_space<vmem_shared>> -> memref<40x128xf32, #tpu.memory_space<vmem_shared>>
        tpu.enqueue_dma source(%dma_start3A_351 : memref<40x128xf32, #tpu.memory_space<vmem_shared>>) target(%dma_start3A_349 : memref<40x128xf32, #tpu.memory_space<hbm>>) target_semaphore(%run_scoped3A : memref<!tpu.dma_semaphore, #tpu.memory_space<semaphore_mem>>)
        %dma_wait3A_352 = arith.constant 0 : i32
        %dma_wait3A_353 = tpu.memref_slice %arg7[%arg0, %mul3A_346, %dma_wait3A_352] : memref<2x10000x128xf32, #tpu.memory_space<hbm>> -> memref<1x40x128xf32, #tpu.memory_space<hbm>>
        %dma_wait3A_354 = tpu.memref_squeeze %dma_wait3A_353 : memref<1x40x128xf32, #tpu.memory_space<hbm>> -> memref<40x128xf32, #tpu.memory_space<hbm>>
        %dma_wait3A_355 = arith.constant 0 : i32
        %dma_wait3A_356 = tpu.memref_slice %arg9[%mul3A_344, %dma_wait3A_355] : memref<10000x128xf32, #tpu.memory_space<vmem_shared>> -> memref<40x128xf32, #tpu.memory_space<vmem_shared>>
        tpu.wait_dma2 semaphore(%run_scoped3A : memref<!tpu.dma_semaphore, #tpu.memory_space<semaphore_mem>>) src(%dma_wait3A_356 : memref<40x128xf32, #tpu.memory_space<vmem_shared>>) dst(%dma_wait3A_354 : memref<40x128xf32, #tpu.memory_space<hbm>>)
        tpu.yield
      }) : () -> ()
    } else {
    }
    %add3A_273 = arith.constant 96 : i32
    %add3A_274 = arith.addi %arg1, %add3A_273 : i32
    %lt3A_275 = arith.constant 250 : i32
    %lt3A_276 = arith.cmpi slt, %add3A_274, %lt3A_275 : i32
    %convert_element_type3A_277 = arith.extui %lt3A_276 : i1 to i32
    %cond3A_278 = arith.constant 0 : i32
    %cond3A_279 = arith.cmpi ne, %convert_element_type3A_277, %cond3A_278 : i32
    scf.if %cond3A_279 {
      %mul3A_343 = arith.constant 40 : i32
      %mul3A_344 = arith.muli %add3A_274, %mul3A_343 : i32
      %mul3A_345 = arith.constant 40 : i32
      %mul3A_346 = arith.muli %add3A_274, %mul3A_345 : i32
      "tpu.region"() ({
        %run_scoped3A = tpu.sem_alloc : memref<!tpu.dma_semaphore, #tpu.memory_space<semaphore_mem>>
        %dma_start3A_347 = arith.constant 0 : i32
        %dma_start3A_348 = tpu.memref_slice %arg7[%arg0, %mul3A_346, %dma_start3A_347] : memref<2x10000x128xf32, #tpu.memory_space<hbm>> -> memref<1x40x128xf32, #tpu.memory_space<hbm>>
        %dma_start3A_349 = tpu.memref_squeeze %dma_start3A_348 : memref<1x40x128xf32, #tpu.memory_space<hbm>> -> memref<40x128xf32, #tpu.memory_space<hbm>>
        %dma_start3A_350 = arith.constant 0 : i32
        %dma_start3A_351 = tpu.memref_slice %arg9[%mul3A_344, %dma_start3A_350] : memref<10000x128xf32, #tpu.memory_space<vmem_shared>> -> memref<40x128xf32, #tpu.memory_space<vmem_shared>>
        tpu.enqueue_dma source(%dma_start3A_351 : memref<40x128xf32, #tpu.memory_space<vmem_shared>>) target(%dma_start3A_349 : memref<40x128xf32, #tpu.memory_space<hbm>>) target_semaphore(%run_scoped3A : memref<!tpu.dma_semaphore, #tpu.memory_space<semaphore_mem>>)
        %dma_wait3A_352 = arith.constant 0 : i32
        %dma_wait3A_353 = tpu.memref_slice %arg7[%arg0, %mul3A_346, %dma_wait3A_352] : memref<2x10000x128xf32, #tpu.memory_space<hbm>> -> memref<1x40x128xf32, #tpu.memory_space<hbm>>
        %dma_wait3A_354 = tpu.memref_squeeze %dma_wait3A_353 : memref<1x40x128xf32, #tpu.memory_space<hbm>> -> memref<40x128xf32, #tpu.memory_space<hbm>>
        %dma_wait3A_355 = arith.constant 0 : i32
        %dma_wait3A_356 = tpu.memref_slice %arg9[%mul3A_344, %dma_wait3A_355] : memref<10000x128xf32, #tpu.memory_space<vmem_shared>> -> memref<40x128xf32, #tpu.memory_space<vmem_shared>>
        tpu.wait_dma2 semaphore(%run_scoped3A : memref<!tpu.dma_semaphore, #tpu.memory_space<semaphore_mem>>) src(%dma_wait3A_356 : memref<40x128xf32, #tpu.memory_space<vmem_shared>>) dst(%dma_wait3A_354 : memref<40x128xf32, #tpu.memory_space<hbm>>)
        tpu.yield
      }) : () -> ()
    } else {
    }
    %add3A_280 = arith.constant 112 : i32
    %add3A_281 = arith.addi %arg1, %add3A_280 : i32
    %lt3A_282 = arith.constant 250 : i32
    %lt3A_283 = arith.cmpi slt, %add3A_281, %lt3A_282 : i32
    %convert_element_type3A_284 = arith.extui %lt3A_283 : i1 to i32
    %cond3A_285 = arith.constant 0 : i32
    %cond3A_286 = arith.cmpi ne, %convert_element_type3A_284, %cond3A_285 : i32
    scf.if %cond3A_286 {
      %mul3A_343 = arith.constant 40 : i32
      %mul3A_344 = arith.muli %add3A_281, %mul3A_343 : i32
      %mul3A_345 = arith.constant 40 : i32
      %mul3A_346 = arith.muli %add3A_281, %mul3A_345 : i32
      "tpu.region"() ({
        %run_scoped3A = tpu.sem_alloc : memref<!tpu.dma_semaphore, #tpu.memory_space<semaphore_mem>>
        %dma_start3A_347 = arith.constant 0 : i32
        %dma_start3A_348 = tpu.memref_slice %arg7[%arg0, %mul3A_346, %dma_start3A_347] : memref<2x10000x128xf32, #tpu.memory_space<hbm>> -> memref<1x40x128xf32, #tpu.memory_space<hbm>>
        %dma_start3A_349 = tpu.memref_squeeze %dma_start3A_348 : memref<1x40x128xf32, #tpu.memory_space<hbm>> -> memref<40x128xf32, #tpu.memory_space<hbm>>
        %dma_start3A_350 = arith.constant 0 : i32
        %dma_start3A_351 = tpu.memref_slice %arg9[%mul3A_344, %dma_start3A_350] : memref<10000x128xf32, #tpu.memory_space<vmem_shared>> -> memref<40x128xf32, #tpu.memory_space<vmem_shared>>
        tpu.enqueue_dma source(%dma_start3A_351 : memref<40x128xf32, #tpu.memory_space<vmem_shared>>) target(%dma_start3A_349 : memref<40x128xf32, #tpu.memory_space<hbm>>) target_semaphore(%run_scoped3A : memref<!tpu.dma_semaphore, #tpu.memory_space<semaphore_mem>>)
        %dma_wait3A_352 = arith.constant 0 : i32
        %dma_wait3A_353 = tpu.memref_slice %arg7[%arg0, %mul3A_346, %dma_wait3A_352] : memref<2x10000x128xf32, #tpu.memory_space<hbm>> -> memref<1x40x128xf32, #tpu.memory_space<hbm>>
        %dma_wait3A_354 = tpu.memref_squeeze %dma_wait3A_353 : memref<1x40x128xf32, #tpu.memory_space<hbm>> -> memref<40x128xf32, #tpu.memory_space<hbm>>
        %dma_wait3A_355 = arith.constant 0 : i32
        %dma_wait3A_356 = tpu.memref_slice %arg9[%mul3A_344, %dma_wait3A_355] : memref<10000x128xf32, #tpu.memory_space<vmem_shared>> -> memref<40x128xf32, #tpu.memory_space<vmem_shared>>
        tpu.wait_dma2 semaphore(%run_scoped3A : memref<!tpu.dma_semaphore, #tpu.memory_space<semaphore_mem>>) src(%dma_wait3A_356 : memref<40x128xf32, #tpu.memory_space<vmem_shared>>) dst(%dma_wait3A_354 : memref<40x128xf32, #tpu.memory_space<hbm>>)
        tpu.yield
      }) : () -> ()
    } else {
    }
    %add3A_287 = arith.constant 128 : i32
    %add3A_288 = arith.addi %arg1, %add3A_287 : i32
    %lt3A_289 = arith.constant 250 : i32
    %lt3A_290 = arith.cmpi slt, %add3A_288, %lt3A_289 : i32
    %convert_element_type3A_291 = arith.extui %lt3A_290 : i1 to i32
    %cond3A_292 = arith.constant 0 : i32
    %cond3A_293 = arith.cmpi ne, %convert_element_type3A_291, %cond3A_292 : i32
    scf.if %cond3A_293 {
      %mul3A_343 = arith.constant 40 : i32
      %mul3A_344 = arith.muli %add3A_288, %mul3A_343 : i32
      %mul3A_345 = arith.constant 40 : i32
      %mul3A_346 = arith.muli %add3A_288, %mul3A_345 : i32
      "tpu.region"() ({
        %run_scoped3A = tpu.sem_alloc : memref<!tpu.dma_semaphore, #tpu.memory_space<semaphore_mem>>
        %dma_start3A_347 = arith.constant 0 : i32
        %dma_start3A_348 = tpu.memref_slice %arg7[%arg0, %mul3A_346, %dma_start3A_347] : memref<2x10000x128xf32, #tpu.memory_space<hbm>> -> memref<1x40x128xf32, #tpu.memory_space<hbm>>
        %dma_start3A_349 = tpu.memref_squeeze %dma_start3A_348 : memref<1x40x128xf32, #tpu.memory_space<hbm>> -> memref<40x128xf32, #tpu.memory_space<hbm>>
        %dma_start3A_350 = arith.constant 0 : i32
        %dma_start3A_351 = tpu.memref_slice %arg9[%mul3A_344, %dma_start3A_350] : memref<10000x128xf32, #tpu.memory_space<vmem_shared>> -> memref<40x128xf32, #tpu.memory_space<vmem_shared>>
        tpu.enqueue_dma source(%dma_start3A_351 : memref<40x128xf32, #tpu.memory_space<vmem_shared>>) target(%dma_start3A_349 : memref<40x128xf32, #tpu.memory_space<hbm>>) target_semaphore(%run_scoped3A : memref<!tpu.dma_semaphore, #tpu.memory_space<semaphore_mem>>)
        %dma_wait3A_352 = arith.constant 0 : i32
        %dma_wait3A_353 = tpu.memref_slice %arg7[%arg0, %mul3A_346, %dma_wait3A_352] : memref<2x10000x128xf32, #tpu.memory_space<hbm>> -> memref<1x40x128xf32, #tpu.memory_space<hbm>>
        %dma_wait3A_354 = tpu.memref_squeeze %dma_wait3A_353 : memref<1x40x128xf32, #tpu.memory_space<hbm>> -> memref<40x128xf32, #tpu.memory_space<hbm>>
        %dma_wait3A_355 = arith.constant 0 : i32
        %dma_wait3A_356 = tpu.memref_slice %arg9[%mul3A_344, %dma_wait3A_355] : memref<10000x128xf32, #tpu.memory_space<vmem_shared>> -> memref<40x128xf32, #tpu.memory_space<vmem_shared>>
        tpu.wait_dma2 semaphore(%run_scoped3A : memref<!tpu.dma_semaphore, #tpu.memory_space<semaphore_mem>>) src(%dma_wait3A_356 : memref<40x128xf32, #tpu.memory_space<vmem_shared>>) dst(%dma_wait3A_354 : memref<40x128xf32, #tpu.memory_space<hbm>>)
        tpu.yield
      }) : () -> ()
    } else {
    }
    %add3A_294 = arith.constant 144 : i32
    %add3A_295 = arith.addi %arg1, %add3A_294 : i32
    %lt3A_296 = arith.constant 250 : i32
    %lt3A_297 = arith.cmpi slt, %add3A_295, %lt3A_296 : i32
    %convert_element_type3A_298 = arith.extui %lt3A_297 : i1 to i32
    %cond3A_299 = arith.constant 0 : i32
    %cond3A_300 = arith.cmpi ne, %convert_element_type3A_298, %cond3A_299 : i32
    scf.if %cond3A_300 {
      %mul3A_343 = arith.constant 40 : i32
      %mul3A_344 = arith.muli %add3A_295, %mul3A_343 : i32
      %mul3A_345 = arith.constant 40 : i32
      %mul3A_346 = arith.muli %add3A_295, %mul3A_345 : i32
      "tpu.region"() ({
        %run_scoped3A = tpu.sem_alloc : memref<!tpu.dma_semaphore, #tpu.memory_space<semaphore_mem>>
        %dma_start3A_347 = arith.constant 0 : i32
        %dma_start3A_348 = tpu.memref_slice %arg7[%arg0, %mul3A_346, %dma_start3A_347] : memref<2x10000x128xf32, #tpu.memory_space<hbm>> -> memref<1x40x128xf32, #tpu.memory_space<hbm>>
        %dma_start3A_349 = tpu.memref_squeeze %dma_start3A_348 : memref<1x40x128xf32, #tpu.memory_space<hbm>> -> memref<40x128xf32, #tpu.memory_space<hbm>>
        %dma_start3A_350 = arith.constant 0 : i32
        %dma_start3A_351 = tpu.memref_slice %arg9[%mul3A_344, %dma_start3A_350] : memref<10000x128xf32, #tpu.memory_space<vmem_shared>> -> memref<40x128xf32, #tpu.memory_space<vmem_shared>>
        tpu.enqueue_dma source(%dma_start3A_351 : memref<40x128xf32, #tpu.memory_space<vmem_shared>>) target(%dma_start3A_349 : memref<40x128xf32, #tpu.memory_space<hbm>>) target_semaphore(%run_scoped3A : memref<!tpu.dma_semaphore, #tpu.memory_space<semaphore_mem>>)
        %dma_wait3A_352 = arith.constant 0 : i32
        %dma_wait3A_353 = tpu.memref_slice %arg7[%arg0, %mul3A_346, %dma_wait3A_352] : memref<2x10000x128xf32, #tpu.memory_space<hbm>> -> memref<1x40x128xf32, #tpu.memory_space<hbm>>
        %dma_wait3A_354 = tpu.memref_squeeze %dma_wait3A_353 : memref<1x40x128xf32, #tpu.memory_space<hbm>> -> memref<40x128xf32, #tpu.memory_space<hbm>>
        %dma_wait3A_355 = arith.constant 0 : i32
        %dma_wait3A_356 = tpu.memref_slice %arg9[%mul3A_344, %dma_wait3A_355] : memref<10000x128xf32, #tpu.memory_space<vmem_shared>> -> memref<40x128xf32, #tpu.memory_space<vmem_shared>>
        tpu.wait_dma2 semaphore(%run_scoped3A : memref<!tpu.dma_semaphore, #tpu.memory_space<semaphore_mem>>) src(%dma_wait3A_356 : memref<40x128xf32, #tpu.memory_space<vmem_shared>>) dst(%dma_wait3A_354 : memref<40x128xf32, #tpu.memory_space<hbm>>)
        tpu.yield
      }) : () -> ()
    } else {
    }
    %add3A_301 = arith.constant 160 : i32
    %add3A_302 = arith.addi %arg1, %add3A_301 : i32
    %lt3A_303 = arith.constant 250 : i32
    %lt3A_304 = arith.cmpi slt, %add3A_302, %lt3A_303 : i32
    %convert_element_type3A_305 = arith.extui %lt3A_304 : i1 to i32
    %cond3A_306 = arith.constant 0 : i32
    %cond3A_307 = arith.cmpi ne, %convert_element_type3A_305, %cond3A_306 : i32
    scf.if %cond3A_307 {
      %mul3A_343 = arith.constant 40 : i32
      %mul3A_344 = arith.muli %add3A_302, %mul3A_343 : i32
      %mul3A_345 = arith.constant 40 : i32
      %mul3A_346 = arith.muli %add3A_302, %mul3A_345 : i32
      "tpu.region"() ({
        %run_scoped3A = tpu.sem_alloc : memref<!tpu.dma_semaphore, #tpu.memory_space<semaphore_mem>>
        %dma_start3A_347 = arith.constant 0 : i32
        %dma_start3A_348 = tpu.memref_slice %arg7[%arg0, %mul3A_346, %dma_start3A_347] : memref<2x10000x128xf32, #tpu.memory_space<hbm>> -> memref<1x40x128xf32, #tpu.memory_space<hbm>>
        %dma_start3A_349 = tpu.memref_squeeze %dma_start3A_348 : memref<1x40x128xf32, #tpu.memory_space<hbm>> -> memref<40x128xf32, #tpu.memory_space<hbm>>
        %dma_start3A_350 = arith.constant 0 : i32
        %dma_start3A_351 = tpu.memref_slice %arg9[%mul3A_344, %dma_start3A_350] : memref<10000x128xf32, #tpu.memory_space<vmem_shared>> -> memref<40x128xf32, #tpu.memory_space<vmem_shared>>
        tpu.enqueue_dma source(%dma_start3A_351 : memref<40x128xf32, #tpu.memory_space<vmem_shared>>) target(%dma_start3A_349 : memref<40x128xf32, #tpu.memory_space<hbm>>) target_semaphore(%run_scoped3A : memref<!tpu.dma_semaphore, #tpu.memory_space<semaphore_mem>>)
        %dma_wait3A_352 = arith.constant 0 : i32
        %dma_wait3A_353 = tpu.memref_slice %arg7[%arg0, %mul3A_346, %dma_wait3A_352] : memref<2x10000x128xf32, #tpu.memory_space<hbm>> -> memref<1x40x128xf32, #tpu.memory_space<hbm>>
        %dma_wait3A_354 = tpu.memref_squeeze %dma_wait3A_353 : memref<1x40x128xf32, #tpu.memory_space<hbm>> -> memref<40x128xf32, #tpu.memory_space<hbm>>
        %dma_wait3A_355 = arith.constant 0 : i32
        %dma_wait3A_356 = tpu.memref_slice %arg9[%mul3A_344, %dma_wait3A_355] : memref<10000x128xf32, #tpu.memory_space<vmem_shared>> -> memref<40x128xf32, #tpu.memory_space<vmem_shared>>
        tpu.wait_dma2 semaphore(%run_scoped3A : memref<!tpu.dma_semaphore, #tpu.memory_space<semaphore_mem>>) src(%dma_wait3A_356 : memref<40x128xf32, #tpu.memory_space<vmem_shared>>) dst(%dma_wait3A_354 : memref<40x128xf32, #tpu.memory_space<hbm>>)
        tpu.yield
      }) : () -> ()
    } else {
    }
    %add3A_308 = arith.constant 176 : i32
    %add3A_309 = arith.addi %arg1, %add3A_308 : i32
    %lt3A_310 = arith.constant 250 : i32
    %lt3A_311 = arith.cmpi slt, %add3A_309, %lt3A_310 : i32
    %convert_element_type3A_312 = arith.extui %lt3A_311 : i1 to i32
    %cond3A_313 = arith.constant 0 : i32
    %cond3A_314 = arith.cmpi ne, %convert_element_type3A_312, %cond3A_313 : i32
    scf.if %cond3A_314 {
      %mul3A_343 = arith.constant 40 : i32
      %mul3A_344 = arith.muli %add3A_309, %mul3A_343 : i32
      %mul3A_345 = arith.constant 40 : i32
      %mul3A_346 = arith.muli %add3A_309, %mul3A_345 : i32
      "tpu.region"() ({
        %run_scoped3A = tpu.sem_alloc : memref<!tpu.dma_semaphore, #tpu.memory_space<semaphore_mem>>
        %dma_start3A_347 = arith.constant 0 : i32
        %dma_start3A_348 = tpu.memref_slice %arg7[%arg0, %mul3A_346, %dma_start3A_347] : memref<2x10000x128xf32, #tpu.memory_space<hbm>> -> memref<1x40x128xf32, #tpu.memory_space<hbm>>
        %dma_start3A_349 = tpu.memref_squeeze %dma_start3A_348 : memref<1x40x128xf32, #tpu.memory_space<hbm>> -> memref<40x128xf32, #tpu.memory_space<hbm>>
        %dma_start3A_350 = arith.constant 0 : i32
        %dma_start3A_351 = tpu.memref_slice %arg9[%mul3A_344, %dma_start3A_350] : memref<10000x128xf32, #tpu.memory_space<vmem_shared>> -> memref<40x128xf32, #tpu.memory_space<vmem_shared>>
        tpu.enqueue_dma source(%dma_start3A_351 : memref<40x128xf32, #tpu.memory_space<vmem_shared>>) target(%dma_start3A_349 : memref<40x128xf32, #tpu.memory_space<hbm>>) target_semaphore(%run_scoped3A : memref<!tpu.dma_semaphore, #tpu.memory_space<semaphore_mem>>)
        %dma_wait3A_352 = arith.constant 0 : i32
        %dma_wait3A_353 = tpu.memref_slice %arg7[%arg0, %mul3A_346, %dma_wait3A_352] : memref<2x10000x128xf32, #tpu.memory_space<hbm>> -> memref<1x40x128xf32, #tpu.memory_space<hbm>>
        %dma_wait3A_354 = tpu.memref_squeeze %dma_wait3A_353 : memref<1x40x128xf32, #tpu.memory_space<hbm>> -> memref<40x128xf32, #tpu.memory_space<hbm>>
        %dma_wait3A_355 = arith.constant 0 : i32
        %dma_wait3A_356 = tpu.memref_slice %arg9[%mul3A_344, %dma_wait3A_355] : memref<10000x128xf32, #tpu.memory_space<vmem_shared>> -> memref<40x128xf32, #tpu.memory_space<vmem_shared>>
        tpu.wait_dma2 semaphore(%run_scoped3A : memref<!tpu.dma_semaphore, #tpu.memory_space<semaphore_mem>>) src(%dma_wait3A_356 : memref<40x128xf32, #tpu.memory_space<vmem_shared>>) dst(%dma_wait3A_354 : memref<40x128xf32, #tpu.memory_space<hbm>>)
        tpu.yield
      }) : () -> ()
    } else {
    }
    %add3A_315 = arith.constant 192 : i32
    %add3A_316 = arith.addi %arg1, %add3A_315 : i32
    %lt3A_317 = arith.constant 250 : i32
    %lt3A_318 = arith.cmpi slt, %add3A_316, %lt3A_317 : i32
    %convert_element_type3A_319 = arith.extui %lt3A_318 : i1 to i32
    %cond3A_320 = arith.constant 0 : i32
    %cond3A_321 = arith.cmpi ne, %convert_element_type3A_319, %cond3A_320 : i32
    scf.if %cond3A_321 {
      %mul3A_343 = arith.constant 40 : i32
      %mul3A_344 = arith.muli %add3A_316, %mul3A_343 : i32
      %mul3A_345 = arith.constant 40 : i32
      %mul3A_346 = arith.muli %add3A_316, %mul3A_345 : i32
      "tpu.region"() ({
        %run_scoped3A = tpu.sem_alloc : memref<!tpu.dma_semaphore, #tpu.memory_space<semaphore_mem>>
        %dma_start3A_347 = arith.constant 0 : i32
        %dma_start3A_348 = tpu.memref_slice %arg7[%arg0, %mul3A_346, %dma_start3A_347] : memref<2x10000x128xf32, #tpu.memory_space<hbm>> -> memref<1x40x128xf32, #tpu.memory_space<hbm>>
        %dma_start3A_349 = tpu.memref_squeeze %dma_start3A_348 : memref<1x40x128xf32, #tpu.memory_space<hbm>> -> memref<40x128xf32, #tpu.memory_space<hbm>>
        %dma_start3A_350 = arith.constant 0 : i32
        %dma_start3A_351 = tpu.memref_slice %arg9[%mul3A_344, %dma_start3A_350] : memref<10000x128xf32, #tpu.memory_space<vmem_shared>> -> memref<40x128xf32, #tpu.memory_space<vmem_shared>>
        tpu.enqueue_dma source(%dma_start3A_351 : memref<40x128xf32, #tpu.memory_space<vmem_shared>>) target(%dma_start3A_349 : memref<40x128xf32, #tpu.memory_space<hbm>>) target_semaphore(%run_scoped3A : memref<!tpu.dma_semaphore, #tpu.memory_space<semaphore_mem>>)
        %dma_wait3A_352 = arith.constant 0 : i32
        %dma_wait3A_353 = tpu.memref_slice %arg7[%arg0, %mul3A_346, %dma_wait3A_352] : memref<2x10000x128xf32, #tpu.memory_space<hbm>> -> memref<1x40x128xf32, #tpu.memory_space<hbm>>
        %dma_wait3A_354 = tpu.memref_squeeze %dma_wait3A_353 : memref<1x40x128xf32, #tpu.memory_space<hbm>> -> memref<40x128xf32, #tpu.memory_space<hbm>>
        %dma_wait3A_355 = arith.constant 0 : i32
        %dma_wait3A_356 = tpu.memref_slice %arg9[%mul3A_344, %dma_wait3A_355] : memref<10000x128xf32, #tpu.memory_space<vmem_shared>> -> memref<40x128xf32, #tpu.memory_space<vmem_shared>>
        tpu.wait_dma2 semaphore(%run_scoped3A : memref<!tpu.dma_semaphore, #tpu.memory_space<semaphore_mem>>) src(%dma_wait3A_356 : memref<40x128xf32, #tpu.memory_space<vmem_shared>>) dst(%dma_wait3A_354 : memref<40x128xf32, #tpu.memory_space<hbm>>)
        tpu.yield
      }) : () -> ()
    } else {
    }
    %add3A_322 = arith.constant 208 : i32
    %add3A_323 = arith.addi %arg1, %add3A_322 : i32
    %lt3A_324 = arith.constant 250 : i32
    %lt3A_325 = arith.cmpi slt, %add3A_323, %lt3A_324 : i32
    %convert_element_type3A_326 = arith.extui %lt3A_325 : i1 to i32
    %cond3A_327 = arith.constant 0 : i32
    %cond3A_328 = arith.cmpi ne, %convert_element_type3A_326, %cond3A_327 : i32
    scf.if %cond3A_328 {
      %mul3A_343 = arith.constant 40 : i32
      %mul3A_344 = arith.muli %add3A_323, %mul3A_343 : i32
      %mul3A_345 = arith.constant 40 : i32
      %mul3A_346 = arith.muli %add3A_323, %mul3A_345 : i32
      "tpu.region"() ({
        %run_scoped3A = tpu.sem_alloc : memref<!tpu.dma_semaphore, #tpu.memory_space<semaphore_mem>>
        %dma_start3A_347 = arith.constant 0 : i32
        %dma_start3A_348 = tpu.memref_slice %arg7[%arg0, %mul3A_346, %dma_start3A_347] : memref<2x10000x128xf32, #tpu.memory_space<hbm>> -> memref<1x40x128xf32, #tpu.memory_space<hbm>>
        %dma_start3A_349 = tpu.memref_squeeze %dma_start3A_348 : memref<1x40x128xf32, #tpu.memory_space<hbm>> -> memref<40x128xf32, #tpu.memory_space<hbm>>
        %dma_start3A_350 = arith.constant 0 : i32
        %dma_start3A_351 = tpu.memref_slice %arg9[%mul3A_344, %dma_start3A_350] : memref<10000x128xf32, #tpu.memory_space<vmem_shared>> -> memref<40x128xf32, #tpu.memory_space<vmem_shared>>
        tpu.enqueue_dma source(%dma_start3A_351 : memref<40x128xf32, #tpu.memory_space<vmem_shared>>) target(%dma_start3A_349 : memref<40x128xf32, #tpu.memory_space<hbm>>) target_semaphore(%run_scoped3A : memref<!tpu.dma_semaphore, #tpu.memory_space<semaphore_mem>>)
        %dma_wait3A_352 = arith.constant 0 : i32
        %dma_wait3A_353 = tpu.memref_slice %arg7[%arg0, %mul3A_346, %dma_wait3A_352] : memref<2x10000x128xf32, #tpu.memory_space<hbm>> -> memref<1x40x128xf32, #tpu.memory_space<hbm>>
        %dma_wait3A_354 = tpu.memref_squeeze %dma_wait3A_353 : memref<1x40x128xf32, #tpu.memory_space<hbm>> -> memref<40x128xf32, #tpu.memory_space<hbm>>
        %dma_wait3A_355 = arith.constant 0 : i32
        %dma_wait3A_356 = tpu.memref_slice %arg9[%mul3A_344, %dma_wait3A_355] : memref<10000x128xf32, #tpu.memory_space<vmem_shared>> -> memref<40x128xf32, #tpu.memory_space<vmem_shared>>
        tpu.wait_dma2 semaphore(%run_scoped3A : memref<!tpu.dma_semaphore, #tpu.memory_space<semaphore_mem>>) src(%dma_wait3A_356 : memref<40x128xf32, #tpu.memory_space<vmem_shared>>) dst(%dma_wait3A_354 : memref<40x128xf32, #tpu.memory_space<hbm>>)
        tpu.yield
      }) : () -> ()
    } else {
    }
    %add3A_329 = arith.constant 224 : i32
    %add3A_330 = arith.addi %arg1, %add3A_329 : i32
    %lt3A_331 = arith.constant 250 : i32
    %lt3A_332 = arith.cmpi slt, %add3A_330, %lt3A_331 : i32
    %convert_element_type3A_333 = arith.extui %lt3A_332 : i1 to i32
    %cond3A_334 = arith.constant 0 : i32
    %cond3A_335 = arith.cmpi ne, %convert_element_type3A_333, %cond3A_334 : i32
    scf.if %cond3A_335 {
      %mul3A_343 = arith.constant 40 : i32
      %mul3A_344 = arith.muli %add3A_330, %mul3A_343 : i32
      %mul3A_345 = arith.constant 40 : i32
      %mul3A_346 = arith.muli %add3A_330, %mul3A_345 : i32
      "tpu.region"() ({
        %run_scoped3A = tpu.sem_alloc : memref<!tpu.dma_semaphore, #tpu.memory_space<semaphore_mem>>
        %dma_start3A_347 = arith.constant 0 : i32
        %dma_start3A_348 = tpu.memref_slice %arg7[%arg0, %mul3A_346, %dma_start3A_347] : memref<2x10000x128xf32, #tpu.memory_space<hbm>> -> memref<1x40x128xf32, #tpu.memory_space<hbm>>
        %dma_start3A_349 = tpu.memref_squeeze %dma_start3A_348 : memref<1x40x128xf32, #tpu.memory_space<hbm>> -> memref<40x128xf32, #tpu.memory_space<hbm>>
        %dma_start3A_350 = arith.constant 0 : i32
        %dma_start3A_351 = tpu.memref_slice %arg9[%mul3A_344, %dma_start3A_350] : memref<10000x128xf32, #tpu.memory_space<vmem_shared>> -> memref<40x128xf32, #tpu.memory_space<vmem_shared>>
        tpu.enqueue_dma source(%dma_start3A_351 : memref<40x128xf32, #tpu.memory_space<vmem_shared>>) target(%dma_start3A_349 : memref<40x128xf32, #tpu.memory_space<hbm>>) target_semaphore(%run_scoped3A : memref<!tpu.dma_semaphore, #tpu.memory_space<semaphore_mem>>)
        %dma_wait3A_352 = arith.constant 0 : i32
        %dma_wait3A_353 = tpu.memref_slice %arg7[%arg0, %mul3A_346, %dma_wait3A_352] : memref<2x10000x128xf32, #tpu.memory_space<hbm>> -> memref<1x40x128xf32, #tpu.memory_space<hbm>>
        %dma_wait3A_354 = tpu.memref_squeeze %dma_wait3A_353 : memref<1x40x128xf32, #tpu.memory_space<hbm>> -> memref<40x128xf32, #tpu.memory_space<hbm>>
        %dma_wait3A_355 = arith.constant 0 : i32
        %dma_wait3A_356 = tpu.memref_slice %arg9[%mul3A_344, %dma_wait3A_355] : memref<10000x128xf32, #tpu.memory_space<vmem_shared>> -> memref<40x128xf32, #tpu.memory_space<vmem_shared>>
        tpu.wait_dma2 semaphore(%run_scoped3A : memref<!tpu.dma_semaphore, #tpu.memory_space<semaphore_mem>>) src(%dma_wait3A_356 : memref<40x128xf32, #tpu.memory_space<vmem_shared>>) dst(%dma_wait3A_354 : memref<40x128xf32, #tpu.memory_space<hbm>>)
        tpu.yield
      }) : () -> ()
    } else {
    }
    %add3A_336 = arith.constant 240 : i32
    %add3A_337 = arith.addi %arg1, %add3A_336 : i32
    %lt3A_338 = arith.constant 250 : i32
    %lt3A_339 = arith.cmpi slt, %add3A_337, %lt3A_338 : i32
    %convert_element_type3A_340 = arith.extui %lt3A_339 : i1 to i32
    %cond3A_341 = arith.constant 0 : i32
    %cond3A_342 = arith.cmpi ne, %convert_element_type3A_340, %cond3A_341 : i32
    scf.if %cond3A_342 {
      %mul3A_343 = arith.constant 40 : i32
      %mul3A_344 = arith.muli %add3A_337, %mul3A_343 : i32
      %mul3A_345 = arith.constant 40 : i32
      %mul3A_346 = arith.muli %add3A_337, %mul3A_345 : i32
      "tpu.region"() ({
        %run_scoped3A = tpu.sem_alloc : memref<!tpu.dma_semaphore, #tpu.memory_space<semaphore_mem>>
        %dma_start3A_347 = arith.constant 0 : i32
        %dma_start3A_348 = tpu.memref_slice %arg7[%arg0, %mul3A_346, %dma_start3A_347] : memref<2x10000x128xf32, #tpu.memory_space<hbm>> -> memref<1x40x128xf32, #tpu.memory_space<hbm>>
        %dma_start3A_349 = tpu.memref_squeeze %dma_start3A_348 : memref<1x40x128xf32, #tpu.memory_space<hbm>> -> memref<40x128xf32, #tpu.memory_space<hbm>>
        %dma_start3A_350 = arith.constant 0 : i32
        %dma_start3A_351 = tpu.memref_slice %arg9[%mul3A_344, %dma_start3A_350] : memref<10000x128xf32, #tpu.memory_space<vmem_shared>> -> memref<40x128xf32, #tpu.memory_space<vmem_shared>>
        tpu.enqueue_dma source(%dma_start3A_351 : memref<40x128xf32, #tpu.memory_space<vmem_shared>>) target(%dma_start3A_349 : memref<40x128xf32, #tpu.memory_space<hbm>>) target_semaphore(%run_scoped3A : memref<!tpu.dma_semaphore, #tpu.memory_space<semaphore_mem>>)
        %dma_wait3A_352 = arith.constant 0 : i32
        %dma_wait3A_353 = tpu.memref_slice %arg7[%arg0, %mul3A_346, %dma_wait3A_352] : memref<2x10000x128xf32, #tpu.memory_space<hbm>> -> memref<1x40x128xf32, #tpu.memory_space<hbm>>
        %dma_wait3A_354 = tpu.memref_squeeze %dma_wait3A_353 : memref<1x40x128xf32, #tpu.memory_space<hbm>> -> memref<40x128xf32, #tpu.memory_space<hbm>>
        %dma_wait3A_355 = arith.constant 0 : i32
        %dma_wait3A_356 = tpu.memref_slice %arg9[%mul3A_344, %dma_wait3A_355] : memref<10000x128xf32, #tpu.memory_space<vmem_shared>> -> memref<40x128xf32, #tpu.memory_space<vmem_shared>>
        tpu.wait_dma2 semaphore(%run_scoped3A : memref<!tpu.dma_semaphore, #tpu.memory_space<semaphore_mem>>) src(%dma_wait3A_356 : memref<40x128xf32, #tpu.memory_space<vmem_shared>>) dst(%dma_wait3A_354 : memref<40x128xf32, #tpu.memory_space<hbm>>)
        tpu.yield
      }) : () -> ()
    } else {
    }
    return
  }
}

module attributes {stable_mosaic.version = 14 : i64} {
  func.func @_lin1_body(%arg0: i32, %arg1: memref<2000x128xf32, #tpu.memory_space<vmem>>, %arg2: memref<128x128xf32, #tpu.memory_space<vmem>>, %arg3: memref<2000x128xf32, #tpu.memory_space<vmem>>) attributes {dimension_semantics = [#tpu.dimension_semantics<arbitrary>], iteration_bounds = array<i64: 5>, scalar_prefetch = 0 : i64, scratch_operands = 0 : i64, tpu.core_type = #tpu.core_type<tc>, window_params = [{transform_indices = @transform_0, window_bounds = array<i64: 2000, 128>}, {pipeline_mode = #tpu.pipeline_mode<synchronous>, transform_indices = @transform_1, window_bounds = array<i64: 128, 128>}, {transform_indices = @transform_2, window_bounds = array<i64: 2000, 128>}]} {
    %get3A = arith.constant 0 : index
    %get3A_0 = arith.constant 0 : index
    %get3A_1 = vector.load %arg1[%get3A, %get3A_0] : memref<2000x128xf32, #tpu.memory_space<vmem>>, vector<2000x128xf32>
    %get3A_2 = arith.constant 0 : index
    %get3A_3 = arith.constant 0 : index
    %get3A_4 = vector.load %arg2[%get3A_2, %get3A_3] : memref<128x128xf32, #tpu.memory_space<vmem>>, vector<128x128xf32>
    %dot_general3A = arith.constant dense<0.000000e+00> : vector<2000x128xf32>
    %dot_general3A_5 = tpu.matmul %get3A_1, %get3A_4, %dot_general3A {dimension_numbers = #tpu.dot_dimension_numbers<[1], [0], [0], [1], [0, 0, 1, 1], [], []>, transpose_lhs_hint = false} : vector<2000x128xf32>, vector<128x128xf32>, vector<2000x128xf32> -> vector<2000x128xf32>
    %swap3A = arith.constant 0 : index
    %swap3A_6 = arith.constant 0 : index
    %swap3A_7 = vector.load %arg3[%swap3A, %swap3A_6] : memref<2000x128xf32, #tpu.memory_space<vmem>>, vector<2000x128xf32>
    tpu.vector_store %arg3[%swap3A, %swap3A_6], %dot_general3A_5 {strides = array<i32>} : memref<2000x128xf32, #tpu.memory_space<vmem>>, vector<2000x128xf32>,
    return
  }
  func.func @transform_0(%arg0: i32) -> (i32, i32) {
    %c0_i32 = arith.constant 0 : i32
    %c0_i32_0 = arith.constant 0 : i32
    return %arg0, %c0_i32 : i32, i32
  }
  func.func @transform_1(%arg0: i32) -> (i32, i32) {
    %c0_i32 = arith.constant 0 : i32
    %c0_i32_0 = arith.constant 0 : i32
    %c0_i32_1 = arith.constant 0 : i32
    return %c0_i32, %c0_i32_0 : i32, i32
  }
  func.func @transform_2(%arg0: i32) -> (i32, i32) {
    %c0_i32 = arith.constant 0 : i32
    %c0_i32_0 = arith.constant 0 : i32
    return %arg0, %c0_i32 : i32, i32
  }
}

module attributes {stable_mosaic.version = 14 : i64} {
  func.func @_filter_body(%arg0: i32, %arg1: memref<3200x50xbf16, #tpu.memory_space<vmem>>, %arg2: memref<320000xf32, #tpu.memory_space<vmem>>, %arg3: memref<50x128xbf16, #tpu.memory_space<vmem>>, %arg4: memref<1x128xf32, #tpu.memory_space<vmem>>, %arg5: memref<128x128xbf16, #tpu.memory_space<vmem>>, %arg6: memref<1x128xf32, #tpu.memory_space<vmem>>, %arg7: memref<3200x128xf32, #tpu.memory_space<vmem>>) attributes {dimension_semantics = [#tpu.dimension_semantics<arbitrary>], iteration_bounds = array<i64: 50>, scalar_prefetch = 0 : i64, scratch_operands = 0 : i64, tpu.core_type = #tpu.core_type<tc>, window_params = [{transform_indices = @transform_0, window_bounds = array<i64: 3200, 50>}, {pipeline_mode = #tpu.pipeline_mode<synchronous>, transform_indices = @transform_1, window_bounds = array<i64: 320000>}, {pipeline_mode = #tpu.pipeline_mode<synchronous>, transform_indices = @transform_2, window_bounds = array<i64: 50, 128>}, {pipeline_mode = #tpu.pipeline_mode<synchronous>, transform_indices = @transform_3, window_bounds = array<i64: 1, 128>}, {pipeline_mode = #tpu.pipeline_mode<synchronous>, transform_indices = @transform_4, window_bounds = array<i64: 128, 128>}, {pipeline_mode = #tpu.pipeline_mode<synchronous>, transform_indices = @transform_5, window_bounds = array<i64: 1, 128>}, {transform_indices = @transform_6, window_bounds = array<i64: 3200, 128>}]} {
    %get3A = arith.constant 0 : index
    %get3A_0 = arith.constant 0 : index
    %get3A_1 = vector.load %arg1[%get3A, %get3A_0] : memref<3200x50xbf16, #tpu.memory_space<vmem>>, vector<3200x50xbf16>
    %get3A_2 = arith.constant 0 : index
    %get3A_3 = arith.constant 0 : index
    %get3A_4 = vector.load %arg3[%get3A_2, %get3A_3] : memref<50x128xbf16, #tpu.memory_space<vmem>>, vector<50x128xbf16>
    %dot_general3A = arith.constant dense<0.000000e+00> : vector<3200x128xf32>
    %dot_general3A_5 = tpu.matmul %get3A_1, %get3A_4, %dot_general3A {dimension_numbers = #tpu.dot_dimension_numbers<[1], [0], [0], [1], [0, 0, 1, 1], [], []>, transpose_lhs_hint = false} : vector<3200x50xbf16>, vector<50x128xbf16>, vector<3200x128xf32> -> vector<3200x128xf32>
    %get3A_6 = arith.constant 0 : index
    %get3A_7 = arith.constant 0 : index
    %get3A_8 = vector.load %arg4[%get3A_6, %get3A_7] : memref<1x128xf32, #tpu.memory_space<vmem>>, vector<1x128xf32>
    %add3A = vector.broadcast %get3A_8 : vector<1x128xf32> to vector<3200x128xf32>
    %add3A_9 = arith.addf %dot_general3A_5, %add3A : vector<3200x128xf32>
    %tanh3A = math.tanh %add3A_9 : vector<3200x128xf32>
    %convert_element_type3A = arith.truncf %tanh3A : vector<3200x128xf32> to vector<3200x128xbf16>
    %get3A_10 = arith.constant 0 : index
    %get3A_11 = arith.constant 0 : index
    %get3A_12 = vector.load %arg5[%get3A_10, %get3A_11] : memref<128x128xbf16, #tpu.memory_space<vmem>>, vector<128x128xbf16>
    %dot_general3A_13 = arith.constant dense<0.000000e+00> : vector<3200x128xf32>
    %dot_general3A_14 = tpu.matmul %convert_element_type3A, %get3A_12, %dot_general3A_13 {dimension_numbers = #tpu.dot_dimension_numbers<[1], [0], [0], [1], [0, 0, 1, 1], [], []>, transpose_lhs_hint = false} : vector<3200x128xbf16>, vector<128x128xbf16>, vector<3200x128xf32> -> vector<3200x128xf32>
    %get3A_15 = arith.constant 0 : index
    %get3A_16 = arith.constant 0 : index
    %get3A_17 = vector.load %arg6[%get3A_15, %get3A_16] : memref<1x128xf32, #tpu.memory_space<vmem>>, vector<1x128xf32>
    %add3A_18 = vector.broadcast %get3A_17 : vector<1x128xf32> to vector<3200x128xf32>
    %add3A_19 = arith.addf %dot_general3A_14, %add3A_18 : vector<3200x128xf32>
    %mul3A = arith.constant 3200 : i32
    %mul3A_20 = arith.muli %arg0, %mul3A : i32
    %add3A_21 = arith.constant 0 : i32
    %add3A_22 = arith.addi %add3A_21, %mul3A_20 : i32
    %get3A_23 = arith.index_cast %add3A_22 : i32 to index
    %get3A_24 = vector.load %arg2[%get3A_23] : memref<320000xf32, #tpu.memory_space<vmem>>, vector<3200xf32>
    %reshape3A = vector.shape_cast %get3A_24 : vector<3200xf32> to vector<3200x1xf32>
    %mul3A_25 = arith.constant 1.000000e-01 : f32
    %mul3A_26 = vector.broadcast %mul3A_25 : f32 to vector<3200x1xf32>
    %mul3A_27 = arith.mulf %reshape3A, %mul3A_26 : vector<3200x1xf32>
    %sub3A = arith.constant 5.000000e-01 : f32
    %sub3A_28 = vector.broadcast %sub3A : f32 to vector<3200x1xf32>
    %sub3A_29 = arith.subf %mul3A_27, %sub3A_28 : vector<3200x1xf32>
    %mul3A_30 = arith.constant 3.14159274 : f32
    %mul3A_31 = vector.broadcast %mul3A_30 : f32 to vector<3200x1xf32>
    %mul3A_32 = arith.mulf %mul3A_31, %sub3A_29 : vector<3200x1xf32>
    %mul3A_33 = arith.mulf %mul3A_32, %mul3A_32 : vector<3200x1xf32>
    %mul3A_34 = arith.constant -2.50521079E-8 : f32
    %mul3A_35 = vector.broadcast %mul3A_34 : f32 to vector<3200x1xf32>
    %mul3A_36 = arith.mulf %mul3A_35, %mul3A_33 : vector<3200x1xf32>
    %add3A_37 = arith.constant 2.75573188E-6 : f32
    %add3A_38 = vector.broadcast %add3A_37 : f32 to vector<3200x1xf32>
    %add3A_39 = arith.addf %mul3A_36, %add3A_38 : vector<3200x1xf32>
    %mul3A_40 = arith.mulf %add3A_39, %mul3A_33 : vector<3200x1xf32>
    %add3A_41 = arith.constant -1.98412701E-4 : f32
    %add3A_42 = vector.broadcast %add3A_41 : f32 to vector<3200x1xf32>
    %add3A_43 = arith.addf %mul3A_40, %add3A_42 : vector<3200x1xf32>
    %mul3A_44 = arith.mulf %add3A_43, %mul3A_33 : vector<3200x1xf32>
    %add3A_45 = arith.constant 0.00833333377 : f32
    %add3A_46 = vector.broadcast %add3A_45 : f32 to vector<3200x1xf32>
    %add3A_47 = arith.addf %mul3A_44, %add3A_46 : vector<3200x1xf32>
    %mul3A_48 = arith.mulf %add3A_47, %mul3A_33 : vector<3200x1xf32>
    %add3A_49 = arith.constant -0.166666672 : f32
    %add3A_50 = vector.broadcast %add3A_49 : f32 to vector<3200x1xf32>
    %add3A_51 = arith.addf %mul3A_48, %add3A_50 : vector<3200x1xf32>
    %mul3A_52 = arith.mulf %add3A_51, %mul3A_33 : vector<3200x1xf32>
    %add3A_53 = arith.constant 1.000000e+00 : f32
    %add3A_54 = vector.broadcast %add3A_53 : f32 to vector<3200x1xf32>
    %add3A_55 = arith.addf %mul3A_52, %add3A_54 : vector<3200x1xf32>
    %mul3A_56 = arith.mulf %mul3A_32, %add3A_55 : vector<3200x1xf32>
    %mul3A_57 = arith.constant 5.000000e-01 : f32
    %mul3A_58 = vector.broadcast %mul3A_57 : f32 to vector<3200x1xf32>
    %mul3A_59 = arith.mulf %mul3A_58, %mul3A_56 : vector<3200x1xf32>
    %sub3A_60 = arith.constant 5.000000e-01 : f32
    %sub3A_61 = vector.broadcast %sub3A_60 : f32 to vector<3200x1xf32>
    %sub3A_62 = arith.subf %sub3A_61, %mul3A_59 : vector<3200x1xf32>
    %lt3A = arith.constant 1.000000e+01 : f32
    %lt3A_63 = vector.broadcast %lt3A : f32 to vector<3200x1xf32>
    %lt3A_64 = arith.cmpf olt, %reshape3A, %lt3A_63 : vector<3200x1xf32>
    %jit3A = arith.constant 0.000000e+00 : f32
    %broadcast_in_dim3A = vector.broadcast %jit3A : f32 to vector<3200x1xf32>
    %select_n3A = arith.select %lt3A_64, %sub3A_62, %broadcast_in_dim3A : vector<3200x1xi1>, vector<3200x1xf32>
    %mul3A_65 = vector.broadcast %select_n3A : vector<3200x1xf32> to vector<3200x128xf32>
    %mul3A_66 = arith.mulf %add3A_19, %mul3A_65 : vector<3200x128xf32>
    %swap3A = arith.constant 0 : index
    %swap3A_67 = arith.constant 0 : index
    %swap3A_68 = vector.load %arg7[%swap3A, %swap3A_67] : memref<3200x128xf32, #tpu.memory_space<vmem>>, vector<3200x128xf32>
    tpu.vector_store %arg7[%swap3A, %swap3A_67], %mul3A_66 {strides = array<i32>} : memref<3200x128xf32, #tpu.memory_space<vmem>>, vector<3200x128xf32>,
    return
  }
  func.func @transform_0(%arg0: i32) -> (i32, i32) {
    %add3A = arith.constant 0 : i32
    %add3A_0 = arith.addi %arg0, %add3A : i32
    %c0_i32 = arith.constant 0 : i32
    %c0_i32_1 = arith.constant 0 : i32
    return %add3A_0, %c0_i32 : i32, i32
  }
  func.func @transform_1(%arg0: i32) -> i32 {
    %c0_i32 = arith.constant 0 : i32
    %c0_i32_0 = arith.constant 0 : i32
    return %c0_i32 : i32
  }
  func.func @transform_2(%arg0: i32) -> (i32, i32) {
    %c0_i32 = arith.constant 0 : i32
    %c0_i32_0 = arith.constant 0 : i32
    %c0_i32_1 = arith.constant 0 : i32
    return %c0_i32, %c0_i32_0 : i32, i32
  }
  func.func @transform_3(%arg0: i32) -> (i32, i32) {
    %c0_i32 = arith.constant 0 : i32
    %c0_i32_0 = arith.constant 0 : i32
    %c0_i32_1 = arith.constant 0 : i32
    return %c0_i32, %c0_i32_0 : i32, i32
  }
  func.func @transform_4(%arg0: i32) -> (i32, i32) {
    %c0_i32 = arith.constant 0 : i32
    %c0_i32_0 = arith.constant 0 : i32
    %c0_i32_1 = arith.constant 0 : i32
    return %c0_i32, %c0_i32_0 : i32, i32
  }
  func.func @transform_5(%arg0: i32) -> (i32, i32) {
    %c0_i32 = arith.constant 0 : i32
    %c0_i32_0 = arith.constant 0 : i32
    %c0_i32_1 = arith.constant 0 : i32
    return %c0_i32, %c0_i32_0 : i32, i32
  }
  func.func @transform_6(%arg0: i32) -> (i32, i32) {
    %c0_i32 = arith.constant 0 : i32
    %c0_i32_0 = arith.constant 0 : i32
    return %arg0, %c0_i32 : i32, i32
  }
}

module attributes {stable_mosaic.version = 14 : i64} {
  func.func @_filter_body(%arg0: i32, %arg1: memref<3200x50xbf16, #tpu.memory_space<vmem>>, %arg2: memref<320000xf32, #tpu.memory_space<vmem>>, %arg3: memref<50x128xbf16, #tpu.memory_space<vmem>>, %arg4: memref<1x128xf32, #tpu.memory_space<vmem>>, %arg5: memref<128x128xbf16, #tpu.memory_space<vmem>>, %arg6: memref<1x128xf32, #tpu.memory_space<vmem>>, %arg7: memref<3200x128xf32, #tpu.memory_space<vmem>>) attributes {dimension_semantics = [#tpu.dimension_semantics<arbitrary>], iteration_bounds = array<i64: 50>, scalar_prefetch = 0 : i64, scratch_operands = 0 : i64, tpu.core_type = #tpu.core_type<tc>, window_params = [{transform_indices = @transform_0, window_bounds = array<i64: 3200, 50>}, {pipeline_mode = #tpu.pipeline_mode<synchronous>, transform_indices = @transform_1, window_bounds = array<i64: 320000>}, {pipeline_mode = #tpu.pipeline_mode<synchronous>, transform_indices = @transform_2, window_bounds = array<i64: 50, 128>}, {pipeline_mode = #tpu.pipeline_mode<synchronous>, transform_indices = @transform_3, window_bounds = array<i64: 1, 128>}, {pipeline_mode = #tpu.pipeline_mode<synchronous>, transform_indices = @transform_4, window_bounds = array<i64: 128, 128>}, {pipeline_mode = #tpu.pipeline_mode<synchronous>, transform_indices = @transform_5, window_bounds = array<i64: 1, 128>}, {transform_indices = @transform_6, window_bounds = array<i64: 3200, 128>}]} {
    %get3A = arith.constant 0 : index
    %get3A_0 = arith.constant 0 : index
    %get3A_1 = vector.load %arg1[%get3A, %get3A_0] : memref<3200x50xbf16, #tpu.memory_space<vmem>>, vector<3200x50xbf16>
    %get3A_2 = arith.constant 0 : index
    %get3A_3 = arith.constant 0 : index
    %get3A_4 = vector.load %arg3[%get3A_2, %get3A_3] : memref<50x128xbf16, #tpu.memory_space<vmem>>, vector<50x128xbf16>
    %dot_general3A = arith.constant dense<0.000000e+00> : vector<3200x128xf32>
    %dot_general3A_5 = tpu.matmul %get3A_1, %get3A_4, %dot_general3A {dimension_numbers = #tpu.dot_dimension_numbers<[1], [0], [0], [1], [0, 0, 1, 1], [], []>, transpose_lhs_hint = false} : vector<3200x50xbf16>, vector<50x128xbf16>, vector<3200x128xf32> -> vector<3200x128xf32>
    %get3A_6 = arith.constant 0 : index
    %get3A_7 = arith.constant 0 : index
    %get3A_8 = vector.load %arg4[%get3A_6, %get3A_7] : memref<1x128xf32, #tpu.memory_space<vmem>>, vector<1x128xf32>
    %add3A = vector.broadcast %get3A_8 : vector<1x128xf32> to vector<3200x128xf32>
    %add3A_9 = arith.addf %dot_general3A_5, %add3A : vector<3200x128xf32>
    %tanh3A = math.tanh %add3A_9 : vector<3200x128xf32>
    %convert_element_type3A = arith.truncf %tanh3A : vector<3200x128xf32> to vector<3200x128xbf16>
    %get3A_10 = arith.constant 0 : index
    %get3A_11 = arith.constant 0 : index
    %get3A_12 = vector.load %arg5[%get3A_10, %get3A_11] : memref<128x128xbf16, #tpu.memory_space<vmem>>, vector<128x128xbf16>
    %dot_general3A_13 = arith.constant dense<0.000000e+00> : vector<3200x128xf32>
    %dot_general3A_14 = tpu.matmul %convert_element_type3A, %get3A_12, %dot_general3A_13 {dimension_numbers = #tpu.dot_dimension_numbers<[1], [0], [0], [1], [0, 0, 1, 1], [], []>, transpose_lhs_hint = false} : vector<3200x128xbf16>, vector<128x128xbf16>, vector<3200x128xf32> -> vector<3200x128xf32>
    %get3A_15 = arith.constant 0 : index
    %get3A_16 = arith.constant 0 : index
    %get3A_17 = vector.load %arg6[%get3A_15, %get3A_16] : memref<1x128xf32, #tpu.memory_space<vmem>>, vector<1x128xf32>
    %add3A_18 = vector.broadcast %get3A_17 : vector<1x128xf32> to vector<3200x128xf32>
    %add3A_19 = arith.addf %dot_general3A_14, %add3A_18 : vector<3200x128xf32>
    %mul3A = arith.constant 3200 : i32
    %mul3A_20 = arith.muli %arg0, %mul3A : i32
    %add3A_21 = arith.constant 160000 : i32
    %add3A_22 = arith.addi %add3A_21, %mul3A_20 : i32
    %get3A_23 = arith.index_cast %add3A_22 : i32 to index
    %get3A_24 = vector.load %arg2[%get3A_23] : memref<320000xf32, #tpu.memory_space<vmem>>, vector<3200xf32>
    %reshape3A = vector.shape_cast %get3A_24 : vector<3200xf32> to vector<3200x1xf32>
    %mul3A_25 = arith.constant 1.000000e-01 : f32
    %mul3A_26 = vector.broadcast %mul3A_25 : f32 to vector<3200x1xf32>
    %mul3A_27 = arith.mulf %reshape3A, %mul3A_26 : vector<3200x1xf32>
    %sub3A = arith.constant 5.000000e-01 : f32
    %sub3A_28 = vector.broadcast %sub3A : f32 to vector<3200x1xf32>
    %sub3A_29 = arith.subf %mul3A_27, %sub3A_28 : vector<3200x1xf32>
    %mul3A_30 = arith.constant 3.14159274 : f32
    %mul3A_31 = vector.broadcast %mul3A_30 : f32 to vector<3200x1xf32>
    %mul3A_32 = arith.mulf %mul3A_31, %sub3A_29 : vector<3200x1xf32>
    %mul3A_33 = arith.mulf %mul3A_32, %mul3A_32 : vector<3200x1xf32>
    %mul3A_34 = arith.constant -2.50521079E-8 : f32
    %mul3A_35 = vector.broadcast %mul3A_34 : f32 to vector<3200x1xf32>
    %mul3A_36 = arith.mulf %mul3A_35, %mul3A_33 : vector<3200x1xf32>
    %add3A_37 = arith.constant 2.75573188E-6 : f32
    %add3A_38 = vector.broadcast %add3A_37 : f32 to vector<3200x1xf32>
    %add3A_39 = arith.addf %mul3A_36, %add3A_38 : vector<3200x1xf32>
    %mul3A_40 = arith.mulf %add3A_39, %mul3A_33 : vector<3200x1xf32>
    %add3A_41 = arith.constant -1.98412701E-4 : f32
    %add3A_42 = vector.broadcast %add3A_41 : f32 to vector<3200x1xf32>
    %add3A_43 = arith.addf %mul3A_40, %add3A_42 : vector<3200x1xf32>
    %mul3A_44 = arith.mulf %add3A_43, %mul3A_33 : vector<3200x1xf32>
    %add3A_45 = arith.constant 0.00833333377 : f32
    %add3A_46 = vector.broadcast %add3A_45 : f32 to vector<3200x1xf32>
    %add3A_47 = arith.addf %mul3A_44, %add3A_46 : vector<3200x1xf32>
    %mul3A_48 = arith.mulf %add3A_47, %mul3A_33 : vector<3200x1xf32>
    %add3A_49 = arith.constant -0.166666672 : f32
    %add3A_50 = vector.broadcast %add3A_49 : f32 to vector<3200x1xf32>
    %add3A_51 = arith.addf %mul3A_48, %add3A_50 : vector<3200x1xf32>
    %mul3A_52 = arith.mulf %add3A_51, %mul3A_33 : vector<3200x1xf32>
    %add3A_53 = arith.constant 1.000000e+00 : f32
    %add3A_54 = vector.broadcast %add3A_53 : f32 to vector<3200x1xf32>
    %add3A_55 = arith.addf %mul3A_52, %add3A_54 : vector<3200x1xf32>
    %mul3A_56 = arith.mulf %mul3A_32, %add3A_55 : vector<3200x1xf32>
    %mul3A_57 = arith.constant 5.000000e-01 : f32
    %mul3A_58 = vector.broadcast %mul3A_57 : f32 to vector<3200x1xf32>
    %mul3A_59 = arith.mulf %mul3A_58, %mul3A_56 : vector<3200x1xf32>
    %sub3A_60 = arith.constant 5.000000e-01 : f32
    %sub3A_61 = vector.broadcast %sub3A_60 : f32 to vector<3200x1xf32>
    %sub3A_62 = arith.subf %sub3A_61, %mul3A_59 : vector<3200x1xf32>
    %lt3A = arith.constant 1.000000e+01 : f32
    %lt3A_63 = vector.broadcast %lt3A : f32 to vector<3200x1xf32>
    %lt3A_64 = arith.cmpf olt, %reshape3A, %lt3A_63 : vector<3200x1xf32>
    %jit3A = arith.constant 0.000000e+00 : f32
    %broadcast_in_dim3A = vector.broadcast %jit3A : f32 to vector<3200x1xf32>
    %select_n3A = arith.select %lt3A_64, %sub3A_62, %broadcast_in_dim3A : vector<3200x1xi1>, vector<3200x1xf32>
    %mul3A_65 = vector.broadcast %select_n3A : vector<3200x1xf32> to vector<3200x128xf32>
    %mul3A_66 = arith.mulf %add3A_19, %mul3A_65 : vector<3200x128xf32>
    %swap3A = arith.constant 0 : index
    %swap3A_67 = arith.constant 0 : index
    %swap3A_68 = vector.load %arg7[%swap3A, %swap3A_67] : memref<3200x128xf32, #tpu.memory_space<vmem>>, vector<3200x128xf32>
    tpu.vector_store %arg7[%swap3A, %swap3A_67], %mul3A_66 {strides = array<i32>} : memref<3200x128xf32, #tpu.memory_space<vmem>>, vector<3200x128xf32>,
    return
  }
  func.func @transform_0(%arg0: i32) -> (i32, i32) {
    %add3A = arith.constant 50 : i32
    %add3A_0 = arith.addi %arg0, %add3A : i32
    %c0_i32 = arith.constant 0 : i32
    %c0_i32_1 = arith.constant 0 : i32
    return %add3A_0, %c0_i32 : i32, i32
  }
  func.func @transform_1(%arg0: i32) -> i32 {
    %c0_i32 = arith.constant 0 : i32
    %c0_i32_0 = arith.constant 0 : i32
    return %c0_i32 : i32
  }
  func.func @transform_2(%arg0: i32) -> (i32, i32) {
    %c0_i32 = arith.constant 0 : i32
    %c0_i32_0 = arith.constant 0 : i32
    %c0_i32_1 = arith.constant 0 : i32
    return %c0_i32, %c0_i32_0 : i32, i32
  }
  func.func @transform_3(%arg0: i32) -> (i32, i32) {
    %c0_i32 = arith.constant 0 : i32
    %c0_i32_0 = arith.constant 0 : i32
    %c0_i32_1 = arith.constant 0 : i32
    return %c0_i32, %c0_i32_0 : i32, i32
  }
  func.func @transform_4(%arg0: i32) -> (i32, i32) {
    %c0_i32 = arith.constant 0 : i32
    %c0_i32_0 = arith.constant 0 : i32
    %c0_i32_1 = arith.constant 0 : i32
    return %c0_i32, %c0_i32_0 : i32, i32
  }
  func.func @transform_5(%arg0: i32) -> (i32, i32) {
    %c0_i32 = arith.constant 0 : i32
    %c0_i32_0 = arith.constant 0 : i32
    %c0_i32_1 = arith.constant 0 : i32
    return %c0_i32, %c0_i32_0 : i32, i32
  }
  func.func @transform_6(%arg0: i32) -> (i32, i32) {
    %c0_i32 = arith.constant 0 : i32
    %c0_i32_0 = arith.constant 0 : i32
    return %arg0, %c0_i32 : i32, i32
  }
}

module attributes {stable_mosaic.version = 14 : i64} {
  func.func @_final_body(%arg0: i32, %arg1: memref<2x2000x128xf32, #tpu.memory_space<vmem>>, %arg2: memref<2x2000x128xf32, #tpu.memory_space<vmem>>, %arg3: memref<2000x128xf32, #tpu.memory_space<vmem>>, %arg4: memref<2000x1xi32, #tpu.memory_space<vmem>>, %arg5: memref<8x128xf32, #tpu.memory_space<vmem>>, %arg6: memref<128x128xf32, #tpu.memory_space<vmem>>, %arg7: memref<1x128xf32, #tpu.memory_space<vmem>>, %arg8: memref<128x128xf32, #tpu.memory_space<vmem>>, %arg9: memref<1x128xf32, #tpu.memory_space<vmem>>, %arg10: memref<2000x128xf32, #tpu.memory_space<vmem>>) attributes {dimension_semantics = [#tpu.dimension_semantics<arbitrary>], iteration_bounds = array<i64: 5>, scalar_prefetch = 0 : i64, scratch_operands = 0 : i64, tpu.core_type = #tpu.core_type<tc>, window_params = [{transform_indices = @transform_0, window_bounds = array<i64: 2, 2000, 128>}, {transform_indices = @transform_1, window_bounds = array<i64: 2, 2000, 128>}, {transform_indices = @transform_2, window_bounds = array<i64: 2000, 128>}, {transform_indices = @transform_3, window_bounds = array<i64: 2000, 1>}, {pipeline_mode = #tpu.pipeline_mode<synchronous>, transform_indices = @transform_4, window_bounds = array<i64: 8, 128>}, {pipeline_mode = #tpu.pipeline_mode<synchronous>, transform_indices = @transform_5, window_bounds = array<i64: 128, 128>}, {pipeline_mode = #tpu.pipeline_mode<synchronous>, transform_indices = @transform_6, window_bounds = array<i64: 1, 128>}, {pipeline_mode = #tpu.pipeline_mode<synchronous>, transform_indices = @transform_7, window_bounds = array<i64: 128, 128>}, {pipeline_mode = #tpu.pipeline_mode<synchronous>, transform_indices = @transform_8, window_bounds = array<i64: 1, 128>}, {transform_indices = @transform_9, window_bounds = array<i64: 2000, 128>}]} {
    %get3A = arith.constant 0 : index
    %get3A_0 = arith.constant 0 : index
    %get3A_1 = vector.load %arg4[%get3A, %get3A_0] : memref<2000x1xi32, #tpu.memory_space<vmem>>, vector<2000x1xi32>
    %get3A_2 = arith.constant 0 : index
    %get3A_3 = arith.constant 0 : index
    %get3A_4 = vector.load %arg5[%get3A_2, %get3A_3] : memref<8x128xf32, #tpu.memory_space<vmem>>, vector<1x128xf32>
    %get3A_5 = arith.constant 1 : index
    %get3A_6 = arith.constant 0 : index
    %get3A_7 = vector.load %arg5[%get3A_5, %get3A_6] : memref<8x128xf32, #tpu.memory_space<vmem>>, vector<1x128xf32>
    %get3A_8 = arith.constant 2 : index
    %get3A_9 = arith.constant 0 : index
    %get3A_10 = vector.load %arg5[%get3A_8, %get3A_9] : memref<8x128xf32, #tpu.memory_space<vmem>>, vector<1x128xf32>
    %eq3A = arith.constant 0 : i32
    %eq3A_11 = vector.broadcast %eq3A : i32 to vector<2000x1xi32>
    %eq3A_12 = arith.cmpi eq, %get3A_1, %eq3A_11 : vector<2000x1xi32>
    %eq3A_13 = arith.constant 1 : i32
    %eq3A_14 = vector.broadcast %eq3A_13 : i32 to vector<2000x1xi32>
    %eq3A_15 = arith.cmpi eq, %get3A_1, %eq3A_14 : vector<2000x1xi32>
    %broadcast_in_dim3A = vector.shape_cast %eq3A_15 : vector<2000x1xi1> to vector<2000x1xi1>
    %broadcast_in_dim3A_16 = vector.broadcast %broadcast_in_dim3A : vector<2000x1xi1> to vector<2000x128xi1>
    %broadcast_in_dim3A_17 = vector.shape_cast %get3A_7 : vector<1x128xf32> to vector<1x128xf32>
    %broadcast_in_dim3A_18 = vector.broadcast %broadcast_in_dim3A_17 : vector<1x128xf32> to vector<2000x128xf32>
    %broadcast_in_dim3A_19 = vector.shape_cast %get3A_10 : vector<1x128xf32> to vector<1x128xf32>
    %broadcast_in_dim3A_20 = vector.broadcast %broadcast_in_dim3A_19 : vector<1x128xf32> to vector<2000x128xf32>
    %select_n3A = arith.select %broadcast_in_dim3A_16, %broadcast_in_dim3A_18, %broadcast_in_dim3A_20 : vector<2000x128xi1>, vector<2000x128xf32>
    %broadcast_in_dim3A_21 = vector.shape_cast %eq3A_12 : vector<2000x1xi1> to vector<2000x1xi1>
    %broadcast_in_dim3A_22 = vector.broadcast %broadcast_in_dim3A_21 : vector<2000x1xi1> to vector<2000x128xi1>
    %broadcast_in_dim3A_23 = vector.shape_cast %get3A_4 : vector<1x128xf32> to vector<1x128xf32>
    %broadcast_in_dim3A_24 = vector.broadcast %broadcast_in_dim3A_23 : vector<1x128xf32> to vector<2000x128xf32>
    %select_n3A_25 = arith.select %broadcast_in_dim3A_22, %broadcast_in_dim3A_24, %select_n3A : vector<2000x128xi1>, vector<2000x128xf32>
    %add3A = vector.broadcast %get3A_7 : vector<1x128xf32> to vector<2000x128xf32>
    %add3A_26 = arith.addf %select_n3A_25, %add3A : vector<2000x128xf32>
    %get3A_27 = arith.constant 0 : index
    %get3A_28 = arith.constant 0 : index
    %get3A_29 = arith.constant 0 : index
    %get3A_30 = vector.load %arg1[%get3A_27, %get3A_28, %get3A_29] : memref<2x2000x128xf32, #tpu.memory_space<vmem>>, vector<1x2000x128xf32>
    %get3A_31 = vector.shape_cast %get3A_30 : vector<1x2000x128xf32> to vector<2000x128xf32>
    %get3A_32 = arith.constant 1 : index
    %get3A_33 = arith.constant 0 : index
    %get3A_34 = arith.constant 0 : index
    %get3A_35 = vector.load %arg1[%get3A_32, %get3A_33, %get3A_34] : memref<2x2000x128xf32, #tpu.memory_space<vmem>>, vector<1x2000x128xf32>
    %get3A_36 = vector.shape_cast %get3A_35 : vector<1x2000x128xf32> to vector<2000x128xf32>
    %add3A_37 = arith.addf %get3A_31, %get3A_36 : vector<2000x128xf32>
    %get3A_38 = arith.constant 0 : index
    %get3A_39 = arith.constant 0 : index
    %get3A_40 = arith.constant 0 : index
    %get3A_41 = vector.load %arg2[%get3A_38, %get3A_39, %get3A_40] : memref<2x2000x128xf32, #tpu.memory_space<vmem>>, vector<1x2000x128xf32>
    %get3A_42 = vector.shape_cast %get3A_41 : vector<1x2000x128xf32> to vector<2000x128xf32>
    %add3A_43 = arith.addf %add3A_37, %get3A_42 : vector<2000x128xf32>
    %get3A_44 = arith.constant 1 : index
    %get3A_45 = arith.constant 0 : index
    %get3A_46 = arith.constant 0 : index
    %get3A_47 = vector.load %arg2[%get3A_44, %get3A_45, %get3A_46] : memref<2x2000x128xf32, #tpu.memory_space<vmem>>, vector<1x2000x128xf32>
    %get3A_48 = vector.shape_cast %get3A_47 : vector<1x2000x128xf32> to vector<2000x128xf32>
    %add3A_49 = arith.addf %add3A_43, %get3A_48 : vector<2000x128xf32>
    %get3A_50 = arith.constant 0 : index
    %get3A_51 = arith.constant 0 : index
    %get3A_52 = vector.load %arg3[%get3A_50, %get3A_51] : memref<2000x128xf32, #tpu.memory_space<vmem>>, vector<2000x128xf32>
    %mul3A = arith.mulf %add3A_26, %get3A_52 : vector<2000x128xf32>
    %add3A_53 = arith.addf %add3A_49, %mul3A : vector<2000x128xf32>
    %get3A_54 = arith.constant 0 : index
    %get3A_55 = arith.constant 0 : index
    %get3A_56 = vector.load %arg6[%get3A_54, %get3A_55] : memref<128x128xf32, #tpu.memory_space<vmem>>, vector<128x128xf32>
    %dot_general3A = arith.constant dense<0.000000e+00> : vector<2000x128xf32>
    %dot_general3A_57 = tpu.matmul %add3A_53, %get3A_56, %dot_general3A {dimension_numbers = #tpu.dot_dimension_numbers<[1], [0], [0], [1], [0, 0, 1, 1], [], []>, transpose_lhs_hint = false} : vector<2000x128xf32>, vector<128x128xf32>, vector<2000x128xf32> -> vector<2000x128xf32>
    %get3A_58 = arith.constant 0 : index
    %get3A_59 = arith.constant 0 : index
    %get3A_60 = vector.load %arg7[%get3A_58, %get3A_59] : memref<1x128xf32, #tpu.memory_space<vmem>>, vector<1x128xf32>
    %add3A_61 = vector.broadcast %get3A_60 : vector<1x128xf32> to vector<2000x128xf32>
    %add3A_62 = arith.addf %dot_general3A_57, %add3A_61 : vector<2000x128xf32>
    %tanh3A = math.tanh %add3A_62 : vector<2000x128xf32>
    %get3A_63 = arith.constant 0 : index
    %get3A_64 = arith.constant 0 : index
    %get3A_65 = vector.load %arg8[%get3A_63, %get3A_64] : memref<128x128xf32, #tpu.memory_space<vmem>>, vector<128x128xf32>
    %dot_general3A_66 = arith.constant dense<0.000000e+00> : vector<2000x128xf32>
    %dot_general3A_67 = tpu.matmul %tanh3A, %get3A_65, %dot_general3A_66 {dimension_numbers = #tpu.dot_dimension_numbers<[1], [0], [0], [1], [0, 0, 1, 1], [], []>, transpose_lhs_hint = false} : vector<2000x128xf32>, vector<128x128xf32>, vector<2000x128xf32> -> vector<2000x128xf32>
    %get3A_68 = arith.constant 0 : index
    %get3A_69 = arith.constant 0 : index
    %get3A_70 = vector.load %arg9[%get3A_68, %get3A_69] : memref<1x128xf32, #tpu.memory_space<vmem>>, vector<1x128xf32>
    %add3A_71 = vector.broadcast %get3A_70 : vector<1x128xf32> to vector<2000x128xf32>
    %add3A_72 = arith.addf %dot_general3A_67, %add3A_71 : vector<2000x128xf32>
    %swap3A = arith.constant 0 : index
    %swap3A_73 = arith.constant 0 : index
    %swap3A_74 = vector.load %arg10[%swap3A, %swap3A_73] : memref<2000x128xf32, #tpu.memory_space<vmem>>, vector<2000x128xf32>
    tpu.vector_store %arg10[%swap3A, %swap3A_73], %add3A_72 {strides = array<i32>} : memref<2000x128xf32, #tpu.memory_space<vmem>>, vector<2000x128xf32>,
    return
  }
  func.func @transform_0(%arg0: i32) -> (i32, i32, i32) {
    %c0_i32 = arith.constant 0 : i32
    %c0_i32_0 = arith.constant 0 : i32
    %c0_i32_1 = arith.constant 0 : i32
    return %c0_i32, %arg0, %c0_i32_0 : i32, i32, i32
  }
  func.func @transform_1(%arg0: i32) -> (i32, i32, i32) {
    %c0_i32 = arith.constant 0 : i32
    %c0_i32_0 = arith.constant 0 : i32
    %c0_i32_1 = arith.constant 0 : i32
    return %c0_i32, %arg0, %c0_i32_0 : i32, i32, i32
  }
  func.func @transform_2(%arg0: i32) -> (i32, i32) {
    %c0_i32 = arith.constant 0 : i32
    %c0_i32_0 = arith.constant 0 : i32
    return %arg0, %c0_i32 : i32, i32
  }
  func.func @transform_3(%arg0: i32) -> (i32, i32) {
    %c0_i32 = arith.constant 0 : i32
    %c0_i32_0 = arith.constant 0 : i32
    return %arg0, %c0_i32 : i32, i32
  }
  func.func @transform_4(%arg0: i32) -> (i32, i32) {
    %c0_i32 = arith.constant 0 : i32
    %c0_i32_0 = arith.constant 0 : i32
    %c0_i32_1 = arith.constant 0 : i32
    return %c0_i32, %c0_i32_0 : i32, i32
  }
  func.func @transform_5(%arg0: i32) -> (i32, i32) {
    %c0_i32 = arith.constant 0 : i32
    %c0_i32_0 = arith.constant 0 : i32
    %c0_i32_1 = arith.constant 0 : i32
    return %c0_i32, %c0_i32_0 : i32, i32
  }
  func.func @transform_6(%arg0: i32) -> (i32, i32) {
    %c0_i32 = arith.constant 0 : i32
    %c0_i32_0 = arith.constant 0 : i32
    %c0_i32_1 = arith.constant 0 : i32
    return %c0_i32, %c0_i32_0 : i32, i32
  }
  func.func @transform_7(%arg0: i32) -> (i32, i32) {
    %c0_i32 = arith.constant 0 : i32
    %c0_i32_0 = arith.constant 0 : i32
    %c0_i32_1 = arith.constant 0 : i32
    return %c0_i32, %c0_i32_0 : i32, i32
  }
  func.func @transform_8(%arg0: i32) -> (i32, i32) {
    %c0_i32 = arith.constant 0 : i32
    %c0_i32_0 = arith.constant 0 : i32
    %c0_i32_1 = arith.constant 0 : i32
    return %c0_i32, %c0_i32_0 : i32, i32
  }
  func.func @transform_9(%arg0: i32) -> (i32, i32) {
    %c0_i32 = arith.constant 0 : i32
    %c0_i32_0 = arith.constant 0 : i32
    return %arg0, %c0_i32 : i32, i32
  }
}

</mosaic_0001>

<sc_bundles>
// kernel: kernel.11.cloned.1.call-start
scs
__scs_entry_jumppad:
0x0: {  	(pc) =	sbr.rel $0x88, $3  }
0x1: {  	(tag) =	ssettag $0x0;
	lr =	simm.s32 $0x1  }
0x2: {  	[smem:$0x3F91] =	sst lr;
	_ =	strace $0xD0000000  }
0x3: {  	_ = 	snop  }
0x4: {  	_ = 	snop  }
0x5: {  	_ = 	snop  }
0x6: {  	_ = 	snop  }
0x7: {  	_ = 	snop  }
__scs_overlays_trampoline_lowered:
0x8: {  	[smem:$0x3FA0] =	sst s0  }
0x9: {  	[smem:$0x3FA1] =	sst s1  }
0xa: {  	[smem:$0x3FA2] =	sst s2  }
0xb: {  	[smem:$0x3FA3] =	sst s3  }
0xc: {  	[smem:$0x3FA4] =	sst s4  }
0xd: {  	[smem:$0x3FA5] =	sst s5  }
0xe: {  	[smem:$0x3FA6] =	sst s6  }
0xf: {  	[smem:$0x3FA7] =	sst s7  }
0x10: {  	[smem:$0x3FA8] =	sst s8  }
0x11: {  	[smem:$0x3FA9] =	sst s9;
	s0 =	simm.s32 @!p0 $0x0  }
0x12: {  	s1 =	sld [smem:$0x3F8F];
	s0 =	simm.s32 @p0 $0x1  }
0x13: {  	[smem:$0x3FAA] =	sst s0;
	s0 =	simm.s32 @!p1 $0x0  }
0x14: {  	s2 =	sld [smem:$0x3F8E];
	s0 =	simm.s32 @p1 $0x1  }
0x15: {  	[smem:$0x3FAB] =	sst s0;
	s0 =	simm.s32 @!p2 $0x0  }
0x16: {  	s3 =	sld [smem:$0x3FDB];
	s0 =	simm.s32 @p2 $0x1  }
0x17: {  	s4 =	simm.s32 $0x1BF5;
	[smem:$0x3FAD] =	sst s0  }
0x18: {  	s0 =	sld [smem:$0x3F90];
	_ =	swait.ge [sflag:s4], $0x0  }
0x19: {  	s7 =	sld [smem:$0x3F91]  }
0x1a: {  	s8 =	sadd.s32 $0xFFFFE003, lr  }
0x1b: {  	s9 =	sadd.s32 $0xFFFFFEF7, lr;
	s5 =	simm.s32 $0xFFFFFFFF;
	p2 =	slt.u32 s8, $0xFFFFF086  }
0x1c: {  	p1 =	slt.u32 s9, $0xF7A;
	s5 =	simm.s32 @!p2 $0x0  }
0x1d: {  	s5 =	simm.s32 @p1 $0x1;
	p0 =	seq.s32 s7, s2  }
0x1e: {  	s7 =	smul.u32 @!p0 $0xF7A, s2;
	p2 =	seq.s32 @!p0 s5, $0x0  }
0x1f: {  	s9 =	smul.u32 $0xF7A, s1;
	s8 =	simm.s32 @!p0 $0x1BF5;
	p2 =	por !p2, p0  }
0x20: {  	[sflag:s8] =	ssyncset.s32 @!p0 $0xFFFFF086;
	s6 =	sadd.s32 @!p0 s3, s7;
	s7 =	simm.s32 @!p0 $0x108  }
0x21: {  	s3 =	sadd.s32 s3, s9;
	s6 =	sadd.s32 @!p0 $0x88, s6;
	s7 =	simm.s32 @p2 $0x1082  }
0x22: {  	[simem:s7], [sflag:s8] =	dma.local @!p0 [hbm:s6], $0xF7A  }
0x23: {  	s9 =	sor.u32 $0xD0000000, s2;
	s6 =	simm.s32 $0x108;
	_ =	swait.ge @!p0 [sflag:s8], $0x0  }
0x24: {  	s3 =	sadd.s32 $0x88, s3;
	s6 =	simm.s32 @!p1 $0x1082;
	[sflag:s4] =	ssyncset.s32 $0xFFFFF086  }
0x25: {  	[simem:s6], [sflag:s4] =	dma.local [hbm:s3], $0xF7A  }
0x26: {  	[smem:$0x3F91] =	sst s1;
	(tag) =	ssettag s2;
	_ =	strace s9  }
0x27: {  	s1 =	sld [smem:$0x3FA1]  }
0x28: {  	s2 =	sld [smem:$0x3FA2]  }
0x29: {  	s4 =	sld [smem:$0x3FA4]  }
0x2a: {  	p0 =	seq.s32 s5, $0x0;
	s5 =	sld [smem:$0x3FA5]  }
0x2b: {  	s6 =	sld [smem:$0x3FA6]  }
0x2c: {  	s7 =	sld [smem:$0x3FA7]  }
0x2d: {  	s3 =	simm.s32 $0x108;
	s8 =	sld [smem:$0x3FA8]  }
0x2e: {  	s3 =	simm.s32 @!p0 $0x1082;
	s9 =	sld [smem:$0x3FA9]  }
0x2f: {  	lr =	sadd.s32 s0, s3;
	s0 =	sld [smem:$0x3FA0]  }
0x30: {  	s3 =	sld [smem:$0x3FA3]  }
0x31: {  	[smem:$0x3FAC] =	sst s10  }
0x32: {  	s10 =	sld [smem:$0x3FAA];
	_ =	sdelay $0x3  }
0x33: {  	p0 =	seq.s32 s10, $0x1;
	s10 =	sld [smem:$0x3FAC];
	_ =	sdelay $0x3  }
0x34: {  	[smem:$0x3FAC] =	sst s10  }
0x35: {  	s10 =	sld [smem:$0x3FAB];
	_ =	sdelay $0x3  }
0x36: {  	p1 =	seq.s32 s10, $0x1;
	s10 =	sld [smem:$0x3FAC];
	_ =	sdelay $0x3  }
0x37: {  	[smem:$0x3FAC] =	sst s10  }
0x38: {  	s10 =	sld [smem:$0x3FAD]  }
0x39: {  	_ = 	snop;
	(pc) =	sbr.ind lr, $3  }
0x3a: {  	_ = 	snop  }
0x3b: {  	_ = 	snop  }
0x3c: {  	p2 =	seq.s32 s10, $0x1;
	s10 =	sld [smem:$0x3FAC]  }
0x3d: {  	_ =	shalt  }
0x3e: {  	_ =	shalt  }
0x3f: {  	_ =	shalt  }
0x40: {  	_ =	shalt  }
0x41: {  	_ =	shalt  }
0x42: {  	_ =	shalt  }
0x43: {  	_ =	shalt  }
0x44: {  	_ =	shalt  }
0x45: {  	_ =	shalt  }
0x46: {  	_ =	shalt  }
0x47: {  	_ =	shalt  }
0x48: {  	_ =	shalt  }
0x49: {  	_ =	shalt  }
0x4a: {  	_ =	shalt  }
0x4b: {  	_ =	shalt  }
0x4c: {  	_ =	shalt  }
0x4d: {  	_ =	shalt  }
0x4e: {  	_ =	shalt  }
0x4f: {  	_ =	shalt  }
0x50: {  	_ =	shalt  }
0x51: {  	_ =	shalt  }
0x52: {  	_ =	shalt  }
0x53: {  	_ =	shalt  }
0x54: {  	_ =	shalt  }
0x55: {  	_ =	shalt  }
0x56: {  	_ =	shalt  }
0x57: {  	_ =	shalt  }
0x58: {  	_ =	shalt  }
0x59: {  	_ =	shalt  }
0x5a: {  	_ =	shalt  }
0x5b: {  	_ =	shalt  }
0x5c: {  	_ =	shalt  }
0x5d: {  	_ =	shalt  }
0x5e: {  	_ =	shalt  }
0x5f: {  	_ =	shalt  }
0x60: {  	_ =	shalt  }
0x61: {  	_ =	shalt  }
0x62: {  	_ =	shalt  }
0x63: {  	_ =	shalt  }
0x64: {  	_ =	shalt  }
0x65: {  	_ =	shalt  }
0x66: {  	_ =	shalt  }
0x67: {  	_ =	shalt  }
0x68: {  	_ =	shalt  }
0x69: {  	_ =	shalt  }
0x6a: {  	_ =	shalt  }
0x6b: {  	_ =	shalt  }
0x6c: {  	_ =	shalt  }
0x6d: {  	_ =	shalt  }
0x6e: {  	_ =	shalt  }
0x6f: {  	_ =	shalt  }
0x70: {  	_ =	shalt  }
0x71: {  	_ =	shalt  }
0x72: {  	_ =	shalt  }
0x73: {  	_ =	shalt  }
0x74: {  	_ =	shalt  }
0x75: {  	_ =	shalt  }
0x76: {  	_ =	shalt  }
0x77: {  	_ =	shalt  }
0x78: {  	_ =	shalt  }
0x79: {  	_ =	shalt  }
0x7a: {  	_ =	shalt  }
0x7b: {  	_ =	shalt  }
0x7c: {  	_ =	shalt  }
0x7d: {  	_ =	shalt  }
0x7e: {  	_ =	shalt  }
0x7f: {  	_ =	shalt  }
0x80: {  	_ =	shalt  }
0x81: {  	_ =	shalt  }
0x82: {  	_ =	shalt  }
0x83: {  	_ =	shalt  }
0x84: {  	_ =	shalt  }
0x85: {  	_ =	shalt  }
0x86: {  	_ =	shalt  }
0x87: {  	_ =	shalt  }
.Lfunc_end0:
.L_simem_size_0:
called_computation.1_lowered:
.L_overlay_start_0:
0x88: {  	s2 =	sld [smem:$0x3FD9]  }
0x89: {  	s3 =	sld [smem:$0x3FFE];
	_ =	sdelay $0x1  }
0x8a: {  	s1 =	srdreg.scid  }
0x8b: {  	s0 =	sand.u32 $0x1, s1  }
0x8c: {  	s17 =	sshll.u32 s0, $0xA;
	s2 =	sadd.s32 s3, s2  }
0x8d: {  	s2 =	sadd.s32 s2, s17  }
0x8e: {  	[smem:$0x3FB8] =	sst s2  }
0x8f: {  	_ = 	snop  }
0x90: {  	s18 =	sld [smem:$0x3FD0];
	(tm) =	ssettm $0x1  }
0x91: {  	s19 =	sld [smem:$0x3FFB];
	_ =	sdelay $0x3  }
0x92: {  	_ =	strace s19  }
0x93: {  	s2 =	sld [smem:$0x3FFC];
	_ =	sdelay $0x3  }
0x94: {  	_ =	strace s2  }
0x95: {  	s2 =	sld [smem:$0x3FFD];
	_ =	sdelay $0x3  }
0x96: {  	_ =	strace s2  }
0x97: {  	_ =	strace $0x8FFFFFFF  }
0x98: {  	s20 =	sld [smem:$0x3FDB];
	_ =	sdelay $0x1  }
0x99: {  	s4 =	simm.s32 $_scs_section_size  }
0x9a: {  	s5 =	simm.s32 $_size__tile_overlayer_lowered;
	s6 =	simm.s32 $_tile_overlayer_lowered  }
0x9b: {  	s7 =	simm.s32 $0x1BFF;
	s21 =	sshll.u32 s6, $0x1;
	s4 =	sadd.s32 s4, s20  }
0x9c: {  	s22 =	simm.s32 $0x0;
	s5 =	sshll.u32 s5, $0x1;
	s6 =	sadd.s32 s21, s4  }
0x9d: {  	[timem:s22], [sflag:s7] =	dma.local [hbm:s6], s5  }
0x9e: {  	_ =	swait.ge [sflag:s7], s5  }
0x9f: {  	s5 =	ssub.s32 $0x0, s5;
	[sflag:s7] =	ssyncset.done $0x0  }
0xa0: {  	[sflag:s7] =	ssyncadd.s32 s5;
	_ =	sdelay $0x1  }
0xa1: {  	s23 =	simm.s32 $0x1B8B  }
0xa2: {  	_ =	swait.ge [sflag:s23], $0x1  }
0xa3: {  	[sflag:s23] =	ssyncset.done $0x0  }
0xa4: {  	[sflag:s23] =	ssyncadd.s32 $0xFFFFFFFF  }
0xa5: {  	s5 =	sld [smem:$0x0]  }
0xa6: {  	s6 =	sand.u32 $0xFFFFFFFE, s1  }
0xa7: {  	p0 =	sne.s32 s1, s6  }
0xa8: {  	s6 =	sshll.u32 @p0 s6, $0xE  }
0xa9: {  	s6 =	sadd.s32 @p0 $0x11B8D, s6;
	s7 =	sshll.u32 @p0 s5, $0x11  }
0xaa: {  	s6 =	sor.u32 @p0 s7, s6  }
0xab: {  	[sflag:s6] =	ssyncadd.remote.s32 @p0 $0x1;
	_ =	sdelay $0x1  }
0xac: {  	s6 =	simm.s32 @p0 $0x1B8D  }
0xad: {  	_ =	swait.eq @p0 [sflag:s6], $0x1  }
0xae: {  	[sflag:s6] =	ssyncadd.s32 @p0 $0xFFFFFFFF  }
0xaf: {  	s7 =	sshll.u32 @!p0 s1, $0xE  }
0xb0: {  	s7 =	sor.u32 @!p0 $0x4000, s7;
	s6 =	simm.s32 @!p0 $0x1B8D  }
0xb1: {  	s5 =	sshll.u32 @!p0 s5, $0x11;
	s7 =	sadd.s32 @!p0 $0x11B8D, s7;
	_ =	swait.eq @!p0 [sflag:s6], $0x1  }
0xb2: {  	s5 =	sor.u32 @!p0 s5, s7;
	[sflag:s6] =	ssyncadd.s32 @!p0 $0xFFFFFFFF  }
0xb3: {  	s25 =	simm.s32 $0x1B8E;
	s24 =	sld [smem:$0x3FFE];
	[sflag:s5] =	ssyncadd.remote.s32 @!p0 $0x1  }
0xb4: {  	s26 =	simm.s32 $execute0_lowered;
	[smem:$0x3FD2] =	sst s25  }
0xb5: {  	s6 =	sshll.u32 s26, $0x1;
	_ =	strace $0x80000049;
	[dreg:$0x1] =	wrdreg $0xFFFFFFFF  }
0xb6: {  	s28 =	simm.s32 $_size_execute0_lowered;
	s4 =	sadd.s32 s4, s6;
	[dreg:$0x0] =	wrdreg $0x0  }
0xb7: {  	s6 =	sshll.u32 s28, $0x1;
	[dreg:$0x2] =	wrdreg s4  }
0xb8: {  	[dreg:$0x3] =	wrdreg s6  }
0xb9: {  	[dreg:$0x4] =	wrdreg $0xC0  }
0xba: {  	_ =	task [dreg:s22], $0x5FFFF  }
0xbb: {  	[dreg:$0x1] =	wrdreg $0xFFFFFFFF  }
0xbc: {  	[dreg:$0x0] =	wrdreg $0x60  }
0xbd: {  	[dreg:$0x2] =	wrdreg s18  }
0xbe: {  	[dreg:$0x3] =	wrdreg s24  }
0xbf: {  	[dreg:$0x4] =	wrdreg $0x0  }
0xc0: {  	[dreg:$0x5] =	wrdreg $0xA  }
0xc1: {  	_ =	task.clear_ibuf [dreg:s22], $0x6FFFF;
	_ =	strace $0x90000049  }
0xc2: {  	s29 =	simm.s32 $0xA;
	_ =	strace $0x8000004B  }
0xc3: {  	_ =	swait.ge [sflag:s29], $0x1  }
0xc4: {  	[sflag:s29] =	ssyncadd.s32 $0xFFFFFFFF  }
0xc5: {  	_ =	strace $0x9000004B  }
0xc6: {  	_ =	sfence  }
0xc7: {  	s30 =	sld [smem:$0x0];
	_ =	sdelay $0x2  }
0xc8: {  	s31 =	sshll.u32 s1, $0xD;
	s1 =	sshrl.u32 s1, $0x2  }
0xc9: {  	s4 =	sand.u32 $0x4000, s31;
	s1 =	sadd.s32 s1, s30  }
0xca: {  	s0 =	sor.u32 s4, s0;
	s1 =	sshll.u32 s1, $0x11  }
0xcb: {  	s0 =	sor.u32 s1, s0  }
0xcc: {  	s0 =	sadd.s32 $0x8F2B, s0  }
0xcd: {  	[sflag:s0] =	ssyncadd.remote.s32 $0x1  }
0xce: {  	_ =	sfence.sel $0xFFFF  }
0xcf: {  	[dreg:$0x0] =	wrdreg $0xFFFFFFFF;
	(pc) =	sbr.abs _section_cstart, $3  }
0xd0: {  	[dreg:$0x1] =	wrdreg $0xFFFFFFFF  }
0xd1: {  	_ =	task.clear_ibuf [dreg:s22], $0x2FFFF;
	_ =	strace $0x9FFFFFFF  }
0xd2: {  	(tm) =	ssettm $0x7FFFFFFF  }
0xd3: {  	_ =	shalt  }
tec
execute0_lowered:
.L_overlay_start_1:
0x0: {  	(tag) =	ssettag $0x1  }
0x1: {  	s0 =	srdreg.scid  }
0x2: {  	s14 =	stileid.u32;
	s1 =	simm.s32 $0x0;
	s2 =	sand.u32 $0x1, s0  }
0x3: {  	s21 =	sshll.u32 s14, $0x1;
	[smem:$0x7FF] =	sst s1;
	s23 =	sor.u32 $0x10, s14  }
0x4: {  	s3 =	smul.u32 $0x1400, s14;
	s24 =	sor.u32 $0x20, s14;
	s6 =	sor.u32 $0x30, s14  }
0x5: {  	s9 =	sor.u32 $0x40, s14;
	s26 =	sor.u32 $0x50, s14;
	[smem:$0x7EA] =	sst s6  }
0x6: {  	s13 =	sor.u32 $0x60, s14;
	s7 =	smul.u32 $0x138800, s2;
	[smem:$0x7EB] =	sst s9  }
0x7: {  	s12 =	sor.u32 $0x70, s14;
	s5 =	smul.u32 $0x1400, s23;
	[smem:$0x7EC] =	sst s26  }
0x8: {  	s11 =	sor.u32 $0x80, s14;
	s22 =	smul.u32 $0x1400, s24;
	[smem:$0x7ED] =	sst s13  }
0x9: {  	s10 =	sor.u32 $0x90, s14;
	s6 =	smul.u32 $0x1400, s6;
	[smem:$0x7EE] =	sst s12  }
0xa: {  	s15 =	sor.u32 $0xA0, s14;
	s8 =	smul.u32 $0x1400, s9;
	[smem:$0x7EF] =	sst s11  }
0xb: {  	s16 =	sor.u32 $0xB0, s14;
	[smem:$0x7F0] =	sst s10;
	s18 =	smul.u32 $0x1400, s26  }
0xc: {  	s0 =	sor.u32 s2, s21;
	[smem:$0x7F1] =	sst s15;
	s19 =	smul.u32 $0x1400, s13  }
0xd: {  	s2 =	ssub.s32 $0x2, s2;
	[smem:$0x7F2] =	sst s16;
	s17 =	smul.u32 $0x1400, s12  }
0xe: {  	s20 =	smul.u32 $0x1400, s11;
	s9 =	sor.u32 $0xF0, s14;
	[smem:$0x7F8] =	sst s0  }
0xf: {  	s21 =	smul.u32 $0x1400, s10;
	s4 =	sshrl.u32 s2, $0x1;
	[smem:$0x7F4] =	sst s9  }
0x10: {  	s2 =	ssub.s32 s2, s4;
	s25 =	sadd.s32 s3, s7;
	s26 =	sadd.s32 s7, s5  }
0x11: {  	s28 =	sadd.s32 s7, s22;
	s29 =	sadd.s32 s7, s6;
	s30 =	sadd.s32 s7, s8  }
0x12: {  	s31 =	sadd.s32 s7, s18;
	s12 =	sadd.s32 s7, s19;
	s13 =	sadd.s32 s7, s17  }
0x13: {  	s22 =	smul.u32 $0x1400, s15;
	s19 =	sadd.s32 s7, s20;
	s3 =	rddreg [dreg:$0x0]  }
0x14: {  	s4 =	smul.u32 $0x1400, s16;
	s17 =	sadd.s32 s7, s21;
	s5 =	rddreg [dreg:$0x2]  }
0x15: {  	s21 =	sor.u32 $0xE0, s14;
	s20 =	smul.u32 $0x1400, s9;
	[smem:$0x7FC] =	sst s2  }
0x16: {  	s2 =	sor.u32 $0xC0, s14;
	s11 =	smul.u32 $0x1400, s21;
	s25 =	sshrl.u32 s25, $0x3  }
0x17: {  	[smem:$0x7F3] =	sst s2;
	s15 =	sadd.s32 s7, s22;
	s6 =	smul.u32 $0x1400, s2  }
0x18: {  	s18 =	sadd.s32 s7, s4;
	s2 =	smul.u32 $0x1388, s0;
	s22 =	sor.u32 $0xD0, s14  }
0x19: {  	s0 =	rddreg [dreg:$0x1];
	s9 =	sadd.s32 s7, s20;
	s8 =	smul.u32 $0x1400, s22  }
0x1a: {  	s11 =	sadd.s32 s7, s11;
	s16 =	sadd.s32 s7, s6;
	s6 =	sadd.s32 $0x27100, s2  }
0x1b: {  	s10 =	sadd.s32 s7, s8;
	s20 =	sshrl.u32 s6, $0x3;
	s7 =	sadd.s32 $0x56DC00, s0  }
0x1c: {  	s8 =	sadd.s32 $0x273C00, s0;
	s4 =	sadd.s32 s20, s0;
	s0 =	sadd.s32 $0x2C00, s0  }
0x1d: {  	s26 =	sshrl.u32 s26, $0x3;
	s12 =	sshrl.u32 s12, $0x3;
	s25 =	sadd.s32 s0, s25  }
0x1e: {  	_ =	strace $0x8000004A;
	s26 =	sadd.s32 s0, s26;
	[dreg:$0x4] =	wrdreg s25  }
0x1f: {  	s10 =	sshrl.u32 s10, $0x3;
	s12 =	sadd.s32 s0, s12;
	[dreg:$0x5] =	wrdreg s26  }
0x20: {  	s11 =	sshrl.u32 s11, $0x3;
	s10 =	sadd.s32 s0, s10;
	[dreg:$0xa] =	wrdreg s12  }
0x21: {  	s26 =	sshrl.u32 s28, $0x3;
	[dreg:$0x11] =	wrdreg s10;
	s10 =	sadd.s32 s0, s11  }
0x22: {  	s25 =	sadd.s32 s0, s26;
	s26 =	sshrl.u32 s30, $0x3;
	[dreg:$0x12] =	wrdreg s10  }
0x23: {  	[dreg:$0x6] =	wrdreg s25;
	s25 =	sshrl.u32 s29, $0x3;
	s26 =	sadd.s32 s0, s26  }
0x24: {  	s25 =	sadd.s32 s0, s25;
	[dreg:$0x8] =	wrdreg s26;
	s26 =	sshrl.u32 s31, $0x3  }
0x25: {  	s13 =	sshrl.u32 s13, $0x3;
	[dreg:$0x7] =	wrdreg s25;
	s25 =	sadd.s32 s0, s26  }
0x26: {  	s26 =	sshrl.u32 s19, $0x3;
	[dreg:$0x9] =	wrdreg s25;
	s25 =	sadd.s32 s0, s13  }
0x27: {  	s13 =	sshrl.u32 s17, $0x3;
	s17 =	sshrl.u32 s15, $0x3;
	s15 =	sld [smem:$0x7EA]  }
0x28: {  	s12 =	sadd.s32 s0, s26;
	[dreg:$0xb] =	wrdreg s25  }
0x29: {  	s23 =	smul.u32 $0x5000, s23;
	[dreg:$0xc] =	wrdreg s12  }
0x2a: {  	s12 =	sadd.s32 s0, s13;
	s25 =	sshrl.u32 s18, $0x3;
	s18 =	sld [smem:$0x7EB]  }
0x2b: {  	s19 =	sadd.s32 s0, s17;
	s17 =	sshrl.u32 s23, $0x2;
	s23 =	sld [smem:$0x7EC]  }
0x2c: {  	[dreg:$0xd] =	wrdreg s12  }
0x2d: {  	s13 =	sadd.s32 $0x27DA00, s4;
	[dreg:$0xe] =	wrdreg s19  }
0x2e: {  	[dreg:$0x14] =	wrdreg s13  }
0x2f: {  	s12 =	sadd.s32 s0, s25;
	s19 =	sadd.s32 s17, s5;
	s17 =	sld [smem:$0x7F0]  }
0x30: {  	[dreg:$0xf] =	wrdreg s12  }
0x31: {  	s24 =	smul.u32 $0x5000, s24;
	s26 =	sshrl.u32 s16, $0x3;
	[dreg:$0x15] =	wrdreg s19  }
0x32: {  	s12 =	sadd.s32 s0, s26;
	s26 =	sld [smem:$0x7ED]  }
0x33: {  	s9 =	sshrl.u32 s9, $0x3;
	s25 =	sshrl.u32 s24, $0x2;
	s19 =	sld [smem:$0x7F1]  }
0x34: {  	s0 =	sadd.s32 s0, s9;
	s9 =	sadd.s32 s25, s5;
	s25 =	sld [smem:$0x7F3]  }
0x35: {  	[dreg:$0x10] =	wrdreg s12;
	s12 =	smul.u32 $0x5000, s14  }
0x36: {  	p0 =	sgt.u32 s14, $0x9;
	[dreg:$0x13] =	wrdreg s0;
	s0 =	smul.u32 $0x5000, s15  }
0x37: {  	s28 =	simm.s32 $0x1;
	s10 =	smul.u32 $0x5000, s18;
	[dreg:$0x16] =	wrdreg s9  }
0x38: {  	s30 =	simm.s32 $0x5;
	s4 =	smul.u32 $0x5000, s23;
	s23 =	sld [smem:$0x7F2]  }
0x39: {  	s16 =	sshrl.u32 s12, $0x2;
	s0 =	sshrl.u32 s0, $0x2;
	s11 =	smul.u32 $0x5000, s26  }
0x3a: {  	s12 =	sld [smem:$0x7EE];
	s15 =	sshrl.u32 s10, $0x2;
	s4 =	sshrl.u32 s4, $0x2  }
0x3b: {  	s26 =	smul.u32 $0x5000, s22;
	s22 =	sld [smem:$0x7F8];
	s13 =	sadd.s32 s16, s5  }
0x3c: {  	s0 =	sadd.s32 s0, s5;
	s16 =	sld [smem:$0x7EF];
	s4 =	sadd.s32 s4, s5  }
0x3d: {  	s9 =	sadd.s32 s15, s5;
	[dreg:$0x19] =	wrdreg s4;
	s4 =	smul.u32 $0x5000, s17  }
0x3e: {  	[dreg:$0x17] =	wrdreg s0;
	s18 =	sshrl.u32 s11, $0x2;
	s11 =	smul.u32 $0x5000, s19  }
0x3f: {  	s29 =	simm.s32 $0x3;
	[dreg:$0x18] =	wrdreg s9;
	s0 =	smul.u32 $0x5000, s12  }
0x40: {  	s17 =	sld [smem:$0x7F4];
	s9 =	sadd.s32 s18, s5;
	s12 =	smul.u32 $0x5000, s21  }
0x41: {  	s31 =	simm.s32 $0x2;
	s10 =	smul.u32 $0x5000, s16;
	[dreg:$0x1a] =	wrdreg s9  }
0x42: {  	s4 =	sshrl.u32 s4, $0x2;
	s11 =	sshrl.u32 s11, $0x2;
	s0 =	sshrl.u32 s0, $0x2  }
0x43: {  	s4 =	sadd.s32 s4, s5;
	s16 =	sshrl.u32 s12, $0x2;
	s12 =	simm.s32 $0x13880  }
0x44: {  	s0 =	sadd.s32 s0, s5;
	s24 =	sshrl.u32 s10, $0x2;
	[dreg:$0x1d] =	wrdreg s4  }
0x45: {  	s10 =	smul.u32 $0x5000, s25;
	s4 =	sshrl.u32 s26, $0x2;
	s26 =	sld [smem:$0x7FC]  }
0x46: {  	s19 =	sadd.s32 s16, s5;
	[dreg:$0x1b] =	wrdreg s0;
	s0 =	smul.u32 $0x5000, s23  }
0x47: {  	s9 =	sadd.s32 s24, s5;
	s18 =	sadd.s32 s4, s5;
	[smem:$0x7F7] =	sst s19  }
0x48: {  	s4 =	smul.u32 $0x13880, s22;
	s23 =	sadd.s32 $0x27128, s2;
	s24 =	sadd.s32 s8, s20  }
0x49: {  	s22 =	sadd.s32 $0x27178, s2;
	s19 =	simm.s32 $0x17580;
	[dreg:$0x1c] =	wrdreg s9  }
0x4a: {  	s20 =	simm.s32 $0x14D00;
	s9 =	sadd.s32 s11, s5;
	[smem:$0x7F6] =	sst s18  }
0x4b: {  	s15 =	sshrl.u32 s10, $0x2;
	s10 =	smul.u32 $0x5000, s17;
	[smem:$0x7F9] =	sst s24  }
0x4c: {  	s25 =	sshrl.u32 s23, $0x3;
	s24 =	simm.s32 $0x7;
	s23 =	simm.s32 $0x14C80  }
0x4d: {  	s18 =	simm.s32 $0x28;
	s0 =	sshrl.u32 s0, $0x2;
	[dreg:$0x1e] =	wrdreg s9  }
0x4e: {  	s4 =	sadd.s32 s7, s4;
	s9 =	simm.s32 $0x0;
	s0 =	sadd.s32 s0, s5  }
0x4f: {  	s21 =	sshrl.u32 s10, $0x2;
	[smem:$0x7FA] =	sst s4;
	s4 =	simm.s32 $0x4  }
0x50: {  	[dreg:$0x1f] =	wrdreg s0;
	s0 =	sadd.s32 s15, s5;
	s17 =	sadd.s32 s21, s5  }
0x51: {  	s21 =	simm.s32 $0x18980;
	[smem:$0x7F5] =	sst s0;
	s0 =	sadd.s32 s8, s25  }
0x52: {  	s25 =	simm.s32 $0x14D80;
	[smem:$0x7FB] =	sst s0;
	s0 =	smax.u32 s26, $0x1  }
0x53: {  	v0 =	vimm.f32 $0.0e+00;
	s26 =	simm.s32 $0x16180;
	[smem:$0x7FD] =	sst s0;
	s0 =	simm.s32 $0x6  }
.LBB2_1:
0x54: {  	s10 =	rddreg [dreg:$0x14]  }
0x55: {  	[tilespmem:s12], [sflag:$0x7] =	stream.linear.gather [hbm4b:s10+s1], $0x1388, $0x38;
	[tilespmem:$0x19D80] =	vst v63  }
0x56: {  	_ =	swait.ge [sflag:s24], $0x1388  }
0x57: {  	[sflag:s24] =	ssyncset.done $0x0  }
0x58: {  	s11 =	simm.s32 $0x200;
	s10 =	simm.s32 $0x0;
	[sflag:s24] =	ssyncadd.s32 $0xFFFFEC78  }
.LBB2_2:
0x59: {  	p1 =	sne.s32 s11, $0x4E00;
	[tilespmem:s10+$0x14DF0] =	vst v0  }
0x5a: {  	[tilespmem:s10+$0x14D80] =	vst v0  }
0x5b: {  	[tilespmem:s10+$0x14D90] =	vst v0  }
.Ltmp0:
0x5c: {  	[tilespmem:s10+$0x14DA0] =	vst v0;
	(pc) =	sbr.rel @p1 .LBB2_2-.Ltmp0, $4  }
0x5d: {  	[tilespmem:s10+$0x14DB0] =	vst v0  }
0x5e: {  	[tilespmem:s10+$0x14DC0] =	vst v0  }
0x5f: {  	[tilespmem:s10+$0x14DD0] =	vst v0  }
0x60: {  	[tilespmem:s10+$0x14DE0] =	vst v0;
	s10 =	sshra.s32 s11, $0x2;
	s11 =	sadd.s32 $0x200, s11  }
0x61: {  	[tilespmem:s10+$0x14DF0] =	vst v0  }
0x62: {  	[tilespmem:s10+$0x14D80] =	vst v0  }
0x63: {  	[tilespmem:s10+$0x14D90] =	vst v0  }
0x64: {  	[tilespmem:s10+$0x14DA0] =	vst v0  }
0x65: {  	[tilespmem:s10+$0x14DB0] =	vst v0  }
0x66: {  	[tilespmem:s10+$0x14DC0] =	vst v0  }
0x67: {  	[tilespmem:s10+$0x14DD0] =	vst v0  }
0x68: {  	[tilespmem:s10+$0x14DE0] =	vst v0  }
0x69: {  	[spmem:s13] =	stream.linear.scatter [tilespmem:s25], [sflag:$0x7], $0x1400, $0x38;
	[tilespmem:$0x19D80] =	vst v63  }
0x6a: {  	_ =	swait.ge [sflag:s24], $0x1400  }
0x6b: {  	[sflag:s24] =	ssyncset.done $0x0  }
0x6c: {  	s11 =	rddreg [dreg:$0x15];
	[sflag:s24] =	ssyncadd.s32 $0xFFFFEC00  }
0x6d: {  	[spmem:s11] =	stream.linear.scatter [tilespmem:s25], [sflag:$0x7], $0x1400, $0x38;
	[tilespmem:$0x19D80] =	vst v63  }
0x6e: {  	_ =	swait.ge [sflag:s24], $0x1400  }
0x6f: {  	[sflag:s24] =	ssyncset.done $0x0  }
0x70: {  	s16 =	smov.u32 s13;
	s13 =	rddreg [dreg:$0x16];
	[sflag:s24] =	ssyncadd.s32 $0xFFFFEC00  }
0x71: {  	[spmem:s13] =	stream.linear.scatter [tilespmem:s25], [sflag:$0x7], $0x1400, $0x38;
	[tilespmem:$0x19D80] =	vst v63  }
0x72: {  	_ =	swait.ge [sflag:s24], $0x1400  }
0x73: {  	[sflag:s24] =	ssyncset.done $0x0  }
0x74: {  	s14 =	rddreg [dreg:$0x17];
	[sflag:s24] =	ssyncadd.s32 $0xFFFFEC00  }
0x75: {  	[spmem:s14] =	stream.linear.scatter [tilespmem:s25], [sflag:$0x7], $0x1400, $0x38;
	[tilespmem:$0x19D80] =	vst v63  }
0x76: {  	_ =	swait.ge [sflag:s24], $0x1400  }
0x77: {  	[sflag:s24] =	ssyncset.done $0x0  }
0x78: {  	s15 =	rddreg [dreg:$0x18];
	[sflag:s24] =	ssyncadd.s32 $0xFFFFEC00  }
0x79: {  	[spmem:s15] =	stream.linear.scatter [tilespmem:s25], [sflag:$0x7], $0x1400, $0x38;
	[tilespmem:$0x19D80] =	vst v63  }
0x7a: {  	_ =	swait.ge [sflag:s24], $0x1400  }
0x7b: {  	[sflag:s24] =	ssyncset.done $0x0  }
0x7c: {  	s11 =	rddreg [dreg:$0x19];
	[sflag:s24] =	ssyncadd.s32 $0xFFFFEC00  }
0x7d: {  	[spmem:s11] =	stream.linear.scatter [tilespmem:s25], [sflag:$0x7], $0x1400, $0x38;
	[tilespmem:$0x19D80] =	vst v63  }
0x7e: {  	_ =	swait.ge [sflag:s24], $0x1400  }
0x7f: {  	[sflag:s24] =	ssyncset.done $0x0  }
0x80: {  	s13 =	rddreg [dreg:$0x1a];
	[sflag:s24] =	ssyncadd.s32 $0xFFFFEC00  }
0x81: {  	[spmem:s13] =	stream.linear.scatter [tilespmem:s25], [sflag:$0x7], $0x1400, $0x38;
	[tilespmem:$0x19D80] =	vst v63  }
0x82: {  	_ =	swait.ge [sflag:s24], $0x1400  }
0x83: {  	[sflag:s24] =	ssyncset.done $0x0  }
0x84: {  	s14 =	rddreg [dreg:$0x1b];
	[sflag:s24] =	ssyncadd.s32 $0xFFFFEC00  }
0x85: {  	[spmem:s14] =	stream.linear.scatter [tilespmem:s25], [sflag:$0x7], $0x1400, $0x38;
	[tilespmem:$0x19D80] =	vst v63  }
0x86: {  	_ =	swait.ge [sflag:s24], $0x1400  }
0x87: {  	[sflag:s24] =	ssyncset.done $0x0  }
0x88: {  	s15 =	rddreg [dreg:$0x1c];
	[sflag:s24] =	ssyncadd.s32 $0xFFFFEC00  }
0x89: {  	[spmem:s15] =	stream.linear.scatter [tilespmem:s25], [sflag:$0x7], $0x1400, $0x38;
	[tilespmem:$0x19D80] =	vst v63  }
0x8a: {  	_ =	swait.ge [sflag:s24], $0x1400  }
0x8b: {  	[sflag:s24] =	ssyncset.done $0x0  }
0x8c: {  	s11 =	rddreg [dreg:$0x1d];
	[sflag:s24] =	ssyncadd.s32 $0xFFFFEC00  }
0x8d: {  	[spmem:s11] =	stream.linear.scatter [tilespmem:s25], [sflag:$0x7], $0x1400, $0x38;
	[tilespmem:$0x19D80] =	vst v63  }
0x8e: {  	_ =	swait.ge [sflag:s24], $0x1400  }
0x8f: {  	[sflag:s24] =	ssyncset.done $0x0  }
0x90: {  	s13 =	rddreg [dreg:$0x1e];
	[sflag:s24] =	ssyncadd.s32 $0xFFFFEC00  }
0x91: {  	[spmem:s13] =	stream.linear.scatter [tilespmem:s25], [sflag:$0x7], $0x1400, $0x38;
	[tilespmem:$0x19D80] =	vst v63  }
0x92: {  	_ =	swait.ge [sflag:s24], $0x1400  }
0x93: {  	[sflag:s24] =	ssyncset.done $0x0  }
0x94: {  	s14 =	rddreg [dreg:$0x1f];
	[sflag:s24] =	ssyncadd.s32 $0xFFFFEC00  }
0x95: {  	[spmem:s14] =	stream.linear.scatter [tilespmem:s25], [sflag:$0x7], $0x1400, $0x38;
	[tilespmem:$0x19D80] =	vst v63  }
0x96: {  	_ =	swait.ge [sflag:s24], $0x1400  }
0x97: {  	s15 =	sld [smem:$0x7F5]  }
0x98: {  	[sflag:s24] =	ssyncset.done $0x0  }
0x99: {  	[sflag:s24] =	ssyncadd.s32 $0xFFFFEC00  }
0x9a: {  	[spmem:s15] =	stream.linear.scatter [tilespmem:s25], [sflag:$0x7], $0x1400, $0x38;
	[tilespmem:$0x19D80] =	vst v63  }
0x9b: {  	_ =	swait.ge [sflag:s24], $0x1400  }
0x9c: {  	s11 =	sld [smem:$0x7F6]  }
0x9d: {  	[sflag:s24] =	ssyncset.done $0x0  }
0x9e: {  	[sflag:s24] =	ssyncadd.s32 $0xFFFFEC00  }
0x9f: {  	[spmem:s11] =	stream.linear.scatter [tilespmem:s25], [sflag:$0x7], $0x1400, $0x38;
	[tilespmem:$0x19D80] =	vst v63  }
0xa0: {  	_ =	swait.ge [sflag:s24], $0x1400  }
0xa1: {  	s13 =	sld [smem:$0x7F7]  }
0xa2: {  	[sflag:s24] =	ssyncset.done $0x0  }
0xa3: {  	[sflag:s24] =	ssyncadd.s32 $0xFFFFEC00  }
0xa4: {  	[spmem:s13] =	stream.linear.scatter [tilespmem:s25], [sflag:$0x7], $0x1400, $0x38;
	[tilespmem:$0x19D80] =	vst v63  }
0xa5: {  	_ =	swait.ge [sflag:s24], $0x1400  }
0xa6: {  	[sflag:s24] =	ssyncset.done $0x0  }
0xa7: {  	s10 =	simm.s32 @!p0 $0x14D80;
	[sflag:s24] =	ssyncadd.s32 $0xFFFFEC00  }
0xa8: {  	[spmem:s17] =	stream.linear.scatter @!p0 [tilespmem:s10], [sflag:$0x7], $0x1400, $0x38;
	[tilespmem:$0x19D80] =	vst v63  }
0xa9: {  	s10 =	simm.s32 @!p0 $0x7  }
0xaa: {  	_ =	swait.ge @!p0 [sflag:s10], $0x1400  }
0xab: {  	[sflag:s10] =	ssyncset.done @!p0 $0x0  }
0xac: {  	[sflag:s10] =	ssyncadd.s32 @!p0 $0xFFFFEC00  }
0xad: {  	[bflag:$0x0] =	sbarrier.arrive $0xFFFF  }
0xae: {  	s11 =	sld [smem:$0x7F9];
	_ =	sdelay $0x1  }
0xaf: {  	s10 =	simm.s32 $0x0  }
0xb0: {  	[tilespmem:s23], [sflag:$0x5] =	stream.linear.gather [hbm4b:s11+s10], $0x28, $0x38;
	[tilespmem:$0x19D80] =	vst v63  }
0xb1: {  	s14 =	sld [smem:$0x7FA]  }
0xb2: {  	[tilespmem:s19], [sflag:$0x1] =	stream.indirect.gather [hbm4b:s3+s18], $0x80, s12, s18, $0xb8;
	[tilespmem:$0x19D80] =	vst v63  }
0xb3: {  	s15 =	sld [smem:$0x7FB]  }
0xb4: {  	[tilespmem:s25], [sflag:$0x3] =	stream.linear.gather [hbm4b:s14+s10], $0x1400, $0x38;
	[tilespmem:$0x19D80] =	vst v63  }
0xb5: {  	s11 =	simm.s32 $0x0  }
0xb6: {  	[tilespmem:s20], [sflag:$0x6] =	stream.linear.gather [hbm4b:s15+s10], $0x28, $0x38;
	[tilespmem:$0x19D80] =	vst v63  }
.LBB2_4:
0xb7: {  	s12 =	smul.u32 $0x50, s11;
	_ =	sdelay $0x1  }
0xb8: {  	s13 =	sadd.s32 s2, s12;
	s14 =	sadd.s32 $0x138A8, s12  }
0xb9: {  	[tilespmem:s21], [sflag:$0x2] =	stream.indirect.gather [hbm4b:s3+s18], $0x80, s14, s18, $0xb8;
	[tilespmem:$0x19D80] =	vst v63  }
0xba: {  	s13 =	sshll.u32 s13, $0x4  }
0xbb: {  	s13 =	sadd.s32 s7, s13  }
0xbc: {  	s13 =	sadd.s32 $0x280, s13  }
0xbd: {  	[tilespmem:s26], [sflag:$0x4] =	stream.linear.gather [hbm4b:s13+s10], $0x1400, $0x38;
	[tilespmem:$0x19D80] =	vst v63  }
0xbe: {  	_ =	swait.ge [sflag:s28], $0x1400  }
0xbf: {  	[sflag:s28] =	ssyncset.done $0x0  }
0xc0: {  	[sflag:s28] =	ssyncadd.s32 $0xFFFFEC00  }
0xc1: {  	_ =	swait.ge [sflag:s29], $0x1400  }
0xc2: {  	[sflag:s29] =	ssyncset.done $0x0  }
0xc3: {  	s13 =	simm.s32 $0x0;
	[sflag:s29] =	ssyncadd.s32 $0xFFFFEC00  }
0xc4: {  	v8 =	vld [tilespmem:s13+$0x14D80]  }
0xc5: {  	v12 =	vld [tilespmem:s13+$0x14D90]  }
0xc6: {  	v6 =	vld [tilespmem:s13+$0x14DA0]  }
0xc7: {  	v5 =	vld [tilespmem:s13+$0x14DB0]  }
0xc8: {  	v4 =	vld [tilespmem:s13+$0x14DC0]  }
0xc9: {  	v3 =	vld [tilespmem:s13+$0x14DD0]  }
0xca: {  	v2 =	vld [tilespmem:s13+$0x14DE0]  }
0xcb: {  	v1 =	vld [tilespmem:s13+$0x14DF0]  }
0xcc: {  	v13 =	vld [tilespmem:s13+$0x17580]  }
0xcd: {  	v14 =	vld [tilespmem:s13+$0x17590]  }
0xce: {  	v11 =	vld [tilespmem:s13+$0x175A0]  }
0xcf: {  	v10 =	vld [tilespmem:s13+$0x175B0]  }
0xd0: {  	v9 =	vld [tilespmem:s13+$0x175C0]  }
0xd1: {  	v7 =	vld [tilespmem:s13+$0x175D0];
	v13 =	vmul.f32 v8, v13  }
0xd2: {  	s14 =	simm.s32 $0x200;
	v12 =	vmul.f32 v12, v14;
	v8 =	vld [tilespmem:s13+$0x175E0]  }
.LBB2_5:
0xd3: {  	s15 =	sshra.s32 s14, $0x2;
	p1 =	sne.s32 s14, $0x4E00;
	[tilespmem:s13+$0x17580] =	vst v13;
	v6 =	vmul.f32 v6, v11;
	v11 =	vld [tilespmem:s13+$0x175F0]  }
0xd4: {  	v13 =	vld [tilespmem:s15+$0x14D80];
	[tilespmem:s13+$0x17590] =	vst v12;
	v5 =	vmul.f32 v5, v10  }
0xd5: {  	v12 =	vld [tilespmem:s15+$0x14D90];
	[tilespmem:s13+$0x175A0] =	vst v6;
	v4 =	vmul.f32 v4, v9  }
0xd6: {  	v6 =	vld [tilespmem:s15+$0x14DA0];
	[tilespmem:s13+$0x175B0] =	vst v5;
	v3 =	vmul.f32 v3, v7  }
0xd7: {  	v5 =	vld [tilespmem:s15+$0x14DB0];
	[tilespmem:s13+$0x175C0] =	vst v4;
	v2 =	vmul.f32 v2, v8  }
0xd8: {  	v4 =	vld [tilespmem:s15+$0x14DC0];
	[tilespmem:s13+$0x175D0] =	vst v3;
	v1 =	vmul.f32 v1, v11  }
0xd9: {  	v3 =	vld [tilespmem:s15+$0x14DD0];
	[tilespmem:s13+$0x175E0] =	vst v2  }
0xda: {  	v2 =	vld [tilespmem:s15+$0x14DE0];
	[tilespmem:s13+$0x175F0] =	vst v1;
	s13 =	smov.u32 s15  }
0xdb: {  	v1 =	vld [tilespmem:s13+$0x14DF0]  }
0xdc: {  	v7 =	vld [tilespmem:s13+$0x17580]  }
0xdd: {  	v8 =	vld [tilespmem:s13+$0x17590]  }
.Ltmp1:
0xde: {  	v11 =	vld [tilespmem:s13+$0x175A0];
	(pc) =	sbr.rel @p1 .LBB2_5-.Ltmp1, $4  }
0xdf: {  	v10 =	vld [tilespmem:s13+$0x175B0]  }
0xe0: {  	v9 =	vld [tilespmem:s13+$0x175C0]  }
0xe1: {  	v13 =	vmul.f32 v13, v7;
	v7 =	vld [tilespmem:s13+$0x175D0]  }
0xe2: {  	s14 =	sadd.s32 $0x200, s14;
	v12 =	vmul.f32 v12, v8;
	v8 =	vld [tilespmem:s13+$0x175E0]  }
0xe3: {  	[tilespmem:s13+$0x17580] =	vst v13;
	v6 =	vmul.f32 v6, v11;
	v11 =	vld [tilespmem:s13+$0x175F0]  }
0xe4: {  	[tilespmem:s13+$0x17590] =	vst v12;
	v5 =	vmul.f32 v5, v10  }
0xe5: {  	[tilespmem:s13+$0x175A0] =	vst v6;
	v4 =	vmul.f32 v4, v9  }
0xe6: {  	[tilespmem:s13+$0x175B0] =	vst v5;
	v3 =	vmul.f32 v3, v7  }
0xe7: {  	[tilespmem:s13+$0x175C0] =	vst v4;
	v2 =	vmul.f32 v2, v8  }
0xe8: {  	[tilespmem:s13+$0x175D0] =	vst v3;
	v1 =	vmul.f32 v1, v11  }
0xe9: {  	[tilespmem:s13+$0x175E0] =	vst v2  }
0xea: {  	[tilespmem:s13+$0x175F0] =	vst v1  }
0xeb: {  	_ =	swait.ge [sflag:s30], $0x28  }
0xec: {  	[sflag:s30] =	ssyncset.done $0x0  }
0xed: {  	s13 =	sadd.s32 $0x50, s12;
	[sflag:s30] =	ssyncadd.s32 $0xFFFFFFD8  }
0xee: {  	[spmem:s5] =	stream.indirect.scatter.add.f32 [tilespmem:s19], [sflag:$0x7], $0x80, s23, s18, $0xb8;
	[tilespmem:$0x19D80] =	vst v63  }
0xef: {  	s14 =	sadd.s32 s6, s13;
	_ =	swait.ge [sflag:s24], $0x1400  }
0xf0: {  	s15 =	simm.s32 $0x0;
	s14 =	sshrl.u32 s14, $0x3;
	[sflag:s24] =	ssyncset.done $0x0  }
0xf1: {  	s13 =	sadd.s32 s2, s13;
	s14 =	sadd.s32 s8, s14;
	[sflag:s24] =	ssyncadd.s32 $0xFFFFEC00  }
0xf2: {  	[tilespmem:s23], [sflag:$0x5] =	stream.linear.gather [hbm4b:s14+s15], $0x28, $0x38;
	[tilespmem:$0x19D80] =	vst v63  }
0xf3: {  	s13 =	sshll.u32 s13, $0x4;
	s14 =	sadd.s32 $0x138D0, s12  }
0xf4: {  	[tilespmem:s19], [sflag:$0x1] =	stream.indirect.gather [hbm4b:s3+s18], $0x80, s14, s18, $0xb8;
	[tilespmem:$0x19D80] =	vst v63  }
0xf5: {  	s13 =	sadd.s32 s7, s13  }
0xf6: {  	[tilespmem:s25], [sflag:$0x3] =	stream.linear.gather [hbm4b:s13+s15], $0x1400, $0x38;
	[tilespmem:$0x19D80] =	vst v63  }
0xf7: {  	_ =	swait.ge [sflag:s31], $0x1400  }
0xf8: {  	[sflag:s31] =	ssyncset.done $0x0  }
0xf9: {  	[sflag:s31] =	ssyncadd.s32 $0xFFFFEC00  }
0xfa: {  	_ =	swait.ge [sflag:s4], $0x1400  }
0xfb: {  	[sflag:s4] =	ssyncset.done $0x0  }
0xfc: {  	s13 =	simm.s32 $0x0;
	[sflag:s4] =	ssyncadd.s32 $0xFFFFEC00  }
0xfd: {  	v8 =	vld [tilespmem:s13+$0x16180]  }
0xfe: {  	v12 =	vld [tilespmem:s13+$0x16190]  }
0xff: {  	v6 =	vld [tilespmem:s13+$0x161A0]  }
0x100: {  	v5 =	vld [tilespmem:s13+$0x161B0]  }
0x101: {  	v4 =	vld [tilespmem:s13+$0x161C0]  }
0x102: {  	v3 =	vld [tilespmem:s13+$0x161D0]  }
0x103: {  	v2 =	vld [tilespmem:s13+$0x161E0]  }
0x104: {  	v1 =	vld [tilespmem:s13+$0x161F0]  }
0x105: {  	v13 =	vld [tilespmem:s13+$0x18980]  }
0x106: {  	v14 =	vld [tilespmem:s13+$0x18990]  }
0x107: {  	v11 =	vld [tilespmem:s13+$0x189A0]  }
0x108: {  	v10 =	vld [tilespmem:s13+$0x189B0]  }
0x109: {  	v9 =	vld [tilespmem:s13+$0x189C0]  }
0x10a: {  	v7 =	vld [tilespmem:s13+$0x189D0];
	v13 =	vmul.f32 v8, v13  }
0x10b: {  	s14 =	simm.s32 $0x200;
	v12 =	vmul.f32 v12, v14;
	v8 =	vld [tilespmem:s13+$0x189E0]  }
.LBB2_7:
0x10c: {  	s15 =	sshra.s32 s14, $0x2;
	p1 =	sne.s32 s14, $0x4E00;
	[tilespmem:s13+$0x18980] =	vst v13;
	v6 =	vmul.f32 v6, v11;
	v11 =	vld [tilespmem:s13+$0x189F0]  }
0x10d: {  	v13 =	vld [tilespmem:s15+$0x16180];
	[tilespmem:s13+$0x18990] =	vst v12;
	v5 =	vmul.f32 v5, v10  }
0x10e: {  	v12 =	vld [tilespmem:s15+$0x16190];
	[tilespmem:s13+$0x189A0] =	vst v6;
	v4 =	vmul.f32 v4, v9  }
0x10f: {  	v6 =	vld [tilespmem:s15+$0x161A0];
	[tilespmem:s13+$0x189B0] =	vst v5;
	v3 =	vmul.f32 v3, v7  }
0x110: {  	v5 =	vld [tilespmem:s15+$0x161B0];
	[tilespmem:s13+$0x189C0] =	vst v4;
	v2 =	vmul.f32 v2, v8  }
0x111: {  	v4 =	vld [tilespmem:s15+$0x161C0];
	[tilespmem:s13+$0x189D0] =	vst v3;
	v1 =	vmul.f32 v1, v11  }
0x112: {  	v3 =	vld [tilespmem:s15+$0x161D0];
	[tilespmem:s13+$0x189E0] =	vst v2  }
0x113: {  	v2 =	vld [tilespmem:s15+$0x161E0];
	[tilespmem:s13+$0x189F0] =	vst v1;
	s13 =	smov.u32 s15  }
0x114: {  	v1 =	vld [tilespmem:s13+$0x161F0]  }
0x115: {  	v7 =	vld [tilespmem:s13+$0x18980]  }
0x116: {  	v8 =	vld [tilespmem:s13+$0x18990]  }
.Ltmp2:
0x117: {  	v11 =	vld [tilespmem:s13+$0x189A0];
	(pc) =	sbr.rel @p1 .LBB2_7-.Ltmp2, $4  }
0x118: {  	v10 =	vld [tilespmem:s13+$0x189B0]  }
0x119: {  	v9 =	vld [tilespmem:s13+$0x189C0]  }
0x11a: {  	v13 =	vmul.f32 v13, v7;
	v7 =	vld [tilespmem:s13+$0x189D0]  }
0x11b: {  	s14 =	sadd.s32 $0x200, s14;
	v12 =	vmul.f32 v12, v8;
	v8 =	vld [tilespmem:s13+$0x189E0]  }
0x11c: {  	[tilespmem:s13+$0x18980] =	vst v13;
	v6 =	vmul.f32 v6, v11;
	v63 =	vld [tilespmem:s13+$0x189F0]  }
0x11d: {  	[tilespmem:s13+$0x18990] =	vst v12;
	v5 =	vmul.f32 v5, v10  }
0x11e: {  	[tilespmem:s13+$0x189A0] =	vst v6;
	v4 =	vmul.f32 v4, v9  }
0x11f: {  	[tilespmem:s13+$0x189B0] =	vst v5;
	v3 =	vmul.f32 v3, v7  }
0x120: {  	[tilespmem:s13+$0x189C0] =	vst v4;
	v2 =	vmul.f32 v2, v8  }
0x121: {  	[tilespmem:s13+$0x189D0] =	vst v3;
	v1 =	vmul.f32 v1, v63  }
0x122: {  	[tilespmem:s13+$0x189E0] =	vst v2  }
0x123: {  	[tilespmem:s13+$0x189F0] =	vst v1  }
0x124: {  	_ =	swait.ge [sflag:s0], $0x28  }
0x125: {  	p1 =	seq.s32 s11, $0x3D;
	[sflag:s0] =	ssyncset.done $0x0  }
.Ltmp3:
0x126: {  	[sflag:s0] =	ssyncadd.s32 $0xFFFFFFD8;
	(pc) =	sbr.rel @p1 .LBB2_10-.Ltmp3, $4  }
0x127: {  	[spmem:s5] =	stream.indirect.scatter.add.f32 [tilespmem:s21], [sflag:$0x7], $0x80, s20, s18, $0xb8;
	[tilespmem:$0x19D80] =	vst v63  }
0x128: {  	_ =	swait.ge [sflag:s24], $0x1400  }
0x129: {  	[sflag:s24] =	ssyncset.done $0x0  }
0x12a: {  	[sflag:s24] =	ssyncadd.s32 $0xFFFFEC00  }
.Ltmp4:
0x12b: {  	(pc) =	sbr.rel .LBB2_4-.Ltmp4, $4  }
0x12c: {  	s12 =	sadd.s32 s12, s22  }
0x12d: {  	s12 =	sshrl.u32 s12, $0x3  }
0x12e: {  	s11 =	sadd.s32 $0x1, s11;
	s12 =	sadd.s32 s8, s12  }
0x12f: {  	[tilespmem:s20], [sflag:$0x6] =	stream.linear.gather [hbm4b:s12+s1], $0x28, $0x38;
	[tilespmem:$0x19D80] =	vst v63  }
.LBB2_10:
0x130: {  	_ =	swait.ge [sflag:s28], $0x1400  }
0x131: {  	[sflag:s28] =	ssyncset.done $0x0  }
0x132: {  	[sflag:s28] =	ssyncadd.s32 $0xFFFFEC00  }
0x133: {  	_ =	swait.ge [sflag:s29], $0x1400  }
0x134: {  	[sflag:s29] =	ssyncset.done $0x0  }
0x135: {  	s10 =	simm.s32 $0x0;
	[sflag:s29] =	ssyncadd.s32 $0xFFFFEC00  }
0x136: {  	v8 =	vld [tilespmem:s10+$0x14D80]  }
0x137: {  	v12 =	vld [tilespmem:s10+$0x14D90]  }
0x138: {  	v6 =	vld [tilespmem:s10+$0x14DA0]  }
0x139: {  	v5 =	vld [tilespmem:s10+$0x14DB0]  }
0x13a: {  	v4 =	vld [tilespmem:s10+$0x14DC0]  }
0x13b: {  	v3 =	vld [tilespmem:s10+$0x14DD0]  }
0x13c: {  	v2 =	vld [tilespmem:s10+$0x14DE0]  }
0x13d: {  	v1 =	vld [tilespmem:s10+$0x14DF0]  }
0x13e: {  	v13 =	vld [tilespmem:s10+$0x17580]  }
0x13f: {  	v14 =	vld [tilespmem:s10+$0x17590]  }
0x140: {  	v11 =	vld [tilespmem:s10+$0x175A0]  }
0x141: {  	v10 =	vld [tilespmem:s10+$0x175B0]  }
0x142: {  	v9 =	vld [tilespmem:s10+$0x175C0]  }
0x143: {  	v7 =	vld [tilespmem:s10+$0x175D0];
	v13 =	vmul.f32 v8, v13  }
0x144: {  	s11 =	simm.s32 $0x200;
	v12 =	vmul.f32 v12, v14;
	v8 =	vld [tilespmem:s10+$0x175E0]  }
.LBB2_11:
0x145: {  	s12 =	sshra.s32 s11, $0x2;
	p1 =	sne.s32 s11, $0x4E00;
	[tilespmem:s10+$0x17580] =	vst v13;
	v6 =	vmul.f32 v6, v11;
	v11 =	vld [tilespmem:s10+$0x175F0]  }
0x146: {  	v13 =	vld [tilespmem:s12+$0x14D80];
	[tilespmem:s10+$0x17590] =	vst v12;
	v5 =	vmul.f32 v5, v10  }
0x147: {  	v12 =	vld [tilespmem:s12+$0x14D90];
	[tilespmem:s10+$0x175A0] =	vst v6;
	v4 =	vmul.f32 v4, v9  }
0x148: {  	v6 =	vld [tilespmem:s12+$0x14DA0];
	[tilespmem:s10+$0x175B0] =	vst v5;
	v3 =	vmul.f32 v3, v7  }
0x149: {  	v5 =	vld [tilespmem:s12+$0x14DB0];
	[tilespmem:s10+$0x175C0] =	vst v4;
	v2 =	vmul.f32 v2, v8  }
0x14a: {  	v4 =	vld [tilespmem:s12+$0x14DC0];
	[tilespmem:s10+$0x175D0] =	vst v3;
	v1 =	vmul.f32 v1, v11  }
0x14b: {  	v3 =	vld [tilespmem:s12+$0x14DD0];
	[tilespmem:s10+$0x175E0] =	vst v2  }
0x14c: {  	v2 =	vld [tilespmem:s12+$0x14DE0];
	[tilespmem:s10+$0x175F0] =	vst v1;
	s10 =	smov.u32 s12  }
0x14d: {  	v1 =	vld [tilespmem:s10+$0x14DF0]  }
0x14e: {  	v7 =	vld [tilespmem:s10+$0x17580]  }
0x14f: {  	v8 =	vld [tilespmem:s10+$0x17590]  }
.Ltmp5:
0x150: {  	v11 =	vld [tilespmem:s10+$0x175A0];
	(pc) =	sbr.rel @p1 .LBB2_11-.Ltmp5, $4  }
0x151: {  	v10 =	vld [tilespmem:s10+$0x175B0]  }
0x152: {  	v9 =	vld [tilespmem:s10+$0x175C0]  }
0x153: {  	v13 =	vmul.f32 v13, v7;
	v7 =	vld [tilespmem:s10+$0x175D0]  }
0x154: {  	s11 =	sadd.s32 $0x200, s11;
	v12 =	vmul.f32 v12, v8;
	v8 =	vld [tilespmem:s10+$0x175E0]  }
0x155: {  	[tilespmem:s10+$0x17580] =	vst v13;
	v6 =	vmul.f32 v6, v11;
	v63 =	vld [tilespmem:s10+$0x175F0]  }
0x156: {  	[tilespmem:s10+$0x17590] =	vst v12;
	v5 =	vmul.f32 v5, v10  }
0x157: {  	[tilespmem:s10+$0x175A0] =	vst v6;
	v4 =	vmul.f32 v4, v9  }
0x158: {  	[tilespmem:s10+$0x175B0] =	vst v5;
	v3 =	vmul.f32 v3, v7  }
0x159: {  	[tilespmem:s10+$0x175C0] =	vst v4;
	v2 =	vmul.f32 v2, v8  }
0x15a: {  	[tilespmem:s10+$0x175D0] =	vst v3;
	v1 =	vmul.f32 v1, v63  }
0x15b: {  	[tilespmem:s10+$0x175E0] =	vst v2  }
0x15c: {  	[tilespmem:s10+$0x175F0] =	vst v1  }
0x15d: {  	_ =	swait.ge [sflag:s30], $0x28  }
0x15e: {  	[sflag:s30] =	ssyncset.done $0x0  }
0x15f: {  	[sflag:s30] =	ssyncadd.s32 $0xFFFFFFD8  }
0x160: {  	[spmem:s5] =	stream.indirect.scatter.add.f32 [tilespmem:s19], [sflag:$0x7], $0x80, s23, s18, $0xb8;
	[tilespmem:$0x19D80] =	vst v63  }
0x161: {  	_ =	swait.ge [sflag:s24], $0x1400  }
0x162: {  	[sflag:s24] =	ssyncset.done $0x0  }
0x163: {  	s14 =	stileid.u32;
	[sflag:s24] =	ssyncadd.s32 $0xFFFFEC00  }
0x164: {  	s10 =	sshll.u32 s14, $0x6;
	[bflag:$0x0] =	sbarrier.arrive $0xFFFF  }
0x165: {  	s11 =	sshrl.u32 s16, $0x3;
	s10 =	sor.u32 $0x1C07, s10;
	s12 =	rddreg [dreg:$0x4]  }
0x166: {  	[hbm:s12], [sflag:s10] =	dma.local [spmem:s11], $0x280  }
0x167: {  	_ =	swait.ge [sflag:s24], $0x280  }
0x168: {  	s13 =	smov.u32 s16;
	[sflag:s24] =	ssyncset.done $0x0;
	s15 =	rddreg [dreg:$0x15]  }
0x169: {  	s16 =	rddreg [dreg:$0x5];
	[sflag:s24] =	ssyncadd.s32 $0xFFFFFD80;
	s11 =	sshrl.u32 s15, $0x3  }
0x16a: {  	[hbm:s16], [sflag:s10] =	dma.local [spmem:s11], $0x280  }
0x16b: {  	_ =	swait.ge [sflag:s24], $0x280  }
0x16c: {  	[sflag:s24] =	ssyncset.done $0x0;
	s12 =	rddreg [dreg:$0x16]  }
0x16d: {  	s14 =	rddreg [dreg:$0x6];
	[sflag:s24] =	ssyncadd.s32 $0xFFFFFD80;
	s11 =	sshrl.u32 s12, $0x3  }
0x16e: {  	[hbm:s14], [sflag:s10] =	dma.local [spmem:s11], $0x280  }
0x16f: {  	_ =	swait.ge [sflag:s24], $0x280  }
0x170: {  	[sflag:s24] =	ssyncset.done $0x0;
	s15 =	rddreg [dreg:$0x17]  }
0x171: {  	s16 =	rddreg [dreg:$0x7];
	[sflag:s24] =	ssyncadd.s32 $0xFFFFFD80;
	s11 =	sshrl.u32 s15, $0x3  }
0x172: {  	[hbm:s16], [sflag:s10] =	dma.local [spmem:s11], $0x280  }
0x173: {  	_ =	swait.ge [sflag:s24], $0x280  }
0x174: {  	[sflag:s24] =	ssyncset.done $0x0;
	s12 =	rddreg [dreg:$0x18]  }
0x175: {  	s14 =	rddreg [dreg:$0x8];
	[sflag:s24] =	ssyncadd.s32 $0xFFFFFD80;
	s11 =	sshrl.u32 s12, $0x3  }
0x176: {  	[hbm:s14], [sflag:s10] =	dma.local [spmem:s11], $0x280  }
0x177: {  	_ =	swait.ge [sflag:s24], $0x280  }
0x178: {  	[sflag:s24] =	ssyncset.done $0x0;
	s15 =	rddreg [dreg:$0x19]  }
0x179: {  	s16 =	rddreg [dreg:$0x9];
	[sflag:s24] =	ssyncadd.s32 $0xFFFFFD80;
	s11 =	sshrl.u32 s15, $0x3  }
0x17a: {  	[hbm:s16], [sflag:s10] =	dma.local [spmem:s11], $0x280  }
0x17b: {  	_ =	swait.ge [sflag:s24], $0x280  }
0x17c: {  	[sflag:s24] =	ssyncset.done $0x0;
	s12 =	rddreg [dreg:$0x1a]  }
0x17d: {  	s14 =	rddreg [dreg:$0xa];
	[sflag:s24] =	ssyncadd.s32 $0xFFFFFD80;
	s11 =	sshrl.u32 s12, $0x3  }
0x17e: {  	[hbm:s14], [sflag:s10] =	dma.local [spmem:s11], $0x280  }
0x17f: {  	_ =	swait.ge [sflag:s24], $0x280  }
0x180: {  	[sflag:s24] =	ssyncset.done $0x0;
	s15 =	rddreg [dreg:$0x1b]  }
0x181: {  	s16 =	rddreg [dreg:$0xb];
	[sflag:s24] =	ssyncadd.s32 $0xFFFFFD80;
	s11 =	sshrl.u32 s15, $0x3  }
0x182: {  	[hbm:s16], [sflag:s10] =	dma.local [spmem:s11], $0x280  }
0x183: {  	_ =	swait.ge [sflag:s24], $0x280  }
0x184: {  	[sflag:s24] =	ssyncset.done $0x0;
	s12 =	rddreg [dreg:$0x1c]  }
0x185: {  	s14 =	rddreg [dreg:$0xc];
	[sflag:s24] =	ssyncadd.s32 $0xFFFFFD80;
	s11 =	sshrl.u32 s12, $0x3  }
0x186: {  	[hbm:s14], [sflag:s10] =	dma.local [spmem:s11], $0x280  }
0x187: {  	_ =	swait.ge [sflag:s24], $0x280  }
0x188: {  	[sflag:s24] =	ssyncset.done $0x0;
	s15 =	rddreg [dreg:$0x1d]  }
0x189: {  	s16 =	rddreg [dreg:$0xd];
	[sflag:s24] =	ssyncadd.s32 $0xFFFFFD80;
	s11 =	sshrl.u32 s15, $0x3  }
0x18a: {  	[hbm:s16], [sflag:s10] =	dma.local [spmem:s11], $0x280  }
0x18b: {  	_ =	swait.ge [sflag:s24], $0x280  }
0x18c: {  	[sflag:s24] =	ssyncset.done $0x0;
	s12 =	rddreg [dreg:$0x1e]  }
0x18d: {  	s14 =	rddreg [dreg:$0xe];
	[sflag:s24] =	ssyncadd.s32 $0xFFFFFD80;
	s11 =	sshrl.u32 s12, $0x3  }
0x18e: {  	[hbm:s14], [sflag:s10] =	dma.local [spmem:s11], $0x280  }
0x18f: {  	_ =	swait.ge [sflag:s24], $0x280  }
0x190: {  	[sflag:s24] =	ssyncset.done $0x0;
	s15 =	rddreg [dreg:$0x1f]  }
0x191: {  	s16 =	rddreg [dreg:$0xf];
	[sflag:s24] =	ssyncadd.s32 $0xFFFFFD80;
	s11 =	sshrl.u32 s15, $0x3  }
0x192: {  	[hbm:s16], [sflag:s10] =	dma.local [spmem:s11], $0x280  }
0x193: {  	_ =	swait.ge [sflag:s24], $0x280  }
0x194: {  	s12 =	sld [smem:$0x7F5];
	_ =	sdelay $0x1  }
0x195: {  	[sflag:s24] =	ssyncset.done $0x0  }
0x196: {  	s14 =	rddreg [dreg:$0x10];
	[sflag:s24] =	ssyncadd.s32 $0xFFFFFD80;
	s11 =	sshrl.u32 s12, $0x3  }
0x197: {  	[hbm:s14], [sflag:s10] =	dma.local [spmem:s11], $0x280  }
0x198: {  	_ =	swait.ge [sflag:s24], $0x280  }
0x199: {  	s15 =	sld [smem:$0x7F6];
	_ =	sdelay $0x1  }
0x19a: {  	[sflag:s24] =	ssyncset.done $0x0  }
0x19b: {  	s16 =	rddreg [dreg:$0x11];
	[sflag:s24] =	ssyncadd.s32 $0xFFFFFD80;
	s11 =	sshrl.u32 s15, $0x3  }
0x19c: {  	[hbm:s16], [sflag:s10] =	dma.local [spmem:s11], $0x280  }
0x19d: {  	_ =	swait.ge [sflag:s24], $0x280  }
0x19e: {  	s14 =	sld [smem:$0x7F7];
	_ =	sdelay $0x1  }
0x19f: {  	[sflag:s24] =	ssyncset.done $0x0  }
0x1a0: {  	s15 =	rddreg [dreg:$0x12];
	[sflag:s24] =	ssyncadd.s32 $0xFFFFFD80;
	s11 =	sshrl.u32 s14, $0x3  }
0x1a1: {  	[hbm:s15], [sflag:s10] =	dma.local [spmem:s11], $0x280  }
0x1a2: {  	_ =	swait.ge [sflag:s24], $0x280  }
0x1a3: {  	[sflag:s24] =	ssyncset.done $0x0  }
0x1a4: {  	s11 =	sshrl.u32 @!p0 s17, $0x3;
	s12 =	rddreg [dreg:$0x13];
	[sflag:s24] =	ssyncadd.s32 $0xFFFFFD80  }
0x1a5: {  	[hbm:s12], [sflag:s10] =	dma.local @!p0 [spmem:s11], $0x280  }
0x1a6: {  	s10 =	simm.s32 @!p0 $0x7  }
0x1a7: {  	_ =	swait.ge @!p0 [sflag:s10], $0x280  }
0x1a8: {  	s16 =	sld [smem:$0x7FD];
	_ =	sdelay $0x1  }
0x1a9: {  	s9 =	sadd.s32 $0x1, s9  }
0x1aa: {  	p1 =	sne.s32 s9, s16  }
.Ltmp6:
0x1ab: {  	_ = 	snop;
	(pc) =	sbr.rel @p1 .LBB2_1-.Ltmp6, $3  }
0x1ac: {  	_ =	sdelay $0x1  }
0x1ad: {  	[sflag:s10] =	ssyncset.done @!p0 $0x0  }
0x1ae: {  	s12 =	simm.s32 $0x13880;
	[sflag:s10] =	ssyncadd.s32 @!p0 $0xFFFFFD80  }
0x1af: {  	_ =	sfence.sel $0x180000  }
0x1b0: {  	[bflag:$0x0] =	sbarrier.arrive $0xFFFF  }
0x1b1: {  	_ =	strace $0x9000004A  }
0x1b2: {  	s0 =	stileid.u32;
	[bflag:$0x2] =	sbarrier.arrive $0xFFFF  }
0x1b3: {  	p0 =	sne.s32 s0, $0x0;
	s0 =	rddreg [dreg:$0x3]  }
0x1b4: {  	s0 =	sadd.s32 @!p0 $0x100000, s0  }
0x1b5: {  	[sflag:s0] =	ssyncadd.tile.s32 @!p0 $0x1;
	_ =	shalt  }
.Lfunc_end2:
_tile_overlayer_lowered:
.L_overlay_start_2:
0x1b6: {  	(tag) =	ssettag $0x2  }
0x1b7: {  	s0 =	rddreg [dreg:$0x0];
	s2 =	stileid.u32  }
0x1b8: {  	s1 =	rddreg [dreg:$0x1];
	p0 =	sne.s32 s2, $0x0  }
0x1b9: {  	s3 =	rddreg [dreg:$0x2];
	[bflag:$0x3] =	sbarrier.arrive $0xFFFF;
	s2 =	simm.s32 @!p0 $0x1C07  }
0x1ba: {  	[timem:s3], [sflag:s2] =	dma.local @!p0 [hbm:s0], s1  }
0x1bb: {  	s0 =	simm.s32 @!p0 $0x7  }
0x1bc: {  	_ =	swait.ge @!p0 [sflag:s0], s1  }
0x1bd: {  	s1 =	ssub.s32 @!p0 $0x0, s1;
	[sflag:s0] =	ssyncset.done @!p0 $0x0  }
0x1be: {  	[sflag:s0] =	ssyncadd.s32 @!p0 s1  }
0x1bf: {  	[bflag:$0x3] =	sbarrier.arrive $0xFFFF  }
0x1c0: {  	_ =	shalt  }

// kernel: kernel.8.cloned.1.call-start
scs
__scs_entry_jumppad:
0x0: {  	(pc) =	sbr.rel $0x88, $3  }
0x1: {  	(tag) =	ssettag $0x0;
	lr =	simm.s32 $0x1  }
0x2: {  	[smem:$0x3F91] =	sst lr;
	_ =	strace $0xD0000000  }
0x3: {  	_ = 	snop  }
0x4: {  	_ = 	snop  }
0x5: {  	_ = 	snop  }
0x6: {  	_ = 	snop  }
0x7: {  	_ = 	snop  }
__scs_overlays_trampoline_lowered:
0x8: {  	[smem:$0x3FA0] =	sst s0  }
0x9: {  	[smem:$0x3FA1] =	sst s1  }
0xa: {  	[smem:$0x3FA2] =	sst s2  }
0xb: {  	[smem:$0x3FA3] =	sst s3  }
0xc: {  	[smem:$0x3FA4] =	sst s4  }
0xd: {  	[smem:$0x3FA5] =	sst s5  }
0xe: {  	[smem:$0x3FA6] =	sst s6  }
0xf: {  	[smem:$0x3FA7] =	sst s7  }
0x10: {  	[smem:$0x3FA8] =	sst s8  }
0x11: {  	[smem:$0x3FA9] =	sst s9;
	s0 =	simm.s32 @!p0 $0x0  }
0x12: {  	s1 =	sld [smem:$0x3F8F];
	s0 =	simm.s32 @p0 $0x1  }
0x13: {  	[smem:$0x3FAA] =	sst s0;
	s0 =	simm.s32 @!p1 $0x0  }
0x14: {  	s2 =	sld [smem:$0x3F8E];
	s0 =	simm.s32 @p1 $0x1  }
0x15: {  	[smem:$0x3FAB] =	sst s0;
	s0 =	simm.s32 @!p2 $0x0  }
0x16: {  	s3 =	sld [smem:$0x3FDB];
	s0 =	simm.s32 @p2 $0x1  }
0x17: {  	s4 =	simm.s32 $0x1BF5;
	[smem:$0x3FAD] =	sst s0  }
0x18: {  	s0 =	sld [smem:$0x3F90];
	_ =	swait.ge [sflag:s4], $0x0  }
0x19: {  	s7 =	sld [smem:$0x3F91]  }
0x1a: {  	s8 =	sadd.s32 $0xFFFFE003, lr  }
0x1b: {  	s9 =	sadd.s32 $0xFFFFFEF7, lr;
	s5 =	simm.s32 $0xFFFFFFFF;
	p2 =	slt.u32 s8, $0xFFFFF086  }
0x1c: {  	p1 =	slt.u32 s9, $0xF7A;
	s5 =	simm.s32 @!p2 $0x0  }
0x1d: {  	s5 =	simm.s32 @p1 $0x1;
	p0 =	seq.s32 s7, s2  }
0x1e: {  	s7 =	smul.u32 @!p0 $0xF7A, s2;
	p2 =	seq.s32 @!p0 s5, $0x0  }
0x1f: {  	s9 =	smul.u32 $0xF7A, s1;
	s8 =	simm.s32 @!p0 $0x1BF5;
	p2 =	por !p2, p0  }
0x20: {  	[sflag:s8] =	ssyncset.s32 @!p0 $0xFFFFF086;
	s6 =	sadd.s32 @!p0 s3, s7;
	s7 =	simm.s32 @!p0 $0x108  }
0x21: {  	s3 =	sadd.s32 s3, s9;
	s6 =	sadd.s32 @!p0 $0x88, s6;
	s7 =	simm.s32 @p2 $0x1082  }
0x22: {  	[simem:s7], [sflag:s8] =	dma.local @!p0 [hbm:s6], $0xF7A  }
0x23: {  	s9 =	sor.u32 $0xD0000000, s2;
	s6 =	simm.s32 $0x108;
	_ =	swait.ge @!p0 [sflag:s8], $0x0  }
0x24: {  	s3 =	sadd.s32 $0x88, s3;
	s6 =	simm.s32 @!p1 $0x1082;
	[sflag:s4] =	ssyncset.s32 $0xFFFFF086  }
0x25: {  	[simem:s6], [sflag:s4] =	dma.local [hbm:s3], $0xF7A  }
0x26: {  	[smem:$0x3F91] =	sst s1;
	(tag) =	ssettag s2;
	_ =	strace s9  }
0x27: {  	s1 =	sld [smem:$0x3FA1]  }
0x28: {  	s2 =	sld [smem:$0x3FA2]  }
0x29: {  	s4 =	sld [smem:$0x3FA4]  }
0x2a: {  	p0 =	seq.s32 s5, $0x0;
	s5 =	sld [smem:$0x3FA5]  }
0x2b: {  	s6 =	sld [smem:$0x3FA6]  }
0x2c: {  	s7 =	sld [smem:$0x3FA7]  }
0x2d: {  	s3 =	simm.s32 $0x108;
	s8 =	sld [smem:$0x3FA8]  }
0x2e: {  	s3 =	simm.s32 @!p0 $0x1082;
	s9 =	sld [smem:$0x3FA9]  }
0x2f: {  	lr =	sadd.s32 s0, s3;
	s0 =	sld [smem:$0x3FA0]  }
0x30: {  	s3 =	sld [smem:$0x3FA3]  }
0x31: {  	[smem:$0x3FAC] =	sst s10  }
0x32: {  	s10 =	sld [smem:$0x3FAA];
	_ =	sdelay $0x3  }
0x33: {  	p0 =	seq.s32 s10, $0x1;
	s10 =	sld [smem:$0x3FAC];
	_ =	sdelay $0x3  }
0x34: {  	[smem:$0x3FAC] =	sst s10  }
0x35: {  	s10 =	sld [smem:$0x3FAB];
	_ =	sdelay $0x3  }
0x36: {  	p1 =	seq.s32 s10, $0x1;
	s10 =	sld [smem:$0x3FAC];
	_ =	sdelay $0x3  }
0x37: {  	[smem:$0x3FAC] =	sst s10  }
0x38: {  	s10 =	sld [smem:$0x3FAD]  }
0x39: {  	_ = 	snop;
	(pc) =	sbr.ind lr, $3  }
0x3a: {  	_ = 	snop  }
0x3b: {  	_ = 	snop  }
0x3c: {  	p2 =	seq.s32 s10, $0x1;
	s10 =	sld [smem:$0x3FAC]  }
0x3d: {  	_ =	shalt  }
0x3e: {  	_ =	shalt  }
0x3f: {  	_ =	shalt  }
0x40: {  	_ =	shalt  }
0x41: {  	_ =	shalt  }
0x42: {  	_ =	shalt  }
0x43: {  	_ =	shalt  }
0x44: {  	_ =	shalt  }
0x45: {  	_ =	shalt  }
0x46: {  	_ =	shalt  }
0x47: {  	_ =	shalt  }
0x48: {  	_ =	shalt  }
0x49: {  	_ =	shalt  }
0x4a: {  	_ =	shalt  }
0x4b: {  	_ =	shalt  }
0x4c: {  	_ =	shalt  }
0x4d: {  	_ =	shalt  }
0x4e: {  	_ =	shalt  }
0x4f: {  	_ =	shalt  }
0x50: {  	_ =	shalt  }
0x51: {  	_ =	shalt  }
0x52: {  	_ =	shalt  }
0x53: {  	_ =	shalt  }
0x54: {  	_ =	shalt  }
0x55: {  	_ =	shalt  }
0x56: {  	_ =	shalt  }
0x57: {  	_ =	shalt  }
0x58: {  	_ =	shalt  }
0x59: {  	_ =	shalt  }
0x5a: {  	_ =	shalt  }
0x5b: {  	_ =	shalt  }
0x5c: {  	_ =	shalt  }
0x5d: {  	_ =	shalt  }
0x5e: {  	_ =	shalt  }
0x5f: {  	_ =	shalt  }
0x60: {  	_ =	shalt  }
0x61: {  	_ =	shalt  }
0x62: {  	_ =	shalt  }
0x63: {  	_ =	shalt  }
0x64: {  	_ =	shalt  }
0x65: {  	_ =	shalt  }
0x66: {  	_ =	shalt  }
0x67: {  	_ =	shalt  }
0x68: {  	_ =	shalt  }
0x69: {  	_ =	shalt  }
0x6a: {  	_ =	shalt  }
0x6b: {  	_ =	shalt  }
0x6c: {  	_ =	shalt  }
0x6d: {  	_ =	shalt  }
0x6e: {  	_ =	shalt  }
0x6f: {  	_ =	shalt  }
0x70: {  	_ =	shalt  }
0x71: {  	_ =	shalt  }
0x72: {  	_ =	shalt  }
0x73: {  	_ =	shalt  }
0x74: {  	_ =	shalt  }
0x75: {  	_ =	shalt  }
0x76: {  	_ =	shalt  }
0x77: {  	_ =	shalt  }
0x78: {  	_ =	shalt  }
0x79: {  	_ =	shalt  }
0x7a: {  	_ =	shalt  }
0x7b: {  	_ =	shalt  }
0x7c: {  	_ =	shalt  }
0x7d: {  	_ =	shalt  }
0x7e: {  	_ =	shalt  }
0x7f: {  	_ =	shalt  }
0x80: {  	_ =	shalt  }
0x81: {  	_ =	shalt  }
0x82: {  	_ =	shalt  }
0x83: {  	_ =	shalt  }
0x84: {  	_ =	shalt  }
0x85: {  	_ =	shalt  }
0x86: {  	_ =	shalt  }
0x87: {  	_ =	shalt  }
.Lfunc_end0:
.L_simem_size_0:
called_computation_lowered:
.L_overlay_start_0:
0x88: {  	s2 =	sld [smem:$0x3FD9]  }
0x89: {  	s3 =	sld [smem:$0x3FFE];
	_ =	sdelay $0x1  }
0x8a: {  	s1 =	srdreg.scid  }
0x8b: {  	s0 =	sand.u32 $0x1, s1  }
0x8c: {  	s17 =	sshll.u32 s0, $0xA;
	s2 =	sadd.s32 s3, s2  }
0x8d: {  	s2 =	sadd.s32 s2, s17  }
0x8e: {  	[smem:$0x3FB8] =	sst s2  }
0x8f: {  	_ = 	snop  }
0x90: {  	s2 =	sld [smem:$0x3FC5]  }
0x91: {  	s18 =	sld [smem:$0x3FD0];
	(tm) =	ssettm $0x1  }
0x92: {  	s4 =	sld [smem:$0x3FFB];
	_ =	sdelay $0x3  }
0x93: {  	_ =	strace s4  }
0x94: {  	s4 =	sld [smem:$0x3FFC];
	_ =	sdelay $0x3  }
0x95: {  	_ =	strace s4  }
0x96: {  	s4 =	sld [smem:$0x3FFD];
	_ =	sdelay $0x3  }
0x97: {  	_ =	strace s4  }
0x98: {  	_ =	strace $0x8FFFFFFF  }
0x99: {  	s19 =	sld [smem:$0x3FDB];
	_ =	sdelay $0x1  }
0x9a: {  	s5 =	simm.s32 $_scs_section_size  }
0x9b: {  	s6 =	simm.s32 $_size__tile_overlayer_lowered;
	s7 =	simm.s32 $_tile_overlayer_lowered  }
0x9c: {  	s22 =	simm.s32 $0x1BFF;
	s21 =	sshll.u32 s7, $0x1;
	s4 =	sadd.s32 s5, s19  }
0x9d: {  	s8 =	simm.s32 $0x0;
	s20 =	sshll.u32 s6, $0x1;
	s6 =	sadd.s32 s21, s4  }
0x9e: {  	[timem:s8], [sflag:s22] =	dma.local [hbm:s6], s20  }
0x9f: {  	_ =	swait.ge [sflag:s22], s20  }
0xa0: {  	s5 =	ssub.s32 $0x0, s20;
	[sflag:s22] =	ssyncset.done $0x0  }
0xa1: {  	[sflag:s22] =	ssyncadd.s32 s5;
	_ =	sdelay $0x1  }
0xa2: {  	s23 =	simm.s32 $0x1B8B  }
0xa3: {  	_ =	swait.ge [sflag:s23], $0x1  }
0xa4: {  	[sflag:s23] =	ssyncset.done $0x0  }
0xa5: {  	s25 =	simm.s32 $0x1B8E;
	s24 =	sld [smem:$0x3FFE];
	[sflag:s23] =	ssyncadd.s32 $0xFFFFFFFF  }
0xa6: {  	s26 =	simm.s32 $execute0_lowered;
	[smem:$0x3FD2] =	sst s25  }
0xa7: {  	s6 =	sshll.u32 s26, $0x1;
	_ =	strace $0x80000046;
	[dreg:$0x1] =	wrdreg $0xFFFFFFFF  }
0xa8: {  	s28 =	simm.s32 $_size_execute0_lowered;
	s4 =	sadd.s32 s4, s6;
	[dreg:$0x0] =	wrdreg $0x0  }
0xa9: {  	s6 =	sshll.u32 s28, $0x1;
	[dreg:$0x2] =	wrdreg s4  }
0xaa: {  	[dreg:$0x3] =	wrdreg s6  }
0xab: {  	[dreg:$0x4] =	wrdreg $0xC0  }
0xac: {  	_ =	task [dreg:s8], $0x5FFFF  }
0xad: {  	[dreg:$0x1] =	wrdreg $0xFFFFFFFF  }
0xae: {  	[dreg:$0x0] =	wrdreg $0x60  }
0xaf: {  	[dreg:$0x2] =	wrdreg s18  }
0xb0: {  	[dreg:$0x3] =	wrdreg s24  }
0xb1: {  	[dreg:$0x4] =	wrdreg s2  }
0xb2: {  	[dreg:$0x5] =	wrdreg $0x0  }
0xb3: {  	[dreg:$0x6] =	wrdreg $0x9  }
0xb4: {  	_ =	task.clear_ibuf [dreg:s8], $0x7FFFF;
	_ =	strace $0x90000046  }
0xb5: {  	s29 =	simm.s32 $0x9;
	_ =	strace $0x80000048  }
0xb6: {  	_ =	swait.ge [sflag:s29], $0x1  }
0xb7: {  	[sflag:s29] =	ssyncadd.s32 $0xFFFFFFFF  }
0xb8: {  	_ =	strace $0x90000048  }
0xb9: {  	_ =	sfence  }
0xba: {  	s30 =	sld [smem:$0x0];
	_ =	sdelay $0x2  }
0xbb: {  	s31 =	sshll.u32 s1, $0xD;
	s1 =	sshrl.u32 s1, $0x2  }
0xbc: {  	s3 =	sand.u32 $0x4000, s31;
	s1 =	sadd.s32 s1, s30  }
0xbd: {  	s0 =	sor.u32 s3, s0;
	s1 =	sshll.u32 s1, $0x11  }
0xbe: {  	s0 =	sor.u32 s1, s0  }
0xbf: {  	s0 =	sadd.s32 $0x8F2B, s0  }
0xc0: {  	[sflag:s0] =	ssyncadd.remote.s32 $0x1  }
0xc1: {  	_ =	sfence.sel $0xFFFF  }
0xc2: {  	[dreg:$0x0] =	wrdreg $0xFFFFFFFF;
	(pc) =	sbr.abs _section_cstart, $3  }
0xc3: {  	[dreg:$0x1] =	wrdreg $0xFFFFFFFF  }
0xc4: {  	_ =	task.clear_ibuf [dreg:s8], $0x2FFFF;
	_ =	strace $0x9FFFFFFF  }
0xc5: {  	(tm) =	ssettm $0x7FFFFFFF  }
tec
execute0_lowered:
.L_overlay_start_1:
0x0: {  	(tag) =	ssettag $0x1  }
0x1: {  	s0 =	srdreg.scid;
	s21 =	stileid.u32  }
0x2: {  	s0 =	sand.u32 $0x1, s0;
	s1 =	sshll.u32 s21, $0x1  }
0x3: {  	s5 =	sor.u32 s0, s1;
	s6 =	ssub.s32 $0x2, s0;
	s0 =	smul.u32 $0x138800, s0  }
0x4: {  	s3 =	smul.u32 $0x5, s5  }
0x5: {  	s25 =	rddreg [dreg:$0x1];
	s4 =	smul.u32 $0x280, s5;
	s2 =	sor.u32 $0x20, s5  }
0x6: {  	s11 =	rddreg [dreg:$0x2];
	s7 =	smul.u32 $0x5, s2  }
0x7: {  	s13 =	sadd.s32 $0x546A00, s25;
	s24 =	sor.u32 $0x40, s5;
	s9 =	smul.u32 $0x280, s2  }
0x8: {  	s26 =	sor.u32 $0x60, s5;
	s8 =	sshrl.u32 s6, $0x1;
	s10 =	smul.u32 $0x5, s24  }
0x9: {  	s16 =	sor.u32 $0x80, s5;
	s18 =	sor.u32 $0xA0, s5;
	s12 =	smul.u32 $0x280, s24  }
0xa: {  	s20 =	sor.u32 $0xE0, s5;
	s14 =	smul.u32 $0x5, s26;
	s2 =	ssub.s32 s6, s8  }
0xb: {  	s15 =	smul.u32 $0x280, s26;
	s6 =	sor.u32 $0x10, s21;
	[smem:$0x7FC] =	sst s2  }
0xc: {  	s17 =	smul.u32 $0x5, s16;
	[smem:$0x7E5] =	sst s6;
	s2 =	sor.u32 $0x20, s21  }
0xd: {  	s16 =	smul.u32 $0x280, s16;
	s3 =	sadd.s32 s11, s3;
	[smem:$0x7E6] =	sst s2  }
0xe: {  	s8 =	sor.u32 $0xC0, s5;
	s4 =	sadd.s32 s13, s4;
	[dreg:$0x5] =	wrdreg s3  }
0xf: {  	s24 =	smul.u32 $0x5, s20;
	[dreg:$0x6] =	wrdreg s4;
	s7 =	sadd.s32 s11, s7  }
0x10: {  	s3 =	smul.u32 $0x5, s18;
	s9 =	sadd.s32 s13, s9;
	[dreg:$0x7] =	wrdreg s7  }
0x11: {  	s4 =	smul.u32 $0x280, s18;
	s10 =	sadd.s32 s11, s10;
	[dreg:$0x8] =	wrdreg s9  }
0x12: {  	s18 =	smul.u32 $0x5, s8;
	s19 =	sadd.s32 s13, s12;
	[dreg:$0x9] =	wrdreg s10  }
0x13: {  	s22 =	sadd.s32 s11, s14;
	s23 =	sadd.s32 s13, s15;
	[dreg:$0xa] =	wrdreg s19  }
0x14: {  	s26 =	sadd.s32 s13, s16;
	s16 =	smul.u32 $0x1400, s21;
	[dreg:$0xb] =	wrdreg s22  }
0x15: {  	s25 =	sadd.s32 s11, s17;
	s7 =	smul.u32 $0x280, s8;
	[dreg:$0xc] =	wrdreg s23  }
0x16: {  	s17 =	sadd.s32 s11, s24;
	[dreg:$0xd] =	wrdreg s25;
	s10 =	smul.u32 $0x280, s20  }
0x17: {  	s12 =	sor.u32 $0x60, s21;
	[dreg:$0xe] =	wrdreg s26;
	s19 =	smul.u32 $0x1400, s6  }
0x18: {  	[dreg:$0x13] =	wrdreg s17;
	s20 =	sor.u32 $0x30, s21;
	s22 =	smul.u32 $0x1400, s2  }
0x19: {  	s23 =	sor.u32 $0x40, s21;
	s1 =	smul.u32 $0x1400, s12;
	[smem:$0x7E8] =	sst s20  }
0x1a: {  	s17 =	simm.s32 $0x0;
	s3 =	sadd.s32 s11, s3;
	[smem:$0x7EA] =	sst s23  }
0x1b: {  	s8 =	sadd.s32 s13, s4;
	s14 =	sadd.s32 s11, s18;
	[smem:$0x7FF] =	sst s17  }
0x1c: {  	s24 =	smul.u32 $0x1400, s20;
	s11 =	sor.u32 $0x50, s21;
	[dreg:$0xf] =	wrdreg s3  }
0x1d: {  	s25 =	smul.u32 $0x1400, s23;
	s4 =	sor.u32 $0xE0, s21;
	[dreg:$0x10] =	wrdreg s8  }
0x1e: {  	[dreg:$0x11] =	wrdreg s14;
	s15 =	sadd.s32 s13, s7;
	s18 =	sadd.s32 s13, s10  }
0x1f: {  	s3 =	sadd.s32 s16, s0;
	s9 =	sadd.s32 s0, s19;
	s8 =	sadd.s32 s0, s22  }
0x20: {  	s26 =	smul.u32 $0x1400, s11;
	s13 =	sor.u32 $0x70, s21;
	[smem:$0x7F4] =	sst s4  }
0x21: {  	s14 =	sor.u32 $0x80, s21;
	[dreg:$0x12] =	wrdreg s15;
	s2 =	smul.u32 $0x1400, s13  }
0x22: {  	s16 =	sor.u32 $0xA0, s21;
	[dreg:$0x14] =	wrdreg s18;
	s19 =	smul.u32 $0x1400, s14  }
0x23: {  	s10 =	sshrl.u32 s3, $0x3;
	s15 =	sor.u32 $0x90, s21;
	s3 =	smul.u32 $0x1400, s16  }
0x24: {  	s23 =	sadd.s32 s0, s24;
	s18 =	sor.u32 $0xB0, s21;
	s20 =	smul.u32 $0x1400, s15  }
0x25: {  	s24 =	sadd.s32 s0, s25;
	s8 =	sshrl.u32 s8, $0x3;
	s22 =	smul.u32 $0x1400, s18  }
0x26: {  	s25 =	sadd.s32 s0, s26;
	s26 =	sadd.s32 s0, s1;
	s1 =	smul.u32 $0x1400, s4  }
0x27: {  	s23 =	sshrl.u32 s23, $0x3;
	s29 =	sadd.s32 s0, s19;
	s19 =	sor.u32 $0xC0, s21  }
0x28: {  	s7 =	sadd.s32 s0, s3;
	s30 =	sadd.s32 s0, s20;
	s20 =	sor.u32 $0xD0, s21  }
0x29: {  	s31 =	smul.u32 $0x1400, s19;
	s3 =	sadd.s32 s0, s22;
	s22 =	sor.u32 $0xF0, s21  }
0x2a: {  	s4 =	sadd.s32 s0, s1;
	s1 =	rddreg [dreg:$0x1];
	s6 =	smul.u32 $0x1400, s20  }
0x2b: {  	s28 =	sadd.s32 s0, s2;
	s2 =	smul.u32 $0x1400, s22;
	s1 =	sadd.s32 $0x4F8800, s1  }
0x2c: {  	s31 =	sadd.s32 s0, s31;
	s10 =	sadd.s32 s1, s10;
	s8 =	sadd.s32 s1, s8  }
0x2d: {  	s6 =	sadd.s32 s0, s6;
	s2 =	sadd.s32 s0, s2;
	[dreg:$0x15] =	wrdreg s10  }
0x2e: {  	s10 =	sshrl.u32 s9, $0x3;
	[dreg:$0x17] =	wrdreg s8;
	s9 =	sadd.s32 s1, s23  }
0x2f: {  	s23 =	sshrl.u32 s25, $0x3;
	s0 =	sadd.s32 s1, s10;
	[dreg:$0x18] =	wrdreg s9  }
0x30: {  	s10 =	sshrl.u32 s24, $0x3;
	s25 =	sadd.s32 s1, s23;
	[dreg:$0x16] =	wrdreg s0  }
0x31: {  	s24 =	sshrl.u32 s26, $0x3;
	s0 =	sadd.s32 s1, s10;
	[dreg:$0x1a] =	wrdreg s25  }
0x32: {  	s9 =	sshrl.u32 s29, $0x3;
	s26 =	sadd.s32 s1, s24;
	[dreg:$0x19] =	wrdreg s0  }
0x33: {  	s8 =	sshrl.u32 s28, $0x3;
	s23 =	sadd.s32 s1, s9;
	[dreg:$0x1b] =	wrdreg s26  }
0x34: {  	s10 =	sshrl.u32 s30, $0x3;
	s0 =	sadd.s32 s1, s8;
	[dreg:$0x1d] =	wrdreg s23  }
0x35: {  	s3 =	sshrl.u32 s3, $0x3;
	s24 =	sadd.s32 s1, s10;
	[dreg:$0x1c] =	wrdreg s0  }
0x36: {  	s4 =	sshrl.u32 s4, $0x3;
	s8 =	sadd.s32 s1, s3;
	[dreg:$0x1e] =	wrdreg s24  }
0x37: {  	s25 =	sshrl.u32 s7, $0x3;
	s23 =	sadd.s32 s1, s4;
	[smem:$0x7E0] =	sst s8  }
0x38: {  	s26 =	sshrl.u32 s31, $0x3;
	s0 =	sadd.s32 s1, s25;
	[smem:$0x7E3] =	sst s23  }
0x39: {  	s9 =	sadd.s32 s1, s26;
	[dreg:$0x1f] =	wrdreg s0  }
0x3a: {  	s11 =	smul.u32 $0x5000, s11;
	s10 =	sshrl.u32 s6, $0x3;
	[smem:$0x7E1] =	sst s9  }
0x3b: {  	s2 =	sshrl.u32 s2, $0x3;
	s3 =	sadd.s32 s1, s10;
	s0 =	rddreg [dreg:$0x0]  }
0x3c: {  	s16 =	smul.u32 $0x5000, s16;
	s1 =	sadd.s32 s1, s2;
	[smem:$0x7E2] =	sst s3  }
0x3d: {  	s4 =	smul.u32 $0x1388, s5;
	[smem:$0x7E4] =	sst s1  }
0x3e: {  	s26 =	smul.u32 $0x5000, s21;
	s3 =	rddreg [dreg:$0x3];
	_ =	strace $0x80000047  }
0x3f: {  	p0 =	sgt.u32 s21, $0x9;
	s5 =	smul.u32 $0x13880, s5;
	s24 =	sld [smem:$0x7E5]  }
0x40: {  	s2 =	sshrl.u32 s4, $0x3;
	s8 =	sshrl.u32 s26, $0x2;
	s25 =	rddreg [dreg:$0x1]  }
0x41: {  	s8 =	sadd.s32 s8, s3;
	s26 =	sld [smem:$0x7EA];
	s6 =	sadd.s32 $0x287800, s25  }
0x42: {  	s23 =	sadd.s32 s2, s25;
	s7 =	sadd.s32 $0x273C00, s25;
	s25 =	sld [smem:$0x7E8]  }
0x43: {  	p1 =	sgt.u32 s21, $0xC;
	[smem:$0x7E9] =	sst s8;
	s1 =	smul.u32 $0x5000, s24  }
0x44: {  	s11 =	sshrl.u32 s11, $0x2;
	s24 =	sld [smem:$0x7E6];
	s8 =	smul.u32 $0x5000, s26  }
0x45: {  	s28 =	simm.s32 $0x14D00;
	s9 =	sadd.s32 $0x27DA00, s23;
	s26 =	smul.u32 $0x5000, s13  }
0x46: {  	s29 =	simm.s32 $0x18980;
	[smem:$0x7E7] =	sst s9;
	s9 =	smul.u32 $0x5000, s25  }
0x47: {  	s30 =	simm.s32 $0x16180;
	s2 =	sadd.s32 s7, s2;
	s10 =	smul.u32 $0x5000, s24  }
0x48: {  	s31 =	sadd.s32 $0x78, s4;
	[smem:$0x7F9] =	sst s2;
	s24 =	smul.u32 $0x5000, s12  }
0x49: {  	s2 =	simm.s32 $0x7;
	s1 =	sshrl.u32 s1, $0x2;
	s12 =	smul.u32 $0x5000, s14  }
0x4a: {  	s1 =	sadd.s32 s1, s3;
	s23 =	sshrl.u32 s9, $0x2;
	s14 =	smul.u32 $0x5000, s15  }
0x4b: {  	s15 =	sshrl.u32 s26, $0x2;
	s26 =	smul.u32 $0x5000, s19;
	[smem:$0x7EB] =	sst s1  }
0x4c: {  	s10 =	sshrl.u32 s10, $0x2;
	s13 =	sshrl.u32 s24, $0x2;
	s24 =	smul.u32 $0x5000, s18  }
0x4d: {  	s9 =	sshrl.u32 s26, $0x2;
	s26 =	sld [smem:$0x7FC];
	s1 =	sadd.s32 s10, s3  }
0x4e: {  	s25 =	sshrl.u32 s8, $0x2;
	s8 =	sshrl.u32 s16, $0x2;
	[smem:$0x7EC] =	sst s1  }
0x4f: {  	s1 =	sadd.s32 s23, s3;
	s23 =	sshrl.u32 s12, $0x2;
	s12 =	sshrl.u32 s24, $0x2  }
0x50: {  	s24 =	sadd.s32 $0x28, s4;
	[smem:$0x7ED] =	sst s1;
	s1 =	sadd.s32 s25, s3  }
0x51: {  	s25 =	sshrl.u32 s14, $0x2;
	s14 =	smul.u32 $0x5000, s22;
	s22 =	sadd.s32 s12, s3  }
0x52: {  	s12 =	simm.s32 $0x2;
	[smem:$0x7EE] =	sst s1;
	s1 =	sadd.s32 s11, s3  }
0x53: {  	s11 =	smul.u32 $0x5000, s20;
	s20 =	sadd.s32 s8, s3;
	[smem:$0x7EF] =	sst s1  }
0x54: {  	s1 =	sadd.s32 s13, s3;
	s13 =	sld [smem:$0x7F4];
	s19 =	sshrl.u32 s14, $0x2  }
0x55: {  	s14 =	simm.s32 $0x6;
	[smem:$0x7F0] =	sst s1;
	s1 =	sadd.s32 s15, s3  }
0x56: {  	s8 =	sshrl.u32 s11, $0x2;
	s15 =	sadd.s32 s9, s3;
	s9 =	simm.s32 $0x1  }
0x57: {  	s11 =	simm.s32 $0x5;
	[smem:$0x7F1] =	sst s1;
	s1 =	sadd.s32 s23, s3  }
0x58: {  	[smem:$0x7F5] =	sst s15;
	s16 =	sadd.s32 s8, s3;
	s23 =	sadd.s32 s19, s3  }
0x59: {  	s19 =	simm.s32 $0x13880;
	[smem:$0x7F2] =	sst s1;
	s10 =	smul.u32 $0x5000, s13  }
0x5a: {  	s8 =	simm.s32 $0x14C80;
	s15 =	simm.s32 $0x0;
	[smem:$0x7F6] =	sst s16  }
0x5b: {  	s1 =	sadd.s32 s25, s3;
	[smem:$0x7F8] =	sst s23;
	s18 =	sshrl.u32 s10, $0x2  }
0x5c: {  	s25 =	sadd.s32 s6, s5;
	[smem:$0x7F3] =	sst s1;
	s1 =	sadd.s32 s18, s3  }
0x5d: {  	s5 =	simm.s32 $0x14D80;
	[smem:$0x7F7] =	sst s1;
	s1 =	sshrl.u32 s24, $0x3  }
0x5e: {  	s13 =	simm.s32 $0x4;
	[smem:$0x7FA] =	sst s25;
	s1 =	sadd.s32 s7, s1  }
0x5f: {  	s10 =	simm.s32 $0x3;
	[smem:$0x7FB] =	sst s1;
	s1 =	smax.u32 s26, $0x1  }
0x60: {  	v0 =	vimm.f32 $0.0e+00;
	s26 =	simm.s32 $0x17580;
	[smem:$0x7FD] =	sst s1;
	s1 =	simm.s32 $0x28  }
.LBB2_1:
0x61: {  	s16 =	sld [smem:$0x7E7];
	_ =	sdelay $0x2  }
0x62: {  	[tilespmem:s19], [sflag:$0x7] =	stream.linear.gather [hbm4b:s16+s17], $0x1388, $0x38;
	[tilespmem:$0x19D80] =	vst v63  }
0x63: {  	_ =	swait.ge [sflag:s2], $0x1388  }
0x64: {  	[sflag:s2] =	ssyncset.done $0x0  }
0x65: {  	s18 =	simm.s32 $0x200;
	s16 =	simm.s32 $0x0;
	[sflag:s2] =	ssyncadd.s32 $0xFFFFEC78  }
.LBB2_2:
0x66: {  	p2 =	sne.s32 s18, $0x4E00;
	[tilespmem:s16+$0x14DF0] =	vst v0  }
0x67: {  	[tilespmem:s16+$0x14D80] =	vst v0  }
0x68: {  	[tilespmem:s16+$0x14D90] =	vst v0  }
.Ltmp0:
0x69: {  	[tilespmem:s16+$0x14DA0] =	vst v0;
	(pc) =	sbr.rel @p2 .LBB2_2-.Ltmp0, $4  }
0x6a: {  	[tilespmem:s16+$0x14DB0] =	vst v0  }
0x6b: {  	[tilespmem:s16+$0x14DC0] =	vst v0  }
0x6c: {  	[tilespmem:s16+$0x14DD0] =	vst v0  }
0x6d: {  	[tilespmem:s16+$0x14DE0] =	vst v0;
	s16 =	sshra.s32 s18, $0x2;
	s18 =	sadd.s32 $0x200, s18  }
0x6e: {  	[tilespmem:s16+$0x14DF0] =	vst v0  }
0x6f: {  	[tilespmem:s16+$0x14D80] =	vst v0  }
0x70: {  	[tilespmem:s16+$0x14D90] =	vst v0  }
0x71: {  	[tilespmem:s16+$0x14DA0] =	vst v0  }
0x72: {  	[tilespmem:s16+$0x14DB0] =	vst v0  }
0x73: {  	[tilespmem:s16+$0x14DC0] =	vst v0;
	s23 =	sld [smem:$0x7E9]  }
0x74: {  	[tilespmem:s16+$0x14DD0] =	vst v0  }
0x75: {  	[tilespmem:s16+$0x14DE0] =	vst v0  }
0x76: {  	[spmem:s23] =	stream.linear.scatter [tilespmem:s5], [sflag:$0x7], $0x1400, $0x38;
	[tilespmem:$0x19D80] =	vst v63  }
0x77: {  	_ =	swait.ge [sflag:s2], $0x1400  }
0x78: {  	s24 =	sld [smem:$0x7EB]  }
0x79: {  	[sflag:s2] =	ssyncset.done $0x0  }
0x7a: {  	[sflag:s2] =	ssyncadd.s32 $0xFFFFEC00  }
0x7b: {  	[spmem:s24] =	stream.linear.scatter [tilespmem:s5], [sflag:$0x7], $0x1400, $0x38;
	[tilespmem:$0x19D80] =	vst v63  }
0x7c: {  	_ =	swait.ge [sflag:s2], $0x1400  }
0x7d: {  	s25 =	sld [smem:$0x7EC]  }
0x7e: {  	[sflag:s2] =	ssyncset.done $0x0  }
0x7f: {  	[sflag:s2] =	ssyncadd.s32 $0xFFFFEC00  }
0x80: {  	[spmem:s25] =	stream.linear.scatter [tilespmem:s5], [sflag:$0x7], $0x1400, $0x38;
	[tilespmem:$0x19D80] =	vst v63  }
0x81: {  	_ =	swait.ge [sflag:s2], $0x1400  }
0x82: {  	s18 =	sld [smem:$0x7ED]  }
0x83: {  	[sflag:s2] =	ssyncset.done $0x0  }
0x84: {  	[sflag:s2] =	ssyncadd.s32 $0xFFFFEC00  }
0x85: {  	[spmem:s18] =	stream.linear.scatter [tilespmem:s5], [sflag:$0x7], $0x1400, $0x38;
	[tilespmem:$0x19D80] =	vst v63  }
0x86: {  	_ =	swait.ge [sflag:s2], $0x1400  }
0x87: {  	s21 =	sld [smem:$0x7EE]  }
0x88: {  	[sflag:s2] =	ssyncset.done $0x0  }
0x89: {  	[sflag:s2] =	ssyncadd.s32 $0xFFFFEC00  }
0x8a: {  	[spmem:s21] =	stream.linear.scatter [tilespmem:s5], [sflag:$0x7], $0x1400, $0x38;
	[tilespmem:$0x19D80] =	vst v63  }
0x8b: {  	_ =	swait.ge [sflag:s2], $0x1400  }
0x8c: {  	s23 =	sld [smem:$0x7EF]  }
0x8d: {  	[sflag:s2] =	ssyncset.done $0x0  }
0x8e: {  	[sflag:s2] =	ssyncadd.s32 $0xFFFFEC00  }
0x8f: {  	[spmem:s23] =	stream.linear.scatter [tilespmem:s5], [sflag:$0x7], $0x1400, $0x38;
	[tilespmem:$0x19D80] =	vst v63  }
0x90: {  	_ =	swait.ge [sflag:s2], $0x1400  }
0x91: {  	s24 =	sld [smem:$0x7F0]  }
0x92: {  	[sflag:s2] =	ssyncset.done $0x0  }
0x93: {  	[sflag:s2] =	ssyncadd.s32 $0xFFFFEC00  }
0x94: {  	[spmem:s24] =	stream.linear.scatter [tilespmem:s5], [sflag:$0x7], $0x1400, $0x38;
	[tilespmem:$0x19D80] =	vst v63  }
0x95: {  	_ =	swait.ge [sflag:s2], $0x1400  }
0x96: {  	s25 =	sld [smem:$0x7F1]  }
0x97: {  	[sflag:s2] =	ssyncset.done $0x0  }
0x98: {  	[sflag:s2] =	ssyncadd.s32 $0xFFFFEC00  }
0x99: {  	[spmem:s25] =	stream.linear.scatter [tilespmem:s5], [sflag:$0x7], $0x1400, $0x38;
	[tilespmem:$0x19D80] =	vst v63  }
0x9a: {  	_ =	swait.ge [sflag:s2], $0x1400  }
0x9b: {  	s18 =	sld [smem:$0x7F2]  }
0x9c: {  	[sflag:s2] =	ssyncset.done $0x0  }
0x9d: {  	[sflag:s2] =	ssyncadd.s32 $0xFFFFEC00  }
0x9e: {  	[spmem:s18] =	stream.linear.scatter [tilespmem:s5], [sflag:$0x7], $0x1400, $0x38;
	[tilespmem:$0x19D80] =	vst v63  }
0x9f: {  	_ =	swait.ge [sflag:s2], $0x1400  }
0xa0: {  	s21 =	sld [smem:$0x7F3]  }
0xa1: {  	[sflag:s2] =	ssyncset.done $0x0  }
0xa2: {  	[sflag:s2] =	ssyncadd.s32 $0xFFFFEC00  }
0xa3: {  	[spmem:s21] =	stream.linear.scatter [tilespmem:s5], [sflag:$0x7], $0x1400, $0x38;
	[tilespmem:$0x19D80] =	vst v63  }
0xa4: {  	_ =	swait.ge [sflag:s2], $0x1400  }
0xa5: {  	[sflag:s2] =	ssyncset.done $0x0  }
0xa6: {  	[sflag:s2] =	ssyncadd.s32 $0xFFFFEC00  }
0xa7: {  	[spmem:s20] =	stream.linear.scatter [tilespmem:s5], [sflag:$0x7], $0x1400, $0x38;
	[tilespmem:$0x19D80] =	vst v63  }
0xa8: {  	_ =	swait.ge [sflag:s2], $0x1400  }
0xa9: {  	[sflag:s2] =	ssyncset.done $0x0  }
0xaa: {  	[sflag:s2] =	ssyncadd.s32 $0xFFFFEC00  }
0xab: {  	[spmem:s22] =	stream.linear.scatter [tilespmem:s5], [sflag:$0x7], $0x1400, $0x38;
	[tilespmem:$0x19D80] =	vst v63  }
0xac: {  	_ =	swait.ge [sflag:s2], $0x1400  }
0xad: {  	s23 =	sld [smem:$0x7F5]  }
0xae: {  	[sflag:s2] =	ssyncset.done $0x0  }
0xaf: {  	[sflag:s2] =	ssyncadd.s32 $0xFFFFEC00  }
0xb0: {  	[spmem:s23] =	stream.linear.scatter [tilespmem:s5], [sflag:$0x7], $0x1400, $0x38;
	[tilespmem:$0x19D80] =	vst v63  }
0xb1: {  	_ =	swait.ge [sflag:s2], $0x1400  }
0xb2: {  	s18 =	sld [smem:$0x7F6]  }
0xb3: {  	[sflag:s2] =	ssyncset.done $0x0  }
0xb4: {  	[sflag:s2] =	ssyncadd.s32 $0xFFFFEC00  }
0xb5: {  	[spmem:s18] =	stream.linear.scatter [tilespmem:s5], [sflag:$0x7], $0x1400, $0x38;
	[tilespmem:$0x19D80] =	vst v63  }
0xb6: {  	_ =	swait.ge [sflag:s2], $0x1400  }
0xb7: {  	s24 =	smov.u32 s20;
	s20 =	sld [smem:$0x7F7]  }
0xb8: {  	[sflag:s2] =	ssyncset.done $0x0  }
0xb9: {  	[sflag:s2] =	ssyncadd.s32 $0xFFFFEC00  }
0xba: {  	[spmem:s20] =	stream.linear.scatter [tilespmem:s5], [sflag:$0x7], $0x1400, $0x38;
	[tilespmem:$0x19D80] =	vst v63  }
0xbb: {  	_ =	swait.ge [sflag:s2], $0x1400  }
0xbc: {  	s18 =	sld [smem:$0x7F8]  }
0xbd: {  	[sflag:s2] =	ssyncset.done $0x0  }
0xbe: {  	s16 =	simm.s32 @!p0 $0x14D80;
	[sflag:s2] =	ssyncadd.s32 $0xFFFFEC00  }
0xbf: {  	[spmem:s18] =	stream.linear.scatter @!p0 [tilespmem:s16], [sflag:$0x7], $0x1400, $0x38;
	[tilespmem:$0x19D80] =	vst v63  }
0xc0: {  	s16 =	simm.s32 @!p0 $0x7  }
0xc1: {  	_ =	swait.ge @!p0 [sflag:s16], $0x1400  }
0xc2: {  	[sflag:s16] =	ssyncset.done @!p0 $0x0  }
0xc3: {  	[sflag:s16] =	ssyncadd.s32 @!p0 $0xFFFFEC00  }
0xc4: {  	[bflag:$0x0] =	sbarrier.arrive $0xFFFF  }
0xc5: {  	s21 =	sld [smem:$0x7F9];
	_ =	sdelay $0x1  }
0xc6: {  	s16 =	simm.s32 $0x0  }
0xc7: {  	[tilespmem:s8], [sflag:$0x5] =	stream.linear.gather [hbm4b:s21+s16], $0x28, $0x38;
	[tilespmem:$0x19D80] =	vst v63  }
0xc8: {  	s25 =	smov.u32 s22;
	s22 =	sld [smem:$0x7FA]  }
0xc9: {  	[tilespmem:s26], [sflag:$0x1] =	stream.indirect.gather [hbm4b:s0+s1], $0x80, s19, s1, $0xb8;
	[tilespmem:$0x19D80] =	vst v63  }
0xca: {  	s23 =	sld [smem:$0x7FB]  }
0xcb: {  	[tilespmem:s5], [sflag:$0x3] =	stream.linear.gather [hbm4b:s22+s16], $0x1400, $0x38;
	[tilespmem:$0x19D80] =	vst v63  }
0xcc: {  	s18 =	simm.s32 $0x0  }
0xcd: {  	[tilespmem:s28], [sflag:$0x6] =	stream.linear.gather [hbm4b:s23+s16], $0x28, $0x38;
	[tilespmem:$0x19D80] =	vst v63  }
.LBB2_4:
0xce: {  	s19 =	smul.u32 $0x50, s18;
	_ =	sdelay $0x1  }
0xcf: {  	s20 =	sadd.s32 s4, s19;
	s21 =	sadd.s32 $0x138A8, s19  }
0xd0: {  	[tilespmem:s29], [sflag:$0x2] =	stream.indirect.gather [hbm4b:s0+s1], $0x80, s21, s1, $0xb8;
	[tilespmem:$0x19D80] =	vst v63  }
0xd1: {  	s23 =	sshll.u32 s20, $0x4  }
0xd2: {  	s21 =	sadd.s32 s6, s23  }
0xd3: {  	s21 =	sadd.s32 $0x280, s21  }
0xd4: {  	[tilespmem:s30], [sflag:$0x4] =	stream.linear.gather [hbm4b:s21+s16], $0x1400, $0x38;
	[tilespmem:$0x19D80] =	vst v63  }
0xd5: {  	_ =	swait.ge [sflag:s9], $0x1400  }
0xd6: {  	[sflag:s9] =	ssyncset.done $0x0  }
0xd7: {  	[sflag:s9] =	ssyncadd.s32 $0xFFFFEC00  }
0xd8: {  	_ =	swait.ge [sflag:s10], $0x1400  }
0xd9: {  	[sflag:s10] =	ssyncset.done $0x0  }
0xda: {  	s21 =	simm.s32 $0x0;
	[sflag:s10] =	ssyncadd.s32 $0xFFFFEC00  }
0xdb: {  	v8 =	vld [tilespmem:s21+$0x14D80]  }
0xdc: {  	v12 =	vld [tilespmem:s21+$0x14D90]  }
0xdd: {  	v6 =	vld [tilespmem:s21+$0x14DA0]  }
0xde: {  	v5 =	vld [tilespmem:s21+$0x14DB0]  }
0xdf: {  	v4 =	vld [tilespmem:s21+$0x14DC0]  }
0xe0: {  	v3 =	vld [tilespmem:s21+$0x14DD0]  }
0xe1: {  	v2 =	vld [tilespmem:s21+$0x14DE0]  }
0xe2: {  	v1 =	vld [tilespmem:s21+$0x14DF0]  }
0xe3: {  	v13 =	vld [tilespmem:s21+$0x17580]  }
0xe4: {  	v14 =	vld [tilespmem:s21+$0x17590]  }
0xe5: {  	v11 =	vld [tilespmem:s21+$0x175A0]  }
0xe6: {  	v10 =	vld [tilespmem:s21+$0x175B0]  }
0xe7: {  	v9 =	vld [tilespmem:s21+$0x175C0]  }
0xe8: {  	v7 =	vld [tilespmem:s21+$0x175D0];
	v13 =	vmul.f32 v8, v13  }
0xe9: {  	s22 =	simm.s32 $0x200;
	v12 =	vmul.f32 v12, v14;
	v8 =	vld [tilespmem:s21+$0x175E0]  }
.LBB2_5:
0xea: {  	s23 =	sshra.s32 s22, $0x2;
	p2 =	sne.s32 s22, $0x4E00;
	[tilespmem:s21+$0x17580] =	vst v13;
	v6 =	vmul.f32 v6, v11;
	v11 =	vld [tilespmem:s21+$0x175F0]  }
0xeb: {  	v13 =	vld [tilespmem:s23+$0x14D80];
	[tilespmem:s21+$0x17590] =	vst v12;
	v5 =	vmul.f32 v5, v10  }
0xec: {  	v12 =	vld [tilespmem:s23+$0x14D90];
	[tilespmem:s21+$0x175A0] =	vst v6;
	v4 =	vmul.f32 v4, v9  }
0xed: {  	v6 =	vld [tilespmem:s23+$0x14DA0];
	[tilespmem:s21+$0x175B0] =	vst v5;
	v3 =	vmul.f32 v3, v7  }
0xee: {  	v5 =	vld [tilespmem:s23+$0x14DB0];
	[tilespmem:s21+$0x175C0] =	vst v4;
	v2 =	vmul.f32 v2, v8  }
0xef: {  	v4 =	vld [tilespmem:s23+$0x14DC0];
	[tilespmem:s21+$0x175D0] =	vst v3;
	v1 =	vmul.f32 v1, v11  }
0xf0: {  	v3 =	vld [tilespmem:s23+$0x14DD0];
	[tilespmem:s21+$0x175E0] =	vst v2  }
0xf1: {  	v2 =	vld [tilespmem:s23+$0x14DE0];
	[tilespmem:s21+$0x175F0] =	vst v1;
	s21 =	smov.u32 s23  }
0xf2: {  	v1 =	vld [tilespmem:s21+$0x14DF0]  }
0xf3: {  	v7 =	vld [tilespmem:s21+$0x17580]  }
0xf4: {  	v8 =	vld [tilespmem:s21+$0x17590]  }
.Ltmp1:
0xf5: {  	v11 =	vld [tilespmem:s21+$0x175A0];
	(pc) =	sbr.rel @p2 .LBB2_5-.Ltmp1, $4  }
0xf6: {  	v10 =	vld [tilespmem:s21+$0x175B0]  }
0xf7: {  	v9 =	vld [tilespmem:s21+$0x175C0]  }
0xf8: {  	v13 =	vmul.f32 v13, v7;
	v7 =	vld [tilespmem:s21+$0x175D0]  }
0xf9: {  	s22 =	sadd.s32 $0x200, s22;
	v12 =	vmul.f32 v12, v8;
	v8 =	vld [tilespmem:s21+$0x175E0]  }
0xfa: {  	[tilespmem:s21+$0x17580] =	vst v13;
	v6 =	vmul.f32 v6, v11;
	v11 =	vld [tilespmem:s21+$0x175F0]  }
0xfb: {  	[tilespmem:s21+$0x17590] =	vst v12;
	v5 =	vmul.f32 v5, v10  }
0xfc: {  	[tilespmem:s21+$0x175A0] =	vst v6;
	v4 =	vmul.f32 v4, v9  }
0xfd: {  	[tilespmem:s21+$0x175B0] =	vst v5;
	v3 =	vmul.f32 v3, v7  }
0xfe: {  	[tilespmem:s21+$0x175C0] =	vst v4;
	v2 =	vmul.f32 v2, v8  }
0xff: {  	[tilespmem:s21+$0x175D0] =	vst v3;
	v1 =	vmul.f32 v1, v11  }
0x100: {  	[tilespmem:s21+$0x175E0] =	vst v2  }
0x101: {  	[tilespmem:s21+$0x175F0] =	vst v1  }
0x102: {  	_ =	swait.ge [sflag:s11], $0x28  }
0x103: {  	[sflag:s11] =	ssyncset.done $0x0  }
0x104: {  	[sflag:s11] =	ssyncadd.s32 $0xFFFFFFD8  }
0x105: {  	[spmem:s3] =	stream.indirect.scatter.add.f32 [tilespmem:s26], [sflag:$0x7], $0x80, s8, s1, $0xb8;
	[tilespmem:$0x19D80] =	vst v63  }
0x106: {  	s20 =	sadd.s32 $0x50, s20;
	_ =	swait.ge [sflag:s2], $0x1400  }
0x107: {  	s22 =	sshrl.u32 s20, $0x3;
	[sflag:s2] =	ssyncset.done $0x0  }
0x108: {  	s21 =	sadd.s32 s7, s22;
	s22 =	simm.s32 $0x0;
	[sflag:s2] =	ssyncadd.s32 $0xFFFFEC00  }
0x109: {  	[tilespmem:s8], [sflag:$0x5] =	stream.linear.gather [hbm4b:s21+s22], $0x28, $0x38;
	[tilespmem:$0x19D80] =	vst v63  }
0x10a: {  	s23 =	sadd.s32 $0x138D0, s19;
	s20 =	sshll.u32 s20, $0x4  }
0x10b: {  	[tilespmem:s26], [sflag:$0x1] =	stream.indirect.gather [hbm4b:s0+s1], $0x80, s23, s1, $0xb8;
	[tilespmem:$0x19D80] =	vst v63  }
0x10c: {  	s20 =	sadd.s32 s6, s20  }
0x10d: {  	[tilespmem:s5], [sflag:$0x3] =	stream.linear.gather [hbm4b:s20+s22], $0x1400, $0x38;
	[tilespmem:$0x19D80] =	vst v63  }
0x10e: {  	_ =	swait.ge [sflag:s12], $0x1400  }
0x10f: {  	[sflag:s12] =	ssyncset.done $0x0  }
0x110: {  	[sflag:s12] =	ssyncadd.s32 $0xFFFFEC00  }
0x111: {  	_ =	swait.ge [sflag:s13], $0x1400  }
0x112: {  	[sflag:s13] =	ssyncset.done $0x0  }
0x113: {  	s20 =	simm.s32 $0x0;
	[sflag:s13] =	ssyncadd.s32 $0xFFFFEC00  }
0x114: {  	v8 =	vld [tilespmem:s20+$0x16180]  }
0x115: {  	v12 =	vld [tilespmem:s20+$0x16190]  }
0x116: {  	v6 =	vld [tilespmem:s20+$0x161A0]  }
0x117: {  	v5 =	vld [tilespmem:s20+$0x161B0]  }
0x118: {  	v4 =	vld [tilespmem:s20+$0x161C0]  }
0x119: {  	v3 =	vld [tilespmem:s20+$0x161D0]  }
0x11a: {  	v2 =	vld [tilespmem:s20+$0x161E0]  }
0x11b: {  	v1 =	vld [tilespmem:s20+$0x161F0]  }
0x11c: {  	v13 =	vld [tilespmem:s20+$0x18980]  }
0x11d: {  	v14 =	vld [tilespmem:s20+$0x18990]  }
0x11e: {  	v11 =	vld [tilespmem:s20+$0x189A0]  }
0x11f: {  	v10 =	vld [tilespmem:s20+$0x189B0]  }
0x120: {  	v9 =	vld [tilespmem:s20+$0x189C0]  }
0x121: {  	v7 =	vld [tilespmem:s20+$0x189D0];
	v13 =	vmul.f32 v8, v13  }
0x122: {  	s21 =	simm.s32 $0x200;
	v12 =	vmul.f32 v12, v14;
	v8 =	vld [tilespmem:s20+$0x189E0]  }
.LBB2_7:
0x123: {  	s22 =	sshra.s32 s21, $0x2;
	p2 =	sne.s32 s21, $0x4E00;
	[tilespmem:s20+$0x18980] =	vst v13;
	v6 =	vmul.f32 v6, v11;
	v11 =	vld [tilespmem:s20+$0x189F0]  }
0x124: {  	v13 =	vld [tilespmem:s22+$0x16180];
	[tilespmem:s20+$0x18990] =	vst v12;
	v5 =	vmul.f32 v5, v10  }
0x125: {  	v12 =	vld [tilespmem:s22+$0x16190];
	[tilespmem:s20+$0x189A0] =	vst v6;
	v4 =	vmul.f32 v4, v9  }
0x126: {  	v6 =	vld [tilespmem:s22+$0x161A0];
	[tilespmem:s20+$0x189B0] =	vst v5;
	v3 =	vmul.f32 v3, v7  }
0x127: {  	v5 =	vld [tilespmem:s22+$0x161B0];
	[tilespmem:s20+$0x189C0] =	vst v4;
	v2 =	vmul.f32 v2, v8  }
0x128: {  	v4 =	vld [tilespmem:s22+$0x161C0];
	[tilespmem:s20+$0x189D0] =	vst v3;
	v1 =	vmul.f32 v1, v11  }
0x129: {  	v3 =	vld [tilespmem:s22+$0x161D0];
	[tilespmem:s20+$0x189E0] =	vst v2  }
0x12a: {  	v2 =	vld [tilespmem:s22+$0x161E0];
	[tilespmem:s20+$0x189F0] =	vst v1;
	s20 =	smov.u32 s22  }
0x12b: {  	v1 =	vld [tilespmem:s20+$0x161F0]  }
0x12c: {  	v7 =	vld [tilespmem:s20+$0x18980]  }
0x12d: {  	v8 =	vld [tilespmem:s20+$0x18990]  }
.Ltmp2:
0x12e: {  	v11 =	vld [tilespmem:s20+$0x189A0];
	(pc) =	sbr.rel @p2 .LBB2_7-.Ltmp2, $4  }
0x12f: {  	v10 =	vld [tilespmem:s20+$0x189B0]  }
0x130: {  	v9 =	vld [tilespmem:s20+$0x189C0]  }
0x131: {  	v13 =	vmul.f32 v13, v7;
	v7 =	vld [tilespmem:s20+$0x189D0]  }
0x132: {  	s21 =	sadd.s32 $0x200, s21;
	v12 =	vmul.f32 v12, v8;
	v8 =	vld [tilespmem:s20+$0x189E0]  }
0x133: {  	[tilespmem:s20+$0x18980] =	vst v13;
	v6 =	vmul.f32 v6, v11;
	v63 =	vld [tilespmem:s20+$0x189F0]  }
0x134: {  	[tilespmem:s20+$0x18990] =	vst v12;
	v5 =	vmul.f32 v5, v10  }
0x135: {  	[tilespmem:s20+$0x189A0] =	vst v6;
	v4 =	vmul.f32 v4, v9  }
0x136: {  	[tilespmem:s20+$0x189B0] =	vst v5;
	v3 =	vmul.f32 v3, v7  }
0x137: {  	[tilespmem:s20+$0x189C0] =	vst v4;
	v2 =	vmul.f32 v2, v8  }
0x138: {  	[tilespmem:s20+$0x189D0] =	vst v3;
	v1 =	vmul.f32 v1, v63  }
0x139: {  	[tilespmem:s20+$0x189E0] =	vst v2  }
0x13a: {  	[tilespmem:s20+$0x189F0] =	vst v1  }
0x13b: {  	_ =	swait.ge [sflag:s14], $0x28  }
0x13c: {  	p2 =	seq.s32 s18, $0x3D;
	[sflag:s14] =	ssyncset.done $0x0  }
.Ltmp3:
0x13d: {  	[sflag:s14] =	ssyncadd.s32 $0xFFFFFFD8;
	(pc) =	sbr.rel @p2 .LBB2_10-.Ltmp3, $4  }
0x13e: {  	[spmem:s3] =	stream.indirect.scatter.add.f32 [tilespmem:s29], [sflag:$0x7], $0x80, s28, s1, $0xb8;
	[tilespmem:$0x19D80] =	vst v63  }
0x13f: {  	_ =	swait.ge [sflag:s2], $0x1400  }
0x140: {  	[sflag:s2] =	ssyncset.done $0x0  }
0x141: {  	[sflag:s2] =	ssyncadd.s32 $0xFFFFEC00  }
.Ltmp4:
0x142: {  	(pc) =	sbr.rel .LBB2_4-.Ltmp4, $4  }
0x143: {  	s19 =	sadd.s32 s19, s31  }
0x144: {  	s19 =	sshrl.u32 s19, $0x3  }
0x145: {  	s18 =	sadd.s32 $0x1, s18;
	s19 =	sadd.s32 s7, s19  }
0x146: {  	[tilespmem:s28], [sflag:$0x6] =	stream.linear.gather [hbm4b:s19+s17], $0x28, $0x38;
	[tilespmem:$0x19D80] =	vst v63  }
.LBB2_10:
0x147: {  	_ =	swait.ge [sflag:s9], $0x1400  }
0x148: {  	[sflag:s9] =	ssyncset.done $0x0  }
0x149: {  	[sflag:s9] =	ssyncadd.s32 $0xFFFFEC00  }
0x14a: {  	_ =	swait.ge [sflag:s10], $0x1400  }
0x14b: {  	[sflag:s10] =	ssyncset.done $0x0  }
0x14c: {  	s16 =	simm.s32 $0x0;
	[sflag:s10] =	ssyncadd.s32 $0xFFFFEC00  }
0x14d: {  	v8 =	vld [tilespmem:s16+$0x14D80]  }
0x14e: {  	v12 =	vld [tilespmem:s16+$0x14D90]  }
0x14f: {  	v6 =	vld [tilespmem:s16+$0x14DA0]  }
0x150: {  	v5 =	vld [tilespmem:s16+$0x14DB0]  }
0x151: {  	v4 =	vld [tilespmem:s16+$0x14DC0]  }
0x152: {  	v3 =	vld [tilespmem:s16+$0x14DD0]  }
0x153: {  	v2 =	vld [tilespmem:s16+$0x14DE0]  }
0x154: {  	v1 =	vld [tilespmem:s16+$0x14DF0]  }
0x155: {  	v13 =	vld [tilespmem:s16+$0x17580]  }
0x156: {  	v14 =	vld [tilespmem:s16+$0x17590]  }
0x157: {  	v11 =	vld [tilespmem:s16+$0x175A0]  }
0x158: {  	v10 =	vld [tilespmem:s16+$0x175B0]  }
0x159: {  	v9 =	vld [tilespmem:s16+$0x175C0]  }
0x15a: {  	v7 =	vld [tilespmem:s16+$0x175D0];
	v13 =	vmul.f32 v8, v13  }
0x15b: {  	s18 =	simm.s32 $0x200;
	v12 =	vmul.f32 v12, v14;
	v8 =	vld [tilespmem:s16+$0x175E0]  }
.LBB2_11:
0x15c: {  	s19 =	sshra.s32 s18, $0x2;
	p2 =	sne.s32 s18, $0x4E00;
	[tilespmem:s16+$0x17580] =	vst v13;
	v6 =	vmul.f32 v6, v11;
	v11 =	vld [tilespmem:s16+$0x175F0]  }
0x15d: {  	v13 =	vld [tilespmem:s19+$0x14D80];
	[tilespmem:s16+$0x17590] =	vst v12;
	v5 =	vmul.f32 v5, v10  }
0x15e: {  	v12 =	vld [tilespmem:s19+$0x14D90];
	[tilespmem:s16+$0x175A0] =	vst v6;
	v4 =	vmul.f32 v4, v9  }
0x15f: {  	v6 =	vld [tilespmem:s19+$0x14DA0];
	[tilespmem:s16+$0x175B0] =	vst v5;
	v3 =	vmul.f32 v3, v7  }
0x160: {  	v5 =	vld [tilespmem:s19+$0x14DB0];
	[tilespmem:s16+$0x175C0] =	vst v4;
	v2 =	vmul.f32 v2, v8  }
0x161: {  	v4 =	vld [tilespmem:s19+$0x14DC0];
	[tilespmem:s16+$0x175D0] =	vst v3;
	v1 =	vmul.f32 v1, v11  }
0x162: {  	v3 =	vld [tilespmem:s19+$0x14DD0];
	[tilespmem:s16+$0x175E0] =	vst v2  }
0x163: {  	v2 =	vld [tilespmem:s19+$0x14DE0];
	[tilespmem:s16+$0x175F0] =	vst v1;
	s16 =	smov.u32 s19  }
0x164: {  	v1 =	vld [tilespmem:s16+$0x14DF0]  }
0x165: {  	v7 =	vld [tilespmem:s16+$0x17580]  }
0x166: {  	v8 =	vld [tilespmem:s16+$0x17590]  }
.Ltmp5:
0x167: {  	v11 =	vld [tilespmem:s16+$0x175A0];
	(pc) =	sbr.rel @p2 .LBB2_11-.Ltmp5, $4  }
0x168: {  	v10 =	vld [tilespmem:s16+$0x175B0]  }
0x169: {  	v9 =	vld [tilespmem:s16+$0x175C0]  }
0x16a: {  	v13 =	vmul.f32 v13, v7;
	v7 =	vld [tilespmem:s16+$0x175D0]  }
0x16b: {  	s18 =	sadd.s32 $0x200, s18;
	v12 =	vmul.f32 v12, v8;
	v8 =	vld [tilespmem:s16+$0x175E0]  }
0x16c: {  	[tilespmem:s16+$0x17580] =	vst v13;
	v6 =	vmul.f32 v6, v11;
	v63 =	vld [tilespmem:s16+$0x175F0]  }
0x16d: {  	[tilespmem:s16+$0x17590] =	vst v12;
	v5 =	vmul.f32 v5, v10  }
0x16e: {  	[tilespmem:s16+$0x175A0] =	vst v6;
	v4 =	vmul.f32 v4, v9  }
0x16f: {  	[tilespmem:s16+$0x175B0] =	vst v5;
	v3 =	vmul.f32 v3, v7  }
0x170: {  	[tilespmem:s16+$0x175C0] =	vst v4;
	v2 =	vmul.f32 v2, v8  }
0x171: {  	[tilespmem:s16+$0x175D0] =	vst v3;
	v1 =	vmul.f32 v1, v63  }
0x172: {  	[tilespmem:s16+$0x175E0] =	vst v2  }
0x173: {  	[tilespmem:s16+$0x175F0] =	vst v1  }
0x174: {  	_ =	swait.ge [sflag:s11], $0x28  }
0x175: {  	[sflag:s11] =	ssyncset.done $0x0  }
0x176: {  	[sflag:s11] =	ssyncadd.s32 $0xFFFFFFD8  }
0x177: {  	[spmem:s3] =	stream.indirect.scatter.add.f32 [tilespmem:s26], [sflag:$0x7], $0x80, s8, s1, $0xb8;
	[tilespmem:$0x19D80] =	vst v63  }
0x178: {  	_ =	swait.ge [sflag:s2], $0x1400  }
0x179: {  	[sflag:s2] =	ssyncset.done $0x0  }
0x17a: {  	s23 =	rddreg [dreg:$0x5];
	[sflag:s2] =	ssyncadd.s32 $0xFFFFEC00  }
0x17b: {  	[tilespmem:s8], [sflag:$0x7] =	stream.linear.gather [hbm4b:s23+s17], $0x28, $0x38;
	[tilespmem:$0x19D80] =	vst v63  }
0x17c: {  	_ =	swait.ge [sflag:s2], $0x28  }
0x17d: {  	[sflag:s2] =	ssyncset.done $0x0  }
0x17e: {  	[sflag:s2] =	ssyncadd.s32 $0xFFFFFFD8  }
0x17f: {  	[tilespmem:s26], [sflag:$0x1] =	stream.indirect.gather [hbm4b:s0+s1], $0x80, s8, s1, $0xb8;
	[tilespmem:$0x19D80] =	vst v63  }
0x180: {  	_ =	swait.ge [sflag:s9], $0x1400  }
0x181: {  	[sflag:s9] =	ssyncset.done $0x0  }
0x182: {  	s18 =	rddreg [dreg:$0x6];
	[sflag:s9] =	ssyncadd.s32 $0xFFFFEC00  }
0x183: {  	[hbm4b:s18+s17] =	stream.linear.scatter [tilespmem:s26], [sflag:$0x7], $0x1400, $0x38;
	[tilespmem:$0x19D80] =	vst v63  }
0x184: {  	_ =	swait.ge [sflag:s2], $0x1400  }
0x185: {  	[sflag:s2] =	ssyncset.done $0x0  }
0x186: {  	s19 =	rddreg [dreg:$0x7];
	[sflag:s2] =	ssyncadd.s32 $0xFFFFEC00  }
0x187: {  	[tilespmem:s8], [sflag:$0x7] =	stream.linear.gather [hbm4b:s19+s17], $0x28, $0x38;
	[tilespmem:$0x19D80] =	vst v63  }
0x188: {  	_ =	swait.ge [sflag:s2], $0x28  }
0x189: {  	[sflag:s2] =	ssyncset.done $0x0  }
0x18a: {  	[sflag:s2] =	ssyncadd.s32 $0xFFFFFFD8  }
0x18b: {  	[tilespmem:s26], [sflag:$0x1] =	stream.indirect.gather [hbm4b:s0+s1], $0x80, s8, s1, $0xb8;
	[tilespmem:$0x19D80] =	vst v63  }
0x18c: {  	_ =	swait.ge [sflag:s9], $0x1400  }
0x18d: {  	[sflag:s9] =	ssyncset.done $0x0  }
0x18e: {  	s20 =	rddreg [dreg:$0x8];
	[sflag:s9] =	ssyncadd.s32 $0xFFFFEC00  }
0x18f: {  	[hbm4b:s20+s17] =	stream.linear.scatter [tilespmem:s26], [sflag:$0x7], $0x1400, $0x38;
	[tilespmem:$0x19D80] =	vst v63  }
0x190: {  	_ =	swait.ge [sflag:s2], $0x1400  }
0x191: {  	[sflag:s2] =	ssyncset.done $0x0  }
0x192: {  	s21 =	rddreg [dreg:$0x9];
	[sflag:s2] =	ssyncadd.s32 $0xFFFFEC00  }
0x193: {  	[tilespmem:s8], [sflag:$0x7] =	stream.linear.gather [hbm4b:s21+s17], $0x28, $0x38;
	[tilespmem:$0x19D80] =	vst v63  }
0x194: {  	_ =	swait.ge [sflag:s2], $0x28  }
0x195: {  	[sflag:s2] =	ssyncset.done $0x0  }
0x196: {  	[sflag:s2] =	ssyncadd.s32 $0xFFFFFFD8  }
0x197: {  	[tilespmem:s26], [sflag:$0x1] =	stream.indirect.gather [hbm4b:s0+s1], $0x80, s8, s1, $0xb8;
	[tilespmem:$0x19D80] =	vst v63  }
0x198: {  	_ =	swait.ge [sflag:s9], $0x1400  }
0x199: {  	[sflag:s9] =	ssyncset.done $0x0  }
0x19a: {  	s22 =	rddreg [dreg:$0xa];
	[sflag:s9] =	ssyncadd.s32 $0xFFFFEC00  }
0x19b: {  	[hbm4b:s22+s17] =	stream.linear.scatter [tilespmem:s26], [sflag:$0x7], $0x1400, $0x38;
	[tilespmem:$0x19D80] =	vst v63  }
0x19c: {  	_ =	swait.ge [sflag:s2], $0x1400  }
0x19d: {  	[sflag:s2] =	ssyncset.done $0x0  }
0x19e: {  	s23 =	rddreg [dreg:$0xb];
	[sflag:s2] =	ssyncadd.s32 $0xFFFFEC00  }
0x19f: {  	[tilespmem:s8], [sflag:$0x7] =	stream.linear.gather [hbm4b:s23+s17], $0x28, $0x38;
	[tilespmem:$0x19D80] =	vst v63  }
0x1a0: {  	_ =	swait.ge [sflag:s2], $0x28  }
0x1a1: {  	[sflag:s2] =	ssyncset.done $0x0  }
0x1a2: {  	[sflag:s2] =	ssyncadd.s32 $0xFFFFFFD8  }
0x1a3: {  	[tilespmem:s26], [sflag:$0x1] =	stream.indirect.gather [hbm4b:s0+s1], $0x80, s8, s1, $0xb8;
	[tilespmem:$0x19D80] =	vst v63  }
0x1a4: {  	_ =	swait.ge [sflag:s9], $0x1400  }
0x1a5: {  	[sflag:s9] =	ssyncset.done $0x0  }
0x1a6: {  	s18 =	rddreg [dreg:$0xc];
	[sflag:s9] =	ssyncadd.s32 $0xFFFFEC00  }
0x1a7: {  	[hbm4b:s18+s17] =	stream.linear.scatter [tilespmem:s26], [sflag:$0x7], $0x1400, $0x38;
	[tilespmem:$0x19D80] =	vst v63  }
0x1a8: {  	_ =	swait.ge [sflag:s2], $0x1400  }
0x1a9: {  	[sflag:s2] =	ssyncset.done $0x0  }
0x1aa: {  	s19 =	rddreg [dreg:$0xd];
	[sflag:s2] =	ssyncadd.s32 $0xFFFFEC00  }
0x1ab: {  	[tilespmem:s8], [sflag:$0x7] =	stream.linear.gather [hbm4b:s19+s17], $0x28, $0x38;
	[tilespmem:$0x19D80] =	vst v63  }
0x1ac: {  	_ =	swait.ge [sflag:s2], $0x28  }
0x1ad: {  	[sflag:s2] =	ssyncset.done $0x0  }
0x1ae: {  	[sflag:s2] =	ssyncadd.s32 $0xFFFFFFD8  }
0x1af: {  	[tilespmem:s26], [sflag:$0x1] =	stream.indirect.gather [hbm4b:s0+s1], $0x80, s8, s1, $0xb8;
	[tilespmem:$0x19D80] =	vst v63  }
0x1b0: {  	_ =	swait.ge [sflag:s9], $0x1400  }
0x1b1: {  	[sflag:s9] =	ssyncset.done $0x0  }
0x1b2: {  	s20 =	rddreg [dreg:$0xe];
	[sflag:s9] =	ssyncadd.s32 $0xFFFFEC00  }
0x1b3: {  	[hbm4b:s20+s17] =	stream.linear.scatter [tilespmem:s26], [sflag:$0x7], $0x1400, $0x38;
	[tilespmem:$0x19D80] =	vst v63  }
0x1b4: {  	_ =	swait.ge [sflag:s2], $0x1400  }
0x1b5: {  	[sflag:s2] =	ssyncset.done $0x0  }
0x1b6: {  	s21 =	rddreg [dreg:$0xf];
	[sflag:s2] =	ssyncadd.s32 $0xFFFFEC00  }
0x1b7: {  	[tilespmem:s8], [sflag:$0x7] =	stream.linear.gather [hbm4b:s21+s17], $0x28, $0x38;
	[tilespmem:$0x19D80] =	vst v63  }
0x1b8: {  	_ =	swait.ge [sflag:s2], $0x28  }
0x1b9: {  	[sflag:s2] =	ssyncset.done $0x0  }
0x1ba: {  	[sflag:s2] =	ssyncadd.s32 $0xFFFFFFD8  }
0x1bb: {  	[tilespmem:s26], [sflag:$0x1] =	stream.indirect.gather [hbm4b:s0+s1], $0x80, s8, s1, $0xb8;
	[tilespmem:$0x19D80] =	vst v63  }
0x1bc: {  	_ =	swait.ge [sflag:s9], $0x1400  }
0x1bd: {  	[sflag:s9] =	ssyncset.done $0x0  }
0x1be: {  	s22 =	rddreg [dreg:$0x10];
	[sflag:s9] =	ssyncadd.s32 $0xFFFFEC00  }
0x1bf: {  	[hbm4b:s22+s17] =	stream.linear.scatter [tilespmem:s26], [sflag:$0x7], $0x1400, $0x38;
	[tilespmem:$0x19D80] =	vst v63  }
0x1c0: {  	_ =	swait.ge [sflag:s2], $0x1400  }
0x1c1: {  	[sflag:s2] =	ssyncset.done $0x0  }
0x1c2: {  	s23 =	rddreg [dreg:$0x11];
	[sflag:s2] =	ssyncadd.s32 $0xFFFFEC00  }
0x1c3: {  	[tilespmem:s8], [sflag:$0x7] =	stream.linear.gather [hbm4b:s23+s17], $0x28, $0x38;
	[tilespmem:$0x19D80] =	vst v63  }
0x1c4: {  	_ =	swait.ge [sflag:s2], $0x28  }
0x1c5: {  	[sflag:s2] =	ssyncset.done $0x0  }
0x1c6: {  	[sflag:s2] =	ssyncadd.s32 $0xFFFFFFD8  }
0x1c7: {  	[tilespmem:s26], [sflag:$0x1] =	stream.indirect.gather [hbm4b:s0+s1], $0x80, s8, s1, $0xb8;
	[tilespmem:$0x19D80] =	vst v63  }
0x1c8: {  	_ =	swait.ge [sflag:s9], $0x1400  }
0x1c9: {  	[sflag:s9] =	ssyncset.done $0x0  }
0x1ca: {  	s18 =	rddreg [dreg:$0x12];
	[sflag:s9] =	ssyncadd.s32 $0xFFFFEC00  }
0x1cb: {  	[hbm4b:s18+s17] =	stream.linear.scatter [tilespmem:s26], [sflag:$0x7], $0x1400, $0x38;
	[tilespmem:$0x19D80] =	vst v63  }
0x1cc: {  	_ =	swait.ge [sflag:s2], $0x1400  }
0x1cd: {  	s16 =	simm.s32 @!p1 $0x0;
	[sflag:s2] =	ssyncset.done $0x0  }
0x1ce: {  	s18 =	simm.s32 @!p1 $0x14C80;
	s19 =	rddreg [dreg:$0x13];
	[sflag:s2] =	ssyncadd.s32 $0xFFFFEC00  }
0x1cf: {  	[tilespmem:s18], [sflag:$0x7] =	stream.linear.gather @!p1 [hbm4b:s19+s16], $0x28, $0x38;
	[tilespmem:$0x19D80] =	vst v63  }
0x1d0: {  	s19 =	simm.s32 @!p1 $0x7  }
0x1d1: {  	_ =	swait.ge @!p1 [sflag:s19], $0x28  }
0x1d2: {  	[sflag:s19] =	ssyncset.done @!p1 $0x0  }
0x1d3: {  	s20 =	simm.s32 @!p1 $0x28;
	s21 =	simm.s32 @!p1 $0x17580;
	[sflag:s19] =	ssyncadd.s32 @!p1 $0xFFFFFFD8  }
0x1d4: {  	[tilespmem:s21], [sflag:$0x1] =	stream.indirect.gather @!p1 [hbm4b:s0+s20], $0x80, s18, s20, $0xb8;
	[tilespmem:$0x19D80] =	vst v63  }
0x1d5: {  	s18 =	simm.s32 @!p1 $0x1  }
0x1d6: {  	_ =	swait.ge @!p1 [sflag:s18], $0x1400  }
0x1d7: {  	[sflag:s18] =	ssyncset.done @!p1 $0x0  }
0x1d8: {  	[sflag:s18] =	ssyncadd.s32 @!p1 $0xFFFFEC00;
	s18 =	rddreg [dreg:$0x14]  }
0x1d9: {  	[hbm4b:s18+s16] =	stream.linear.scatter @!p1 [tilespmem:s21], [sflag:$0x7], $0x1400, $0x38;
	[tilespmem:$0x19D80] =	vst v63  }
0x1da: {  	_ =	swait.ge @!p1 [sflag:s19], $0x1400  }
0x1db: {  	[sflag:s19] =	ssyncset.done @!p1 $0x0  }
0x1dc: {  	[sflag:s19] =	ssyncadd.s32 @!p1 $0xFFFFEC00  }
0x1dd: {  	[bflag:$0x0] =	sbarrier.arrive $0xFFFF  }
0x1de: {  	s20 =	sld [smem:$0x7E9]  }
0x1df: {  	s19 =	stileid.u32  }
0x1e0: {  	s16 =	sshll.u32 s19, $0x6  }
0x1e1: {  	s16 =	sor.u32 $0x1C07, s16;
	s21 =	rddreg [dreg:$0x15];
	s18 =	sshrl.u32 s20, $0x3  }
0x1e2: {  	[hbm:s21], [sflag:s16] =	dma.local [spmem:s18], $0x280  }
0x1e3: {  	_ =	swait.ge [sflag:s2], $0x280  }
0x1e4: {  	s22 =	sld [smem:$0x7EB];
	_ =	sdelay $0x1  }
0x1e5: {  	[sflag:s2] =	ssyncset.done $0x0  }
0x1e6: {  	s23 =	rddreg [dreg:$0x16];
	[sflag:s2] =	ssyncadd.s32 $0xFFFFFD80;
	s18 =	sshrl.u32 s22, $0x3  }
0x1e7: {  	[hbm:s23], [sflag:s16] =	dma.local [spmem:s18], $0x280  }
0x1e8: {  	_ =	swait.ge [sflag:s2], $0x280  }
0x1e9: {  	s20 =	sld [smem:$0x7EC];
	_ =	sdelay $0x1  }
0x1ea: {  	[sflag:s2] =	ssyncset.done $0x0  }
0x1eb: {  	s21 =	rddreg [dreg:$0x17];
	[sflag:s2] =	ssyncadd.s32 $0xFFFFFD80;
	s18 =	sshrl.u32 s20, $0x3  }
0x1ec: {  	[hbm:s21], [sflag:s16] =	dma.local [spmem:s18], $0x280  }
0x1ed: {  	_ =	swait.ge [sflag:s2], $0x280  }
0x1ee: {  	s22 =	sld [smem:$0x7ED];
	_ =	sdelay $0x1  }
0x1ef: {  	[sflag:s2] =	ssyncset.done $0x0  }
0x1f0: {  	s23 =	rddreg [dreg:$0x18];
	[sflag:s2] =	ssyncadd.s32 $0xFFFFFD80;
	s18 =	sshrl.u32 s22, $0x3  }
0x1f1: {  	[hbm:s23], [sflag:s16] =	dma.local [spmem:s18], $0x280  }
0x1f2: {  	_ =	swait.ge [sflag:s2], $0x280  }
0x1f3: {  	s20 =	sld [smem:$0x7EE];
	_ =	sdelay $0x1  }
0x1f4: {  	[sflag:s2] =	ssyncset.done $0x0  }
0x1f5: {  	s21 =	rddreg [dreg:$0x19];
	[sflag:s2] =	ssyncadd.s32 $0xFFFFFD80;
	s18 =	sshrl.u32 s20, $0x3  }
0x1f6: {  	[hbm:s21], [sflag:s16] =	dma.local [spmem:s18], $0x280  }
0x1f7: {  	_ =	swait.ge [sflag:s2], $0x280  }
0x1f8: {  	s22 =	sld [smem:$0x7EF];
	_ =	sdelay $0x1  }
0x1f9: {  	[sflag:s2] =	ssyncset.done $0x0  }
0x1fa: {  	s23 =	rddreg [dreg:$0x1a];
	[sflag:s2] =	ssyncadd.s32 $0xFFFFFD80;
	s18 =	sshrl.u32 s22, $0x3  }
0x1fb: {  	[hbm:s23], [sflag:s16] =	dma.local [spmem:s18], $0x280  }
0x1fc: {  	_ =	swait.ge [sflag:s2], $0x280  }
0x1fd: {  	s20 =	sld [smem:$0x7F0];
	_ =	sdelay $0x1  }
0x1fe: {  	[sflag:s2] =	ssyncset.done $0x0  }
0x1ff: {  	s21 =	rddreg [dreg:$0x1b];
	[sflag:s2] =	ssyncadd.s32 $0xFFFFFD80;
	s18 =	sshrl.u32 s20, $0x3  }
0x200: {  	[hbm:s21], [sflag:s16] =	dma.local [spmem:s18], $0x280  }
0x201: {  	_ =	swait.ge [sflag:s2], $0x280  }
0x202: {  	s22 =	sld [smem:$0x7F1];
	_ =	sdelay $0x1  }
0x203: {  	[sflag:s2] =	ssyncset.done $0x0  }
0x204: {  	s23 =	rddreg [dreg:$0x1c];
	[sflag:s2] =	ssyncadd.s32 $0xFFFFFD80;
	s18 =	sshrl.u32 s22, $0x3  }
0x205: {  	[hbm:s23], [sflag:s16] =	dma.local [spmem:s18], $0x280  }
0x206: {  	_ =	swait.ge [sflag:s2], $0x280  }
0x207: {  	s19 =	sld [smem:$0x7F2];
	_ =	sdelay $0x1  }
0x208: {  	[sflag:s2] =	ssyncset.done $0x0  }
0x209: {  	s20 =	rddreg [dreg:$0x1d];
	[sflag:s2] =	ssyncadd.s32 $0xFFFFFD80;
	s18 =	sshrl.u32 s19, $0x3  }
0x20a: {  	[hbm:s20], [sflag:s16] =	dma.local [spmem:s18], $0x280  }
0x20b: {  	_ =	swait.ge [sflag:s2], $0x280  }
0x20c: {  	s21 =	sld [smem:$0x7F3];
	_ =	sdelay $0x1  }
0x20d: {  	[sflag:s2] =	ssyncset.done $0x0  }
0x20e: {  	s22 =	rddreg [dreg:$0x1e];
	[sflag:s2] =	ssyncadd.s32 $0xFFFFFD80;
	s18 =	sshrl.u32 s21, $0x3  }
0x20f: {  	[hbm:s22], [sflag:s16] =	dma.local [spmem:s18], $0x280  }
0x210: {  	_ =	swait.ge [sflag:s2], $0x280  }
0x211: {  	s23 =	sshrl.u32 s24, $0x3;
	[sflag:s2] =	ssyncset.done $0x0  }
0x212: {  	s20 =	smov.u32 s24;
	s24 =	rddreg [dreg:$0x1f];
	[sflag:s2] =	ssyncadd.s32 $0xFFFFFD80  }
0x213: {  	[hbm:s24], [sflag:s16] =	dma.local [spmem:s23], $0x280  }
0x214: {  	_ =	swait.ge [sflag:s2], $0x280  }
0x215: {  	s23 =	sld [smem:$0x7E0]  }
0x216: {  	[sflag:s2] =	ssyncset.done $0x0  }
0x217: {  	s21 =	sshrl.u32 s25, $0x3;
	[sflag:s2] =	ssyncadd.s32 $0xFFFFFD80  }
0x218: {  	[hbm:s23], [sflag:s16] =	dma.local [spmem:s21], $0x280  }
0x219: {  	_ =	swait.ge [sflag:s2], $0x280  }
0x21a: {  	s24 =	sld [smem:$0x7F5]  }
0x21b: {  	s22 =	smov.u32 s25;
	s25 =	sld [smem:$0x7E1]  }
0x21c: {  	[sflag:s2] =	ssyncset.done $0x0  }
0x21d: {  	[sflag:s2] =	ssyncadd.s32 $0xFFFFFD80;
	s18 =	sshrl.u32 s24, $0x3  }
0x21e: {  	[hbm:s25], [sflag:s16] =	dma.local [spmem:s18], $0x280  }
0x21f: {  	_ =	swait.ge [sflag:s2], $0x280  }
0x220: {  	s19 =	sld [smem:$0x7F6]  }
0x221: {  	s21 =	sld [smem:$0x7E2]  }
0x222: {  	[sflag:s2] =	ssyncset.done $0x0  }
0x223: {  	[sflag:s2] =	ssyncadd.s32 $0xFFFFFD80;
	s18 =	sshrl.u32 s19, $0x3  }
0x224: {  	[hbm:s21], [sflag:s16] =	dma.local [spmem:s18], $0x280  }
0x225: {  	_ =	swait.ge [sflag:s2], $0x280  }
0x226: {  	s23 =	sld [smem:$0x7F7]  }
0x227: {  	s24 =	sld [smem:$0x7E3]  }
0x228: {  	[sflag:s2] =	ssyncset.done $0x0  }
0x229: {  	[sflag:s2] =	ssyncadd.s32 $0xFFFFFD80;
	s18 =	sshrl.u32 s23, $0x3  }
0x22a: {  	[hbm:s24], [sflag:s16] =	dma.local [spmem:s18], $0x280  }
0x22b: {  	_ =	swait.ge [sflag:s2], $0x280  }
0x22c: {  	s18 =	sld [smem:$0x7F8]  }
0x22d: {  	s19 =	sld [smem:$0x7E4]  }
0x22e: {  	[sflag:s2] =	ssyncset.done $0x0  }
0x22f: {  	[sflag:s2] =	ssyncadd.s32 $0xFFFFFD80;
	s18 =	sshrl.u32 @!p0 s18, $0x3  }
0x230: {  	[hbm:s19], [sflag:s16] =	dma.local @!p0 [spmem:s18], $0x280  }
0x231: {  	s16 =	simm.s32 @!p0 $0x7  }
0x232: {  	_ =	swait.ge @!p0 [sflag:s16], $0x280  }
0x233: {  	s25 =	sld [smem:$0x7FD];
	_ =	sdelay $0x1  }
0x234: {  	s15 =	sadd.s32 $0x1, s15  }
0x235: {  	p2 =	sne.s32 s15, s25  }
.Ltmp6:
0x236: {  	_ = 	snop;
	(pc) =	sbr.rel @p2 .LBB2_1-.Ltmp6, $3  }
0x237: {  	_ =	sdelay $0x1  }
0x238: {  	[sflag:s16] =	ssyncset.done @!p0 $0x0  }
0x239: {  	s19 =	simm.s32 $0x13880;
	[sflag:s16] =	ssyncadd.s32 @!p0 $0xFFFFFD80  }
0x23a: {  	_ =	sfence.sel $0x180000  }
0x23b: {  	[bflag:$0x0] =	sbarrier.arrive $0xFFFF  }
0x23c: {  	_ =	strace $0x90000047  }
0x23d: {  	s0 =	stileid.u32;
	[bflag:$0x2] =	sbarrier.arrive $0xFFFF  }
0x23e: {  	p0 =	sne.s32 s0, $0x0;
	s0 =	rddreg [dreg:$0x4]  }
0x23f: {  	s0 =	sadd.s32 @!p0 $0x100000, s0  }
0x240: {  	[sflag:s0] =	ssyncadd.tile.s32 @!p0 $0x1;
	_ =	shalt  }
.Lfunc_end2:
_tile_overlayer_lowered:
.L_overlay_start_2:
0x241: {  	(tag) =	ssettag $0x2  }
0x242: {  	s0 =	rddreg [dreg:$0x0];
	s2 =	stileid.u32  }
0x243: {  	s1 =	rddreg [dreg:$0x1];
	p0 =	sne.s32 s2, $0x0  }
0x244: {  	s3 =	rddreg [dreg:$0x2];
	[bflag:$0x3] =	sbarrier.arrive $0xFFFF;
	s2 =	simm.s32 @!p0 $0x1C07  }
0x245: {  	[timem:s3], [sflag:s2] =	dma.local @!p0 [hbm:s0], s1  }
0x246: {  	s0 =	simm.s32 @!p0 $0x7  }
0x247: {  	_ =	swait.ge @!p0 [sflag:s0], s1  }
0x248: {  	s1 =	ssub.s32 @!p0 $0x0, s1;
	[sflag:s0] =	ssyncset.done @!p0 $0x0  }
0x249: {  	[sflag:s0] =	ssyncadd.s32 @!p0 s1  }
0x24a: {  	[bflag:$0x3] =	sbarrier.arrive $0xFFFF  }
0x24b: {  	_ =	shalt  }

</sc_bundles>
